<compile_context>
chip_gen: v7x
topology: tpu7x:2x2x1
jax: 0.10.2.dev20260603
libtpu: 0.0.44.dev20260713+nightly
codegen_flags: <defaults>
</compile_context>

<pallas_src>
import jax
import jax.numpy as jnp
from jax import lax
from jax.experimental import pallas as pl
from jax.experimental.pallas import tpu as pltpu
from jax.experimental.pallas import tpu_sc as plsc

K = 64
DIM = 64
NC = 2
NS = 16
L = 16
NW = NC * NS
N = 131072
NH = 49152
CHUNK = NH // NW
WIN = CHUNK
NB = DIM // 8
CS = DIM + 3
ROW = L * CS
TB = 2048
NTB = (N - NH) // TB


def _sc_body(xt_hbm, ids_hbm, out, band, ids, acc, sem_ids):
    cid = lax.axis_index("c")
    sid = lax.axis_index("s")
    wid = cid * NS + sid

    zero = jnp.zeros((L,), jnp.float32)
    ones = jnp.full((L,), 1.0, jnp.float32)
    laneoff = lax.iota(jnp.int32, L) * jnp.int32(CS)

    d_ids = pltpu.async_copy(
        ids_hbm.at[pl.ds(pl.multiple_of(wid * CHUNK, CHUNK), CHUNK)], ids,
        sem_ids)

    def _zrow(r, _):
        for j in range(ROW // L):
            acc[r, pl.ds(j * L, L)] = zero
        return 0

    lax.fori_loop(0, K, _zrow, 0)
    d_ids.wait()

    nbase = pl.multiple_of(wid * CHUNK, WIN)
    for b in range(NB):
        pltpu.sync_copy(xt_hbm.at[pl.ds(b * 8, 8), pl.ds(nbase, WIN)], band)

        @plsc.parallel_loop(0, WIN // L, 1, unroll=2)
        def _g(g):
            cvec = ids[pl.ds(g * L, L)]
            col = laneoff
            v = band[0, pl.ds(g * L, L)]
            plsc.addupdate_scatter(acc, [cvec, col + jnp.int32(b * 8)], v)
            qv = v * v
            for r in range(1, 8):
                v = band[r, pl.ds(g * L, L)]
                plsc.addupdate_scatter(
                    acc, [cvec, col + jnp.int32(b * 8 + r)], v)
                qv = qv + v * v
            plsc.addupdate_scatter(acc, [cvec, col + jnp.int32(DIM)], qv)
            if b == 0:
                plsc.addupdate_scatter(
                    acc, [cvec, col + jnp.int32(DIM + 1)], ones)

    pltpu.sync_copy(acc, out.at[pl.ds(pl.multiple_of(wid * K, K), K)])


def _sc_moments(xt, clustering):
    mesh = plsc.VectorSubcoreMesh(core_axis_name="c", subcore_axis_name="s",
                                  num_cores=NC, num_subcores=NS)
    f = pl.kernel(
        _sc_body,
        out_type=[jax.ShapeDtypeStruct((NW * K, ROW), jnp.float32)],
        mesh=mesh,
        scratch_types=[
            pltpu.VMEM((8, WIN), jnp.float32),
            pltpu.VMEM((CHUNK,), jnp.int32),
            pltpu.VMEM((K, ROW), jnp.float32),
            pltpu.SemaphoreType.DMA,
        ],
        compiler_params=pltpu.CompilerParams(use_tc_tiling_on_sc=True,
                                             needs_layout_passes=False),
    )
    return f(xt, clustering)


def _tc_moments_body(x_ref, c_ref, o_ref):
    i = pl.program_id(0)

    @pl.when(i == 0)
    def _():
        o_ref[...] = jnp.zeros((K, CS), jnp.float32)

    x = x_ref[...]
    c = c_ref[...]
    oh = (c[None, :] == lax.broadcasted_iota(jnp.int32, (K, TB), 0)
          ).astype(jnp.float32)
    q = jnp.sum(x * x, axis=0, keepdims=True)
    q2 = jnp.concatenate(
        [q, jnp.ones((1, TB), jnp.float32),
         jnp.zeros((CS - DIM - 2, TB), jnp.float32)], axis=0)
    o_ref[:, :DIM] += lax.dot_general(
        oh, x, (((1,), (1,)), ((), ())),
        preferred_element_type=jnp.float32,
        precision=lax.Precision.DEFAULT)
    o_ref[:, DIM:] += lax.dot_general(
        oh, q2, (((1,), (1,)), ((), ())),
        preferred_element_type=jnp.float32,
        precision=lax.Precision.DEFAULT)


def _tc_moments(xt, clustering):
    return pl.pallas_call(
        _tc_moments_body,
        grid=(NTB,),
        in_specs=[
            pl.BlockSpec((DIM, TB), lambda i: (0, NH // TB + i)),
            pl.BlockSpec((TB,), lambda i: (NH // TB + i,)),
        ],
        out_specs=pl.BlockSpec((K, CS), lambda i: (0, 0)),
        out_shape=jax.ShapeDtypeStruct((K, CS), jnp.float32),
    )(xt, clustering)


def _finalize_body(p_ref, t_ref, o_ref):
    s = jnp.sum(p_ref[...], axis=0)
    a66 = s[:, 0:CS]
    for l in range(1, L):
        a66 = a66 + s[:, l * CS:(l + 1) * CS]
    a66 = a66 + t_ref[...]
    sx = a66[:, :DIM]
    q = a66[:, DIM:DIM + 1]
    m = a66[:, DIM + 1:DIM + 2]
    cnt = m + 1.0
    ai = (sx + 0.001) / cnt
    si_sum = (0.001 + q
              - 2.0 * jnp.sum(ai * sx, axis=1, keepdims=True)
              + m * jnp.sum(ai * ai, axis=1, keepdims=True))
    si = jnp.sqrt(si_sum / cnt)

    diff = ai[:, None, :] - ai[None, :, :]
    mij = jnp.sqrt(jnp.sum(diff * diff, axis=-1))
    ones = jnp.ones((K, 1), jnp.float32)
    si_j = lax.dot_general(ones, si, (((1,), (1,)), ((), ())),
                           preferred_element_type=jnp.float32)
    rsum = si + si_j
    safe_m = jnp.where(mij == 0.0, 1.0, mij)
    rij = jnp.where(mij == 0.0, 0.1, rsum / safe_m)
    ii = lax.broadcasted_iota(jnp.int32, (K, K), 0)
    jj = lax.broadcasted_iota(jnp.int32, (K, K), 1)
    rij = jnp.where(ii == jj, 0.0, rij)
    di = jnp.max(rij, axis=1, keepdims=True)
    o_ref[...] = jnp.sum(di, axis=0, keepdims=True) / jnp.float32(K)


def _finalize(partials, tc_part):
    return pl.pallas_call(
        _finalize_body,
        out_shape=jax.ShapeDtypeStruct((1, 1), jnp.float32),
    )(partials, tc_part)


@jax.jit
def kernel(data_points, clustering):
    xt = data_points.T
    (partials,) = _sc_moments(xt, clustering)
    tc_part = _tc_moments(xt, clustering)
    out = _finalize(partials.reshape(NW, K, ROW), tc_part)
    return out[0, 0]

# --- scband reference (transcript-rebuilt; emitter-appended) ---
"""Pipeline reference for scband-dbi-44985487458968 (READ-ONLY COPY).

The authoritative reference and input builder live on the scoring server;
editing this copy changes nothing except your own understanding.
"""

import jax, jax.numpy as jnp
import numpy as np

K = 64
DIM = 64
N = 131072

def setup_inputs(seed: int = 0) -> dict:
    key = jax.random.key(seed)
    k1, k2 = jax.random.split(key)
    data_points = jax.random.normal(k1, (N, DIM), dtype=jnp.float32)
    clustering = jax.random.randint(k2, (N,), 0, K, dtype=jnp.int32)
    return {"data_points": data_points, "clustering": clustering}

def reference(data_points, clustering):
    k = K
    # clus_count starts at ones, incremented once per assigned point
    cnt = jnp.ones((k,), jnp.float32) + jnp.bincount(clustering, length=k).astype(jnp.float32)
    # Ai starts at 0.001, accumulates point coordinates, then divided by count
    Ai = (jnp.full((k, data_points.shape[1]), 0.001, jnp.float32)
          + jax.ops.segment_sum(data_points, clustering, num_segments=k)) / cnt[:, None]
    # Si starts at 0.001, accumulates squared distance to (updated) centroid
    sq = jnp.sum((data_points - Ai[clustering]) ** 2, axis=1)
    Si_sum = jnp.full((k,), 0.001, jnp.float32) + jax.ops.segment_sum(sq, clustering, num_segments=k)
    Si = jnp.sqrt(Si_sum / cnt)
    # Mij: pairwise centroid L2 distances (upper triangle in torch; matrix is symmetric so compute full)
    diff = Ai[:, None, :] - Ai[None, :, :]
    Mij = jnp.sqrt(jnp.sum(diff * diff, axis=-1))
    # Rij = (Si_i + Si_j) / Mij_ij for i != j (keeps initial 0.1 if Mij == 0); diagonal zeroed
    Rsum = Si[:, None] + Si[None, :]
    safe_M = jnp.where(Mij == 0, 1.0, Mij)
    Rij = jnp.where(Mij == 0, 0.1, Rsum / safe_M)
    idx = jnp.arange(k)
    Rij = Rij.at[idx, idx].set(0.0)
    Di = jnp.max(Rij, axis=1)
    D_total = jnp.sum(Di)
    DB_loss = D_total / jnp.float32(k)
    return DB_loss

if __name__ == "__main__":
    import jax
    _d = setup_inputs()
    print(jax.jit(kernel)(*tuple(_d.values())))

</pallas_src>

<mosaic_0001>
#map = affine_map<(d0, d1) -> (0, 0)>
#map1 = affine_map<(d0, d1) -> (0)>
module attributes {stable_mosaic.version = 14 : i64} {
  func.func @_sc_body(%arg0: i32, %arg1: i32, %arg2: memref<64x131072xf32, #tpu.memory_space<hbm>>, %arg3: memref<131072xi32, #tpu.memory_space<hbm>>, %arg4: memref<2048x1072xf32, #tpu.memory_space<hbm>>, %arg5: memref<8x1536xf32, #tpu.memory_space<vmem>>, %arg6: memref<1536xi32, #tpu.memory_space<vmem>>, %arg7: memref<64x1072xf32, #tpu.memory_space<vmem>>, %arg8: memref<!tpu.dma_semaphore, #tpu.memory_space<semaphore_mem>>) attributes {dimension_semantics = [#tpu.dimension_semantics<core_parallel>, #tpu.dimension_semantics<subcore_parallel>], iteration_bounds = array<i64: 2, 16>, scalar_prefetch = 0 : i64, scratch_operands = 4 : i64, tpu.core_type = #tpu.core_type<sc_vector_subcore>, window_params = [{transform_indices = #map}, {transform_indices = #map1}, {transform_indices = #map}]} {
    %mul3A = arith.constant 16 : i32
    %mul3A_0 = arith.muli %arg0, %mul3A : i32
    %add3A = arith.addi %mul3A_0, %arg1 : i32
    %broadcast_in_dim3A = arith.constant 0.000000e+00 : f32
    %broadcast_in_dim3A_1 = vector.broadcast %broadcast_in_dim3A : f32 to vector<16xf32>
    %broadcast_in_dim3A_2 = arith.constant 1.000000e+00 : f32
    %broadcast_in_dim3A_3 = vector.broadcast %broadcast_in_dim3A_2 : f32 to vector<16xf32>
    %iota3A = tpu.iota {dimensions = array<i32: 0>} : vector<16xi32>
    %mul3A_4 = arith.constant 67 : i32
    %mul3A_5 = vector.broadcast %mul3A_4 : i32 to vector<16xi32>
    %mul3A_6 = arith.muli %iota3A, %mul3A_5 : vector<16xi32>
    %mul3A_7 = arith.constant 1536 : i32
    %mul3A_8 = arith.muli %add3A, %mul3A_7 : i32
    %multiple_of3A = tpu.assume_multiple %mul3A_8, 1536 : i32
    %dma_start3A = tpu.memref_slice %arg3[%multiple_of3A] : memref<131072xi32, #tpu.memory_space<hbm>> -> memref<1536xi32, #tpu.memory_space<hbm>>
    %dma_start3A_9 = tpu.memref_slice %arg3[%multiple_of3A] : memref<131072xi32, #tpu.memory_space<hbm>> -> memref<1536xi32, #tpu.memory_space<hbm>>
    tpu.enqueue_dma source(%dma_start3A_9 : memref<1536xi32, #tpu.memory_space<hbm>>) target(%arg6 : memref<1536xi32, #tpu.memory_space<vmem>>) target_semaphore(%arg8 : memref<!tpu.dma_semaphore, #tpu.memory_space<semaphore_mem>>)
    %scan3A = arith.constant 0 : i32
    %scan3A_10 = arith.constant 0 : i32
    %scan3A_11 = arith.constant 64 : i32
    %scan3A_12 = arith.addi %scan3A_10, %scan3A_11 : i32
    %scan3A_13 = arith.constant 1 : i32
    %scan3A_14 = scf.for %scan3A_46 = %scan3A_10 to %scan3A_12 step %scan3A_13 iter_args(%scan3A_47 = %scan3A) -> (i32)  : i32 {
      %swap3A = arith.index_cast %scan3A_46 : i32 to index
      %swap3A_48 = arith.constant 0 : index
      %swap3A_49 = tpu.vector_load %arg7[%swap3A, %swap3A_48] {strides = array<i32>} : memref<64x1072xf32, #tpu.memory_space<vmem>>, vector<16xf32>,
      tpu.vector_store %arg7[%swap3A, %swap3A_48], %broadcast_in_dim3A_1 {strides = array<i32>} : memref<64x1072xf32, #tpu.memory_space<vmem>>, vector<16xf32>,
      %swap3A_50 = arith.index_cast %scan3A_46 : i32 to index
      %swap3A_51 = arith.constant 16 : index
      %swap3A_52 = tpu.vector_load %arg7[%swap3A_50, %swap3A_51] {strides = array<i32>} : memref<64x1072xf32, #tpu.memory_space<vmem>>, vector<16xf32>,
      tpu.vector_store %arg7[%swap3A_50, %swap3A_51], %broadcast_in_dim3A_1 {strides = array<i32>} : memref<64x1072xf32, #tpu.memory_space<vmem>>, vector<16xf32>,
      %swap3A_53 = arith.index_cast %scan3A_46 : i32 to index
      %swap3A_54 = arith.constant 32 : index
      %swap3A_55 = tpu.vector_load %arg7[%swap3A_53, %swap3A_54] {strides = array<i32>} : memref<64x1072xf32, #tpu.memory_space<vmem>>, vector<16xf32>,
      tpu.vector_store %arg7[%swap3A_53, %swap3A_54], %broadcast_in_dim3A_1 {strides = array<i32>} : memref<64x1072xf32, #tpu.memory_space<vmem>>, vector<16xf32>,
      %swap3A_56 = arith.index_cast %scan3A_46 : i32 to index
      %swap3A_57 = arith.constant 48 : index
      %swap3A_58 = tpu.vector_load %arg7[%swap3A_56, %swap3A_57] {strides = array<i32>} : memref<64x1072xf32, #tpu.memory_space<vmem>>, vector<16xf32>,
      tpu.vector_store %arg7[%swap3A_56, %swap3A_57], %broadcast_in_dim3A_1 {strides = array<i32>} : memref<64x1072xf32, #tpu.memory_space<vmem>>, vector<16xf32>,
      %swap3A_59 = arith.index_cast %scan3A_46 : i32 to index
      %swap3A_60 = arith.constant 64 : index
      %swap3A_61 = tpu.vector_load %arg7[%swap3A_59, %swap3A_60] {strides = array<i32>} : memref<64x1072xf32, #tpu.memory_space<vmem>>, vector<16xf32>,
      tpu.vector_store %arg7[%swap3A_59, %swap3A_60], %broadcast_in_dim3A_1 {strides = array<i32>} : memref<64x1072xf32, #tpu.memory_space<vmem>>, vector<16xf32>,
      %swap3A_62 = arith.index_cast %scan3A_46 : i32 to index
      %swap3A_63 = arith.constant 80 : index
      %swap3A_64 = tpu.vector_load %arg7[%swap3A_62, %swap3A_63] {strides = array<i32>} : memref<64x1072xf32, #tpu.memory_space<vmem>>, vector<16xf32>,
      tpu.vector_store %arg7[%swap3A_62, %swap3A_63], %broadcast_in_dim3A_1 {strides = array<i32>} : memref<64x1072xf32, #tpu.memory_space<vmem>>, vector<16xf32>,
      %swap3A_65 = arith.index_cast %scan3A_46 : i32 to index
      %swap3A_66 = arith.constant 96 : index
      %swap3A_67 = tpu.vector_load %arg7[%swap3A_65, %swap3A_66] {strides = array<i32>} : memref<64x1072xf32, #tpu.memory_space<vmem>>, vector<16xf32>,
      tpu.vector_store %arg7[%swap3A_65, %swap3A_66], %broadcast_in_dim3A_1 {strides = array<i32>} : memref<64x1072xf32, #tpu.memory_space<vmem>>, vector<16xf32>,
      %swap3A_68 = arith.index_cast %scan3A_46 : i32 to index
      %swap3A_69 = arith.constant 112 : index
      %swap3A_70 = tpu.vector_load %arg7[%swap3A_68, %swap3A_69] {strides = array<i32>} : memref<64x1072xf32, #tpu.memory_space<vmem>>, vector<16xf32>,
      tpu.vector_store %arg7[%swap3A_68, %swap3A_69], %broadcast_in_dim3A_1 {strides = array<i32>} : memref<64x1072xf32, #tpu.memory_space<vmem>>, vector<16xf32>,
      %swap3A_71 = arith.index_cast %scan3A_46 : i32 to index
      %swap3A_72 = arith.constant 128 : index
      %swap3A_73 = tpu.vector_load %arg7[%swap3A_71, %swap3A_72] {strides = array<i32>} : memref<64x1072xf32, #tpu.memory_space<vmem>>, vector<16xf32>,
      tpu.vector_store %arg7[%swap3A_71, %swap3A_72], %broadcast_in_dim3A_1 {strides = array<i32>} : memref<64x1072xf32, #tpu.memory_space<vmem>>, vector<16xf32>,
      %swap3A_74 = arith.index_cast %scan3A_46 : i32 to index
      %swap3A_75 = arith.constant 144 : index
      %swap3A_76 = tpu.vector_load %arg7[%swap3A_74, %swap3A_75] {strides = array<i32>} : memref<64x1072xf32, #tpu.memory_space<vmem>>, vector<16xf32>,
      tpu.vector_store %arg7[%swap3A_74, %swap3A_75], %broadcast_in_dim3A_1 {strides = array<i32>} : memref<64x1072xf32, #tpu.memory_space<vmem>>, vector<16xf32>,
      %swap3A_77 = arith.index_cast %scan3A_46 : i32 to index
      %swap3A_78 = arith.constant 160 : index
      %swap3A_79 = tpu.vector_load %arg7[%swap3A_77, %swap3A_78] {strides = array<i32>} : memref<64x1072xf32, #tpu.memory_space<vmem>>, vector<16xf32>,
      tpu.vector_store %arg7[%swap3A_77, %swap3A_78], %broadcast_in_dim3A_1 {strides = array<i32>} : memref<64x1072xf32, #tpu.memory_space<vmem>>, vector<16xf32>,
      %swap3A_80 = arith.index_cast %scan3A_46 : i32 to index
      %swap3A_81 = arith.constant 176 : index
      %swap3A_82 = tpu.vector_load %arg7[%swap3A_80, %swap3A_81] {strides = array<i32>} : memref<64x1072xf32, #tpu.memory_space<vmem>>, vector<16xf32>,
      tpu.vector_store %arg7[%swap3A_80, %swap3A_81], %broadcast_in_dim3A_1 {strides = array<i32>} : memref<64x1072xf32, #tpu.memory_space<vmem>>, vector<16xf32>,
      %swap3A_83 = arith.index_cast %scan3A_46 : i32 to index
      %swap3A_84 = arith.constant 192 : index
      %swap3A_85 = tpu.vector_load %arg7[%swap3A_83, %swap3A_84] {strides = array<i32>} : memref<64x1072xf32, #tpu.memory_space<vmem>>, vector<16xf32>,
      tpu.vector_store %arg7[%swap3A_83, %swap3A_84], %broadcast_in_dim3A_1 {strides = array<i32>} : memref<64x1072xf32, #tpu.memory_space<vmem>>, vector<16xf32>,
      %swap3A_86 = arith.index_cast %scan3A_46 : i32 to index
      %swap3A_87 = arith.constant 208 : index
      %swap3A_88 = tpu.vector_load %arg7[%swap3A_86, %swap3A_87] {strides = array<i32>} : memref<64x1072xf32, #tpu.memory_space<vmem>>, vector<16xf32>,
      tpu.vector_store %arg7[%swap3A_86, %swap3A_87], %broadcast_in_dim3A_1 {strides = array<i32>} : memref<64x1072xf32, #tpu.memory_space<vmem>>, vector<16xf32>,
      %swap3A_89 = arith.index_cast %scan3A_46 : i32 to index
      %swap3A_90 = arith.constant 224 : index
      %swap3A_91 = tpu.vector_load %arg7[%swap3A_89, %swap3A_90] {strides = array<i32>} : memref<64x1072xf32, #tpu.memory_space<vmem>>, vector<16xf32>,
      tpu.vector_store %arg7[%swap3A_89, %swap3A_90], %broadcast_in_dim3A_1 {strides = array<i32>} : memref<64x1072xf32, #tpu.memory_space<vmem>>, vector<16xf32>,
      %swap3A_92 = arith.index_cast %scan3A_46 : i32 to index
      %swap3A_93 = arith.constant 240 : index
      %swap3A_94 = tpu.vector_load %arg7[%swap3A_92, %swap3A_93] {strides = array<i32>} : memref<64x1072xf32, #tpu.memory_space<vmem>>, vector<16xf32>,
      tpu.vector_store %arg7[%swap3A_92, %swap3A_93], %broadcast_in_dim3A_1 {strides = array<i32>} : memref<64x1072xf32, #tpu.memory_space<vmem>>, vector<16xf32>,
      %swap3A_95 = arith.index_cast %scan3A_46 : i32 to index
      %swap3A_96 = arith.constant 256 : index
      %swap3A_97 = tpu.vector_load %arg7[%swap3A_95, %swap3A_96] {strides = array<i32>} : memref<64x1072xf32, #tpu.memory_space<vmem>>, vector<16xf32>,
      tpu.vector_store %arg7[%swap3A_95, %swap3A_96], %broadcast_in_dim3A_1 {strides = array<i32>} : memref<64x1072xf32, #tpu.memory_space<vmem>>, vector<16xf32>,
      %swap3A_98 = arith.index_cast %scan3A_46 : i32 to index
      %swap3A_99 = arith.constant 272 : index
      %swap3A_100 = tpu.vector_load %arg7[%swap3A_98, %swap3A_99] {strides = array<i32>} : memref<64x1072xf32, #tpu.memory_space<vmem>>, vector<16xf32>,
      tpu.vector_store %arg7[%swap3A_98, %swap3A_99], %broadcast_in_dim3A_1 {strides = array<i32>} : memref<64x1072xf32, #tpu.memory_space<vmem>>, vector<16xf32>,
      %swap3A_101 = arith.index_cast %scan3A_46 : i32 to index
      %swap3A_102 = arith.constant 288 : index
      %swap3A_103 = tpu.vector_load %arg7[%swap3A_101, %swap3A_102] {strides = array<i32>} : memref<64x1072xf32, #tpu.memory_space<vmem>>, vector<16xf32>,
      tpu.vector_store %arg7[%swap3A_101, %swap3A_102], %broadcast_in_dim3A_1 {strides = array<i32>} : memref<64x1072xf32, #tpu.memory_space<vmem>>, vector<16xf32>,
      %swap3A_104 = arith.index_cast %scan3A_46 : i32 to index
      %swap3A_105 = arith.constant 304 : index
      %swap3A_106 = tpu.vector_load %arg7[%swap3A_104, %swap3A_105] {strides = array<i32>} : memref<64x1072xf32, #tpu.memory_space<vmem>>, vector<16xf32>,
      tpu.vector_store %arg7[%swap3A_104, %swap3A_105], %broadcast_in_dim3A_1 {strides = array<i32>} : memref<64x1072xf32, #tpu.memory_space<vmem>>, vector<16xf32>,
      %swap3A_107 = arith.index_cast %scan3A_46 : i32 to index
      %swap3A_108 = arith.constant 320 : index
      %swap3A_109 = tpu.vector_load %arg7[%swap3A_107, %swap3A_108] {strides = array<i32>} : memref<64x1072xf32, #tpu.memory_space<vmem>>, vector<16xf32>,
      tpu.vector_store %arg7[%swap3A_107, %swap3A_108], %broadcast_in_dim3A_1 {strides = array<i32>} : memref<64x1072xf32, #tpu.memory_space<vmem>>, vector<16xf32>,
      %swap3A_110 = arith.index_cast %scan3A_46 : i32 to index
      %swap3A_111 = arith.constant 336 : index
      %swap3A_112 = tpu.vector_load %arg7[%swap3A_110, %swap3A_111] {strides = array<i32>} : memref<64x1072xf32, #tpu.memory_space<vmem>>, vector<16xf32>,
      tpu.vector_store %arg7[%swap3A_110, %swap3A_111], %broadcast_in_dim3A_1 {strides = array<i32>} : memref<64x1072xf32, #tpu.memory_space<vmem>>, vector<16xf32>,
      %swap3A_113 = arith.index_cast %scan3A_46 : i32 to index
      %swap3A_114 = arith.constant 352 : index
      %swap3A_115 = tpu.vector_load %arg7[%swap3A_113, %swap3A_114] {strides = array<i32>} : memref<64x1072xf32, #tpu.memory_space<vmem>>, vector<16xf32>,
      tpu.vector_store %arg7[%swap3A_113, %swap3A_114], %broadcast_in_dim3A_1 {strides = array<i32>} : memref<64x1072xf32, #tpu.memory_space<vmem>>, vector<16xf32>,
      %swap3A_116 = arith.index_cast %scan3A_46 : i32 to index
      %swap3A_117 = arith.constant 368 : index
      %swap3A_118 = tpu.vector_load %arg7[%swap3A_116, %swap3A_117] {strides = array<i32>} : memref<64x1072xf32, #tpu.memory_space<vmem>>, vector<16xf32>,
      tpu.vector_store %arg7[%swap3A_116, %swap3A_117], %broadcast_in_dim3A_1 {strides = array<i32>} : memref<64x1072xf32, #tpu.memory_space<vmem>>, vector<16xf32>,
      %swap3A_119 = arith.index_cast %scan3A_46 : i32 to index
      %swap3A_120 = arith.constant 384 : index
      %swap3A_121 = tpu.vector_load %arg7[%swap3A_119, %swap3A_120] {strides = array<i32>} : memref<64x1072xf32, #tpu.memory_space<vmem>>, vector<16xf32>,
      tpu.vector_store %arg7[%swap3A_119, %swap3A_120], %broadcast_in_dim3A_1 {strides = array<i32>} : memref<64x1072xf32, #tpu.memory_space<vmem>>, vector<16xf32>,
      %swap3A_122 = arith.index_cast %scan3A_46 : i32 to index
      %swap3A_123 = arith.constant 400 : index
      %swap3A_124 = tpu.vector_load %arg7[%swap3A_122, %swap3A_123] {strides = array<i32>} : memref<64x1072xf32, #tpu.memory_space<vmem>>, vector<16xf32>,
      tpu.vector_store %arg7[%swap3A_122, %swap3A_123], %broadcast_in_dim3A_1 {strides = array<i32>} : memref<64x1072xf32, #tpu.memory_space<vmem>>, vector<16xf32>,
      %swap3A_125 = arith.index_cast %scan3A_46 : i32 to index
      %swap3A_126 = arith.constant 416 : index
      %swap3A_127 = tpu.vector_load %arg7[%swap3A_125, %swap3A_126] {strides = array<i32>} : memref<64x1072xf32, #tpu.memory_space<vmem>>, vector<16xf32>,
      tpu.vector_store %arg7[%swap3A_125, %swap3A_126], %broadcast_in_dim3A_1 {strides = array<i32>} : memref<64x1072xf32, #tpu.memory_space<vmem>>, vector<16xf32>,
      %swap3A_128 = arith.index_cast %scan3A_46 : i32 to index
      %swap3A_129 = arith.constant 432 : index
      %swap3A_130 = tpu.vector_load %arg7[%swap3A_128, %swap3A_129] {strides = array<i32>} : memref<64x1072xf32, #tpu.memory_space<vmem>>, vector<16xf32>,
      tpu.vector_store %arg7[%swap3A_128, %swap3A_129], %broadcast_in_dim3A_1 {strides = array<i32>} : memref<64x1072xf32, #tpu.memory_space<vmem>>, vector<16xf32>,
      %swap3A_131 = arith.index_cast %scan3A_46 : i32 to index
      %swap3A_132 = arith.constant 448 : index
      %swap3A_133 = tpu.vector_load %arg7[%swap3A_131, %swap3A_132] {strides = array<i32>} : memref<64x1072xf32, #tpu.memory_space<vmem>>, vector<16xf32>,
      tpu.vector_store %arg7[%swap3A_131, %swap3A_132], %broadcast_in_dim3A_1 {strides = array<i32>} : memref<64x1072xf32, #tpu.memory_space<vmem>>, vector<16xf32>,
      %swap3A_134 = arith.index_cast %scan3A_46 : i32 to index
      %swap3A_135 = arith.constant 464 : index
      %swap3A_136 = tpu.vector_load %arg7[%swap3A_134, %swap3A_135] {strides = array<i32>} : memref<64x1072xf32, #tpu.memory_space<vmem>>, vector<16xf32>,
      tpu.vector_store %arg7[%swap3A_134, %swap3A_135], %broadcast_in_dim3A_1 {strides = array<i32>} : memref<64x1072xf32, #tpu.memory_space<vmem>>, vector<16xf32>,
      %swap3A_137 = arith.index_cast %scan3A_46 : i32 to index
      %swap3A_138 = arith.constant 480 : index
      %swap3A_139 = tpu.vector_load %arg7[%swap3A_137, %swap3A_138] {strides = array<i32>} : memref<64x1072xf32, #tpu.memory_space<vmem>>, vector<16xf32>,
      tpu.vector_store %arg7[%swap3A_137, %swap3A_138], %broadcast_in_dim3A_1 {strides = array<i32>} : memref<64x1072xf32, #tpu.memory_space<vmem>>, vector<16xf32>,
      %swap3A_140 = arith.index_cast %scan3A_46 : i32 to index
      %swap3A_141 = arith.constant 496 : index
      %swap3A_142 = tpu.vector_load %arg7[%swap3A_140, %swap3A_141] {strides = array<i32>} : memref<64x1072xf32, #tpu.memory_space<vmem>>, vector<16xf32>,
      tpu.vector_store %arg7[%swap3A_140, %swap3A_141], %broadcast_in_dim3A_1 {strides = array<i32>} : memref<64x1072xf32, #tpu.memory_space<vmem>>, vector<16xf32>,
      %swap3A_143 = arith.index_cast %scan3A_46 : i32 to index
      %swap3A_144 = arith.constant 512 : index
      %swap3A_145 = tpu.vector_load %arg7[%swap3A_143, %swap3A_144] {strides = array<i32>} : memref<64x1072xf32, #tpu.memory_space<vmem>>, vector<16xf32>,
      tpu.vector_store %arg7[%swap3A_143, %swap3A_144], %broadcast_in_dim3A_1 {strides = array<i32>} : memref<64x1072xf32, #tpu.memory_space<vmem>>, vector<16xf32>,
      %swap3A_146 = arith.index_cast %scan3A_46 : i32 to index
      %swap3A_147 = arith.constant 528 : index
      %swap3A_148 = tpu.vector_load %arg7[%swap3A_146, %swap3A_147] {strides = array<i32>} : memref<64x1072xf32, #tpu.memory_space<vmem>>, vector<16xf32>,
      tpu.vector_store %arg7[%swap3A_146, %swap3A_147], %broadcast_in_dim3A_1 {strides = array<i32>} : memref<64x1072xf32, #tpu.memory_space<vmem>>, vector<16xf32>,
      %swap3A_149 = arith.index_cast %scan3A_46 : i32 to index
      %swap3A_150 = arith.constant 544 : index
      %swap3A_151 = tpu.vector_load %arg7[%swap3A_149, %swap3A_150] {strides = array<i32>} : memref<64x1072xf32, #tpu.memory_space<vmem>>, vector<16xf32>,
      tpu.vector_store %arg7[%swap3A_149, %swap3A_150], %broadcast_in_dim3A_1 {strides = array<i32>} : memref<64x1072xf32, #tpu.memory_space<vmem>>, vector<16xf32>,
      %swap3A_152 = arith.index_cast %scan3A_46 : i32 to index
      %swap3A_153 = arith.constant 560 : index
      %swap3A_154 = tpu.vector_load %arg7[%swap3A_152, %swap3A_153] {strides = array<i32>} : memref<64x1072xf32, #tpu.memory_space<vmem>>, vector<16xf32>,
      tpu.vector_store %arg7[%swap3A_152, %swap3A_153], %broadcast_in_dim3A_1 {strides = array<i32>} : memref<64x1072xf32, #tpu.memory_space<vmem>>, vector<16xf32>,
      %swap3A_155 = arith.index_cast %scan3A_46 : i32 to index
      %swap3A_156 = arith.constant 576 : index
      %swap3A_157 = tpu.vector_load %arg7[%swap3A_155, %swap3A_156] {strides = array<i32>} : memref<64x1072xf32, #tpu.memory_space<vmem>>, vector<16xf32>,
      tpu.vector_store %arg7[%swap3A_155, %swap3A_156], %broadcast_in_dim3A_1 {strides = array<i32>} : memref<64x1072xf32, #tpu.memory_space<vmem>>, vector<16xf32>,
      %swap3A_158 = arith.index_cast %scan3A_46 : i32 to index
      %swap3A_159 = arith.constant 592 : index
      %swap3A_160 = tpu.vector_load %arg7[%swap3A_158, %swap3A_159] {strides = array<i32>} : memref<64x1072xf32, #tpu.memory_space<vmem>>, vector<16xf32>,
      tpu.vector_store %arg7[%swap3A_158, %swap3A_159], %broadcast_in_dim3A_1 {strides = array<i32>} : memref<64x1072xf32, #tpu.memory_space<vmem>>, vector<16xf32>,
      %swap3A_161 = arith.index_cast %scan3A_46 : i32 to index
      %swap3A_162 = arith.constant 608 : index
      %swap3A_163 = tpu.vector_load %arg7[%swap3A_161, %swap3A_162] {strides = array<i32>} : memref<64x1072xf32, #tpu.memory_space<vmem>>, vector<16xf32>,
      tpu.vector_store %arg7[%swap3A_161, %swap3A_162], %broadcast_in_dim3A_1 {strides = array<i32>} : memref<64x1072xf32, #tpu.memory_space<vmem>>, vector<16xf32>,
      %swap3A_164 = arith.index_cast %scan3A_46 : i32 to index
      %swap3A_165 = arith.constant 624 : index
      %swap3A_166 = tpu.vector_load %arg7[%swap3A_164, %swap3A_165] {strides = array<i32>} : memref<64x1072xf32, #tpu.memory_space<vmem>>, vector<16xf32>,
      tpu.vector_store %arg7[%swap3A_164, %swap3A_165], %broadcast_in_dim3A_1 {strides = array<i32>} : memref<64x1072xf32, #tpu.memory_space<vmem>>, vector<16xf32>,
      %swap3A_167 = arith.index_cast %scan3A_46 : i32 to index
      %swap3A_168 = arith.constant 640 : index
      %swap3A_169 = tpu.vector_load %arg7[%swap3A_167, %swap3A_168] {strides = array<i32>} : memref<64x1072xf32, #tpu.memory_space<vmem>>, vector<16xf32>,
      tpu.vector_store %arg7[%swap3A_167, %swap3A_168], %broadcast_in_dim3A_1 {strides = array<i32>} : memref<64x1072xf32, #tpu.memory_space<vmem>>, vector<16xf32>,
      %swap3A_170 = arith.index_cast %scan3A_46 : i32 to index
      %swap3A_171 = arith.constant 656 : index
      %swap3A_172 = tpu.vector_load %arg7[%swap3A_170, %swap3A_171] {strides = array<i32>} : memref<64x1072xf32, #tpu.memory_space<vmem>>, vector<16xf32>,
      tpu.vector_store %arg7[%swap3A_170, %swap3A_171], %broadcast_in_dim3A_1 {strides = array<i32>} : memref<64x1072xf32, #tpu.memory_space<vmem>>, vector<16xf32>,
      %swap3A_173 = arith.index_cast %scan3A_46 : i32 to index
      %swap3A_174 = arith.constant 672 : index
      %swap3A_175 = tpu.vector_load %arg7[%swap3A_173, %swap3A_174] {strides = array<i32>} : memref<64x1072xf32, #tpu.memory_space<vmem>>, vector<16xf32>,
      tpu.vector_store %arg7[%swap3A_173, %swap3A_174], %broadcast_in_dim3A_1 {strides = array<i32>} : memref<64x1072xf32, #tpu.memory_space<vmem>>, vector<16xf32>,
      %swap3A_176 = arith.index_cast %scan3A_46 : i32 to index
      %swap3A_177 = arith.constant 688 : index
      %swap3A_178 = tpu.vector_load %arg7[%swap3A_176, %swap3A_177] {strides = array<i32>} : memref<64x1072xf32, #tpu.memory_space<vmem>>, vector<16xf32>,
      tpu.vector_store %arg7[%swap3A_176, %swap3A_177], %broadcast_in_dim3A_1 {strides = array<i32>} : memref<64x1072xf32, #tpu.memory_space<vmem>>, vector<16xf32>,
      %swap3A_179 = arith.index_cast %scan3A_46 : i32 to index
      %swap3A_180 = arith.constant 704 : index
      %swap3A_181 = tpu.vector_load %arg7[%swap3A_179, %swap3A_180] {strides = array<i32>} : memref<64x1072xf32, #tpu.memory_space<vmem>>, vector<16xf32>,
      tpu.vector_store %arg7[%swap3A_179, %swap3A_180], %broadcast_in_dim3A_1 {strides = array<i32>} : memref<64x1072xf32, #tpu.memory_space<vmem>>, vector<16xf32>,
      %swap3A_182 = arith.index_cast %scan3A_46 : i32 to index
      %swap3A_183 = arith.constant 720 : index
      %swap3A_184 = tpu.vector_load %arg7[%swap3A_182, %swap3A_183] {strides = array<i32>} : memref<64x1072xf32, #tpu.memory_space<vmem>>, vector<16xf32>,
      tpu.vector_store %arg7[%swap3A_182, %swap3A_183], %broadcast_in_dim3A_1 {strides = array<i32>} : memref<64x1072xf32, #tpu.memory_space<vmem>>, vector<16xf32>,
      %swap3A_185 = arith.index_cast %scan3A_46 : i32 to index
      %swap3A_186 = arith.constant 736 : index
      %swap3A_187 = tpu.vector_load %arg7[%swap3A_185, %swap3A_186] {strides = array<i32>} : memref<64x1072xf32, #tpu.memory_space<vmem>>, vector<16xf32>,
      tpu.vector_store %arg7[%swap3A_185, %swap3A_186], %broadcast_in_dim3A_1 {strides = array<i32>} : memref<64x1072xf32, #tpu.memory_space<vmem>>, vector<16xf32>,
      %swap3A_188 = arith.index_cast %scan3A_46 : i32 to index
      %swap3A_189 = arith.constant 752 : index
      %swap3A_190 = tpu.vector_load %arg7[%swap3A_188, %swap3A_189] {strides = array<i32>} : memref<64x1072xf32, #tpu.memory_space<vmem>>, vector<16xf32>,
      tpu.vector_store %arg7[%swap3A_188, %swap3A_189], %broadcast_in_dim3A_1 {strides = array<i32>} : memref<64x1072xf32, #tpu.memory_space<vmem>>, vector<16xf32>,
      %swap3A_191 = arith.index_cast %scan3A_46 : i32 to index
      %swap3A_192 = arith.constant 768 : index
      %swap3A_193 = tpu.vector_load %arg7[%swap3A_191, %swap3A_192] {strides = array<i32>} : memref<64x1072xf32, #tpu.memory_space<vmem>>, vector<16xf32>,
      tpu.vector_store %arg7[%swap3A_191, %swap3A_192], %broadcast_in_dim3A_1 {strides = array<i32>} : memref<64x1072xf32, #tpu.memory_space<vmem>>, vector<16xf32>,
      %swap3A_194 = arith.index_cast %scan3A_46 : i32 to index
      %swap3A_195 = arith.constant 784 : index
      %swap3A_196 = tpu.vector_load %arg7[%swap3A_194, %swap3A_195] {strides = array<i32>} : memref<64x1072xf32, #tpu.memory_space<vmem>>, vector<16xf32>,
      tpu.vector_store %arg7[%swap3A_194, %swap3A_195], %broadcast_in_dim3A_1 {strides = array<i32>} : memref<64x1072xf32, #tpu.memory_space<vmem>>, vector<16xf32>,
      %swap3A_197 = arith.index_cast %scan3A_46 : i32 to index
      %swap3A_198 = arith.constant 800 : index
      %swap3A_199 = tpu.vector_load %arg7[%swap3A_197, %swap3A_198] {strides = array<i32>} : memref<64x1072xf32, #tpu.memory_space<vmem>>, vector<16xf32>,
      tpu.vector_store %arg7[%swap3A_197, %swap3A_198], %broadcast_in_dim3A_1 {strides = array<i32>} : memref<64x1072xf32, #tpu.memory_space<vmem>>, vector<16xf32>,
      %swap3A_200 = arith.index_cast %scan3A_46 : i32 to index
      %swap3A_201 = arith.constant 816 : index
      %swap3A_202 = tpu.vector_load %arg7[%swap3A_200, %swap3A_201] {strides = array<i32>} : memref<64x1072xf32, #tpu.memory_space<vmem>>, vector<16xf32>,
      tpu.vector_store %arg7[%swap3A_200, %swap3A_201], %broadcast_in_dim3A_1 {strides = array<i32>} : memref<64x1072xf32, #tpu.memory_space<vmem>>, vector<16xf32>,
      %swap3A_203 = arith.index_cast %scan3A_46 : i32 to index
      %swap3A_204 = arith.constant 832 : index
      %swap3A_205 = tpu.vector_load %arg7[%swap3A_203, %swap3A_204] {strides = array<i32>} : memref<64x1072xf32, #tpu.memory_space<vmem>>, vector<16xf32>,
      tpu.vector_store %arg7[%swap3A_203, %swap3A_204], %broadcast_in_dim3A_1 {strides = array<i32>} : memref<64x1072xf32, #tpu.memory_space<vmem>>, vector<16xf32>,
      %swap3A_206 = arith.index_cast %scan3A_46 : i32 to index
      %swap3A_207 = arith.constant 848 : index
      %swap3A_208 = tpu.vector_load %arg7[%swap3A_206, %swap3A_207] {strides = array<i32>} : memref<64x1072xf32, #tpu.memory_space<vmem>>, vector<16xf32>,
      tpu.vector_store %arg7[%swap3A_206, %swap3A_207], %broadcast_in_dim3A_1 {strides = array<i32>} : memref<64x1072xf32, #tpu.memory_space<vmem>>, vector<16xf32>,
      %swap3A_209 = arith.index_cast %scan3A_46 : i32 to index
      %swap3A_210 = arith.constant 864 : index
      %swap3A_211 = tpu.vector_load %arg7[%swap3A_209, %swap3A_210] {strides = array<i32>} : memref<64x1072xf32, #tpu.memory_space<vmem>>, vector<16xf32>,
      tpu.vector_store %arg7[%swap3A_209, %swap3A_210], %broadcast_in_dim3A_1 {strides = array<i32>} : memref<64x1072xf32, #tpu.memory_space<vmem>>, vector<16xf32>,
      %swap3A_212 = arith.index_cast %scan3A_46 : i32 to index
      %swap3A_213 = arith.constant 880 : index
      %swap3A_214 = tpu.vector_load %arg7[%swap3A_212, %swap3A_213] {strides = array<i32>} : memref<64x1072xf32, #tpu.memory_space<vmem>>, vector<16xf32>,
      tpu.vector_store %arg7[%swap3A_212, %swap3A_213], %broadcast_in_dim3A_1 {strides = array<i32>} : memref<64x1072xf32, #tpu.memory_space<vmem>>, vector<16xf32>,
      %swap3A_215 = arith.index_cast %scan3A_46 : i32 to index
      %swap3A_216 = arith.constant 896 : index
      %swap3A_217 = tpu.vector_load %arg7[%swap3A_215, %swap3A_216] {strides = array<i32>} : memref<64x1072xf32, #tpu.memory_space<vmem>>, vector<16xf32>,
      tpu.vector_store %arg7[%swap3A_215, %swap3A_216], %broadcast_in_dim3A_1 {strides = array<i32>} : memref<64x1072xf32, #tpu.memory_space<vmem>>, vector<16xf32>,
      %swap3A_218 = arith.index_cast %scan3A_46 : i32 to index
      %swap3A_219 = arith.constant 912 : index
      %swap3A_220 = tpu.vector_load %arg7[%swap3A_218, %swap3A_219] {strides = array<i32>} : memref<64x1072xf32, #tpu.memory_space<vmem>>, vector<16xf32>,
      tpu.vector_store %arg7[%swap3A_218, %swap3A_219], %broadcast_in_dim3A_1 {strides = array<i32>} : memref<64x1072xf32, #tpu.memory_space<vmem>>, vector<16xf32>,
      %swap3A_221 = arith.index_cast %scan3A_46 : i32 to index
      %swap3A_222 = arith.constant 928 : index
      %swap3A_223 = tpu.vector_load %arg7[%swap3A_221, %swap3A_222] {strides = array<i32>} : memref<64x1072xf32, #tpu.memory_space<vmem>>, vector<16xf32>,
      tpu.vector_store %arg7[%swap3A_221, %swap3A_222], %broadcast_in_dim3A_1 {strides = array<i32>} : memref<64x1072xf32, #tpu.memory_space<vmem>>, vector<16xf32>,
      %swap3A_224 = arith.index_cast %scan3A_46 : i32 to index
      %swap3A_225 = arith.constant 944 : index
      %swap3A_226 = tpu.vector_load %arg7[%swap3A_224, %swap3A_225] {strides = array<i32>} : memref<64x1072xf32, #tpu.memory_space<vmem>>, vector<16xf32>,
      tpu.vector_store %arg7[%swap3A_224, %swap3A_225], %broadcast_in_dim3A_1 {strides = array<i32>} : memref<64x1072xf32, #tpu.memory_space<vmem>>, vector<16xf32>,
      %swap3A_227 = arith.index_cast %scan3A_46 : i32 to index
      %swap3A_228 = arith.constant 960 : index
      %swap3A_229 = tpu.vector_load %arg7[%swap3A_227, %swap3A_228] {strides = array<i32>} : memref<64x1072xf32, #tpu.memory_space<vmem>>, vector<16xf32>,
      tpu.vector_store %arg7[%swap3A_227, %swap3A_228], %broadcast_in_dim3A_1 {strides = array<i32>} : memref<64x1072xf32, #tpu.memory_space<vmem>>, vector<16xf32>,
      %swap3A_230 = arith.index_cast %scan3A_46 : i32 to index
      %swap3A_231 = arith.constant 976 : index
      %swap3A_232 = tpu.vector_load %arg7[%swap3A_230, %swap3A_231] {strides = array<i32>} : memref<64x1072xf32, #tpu.memory_space<vmem>>, vector<16xf32>,
      tpu.vector_store %arg7[%swap3A_230, %swap3A_231], %broadcast_in_dim3A_1 {strides = array<i32>} : memref<64x1072xf32, #tpu.memory_space<vmem>>, vector<16xf32>,
      %swap3A_233 = arith.index_cast %scan3A_46 : i32 to index
      %swap3A_234 = arith.constant 992 : index
      %swap3A_235 = tpu.vector_load %arg7[%swap3A_233, %swap3A_234] {strides = array<i32>} : memref<64x1072xf32, #tpu.memory_space<vmem>>, vector<16xf32>,
      tpu.vector_store %arg7[%swap3A_233, %swap3A_234], %broadcast_in_dim3A_1 {strides = array<i32>} : memref<64x1072xf32, #tpu.memory_space<vmem>>, vector<16xf32>,
      %swap3A_236 = arith.index_cast %scan3A_46 : i32 to index
      %swap3A_237 = arith.constant 1008 : index
      %swap3A_238 = tpu.vector_load %arg7[%swap3A_236, %swap3A_237] {strides = array<i32>} : memref<64x1072xf32, #tpu.memory_space<vmem>>, vector<16xf32>,
      tpu.vector_store %arg7[%swap3A_236, %swap3A_237], %broadcast_in_dim3A_1 {strides = array<i32>} : memref<64x1072xf32, #tpu.memory_space<vmem>>, vector<16xf32>,
      %swap3A_239 = arith.index_cast %scan3A_46 : i32 to index
      %swap3A_240 = arith.constant 1024 : index
      %swap3A_241 = tpu.vector_load %arg7[%swap3A_239, %swap3A_240] {strides = array<i32>} : memref<64x1072xf32, #tpu.memory_space<vmem>>, vector<16xf32>,
      tpu.vector_store %arg7[%swap3A_239, %swap3A_240], %broadcast_in_dim3A_1 {strides = array<i32>} : memref<64x1072xf32, #tpu.memory_space<vmem>>, vector<16xf32>,
      %swap3A_242 = arith.index_cast %scan3A_46 : i32 to index
      %swap3A_243 = arith.constant 1040 : index
      %swap3A_244 = tpu.vector_load %arg7[%swap3A_242, %swap3A_243] {strides = array<i32>} : memref<64x1072xf32, #tpu.memory_space<vmem>>, vector<16xf32>,
      tpu.vector_store %arg7[%swap3A_242, %swap3A_243], %broadcast_in_dim3A_1 {strides = array<i32>} : memref<64x1072xf32, #tpu.memory_space<vmem>>, vector<16xf32>,
      %swap3A_245 = arith.index_cast %scan3A_46 : i32 to index
      %swap3A_246 = arith.constant 1056 : index
      %swap3A_247 = tpu.vector_load %arg7[%swap3A_245, %swap3A_246] {strides = array<i32>} : memref<64x1072xf32, #tpu.memory_space<vmem>>, vector<16xf32>,
      tpu.vector_store %arg7[%swap3A_245, %swap3A_246], %broadcast_in_dim3A_1 {strides = array<i32>} : memref<64x1072xf32, #tpu.memory_space<vmem>>, vector<16xf32>,
      %scan3A_248 = arith.constant 0 : i32
      scf.yield %scan3A_248 : i32
    }
    %scan3A_15 = arith.constant 64 : i32
    %dma_wait3A = tpu.memref_slice %arg3[%multiple_of3A] : memref<131072xi32, #tpu.memory_space<hbm>> -> memref<1536xi32, #tpu.memory_space<hbm>>
    %dma_wait3A_16 = tpu.memref_slice %arg3[%multiple_of3A] : memref<131072xi32, #tpu.memory_space<hbm>> -> memref<1536xi32, #tpu.memory_space<hbm>>
    tpu.wait_dma2 semaphore(%arg8 : memref<!tpu.dma_semaphore, #tpu.memory_space<semaphore_mem>>) src(%dma_wait3A_16 : memref<1536xi32, #tpu.memory_space<hbm>>) dst(%arg6 : memref<1536xi32, #tpu.memory_space<vmem>>)
    %mul3A_17 = arith.constant 1536 : i32
    %mul3A_18 = arith.muli %add3A, %mul3A_17 : i32
    %multiple_of3A_19 = tpu.assume_multiple %mul3A_18, 1536 : i32
    "tpu.region"() ({
      %run_scoped3A = tpu.sem_alloc : memref<!tpu.dma_semaphore, #tpu.memory_space<semaphore_mem>>
      %dma_start3A_46 = arith.constant 0 : i32
      %dma_start3A_47 = tpu.memref_slice %arg2[%dma_start3A_46, %multiple_of3A_19] : memref<64x131072xf32, #tpu.memory_space<hbm>> -> memref<8x1536xf32, #tpu.memory_space<hbm>>
      %dma_start3A_48 = arith.constant 0 : i32
      %dma_start3A_49 = tpu.memref_slice %arg2[%dma_start3A_48, %multiple_of3A_19] : memref<64x131072xf32, #tpu.memory_space<hbm>> -> memref<8x1536xf32, #tpu.memory_space<hbm>>
      tpu.enqueue_dma source(%dma_start3A_49 : memref<8x1536xf32, #tpu.memory_space<hbm>>) target(%arg5 : memref<8x1536xf32, #tpu.memory_space<vmem>>) target_semaphore(%run_scoped3A : memref<!tpu.dma_semaphore, #tpu.memory_space<semaphore_mem>>)
      %dma_wait3A_50 = arith.constant 0 : i32
      %dma_wait3A_51 = tpu.memref_slice %arg2[%dma_wait3A_50, %multiple_of3A_19] : memref<64x131072xf32, #tpu.memory_space<hbm>> -> memref<8x1536xf32, #tpu.memory_space<hbm>>
      %dma_wait3A_52 = arith.constant 0 : i32
      %dma_wait3A_53 = tpu.memref_slice %arg2[%dma_wait3A_52, %multiple_of3A_19] : memref<64x131072xf32, #tpu.memory_space<hbm>> -> memref<8x1536xf32, #tpu.memory_space<hbm>>
      tpu.wait_dma2 semaphore(%run_scoped3A : memref<!tpu.dma_semaphore, #tpu.memory_space<semaphore_mem>>) src(%dma_wait3A_53 : memref<8x1536xf32, #tpu.memory_space<hbm>>) dst(%arg5 : memref<8x1536xf32, #tpu.memory_space<vmem>>)
      tpu.yield
    }) : () -> ()
    %parallel_loop3A = arith.constant 0 : i32
    %parallel_loop3A_20 = arith.constant 96 : i32
    %parallel_loop3A_21 = arith.constant 1 : i32
    scf.for %parallel_loop3A_46 = %parallel_loop3A to %parallel_loop3A_20 step %parallel_loop3A_21  : i32 {
      %parallel_loop3A_47 = arith.constant 16 : i32
      %parallel_loop3A_48 = arith.muli %parallel_loop3A_46, %parallel_loop3A_47 : i32
      %parallel_loop3A_49 = arith.index_cast %parallel_loop3A_48 : i32 to index
      %parallel_loop3A_50 = tpu.vector_load %arg6[%parallel_loop3A_49] {strides = array<i32>} : memref<1536xi32, #tpu.memory_space<vmem>>, vector<16xi32>,
      %parallel_loop3A_51 = arith.constant 16 : i32
      %parallel_loop3A_52 = arith.muli %parallel_loop3A_46, %parallel_loop3A_51 : i32
      %parallel_loop3A_53 = arith.constant 0 : i32
      %parallel_loop3A_54 = arith.index_cast %parallel_loop3A_53 : i32 to index
      %parallel_loop3A_55 = arith.index_cast %parallel_loop3A_52 : i32 to index
      %parallel_loop3A_56 = tpu.vector_load %arg5[%parallel_loop3A_54, %parallel_loop3A_55] {strides = array<i32>} : memref<8x1536xf32, #tpu.memory_space<vmem>>, vector<16xf32>,
      %parallel_loop3A_57 = arith.constant 0 : i32
      %parallel_loop3A_58 = vector.broadcast %parallel_loop3A_57 : i32 to vector<16xi32>
      %parallel_loop3A_59 = arith.addi %mul3A_6, %parallel_loop3A_58 : vector<16xi32>
      tpu.vector_store_idx %arg7[%parallel_loop3A_50, %parallel_loop3A_59], %parallel_loop3A_56 {add = true} : memref<64x1072xf32, #tpu.memory_space<vmem>>[vector<16xi32>, vector<16xi32>], vector<16xf32>,
      %parallel_loop3A_60 = arith.mulf %parallel_loop3A_56, %parallel_loop3A_56 : vector<16xf32>
      %parallel_loop3A_61 = arith.constant 16 : i32
      %parallel_loop3A_62 = arith.muli %parallel_loop3A_46, %parallel_loop3A_61 : i32
      %parallel_loop3A_63 = arith.constant 1 : i32
      %parallel_loop3A_64 = arith.index_cast %parallel_loop3A_63 : i32 to index
      %parallel_loop3A_65 = arith.index_cast %parallel_loop3A_62 : i32 to index
      %parallel_loop3A_66 = tpu.vector_load %arg5[%parallel_loop3A_64, %parallel_loop3A_65] {strides = array<i32>} : memref<8x1536xf32, #tpu.memory_space<vmem>>, vector<16xf32>,
      %parallel_loop3A_67 = arith.constant 1 : i32
      %parallel_loop3A_68 = vector.broadcast %parallel_loop3A_67 : i32 to vector<16xi32>
      %parallel_loop3A_69 = arith.addi %mul3A_6, %parallel_loop3A_68 : vector<16xi32>
      tpu.vector_store_idx %arg7[%parallel_loop3A_50, %parallel_loop3A_69], %parallel_loop3A_66 {add = true} : memref<64x1072xf32, #tpu.memory_space<vmem>>[vector<16xi32>, vector<16xi32>], vector<16xf32>,
      %parallel_loop3A_70 = arith.mulf %parallel_loop3A_66, %parallel_loop3A_66 : vector<16xf32>
      %parallel_loop3A_71 = arith.addf %parallel_loop3A_60, %parallel_loop3A_70 : vector<16xf32>
      %parallel_loop3A_72 = arith.constant 16 : i32
      %parallel_loop3A_73 = arith.muli %parallel_loop3A_46, %parallel_loop3A_72 : i32
      %parallel_loop3A_74 = arith.constant 2 : i32
      %parallel_loop3A_75 = arith.index_cast %parallel_loop3A_74 : i32 to index
      %parallel_loop3A_76 = arith.index_cast %parallel_loop3A_73 : i32 to index
      %parallel_loop3A_77 = tpu.vector_load %arg5[%parallel_loop3A_75, %parallel_loop3A_76] {strides = array<i32>} : memref<8x1536xf32, #tpu.memory_space<vmem>>, vector<16xf32>,
      %parallel_loop3A_78 = arith.constant 2 : i32
      %parallel_loop3A_79 = vector.broadcast %parallel_loop3A_78 : i32 to vector<16xi32>
      %parallel_loop3A_80 = arith.addi %mul3A_6, %parallel_loop3A_79 : vector<16xi32>
      tpu.vector_store_idx %arg7[%parallel_loop3A_50, %parallel_loop3A_80], %parallel_loop3A_77 {add = true} : memref<64x1072xf32, #tpu.memory_space<vmem>>[vector<16xi32>, vector<16xi32>], vector<16xf32>,
      %parallel_loop3A_81 = arith.mulf %parallel_loop3A_77, %parallel_loop3A_77 : vector<16xf32>
      %parallel_loop3A_82 = arith.addf %parallel_loop3A_71, %parallel_loop3A_81 : vector<16xf32>
      %parallel_loop3A_83 = arith.constant 16 : i32
      %parallel_loop3A_84 = arith.muli %parallel_loop3A_46, %parallel_loop3A_83 : i32
      %parallel_loop3A_85 = arith.constant 3 : i32
      %parallel_loop3A_86 = arith.index_cast %parallel_loop3A_85 : i32 to index
      %parallel_loop3A_87 = arith.index_cast %parallel_loop3A_84 : i32 to index
      %parallel_loop3A_88 = tpu.vector_load %arg5[%parallel_loop3A_86, %parallel_loop3A_87] {strides = array<i32>} : memref<8x1536xf32, #tpu.memory_space<vmem>>, vector<16xf32>,
      %parallel_loop3A_89 = arith.constant 3 : i32
      %parallel_loop3A_90 = vector.broadcast %parallel_loop3A_89 : i32 to vector<16xi32>
      %parallel_loop3A_91 = arith.addi %mul3A_6, %parallel_loop3A_90 : vector<16xi32>
      tpu.vector_store_idx %arg7[%parallel_loop3A_50, %parallel_loop3A_91], %parallel_loop3A_88 {add = true} : memref<64x1072xf32, #tpu.memory_space<vmem>>[vector<16xi32>, vector<16xi32>], vector<16xf32>,
      %parallel_loop3A_92 = arith.mulf %parallel_loop3A_88, %parallel_loop3A_88 : vector<16xf32>
      %parallel_loop3A_93 = arith.addf %parallel_loop3A_82, %parallel_loop3A_92 : vector<16xf32>
      %parallel_loop3A_94 = arith.constant 16 : i32
      %parallel_loop3A_95 = arith.muli %parallel_loop3A_46, %parallel_loop3A_94 : i32
      %parallel_loop3A_96 = arith.constant 4 : i32
      %parallel_loop3A_97 = arith.index_cast %parallel_loop3A_96 : i32 to index
      %parallel_loop3A_98 = arith.index_cast %parallel_loop3A_95 : i32 to index
      %parallel_loop3A_99 = tpu.vector_load %arg5[%parallel_loop3A_97, %parallel_loop3A_98] {strides = array<i32>} : memref<8x1536xf32, #tpu.memory_space<vmem>>, vector<16xf32>,
      %parallel_loop3A_100 = arith.constant 4 : i32
      %parallel_loop3A_101 = vector.broadcast %parallel_loop3A_100 : i32 to vector<16xi32>
      %parallel_loop3A_102 = arith.addi %mul3A_6, %parallel_loop3A_101 : vector<16xi32>
      tpu.vector_store_idx %arg7[%parallel_loop3A_50, %parallel_loop3A_102], %parallel_loop3A_99 {add = true} : memref<64x1072xf32, #tpu.memory_space<vmem>>[vector<16xi32>, vector<16xi32>], vector<16xf32>,
      %parallel_loop3A_103 = arith.mulf %parallel_loop3A_99, %parallel_loop3A_99 : vector<16xf32>
      %parallel_loop3A_104 = arith.addf %parallel_loop3A_93, %parallel_loop3A_103 : vector<16xf32>
      %parallel_loop3A_105 = arith.constant 16 : i32
      %parallel_loop3A_106 = arith.muli %parallel_loop3A_46, %parallel_loop3A_105 : i32
      %parallel_loop3A_107 = arith.constant 5 : i32
      %parallel_loop3A_108 = arith.index_cast %parallel_loop3A_107 : i32 to index
      %parallel_loop3A_109 = arith.index_cast %parallel_loop3A_106 : i32 to index
      %parallel_loop3A_110 = tpu.vector_load %arg5[%parallel_loop3A_108, %parallel_loop3A_109] {strides = array<i32>} : memref<8x1536xf32, #tpu.memory_space<vmem>>, vector<16xf32>,
      %parallel_loop3A_111 = arith.constant 5 : i32
      %parallel_loop3A_112 = vector.broadcast %parallel_loop3A_111 : i32 to vector<16xi32>
      %parallel_loop3A_113 = arith.addi %mul3A_6, %parallel_loop3A_112 : vector<16xi32>
      tpu.vector_store_idx %arg7[%parallel_loop3A_50, %parallel_loop3A_113], %parallel_loop3A_110 {add = true} : memref<64x1072xf32, #tpu.memory_space<vmem>>[vector<16xi32>, vector<16xi32>], vector<16xf32>,
      %parallel_loop3A_114 = arith.mulf %parallel_loop3A_110, %parallel_loop3A_110 : vector<16xf32>
      %parallel_loop3A_115 = arith.addf %parallel_loop3A_104, %parallel_loop3A_114 : vector<16xf32>
      %parallel_loop3A_116 = arith.constant 16 : i32
      %parallel_loop3A_117 = arith.muli %parallel_loop3A_46, %parallel_loop3A_116 : i32
      %parallel_loop3A_118 = arith.constant 6 : i32
      %parallel_loop3A_119 = arith.index_cast %parallel_loop3A_118 : i32 to index
      %parallel_loop3A_120 = arith.index_cast %parallel_loop3A_117 : i32 to index
      %parallel_loop3A_121 = tpu.vector_load %arg5[%parallel_loop3A_119, %parallel_loop3A_120] {strides = array<i32>} : memref<8x1536xf32, #tpu.memory_space<vmem>>, vector<16xf32>,
      %parallel_loop3A_122 = arith.constant 6 : i32
      %parallel_loop3A_123 = vector.broadcast %parallel_loop3A_122 : i32 to vector<16xi32>
      %parallel_loop3A_124 = arith.addi %mul3A_6, %parallel_loop3A_123 : vector<16xi32>
      tpu.vector_store_idx %arg7[%parallel_loop3A_50, %parallel_loop3A_124], %parallel_loop3A_121 {add = true} : memref<64x1072xf32, #tpu.memory_space<vmem>>[vector<16xi32>, vector<16xi32>], vector<16xf32>,
      %parallel_loop3A_125 = arith.mulf %parallel_loop3A_121, %parallel_loop3A_121 : vector<16xf32>
      %parallel_loop3A_126 = arith.addf %parallel_loop3A_115, %parallel_loop3A_125 : vector<16xf32>
      %parallel_loop3A_127 = arith.constant 16 : i32
      %parallel_loop3A_128 = arith.muli %parallel_loop3A_46, %parallel_loop3A_127 : i32
      %parallel_loop3A_129 = arith.constant 7 : i32
      %parallel_loop3A_130 = arith.index_cast %parallel_loop3A_129 : i32 to index
      %parallel_loop3A_131 = arith.index_cast %parallel_loop3A_128 : i32 to index
      %parallel_loop3A_132 = tpu.vector_load %arg5[%parallel_loop3A_130, %parallel_loop3A_131] {strides = array<i32>} : memref<8x1536xf32, #tpu.memory_space<vmem>>, vector<16xf32>,
      %parallel_loop3A_133 = arith.constant 7 : i32
      %parallel_loop3A_134 = vector.broadcast %parallel_loop3A_133 : i32 to vector<16xi32>
      %parallel_loop3A_135 = arith.addi %mul3A_6, %parallel_loop3A_134 : vector<16xi32>
      tpu.vector_store_idx %arg7[%parallel_loop3A_50, %parallel_loop3A_135], %parallel_loop3A_132 {add = true} : memref<64x1072xf32, #tpu.memory_space<vmem>>[vector<16xi32>, vector<16xi32>], vector<16xf32>,
      %parallel_loop3A_136 = arith.mulf %parallel_loop3A_132, %parallel_loop3A_132 : vector<16xf32>
      %parallel_loop3A_137 = arith.addf %parallel_loop3A_126, %parallel_loop3A_136 : vector<16xf32>
      %parallel_loop3A_138 = arith.constant 64 : i32
      %parallel_loop3A_139 = vector.broadcast %parallel_loop3A_138 : i32 to vector<16xi32>
      %parallel_loop3A_140 = arith.addi %mul3A_6, %parallel_loop3A_139 : vector<16xi32>
      tpu.vector_store_idx %arg7[%parallel_loop3A_50, %parallel_loop3A_140], %parallel_loop3A_137 {add = true} : memref<64x1072xf32, #tpu.memory_space<vmem>>[vector<16xi32>, vector<16xi32>], vector<16xf32>,
      %parallel_loop3A_141 = arith.constant 65 : i32
      %parallel_loop3A_142 = vector.broadcast %parallel_loop3A_141 : i32 to vector<16xi32>
      %parallel_loop3A_143 = arith.addi %mul3A_6, %parallel_loop3A_142 : vector<16xi32>
      tpu.vector_store_idx %arg7[%parallel_loop3A_50, %parallel_loop3A_143], %broadcast_in_dim3A_3 {add = true} : memref<64x1072xf32, #tpu.memory_space<vmem>>[vector<16xi32>, vector<16xi32>], vector<16xf32>,
    } {sc.loop_unroll_factor = 2 : i64, sc.parallel_access}
    "tpu.region"() ({
      %run_scoped3A = tpu.sem_alloc : memref<!tpu.dma_semaphore, #tpu.memory_space<semaphore_mem>>
      %dma_start3A_46 = arith.constant 8 : i32
      %dma_start3A_47 = tpu.memref_slice %arg2[%dma_start3A_46, %multiple_of3A_19] : memref<64x131072xf32, #tpu.memory_space<hbm>> -> memref<8x1536xf32, #tpu.memory_space<hbm>>
      %dma_start3A_48 = arith.constant 8 : i32
      %dma_start3A_49 = tpu.memref_slice %arg2[%dma_start3A_48, %multiple_of3A_19] : memref<64x131072xf32, #tpu.memory_space<hbm>> -> memref<8x1536xf32, #tpu.memory_space<hbm>>
      tpu.enqueue_dma source(%dma_start3A_49 : memref<8x1536xf32, #tpu.memory_space<hbm>>) target(%arg5 : memref<8x1536xf32, #tpu.memory_space<vmem>>) target_semaphore(%run_scoped3A : memref<!tpu.dma_semaphore, #tpu.memory_space<semaphore_mem>>)
      %dma_wait3A_50 = arith.constant 8 : i32
      %dma_wait3A_51 = tpu.memref_slice %arg2[%dma_wait3A_50, %multiple_of3A_19] : memref<64x131072xf32, #tpu.memory_space<hbm>> -> memref<8x1536xf32, #tpu.memory_space<hbm>>
      %dma_wait3A_52 = arith.constant 8 : i32
      %dma_wait3A_53 = tpu.memref_slice %arg2[%dma_wait3A_52, %multiple_of3A_19] : memref<64x131072xf32, #tpu.memory_space<hbm>> -> memref<8x1536xf32, #tpu.memory_space<hbm>>
      tpu.wait_dma2 semaphore(%run_scoped3A : memref<!tpu.dma_semaphore, #tpu.memory_space<semaphore_mem>>) src(%dma_wait3A_53 : memref<8x1536xf32, #tpu.memory_space<hbm>>) dst(%arg5 : memref<8x1536xf32, #tpu.memory_space<vmem>>)
      tpu.yield
    }) : () -> ()
    %parallel_loop3A_22 = arith.constant 0 : i32
    %parallel_loop3A_23 = arith.constant 96 : i32
    %parallel_loop3A_24 = arith.constant 1 : i32
    scf.for %parallel_loop3A_46 = %parallel_loop3A_22 to %parallel_loop3A_23 step %parallel_loop3A_24  : i32 {
      %parallel_loop3A_47 = arith.constant 16 : i32
      %parallel_loop3A_48 = arith.muli %parallel_loop3A_46, %parallel_loop3A_47 : i32
      %parallel_loop3A_49 = arith.index_cast %parallel_loop3A_48 : i32 to index
      %parallel_loop3A_50 = tpu.vector_load %arg6[%parallel_loop3A_49] {strides = array<i32>} : memref<1536xi32, #tpu.memory_space<vmem>>, vector<16xi32>,
      %parallel_loop3A_51 = arith.constant 16 : i32
      %parallel_loop3A_52 = arith.muli %parallel_loop3A_46, %parallel_loop3A_51 : i32
      %parallel_loop3A_53 = arith.constant 0 : i32
      %parallel_loop3A_54 = arith.index_cast %parallel_loop3A_53 : i32 to index
      %parallel_loop3A_55 = arith.index_cast %parallel_loop3A_52 : i32 to index
      %parallel_loop3A_56 = tpu.vector_load %arg5[%parallel_loop3A_54, %parallel_loop3A_55] {strides = array<i32>} : memref<8x1536xf32, #tpu.memory_space<vmem>>, vector<16xf32>,
      %parallel_loop3A_57 = arith.constant 8 : i32
      %parallel_loop3A_58 = vector.broadcast %parallel_loop3A_57 : i32 to vector<16xi32>
      %parallel_loop3A_59 = arith.addi %mul3A_6, %parallel_loop3A_58 : vector<16xi32>
      tpu.vector_store_idx %arg7[%parallel_loop3A_50, %parallel_loop3A_59], %parallel_loop3A_56 {add = true} : memref<64x1072xf32, #tpu.memory_space<vmem>>[vector<16xi32>, vector<16xi32>], vector<16xf32>,
      %parallel_loop3A_60 = arith.mulf %parallel_loop3A_56, %parallel_loop3A_56 : vector<16xf32>
      %parallel_loop3A_61 = arith.constant 16 : i32
      %parallel_loop3A_62 = arith.muli %parallel_loop3A_46, %parallel_loop3A_61 : i32
      %parallel_loop3A_63 = arith.constant 1 : i32
      %parallel_loop3A_64 = arith.index_cast %parallel_loop3A_63 : i32 to index
      %parallel_loop3A_65 = arith.index_cast %parallel_loop3A_62 : i32 to index
      %parallel_loop3A_66 = tpu.vector_load %arg5[%parallel_loop3A_64, %parallel_loop3A_65] {strides = array<i32>} : memref<8x1536xf32, #tpu.memory_space<vmem>>, vector<16xf32>,
      %parallel_loop3A_67 = arith.constant 9 : i32
      %parallel_loop3A_68 = vector.broadcast %parallel_loop3A_67 : i32 to vector<16xi32>
      %parallel_loop3A_69 = arith.addi %mul3A_6, %parallel_loop3A_68 : vector<16xi32>
      tpu.vector_store_idx %arg7[%parallel_loop3A_50, %parallel_loop3A_69], %parallel_loop3A_66 {add = true} : memref<64x1072xf32, #tpu.memory_space<vmem>>[vector<16xi32>, vector<16xi32>], vector<16xf32>,
      %parallel_loop3A_70 = arith.mulf %parallel_loop3A_66, %parallel_loop3A_66 : vector<16xf32>
      %parallel_loop3A_71 = arith.addf %parallel_loop3A_60, %parallel_loop3A_70 : vector<16xf32>
      %parallel_loop3A_72 = arith.constant 16 : i32
      %parallel_loop3A_73 = arith.muli %parallel_loop3A_46, %parallel_loop3A_72 : i32
      %parallel_loop3A_74 = arith.constant 2 : i32
      %parallel_loop3A_75 = arith.index_cast %parallel_loop3A_74 : i32 to index
      %parallel_loop3A_76 = arith.index_cast %parallel_loop3A_73 : i32 to index
      %parallel_loop3A_77 = tpu.vector_load %arg5[%parallel_loop3A_75, %parallel_loop3A_76] {strides = array<i32>} : memref<8x1536xf32, #tpu.memory_space<vmem>>, vector<16xf32>,
      %parallel_loop3A_78 = arith.constant 10 : i32
      %parallel_loop3A_79 = vector.broadcast %parallel_loop3A_78 : i32 to vector<16xi32>
      %parallel_loop3A_80 = arith.addi %mul3A_6, %parallel_loop3A_79 : vector<16xi32>
      tpu.vector_store_idx %arg7[%parallel_loop3A_50, %parallel_loop3A_80], %parallel_loop3A_77 {add = true} : memref<64x1072xf32, #tpu.memory_space<vmem>>[vector<16xi32>, vector<16xi32>], vector<16xf32>,
      %parallel_loop3A_81 = arith.mulf %parallel_loop3A_77, %parallel_loop3A_77 : vector<16xf32>
      %parallel_loop3A_82 = arith.addf %parallel_loop3A_71, %parallel_loop3A_81 : vector<16xf32>
      %parallel_loop3A_83 = arith.constant 16 : i32
      %parallel_loop3A_84 = arith.muli %parallel_loop3A_46, %parallel_loop3A_83 : i32
      %parallel_loop3A_85 = arith.constant 3 : i32
      %parallel_loop3A_86 = arith.index_cast %parallel_loop3A_85 : i32 to index
      %parallel_loop3A_87 = arith.index_cast %parallel_loop3A_84 : i32 to index
      %parallel_loop3A_88 = tpu.vector_load %arg5[%parallel_loop3A_86, %parallel_loop3A_87] {strides = array<i32>} : memref<8x1536xf32, #tpu.memory_space<vmem>>, vector<16xf32>,
      %parallel_loop3A_89 = arith.constant 11 : i32
      %parallel_loop3A_90 = vector.broadcast %parallel_loop3A_89 : i32 to vector<16xi32>
      %parallel_loop3A_91 = arith.addi %mul3A_6, %parallel_loop3A_90 : vector<16xi32>
      tpu.vector_store_idx %arg7[%parallel_loop3A_50, %parallel_loop3A_91], %parallel_loop3A_88 {add = true} : memref<64x1072xf32, #tpu.memory_space<vmem>>[vector<16xi32>, vector<16xi32>], vector<16xf32>,
      %parallel_loop3A_92 = arith.mulf %parallel_loop3A_88, %parallel_loop3A_88 : vector<16xf32>
      %parallel_loop3A_93 = arith.addf %parallel_loop3A_82, %parallel_loop3A_92 : vector<16xf32>
      %parallel_loop3A_94 = arith.constant 16 : i32
      %parallel_loop3A_95 = arith.muli %parallel_loop3A_46, %parallel_loop3A_94 : i32
      %parallel_loop3A_96 = arith.constant 4 : i32
      %parallel_loop3A_97 = arith.index_cast %parallel_loop3A_96 : i32 to index
      %parallel_loop3A_98 = arith.index_cast %parallel_loop3A_95 : i32 to index
      %parallel_loop3A_99 = tpu.vector_load %arg5[%parallel_loop3A_97, %parallel_loop3A_98] {strides = array<i32>} : memref<8x1536xf32, #tpu.memory_space<vmem>>, vector<16xf32>,
      %parallel_loop3A_100 = arith.constant 12 : i32
      %parallel_loop3A_101 = vector.broadcast %parallel_loop3A_100 : i32 to vector<16xi32>
      %parallel_loop3A_102 = arith.addi %mul3A_6, %parallel_loop3A_101 : vector<16xi32>
      tpu.vector_store_idx %arg7[%parallel_loop3A_50, %parallel_loop3A_102], %parallel_loop3A_99 {add = true} : memref<64x1072xf32, #tpu.memory_space<vmem>>[vector<16xi32>, vector<16xi32>], vector<16xf32>,
      %parallel_loop3A_103 = arith.mulf %parallel_loop3A_99, %parallel_loop3A_99 : vector<16xf32>
      %parallel_loop3A_104 = arith.addf %parallel_loop3A_93, %parallel_loop3A_103 : vector<16xf32>
      %parallel_loop3A_105 = arith.constant 16 : i32
      %parallel_loop3A_106 = arith.muli %parallel_loop3A_46, %parallel_loop3A_105 : i32
      %parallel_loop3A_107 = arith.constant 5 : i32
      %parallel_loop3A_108 = arith.index_cast %parallel_loop3A_107 : i32 to index
      %parallel_loop3A_109 = arith.index_cast %parallel_loop3A_106 : i32 to index
      %parallel_loop3A_110 = tpu.vector_load %arg5[%parallel_loop3A_108, %parallel_loop3A_109] {strides = array<i32>} : memref<8x1536xf32, #tpu.memory_space<vmem>>, vector<16xf32>,
      %parallel_loop3A_111 = arith.constant 13 : i32
      %parallel_loop3A_112 = vector.broadcast %parallel_loop3A_111 : i32 to vector<16xi32>
      %parallel_loop3A_113 = arith.addi %mul3A_6, %parallel_loop3A_112 : vector<16xi32>
      tpu.vector_store_idx %arg7[%parallel_loop3A_50, %parallel_loop3A_113], %parallel_loop3A_110 {add = true} : memref<64x1072xf32, #tpu.memory_space<vmem>>[vector<16xi32>, vector<16xi32>], vector<16xf32>,
      %parallel_loop3A_114 = arith.mulf %parallel_loop3A_110, %parallel_loop3A_110 : vector<16xf32>
      %parallel_loop3A_115 = arith.addf %parallel_loop3A_104, %parallel_loop3A_114 : vector<16xf32>
      %parallel_loop3A_116 = arith.constant 16 : i32
      %parallel_loop3A_117 = arith.muli %parallel_loop3A_46, %parallel_loop3A_116 : i32
      %parallel_loop3A_118 = arith.constant 6 : i32
      %parallel_loop3A_119 = arith.index_cast %parallel_loop3A_118 : i32 to index
      %parallel_loop3A_120 = arith.index_cast %parallel_loop3A_117 : i32 to index
      %parallel_loop3A_121 = tpu.vector_load %arg5[%parallel_loop3A_119, %parallel_loop3A_120] {strides = array<i32>} : memref<8x1536xf32, #tpu.memory_space<vmem>>, vector<16xf32>,
      %parallel_loop3A_122 = arith.constant 14 : i32
      %parallel_loop3A_123 = vector.broadcast %parallel_loop3A_122 : i32 to vector<16xi32>
      %parallel_loop3A_124 = arith.addi %mul3A_6, %parallel_loop3A_123 : vector<16xi32>
      tpu.vector_store_idx %arg7[%parallel_loop3A_50, %parallel_loop3A_124], %parallel_loop3A_121 {add = true} : memref<64x1072xf32, #tpu.memory_space<vmem>>[vector<16xi32>, vector<16xi32>], vector<16xf32>,
      %parallel_loop3A_125 = arith.mulf %parallel_loop3A_121, %parallel_loop3A_121 : vector<16xf32>
      %parallel_loop3A_126 = arith.addf %parallel_loop3A_115, %parallel_loop3A_125 : vector<16xf32>
      %parallel_loop3A_127 = arith.constant 16 : i32
      %parallel_loop3A_128 = arith.muli %parallel_loop3A_46, %parallel_loop3A_127 : i32
      %parallel_loop3A_129 = arith.constant 7 : i32
      %parallel_loop3A_130 = arith.index_cast %parallel_loop3A_129 : i32 to index
      %parallel_loop3A_131 = arith.index_cast %parallel_loop3A_128 : i32 to index
      %parallel_loop3A_132 = tpu.vector_load %arg5[%parallel_loop3A_130, %parallel_loop3A_131] {strides = array<i32>} : memref<8x1536xf32, #tpu.memory_space<vmem>>, vector<16xf32>,
      %parallel_loop3A_133 = arith.constant 15 : i32
      %parallel_loop3A_134 = vector.broadcast %parallel_loop3A_133 : i32 to vector<16xi32>
      %parallel_loop3A_135 = arith.addi %mul3A_6, %parallel_loop3A_134 : vector<16xi32>
      tpu.vector_store_idx %arg7[%parallel_loop3A_50, %parallel_loop3A_135], %parallel_loop3A_132 {add = true} : memref<64x1072xf32, #tpu.memory_space<vmem>>[vector<16xi32>, vector<16xi32>], vector<16xf32>,
      %parallel_loop3A_136 = arith.mulf %parallel_loop3A_132, %parallel_loop3A_132 : vector<16xf32>
      %parallel_loop3A_137 = arith.addf %parallel_loop3A_126, %parallel_loop3A_136 : vector<16xf32>
      %parallel_loop3A_138 = arith.constant 64 : i32
      %parallel_loop3A_139 = vector.broadcast %parallel_loop3A_138 : i32 to vector<16xi32>
      %parallel_loop3A_140 = arith.addi %mul3A_6, %parallel_loop3A_139 : vector<16xi32>
      tpu.vector_store_idx %arg7[%parallel_loop3A_50, %parallel_loop3A_140], %parallel_loop3A_137 {add = true} : memref<64x1072xf32, #tpu.memory_space<vmem>>[vector<16xi32>, vector<16xi32>], vector<16xf32>,
    } {sc.loop_unroll_factor = 2 : i64, sc.parallel_access}
    "tpu.region"() ({
      %run_scoped3A = tpu.sem_alloc : memref<!tpu.dma_semaphore, #tpu.memory_space<semaphore_mem>>
      %dma_start3A_46 = arith.constant 16 : i32
      %dma_start3A_47 = tpu.memref_slice %arg2[%dma_start3A_46, %multiple_of3A_19] : memref<64x131072xf32, #tpu.memory_space<hbm>> -> memref<8x1536xf32, #tpu.memory_space<hbm>>
      %dma_start3A_48 = arith.constant 16 : i32
      %dma_start3A_49 = tpu.memref_slice %arg2[%dma_start3A_48, %multiple_of3A_19] : memref<64x131072xf32, #tpu.memory_space<hbm>> -> memref<8x1536xf32, #tpu.memory_space<hbm>>
      tpu.enqueue_dma source(%dma_start3A_49 : memref<8x1536xf32, #tpu.memory_space<hbm>>) target(%arg5 : memref<8x1536xf32, #tpu.memory_space<vmem>>) target_semaphore(%run_scoped3A : memref<!tpu.dma_semaphore, #tpu.memory_space<semaphore_mem>>)
      %dma_wait3A_50 = arith.constant 16 : i32
      %dma_wait3A_51 = tpu.memref_slice %arg2[%dma_wait3A_50, %multiple_of3A_19] : memref<64x131072xf32, #tpu.memory_space<hbm>> -> memref<8x1536xf32, #tpu.memory_space<hbm>>
      %dma_wait3A_52 = arith.constant 16 : i32
      %dma_wait3A_53 = tpu.memref_slice %arg2[%dma_wait3A_52, %multiple_of3A_19] : memref<64x131072xf32, #tpu.memory_space<hbm>> -> memref<8x1536xf32, #tpu.memory_space<hbm>>
      tpu.wait_dma2 semaphore(%run_scoped3A : memref<!tpu.dma_semaphore, #tpu.memory_space<semaphore_mem>>) src(%dma_wait3A_53 : memref<8x1536xf32, #tpu.memory_space<hbm>>) dst(%arg5 : memref<8x1536xf32, #tpu.memory_space<vmem>>)
      tpu.yield
    }) : () -> ()
    %parallel_loop3A_25 = arith.constant 0 : i32
    %parallel_loop3A_26 = arith.constant 96 : i32
    %parallel_loop3A_27 = arith.constant 1 : i32
    scf.for %parallel_loop3A_46 = %parallel_loop3A_25 to %parallel_loop3A_26 step %parallel_loop3A_27  : i32 {
      %parallel_loop3A_47 = arith.constant 16 : i32
      %parallel_loop3A_48 = arith.muli %parallel_loop3A_46, %parallel_loop3A_47 : i32
      %parallel_loop3A_49 = arith.index_cast %parallel_loop3A_48 : i32 to index
      %parallel_loop3A_50 = tpu.vector_load %arg6[%parallel_loop3A_49] {strides = array<i32>} : memref<1536xi32, #tpu.memory_space<vmem>>, vector<16xi32>,
      %parallel_loop3A_51 = arith.constant 16 : i32
      %parallel_loop3A_52 = arith.muli %parallel_loop3A_46, %parallel_loop3A_51 : i32
      %parallel_loop3A_53 = arith.constant 0 : i32
      %parallel_loop3A_54 = arith.index_cast %parallel_loop3A_53 : i32 to index
      %parallel_loop3A_55 = arith.index_cast %parallel_loop3A_52 : i32 to index
      %parallel_loop3A_56 = tpu.vector_load %arg5[%parallel_loop3A_54, %parallel_loop3A_55] {strides = array<i32>} : memref<8x1536xf32, #tpu.memory_space<vmem>>, vector<16xf32>,
      %parallel_loop3A_57 = arith.constant 16 : i32
      %parallel_loop3A_58 = vector.broadcast %parallel_loop3A_57 : i32 to vector<16xi32>
      %parallel_loop3A_59 = arith.addi %mul3A_6, %parallel_loop3A_58 : vector<16xi32>
      tpu.vector_store_idx %arg7[%parallel_loop3A_50, %parallel_loop3A_59], %parallel_loop3A_56 {add = true} : memref<64x1072xf32, #tpu.memory_space<vmem>>[vector<16xi32>, vector<16xi32>], vector<16xf32>,
      %parallel_loop3A_60 = arith.mulf %parallel_loop3A_56, %parallel_loop3A_56 : vector<16xf32>
      %parallel_loop3A_61 = arith.constant 16 : i32
      %parallel_loop3A_62 = arith.muli %parallel_loop3A_46, %parallel_loop3A_61 : i32
      %parallel_loop3A_63 = arith.constant 1 : i32
      %parallel_loop3A_64 = arith.index_cast %parallel_loop3A_63 : i32 to index
      %parallel_loop3A_65 = arith.index_cast %parallel_loop3A_62 : i32 to index
      %parallel_loop3A_66 = tpu.vector_load %arg5[%parallel_loop3A_64, %parallel_loop3A_65] {strides = array<i32>} : memref<8x1536xf32, #tpu.memory_space<vmem>>, vector<16xf32>,
      %parallel_loop3A_67 = arith.constant 17 : i32
      %parallel_loop3A_68 = vector.broadcast %parallel_loop3A_67 : i32 to vector<16xi32>
      %parallel_loop3A_69 = arith.addi %mul3A_6, %parallel_loop3A_68 : vector<16xi32>
      tpu.vector_store_idx %arg7[%parallel_loop3A_50, %parallel_loop3A_69], %parallel_loop3A_66 {add = true} : memref<64x1072xf32, #tpu.memory_space<vmem>>[vector<16xi32>, vector<16xi32>], vector<16xf32>,
      %parallel_loop3A_70 = arith.mulf %parallel_loop3A_66, %parallel_loop3A_66 : vector<16xf32>
      %parallel_loop3A_71 = arith.addf %parallel_loop3A_60, %parallel_loop3A_70 : vector<16xf32>
      %parallel_loop3A_72 = arith.constant 16 : i32
      %parallel_loop3A_73 = arith.muli %parallel_loop3A_46, %parallel_loop3A_72 : i32
      %parallel_loop3A_74 = arith.constant 2 : i32
      %parallel_loop3A_75 = arith.index_cast %parallel_loop3A_74 : i32 to index
      %parallel_loop3A_76 = arith.index_cast %parallel_loop3A_73 : i32 to index
      %parallel_loop3A_77 = tpu.vector_load %arg5[%parallel_loop3A_75, %parallel_loop3A_76] {strides = array<i32>} : memref<8x1536xf32, #tpu.memory_space<vmem>>, vector<16xf32>,
      %parallel_loop3A_78 = arith.constant 18 : i32
      %parallel_loop3A_79 = vector.broadcast %parallel_loop3A_78 : i32 to vector<16xi32>
      %parallel_loop3A_80 = arith.addi %mul3A_6, %parallel_loop3A_79 : vector<16xi32>
      tpu.vector_store_idx %arg7[%parallel_loop3A_50, %parallel_loop3A_80], %parallel_loop3A_77 {add = true} : memref<64x1072xf32, #tpu.memory_space<vmem>>[vector<16xi32>, vector<16xi32>], vector<16xf32>,
      %parallel_loop3A_81 = arith.mulf %parallel_loop3A_77, %parallel_loop3A_77 : vector<16xf32>
      %parallel_loop3A_82 = arith.addf %parallel_loop3A_71, %parallel_loop3A_81 : vector<16xf32>
      %parallel_loop3A_83 = arith.constant 16 : i32
      %parallel_loop3A_84 = arith.muli %parallel_loop3A_46, %parallel_loop3A_83 : i32
      %parallel_loop3A_85 = arith.constant 3 : i32
      %parallel_loop3A_86 = arith.index_cast %parallel_loop3A_85 : i32 to index
      %parallel_loop3A_87 = arith.index_cast %parallel_loop3A_84 : i32 to index
      %parallel_loop3A_88 = tpu.vector_load %arg5[%parallel_loop3A_86, %parallel_loop3A_87] {strides = array<i32>} : memref<8x1536xf32, #tpu.memory_space<vmem>>, vector<16xf32>,
      %parallel_loop3A_89 = arith.constant 19 : i32
      %parallel_loop3A_90 = vector.broadcast %parallel_loop3A_89 : i32 to vector<16xi32>
      %parallel_loop3A_91 = arith.addi %mul3A_6, %parallel_loop3A_90 : vector<16xi32>
      tpu.vector_store_idx %arg7[%parallel_loop3A_50, %parallel_loop3A_91], %parallel_loop3A_88 {add = true} : memref<64x1072xf32, #tpu.memory_space<vmem>>[vector<16xi32>, vector<16xi32>], vector<16xf32>,
      %parallel_loop3A_92 = arith.mulf %parallel_loop3A_88, %parallel_loop3A_88 : vector<16xf32>
      %parallel_loop3A_93 = arith.addf %parallel_loop3A_82, %parallel_loop3A_92 : vector<16xf32>
      %parallel_loop3A_94 = arith.constant 16 : i32
      %parallel_loop3A_95 = arith.muli %parallel_loop3A_46, %parallel_loop3A_94 : i32
      %parallel_loop3A_96 = arith.constant 4 : i32
      %parallel_loop3A_97 = arith.index_cast %parallel_loop3A_96 : i32 to index
      %parallel_loop3A_98 = arith.index_cast %parallel_loop3A_95 : i32 to index
      %parallel_loop3A_99 = tpu.vector_load %arg5[%parallel_loop3A_97, %parallel_loop3A_98] {strides = array<i32>} : memref<8x1536xf32, #tpu.memory_space<vmem>>, vector<16xf32>,
      %parallel_loop3A_100 = arith.constant 20 : i32
      %parallel_loop3A_101 = vector.broadcast %parallel_loop3A_100 : i32 to vector<16xi32>
      %parallel_loop3A_102 = arith.addi %mul3A_6, %parallel_loop3A_101 : vector<16xi32>
      tpu.vector_store_idx %arg7[%parallel_loop3A_50, %parallel_loop3A_102], %parallel_loop3A_99 {add = true} : memref<64x1072xf32, #tpu.memory_space<vmem>>[vector<16xi32>, vector<16xi32>], vector<16xf32>,
      %parallel_loop3A_103 = arith.mulf %parallel_loop3A_99, %parallel_loop3A_99 : vector<16xf32>
      %parallel_loop3A_104 = arith.addf %parallel_loop3A_93, %parallel_loop3A_103 : vector<16xf32>
      %parallel_loop3A_105 = arith.constant 16 : i32
      %parallel_loop3A_106 = arith.muli %parallel_loop3A_46, %parallel_loop3A_105 : i32
      %parallel_loop3A_107 = arith.constant 5 : i32
      %parallel_loop3A_108 = arith.index_cast %parallel_loop3A_107 : i32 to index
      %parallel_loop3A_109 = arith.index_cast %parallel_loop3A_106 : i32 to index
      %parallel_loop3A_110 = tpu.vector_load %arg5[%parallel_loop3A_108, %parallel_loop3A_109] {strides = array<i32>} : memref<8x1536xf32, #tpu.memory_space<vmem>>, vector<16xf32>,
      %parallel_loop3A_111 = arith.constant 21 : i32
      %parallel_loop3A_112 = vector.broadcast %parallel_loop3A_111 : i32 to vector<16xi32>
      %parallel_loop3A_113 = arith.addi %mul3A_6, %parallel_loop3A_112 : vector<16xi32>
      tpu.vector_store_idx %arg7[%parallel_loop3A_50, %parallel_loop3A_113], %parallel_loop3A_110 {add = true} : memref<64x1072xf32, #tpu.memory_space<vmem>>[vector<16xi32>, vector<16xi32>], vector<16xf32>,
      %parallel_loop3A_114 = arith.mulf %parallel_loop3A_110, %parallel_loop3A_110 : vector<16xf32>
      %parallel_loop3A_115 = arith.addf %parallel_loop3A_104, %parallel_loop3A_114 : vector<16xf32>
      %parallel_loop3A_116 = arith.constant 16 : i32
      %parallel_loop3A_117 = arith.muli %parallel_loop3A_46, %parallel_loop3A_116 : i32
      %parallel_loop3A_118 = arith.constant 6 : i32
      %parallel_loop3A_119 = arith.index_cast %parallel_loop3A_118 : i32 to index
      %parallel_loop3A_120 = arith.index_cast %parallel_loop3A_117 : i32 to index
      %parallel_loop3A_121 = tpu.vector_load %arg5[%parallel_loop3A_119, %parallel_loop3A_120] {strides = array<i32>} : memref<8x1536xf32, #tpu.memory_space<vmem>>, vector<16xf32>,
      %parallel_loop3A_122 = arith.constant 22 : i32
      %parallel_loop3A_123 = vector.broadcast %parallel_loop3A_122 : i32 to vector<16xi32>
      %parallel_loop3A_124 = arith.addi %mul3A_6, %parallel_loop3A_123 : vector<16xi32>
      tpu.vector_store_idx %arg7[%parallel_loop3A_50, %parallel_loop3A_124], %parallel_loop3A_121 {add = true} : memref<64x1072xf32, #tpu.memory_space<vmem>>[vector<16xi32>, vector<16xi32>], vector<16xf32>,
      %parallel_loop3A_125 = arith.mulf %parallel_loop3A_121, %parallel_loop3A_121 : vector<16xf32>
      %parallel_loop3A_126 = arith.addf %parallel_loop3A_115, %parallel_loop3A_125 : vector<16xf32>
      %parallel_loop3A_127 = arith.constant 16 : i32
      %parallel_loop3A_128 = arith.muli %parallel_loop3A_46, %parallel_loop3A_127 : i32
      %parallel_loop3A_129 = arith.constant 7 : i32
      %parallel_loop3A_130 = arith.index_cast %parallel_loop3A_129 : i32 to index
      %parallel_loop3A_131 = arith.index_cast %parallel_loop3A_128 : i32 to index
      %parallel_loop3A_132 = tpu.vector_load %arg5[%parallel_loop3A_130, %parallel_loop3A_131] {strides = array<i32>} : memref<8x1536xf32, #tpu.memory_space<vmem>>, vector<16xf32>,
      %parallel_loop3A_133 = arith.constant 23 : i32
      %parallel_loop3A_134 = vector.broadcast %parallel_loop3A_133 : i32 to vector<16xi32>
      %parallel_loop3A_135 = arith.addi %mul3A_6, %parallel_loop3A_134 : vector<16xi32>
      tpu.vector_store_idx %arg7[%parallel_loop3A_50, %parallel_loop3A_135], %parallel_loop3A_132 {add = true} : memref<64x1072xf32, #tpu.memory_space<vmem>>[vector<16xi32>, vector<16xi32>], vector<16xf32>,
      %parallel_loop3A_136 = arith.mulf %parallel_loop3A_132, %parallel_loop3A_132 : vector<16xf32>
      %parallel_loop3A_137 = arith.addf %parallel_loop3A_126, %parallel_loop3A_136 : vector<16xf32>
      %parallel_loop3A_138 = arith.constant 64 : i32
      %parallel_loop3A_139 = vector.broadcast %parallel_loop3A_138 : i32 to vector<16xi32>
      %parallel_loop3A_140 = arith.addi %mul3A_6, %parallel_loop3A_139 : vector<16xi32>
      tpu.vector_store_idx %arg7[%parallel_loop3A_50, %parallel_loop3A_140], %parallel_loop3A_137 {add = true} : memref<64x1072xf32, #tpu.memory_space<vmem>>[vector<16xi32>, vector<16xi32>], vector<16xf32>,
    } {sc.loop_unroll_factor = 2 : i64, sc.parallel_access}
    "tpu.region"() ({
      %run_scoped3A = tpu.sem_alloc : memref<!tpu.dma_semaphore, #tpu.memory_space<semaphore_mem>>
      %dma_start3A_46 = arith.constant 24 : i32
      %dma_start3A_47 = tpu.memref_slice %arg2[%dma_start3A_46, %multiple_of3A_19] : memref<64x131072xf32, #tpu.memory_space<hbm>> -> memref<8x1536xf32, #tpu.memory_space<hbm>>
      %dma_start3A_48 = arith.constant 24 : i32
      %dma_start3A_49 = tpu.memref_slice %arg2[%dma_start3A_48, %multiple_of3A_19] : memref<64x131072xf32, #tpu.memory_space<hbm>> -> memref<8x1536xf32, #tpu.memory_space<hbm>>
      tpu.enqueue_dma source(%dma_start3A_49 : memref<8x1536xf32, #tpu.memory_space<hbm>>) target(%arg5 : memref<8x1536xf32, #tpu.memory_space<vmem>>) target_semaphore(%run_scoped3A : memref<!tpu.dma_semaphore, #tpu.memory_space<semaphore_mem>>)
      %dma_wait3A_50 = arith.constant 24 : i32
      %dma_wait3A_51 = tpu.memref_slice %arg2[%dma_wait3A_50, %multiple_of3A_19] : memref<64x131072xf32, #tpu.memory_space<hbm>> -> memref<8x1536xf32, #tpu.memory_space<hbm>>
      %dma_wait3A_52 = arith.constant 24 : i32
      %dma_wait3A_53 = tpu.memref_slice %arg2[%dma_wait3A_52, %multiple_of3A_19] : memref<64x131072xf32, #tpu.memory_space<hbm>> -> memref<8x1536xf32, #tpu.memory_space<hbm>>
      tpu.wait_dma2 semaphore(%run_scoped3A : memref<!tpu.dma_semaphore, #tpu.memory_space<semaphore_mem>>) src(%dma_wait3A_53 : memref<8x1536xf32, #tpu.memory_space<hbm>>) dst(%arg5 : memref<8x1536xf32, #tpu.memory_space<vmem>>)
      tpu.yield
    }) : () -> ()
    %parallel_loop3A_28 = arith.constant 0 : i32
    %parallel_loop3A_29 = arith.constant 96 : i32
    %parallel_loop3A_30 = arith.constant 1 : i32
    scf.for %parallel_loop3A_46 = %parallel_loop3A_28 to %parallel_loop3A_29 step %parallel_loop3A_30  : i32 {
      %parallel_loop3A_47 = arith.constant 16 : i32
      %parallel_loop3A_48 = arith.muli %parallel_loop3A_46, %parallel_loop3A_47 : i32
      %parallel_loop3A_49 = arith.index_cast %parallel_loop3A_48 : i32 to index
      %parallel_loop3A_50 = tpu.vector_load %arg6[%parallel_loop3A_49] {strides = array<i32>} : memref<1536xi32, #tpu.memory_space<vmem>>, vector<16xi32>,
      %parallel_loop3A_51 = arith.constant 16 : i32
      %parallel_loop3A_52 = arith.muli %parallel_loop3A_46, %parallel_loop3A_51 : i32
      %parallel_loop3A_53 = arith.constant 0 : i32
      %parallel_loop3A_54 = arith.index_cast %parallel_loop3A_53 : i32 to index
      %parallel_loop3A_55 = arith.index_cast %parallel_loop3A_52 : i32 to index
      %parallel_loop3A_56 = tpu.vector_load %arg5[%parallel_loop3A_54, %parallel_loop3A_55] {strides = array<i32>} : memref<8x1536xf32, #tpu.memory_space<vmem>>, vector<16xf32>,
      %parallel_loop3A_57 = arith.constant 24 : i32
      %parallel_loop3A_58 = vector.broadcast %parallel_loop3A_57 : i32 to vector<16xi32>
      %parallel_loop3A_59 = arith.addi %mul3A_6, %parallel_loop3A_58 : vector<16xi32>
      tpu.vector_store_idx %arg7[%parallel_loop3A_50, %parallel_loop3A_59], %parallel_loop3A_56 {add = true} : memref<64x1072xf32, #tpu.memory_space<vmem>>[vector<16xi32>, vector<16xi32>], vector<16xf32>,
      %parallel_loop3A_60 = arith.mulf %parallel_loop3A_56, %parallel_loop3A_56 : vector<16xf32>
      %parallel_loop3A_61 = arith.constant 16 : i32
      %parallel_loop3A_62 = arith.muli %parallel_loop3A_46, %parallel_loop3A_61 : i32
      %parallel_loop3A_63 = arith.constant 1 : i32
      %parallel_loop3A_64 = arith.index_cast %parallel_loop3A_63 : i32 to index
      %parallel_loop3A_65 = arith.index_cast %parallel_loop3A_62 : i32 to index
      %parallel_loop3A_66 = tpu.vector_load %arg5[%parallel_loop3A_64, %parallel_loop3A_65] {strides = array<i32>} : memref<8x1536xf32, #tpu.memory_space<vmem>>, vector<16xf32>,
      %parallel_loop3A_67 = arith.constant 25 : i32
      %parallel_loop3A_68 = vector.broadcast %parallel_loop3A_67 : i32 to vector<16xi32>
      %parallel_loop3A_69 = arith.addi %mul3A_6, %parallel_loop3A_68 : vector<16xi32>
      tpu.vector_store_idx %arg7[%parallel_loop3A_50, %parallel_loop3A_69], %parallel_loop3A_66 {add = true} : memref<64x1072xf32, #tpu.memory_space<vmem>>[vector<16xi32>, vector<16xi32>], vector<16xf32>,
      %parallel_loop3A_70 = arith.mulf %parallel_loop3A_66, %parallel_loop3A_66 : vector<16xf32>
      %parallel_loop3A_71 = arith.addf %parallel_loop3A_60, %parallel_loop3A_70 : vector<16xf32>
      %parallel_loop3A_72 = arith.constant 16 : i32
      %parallel_loop3A_73 = arith.muli %parallel_loop3A_46, %parallel_loop3A_72 : i32
      %parallel_loop3A_74 = arith.constant 2 : i32
      %parallel_loop3A_75 = arith.index_cast %parallel_loop3A_74 : i32 to index
      %parallel_loop3A_76 = arith.index_cast %parallel_loop3A_73 : i32 to index
      %parallel_loop3A_77 = tpu.vector_load %arg5[%parallel_loop3A_75, %parallel_loop3A_76] {strides = array<i32>} : memref<8x1536xf32, #tpu.memory_space<vmem>>, vector<16xf32>,
      %parallel_loop3A_78 = arith.constant 26 : i32
      %parallel_loop3A_79 = vector.broadcast %parallel_loop3A_78 : i32 to vector<16xi32>
      %parallel_loop3A_80 = arith.addi %mul3A_6, %parallel_loop3A_79 : vector<16xi32>
      tpu.vector_store_idx %arg7[%parallel_loop3A_50, %parallel_loop3A_80], %parallel_loop3A_77 {add = true} : memref<64x1072xf32, #tpu.memory_space<vmem>>[vector<16xi32>, vector<16xi32>], vector<16xf32>,
      %parallel_loop3A_81 = arith.mulf %parallel_loop3A_77, %parallel_loop3A_77 : vector<16xf32>
      %parallel_loop3A_82 = arith.addf %parallel_loop3A_71, %parallel_loop3A_81 : vector<16xf32>
      %parallel_loop3A_83 = arith.constant 16 : i32
      %parallel_loop3A_84 = arith.muli %parallel_loop3A_46, %parallel_loop3A_83 : i32
      %parallel_loop3A_85 = arith.constant 3 : i32
      %parallel_loop3A_86 = arith.index_cast %parallel_loop3A_85 : i32 to index
      %parallel_loop3A_87 = arith.index_cast %parallel_loop3A_84 : i32 to index
      %parallel_loop3A_88 = tpu.vector_load %arg5[%parallel_loop3A_86, %parallel_loop3A_87] {strides = array<i32>} : memref<8x1536xf32, #tpu.memory_space<vmem>>, vector<16xf32>,
      %parallel_loop3A_89 = arith.constant 27 : i32
      %parallel_loop3A_90 = vector.broadcast %parallel_loop3A_89 : i32 to vector<16xi32>
      %parallel_loop3A_91 = arith.addi %mul3A_6, %parallel_loop3A_90 : vector<16xi32>
      tpu.vector_store_idx %arg7[%parallel_loop3A_50, %parallel_loop3A_91], %parallel_loop3A_88 {add = true} : memref<64x1072xf32, #tpu.memory_space<vmem>>[vector<16xi32>, vector<16xi32>], vector<16xf32>,
      %parallel_loop3A_92 = arith.mulf %parallel_loop3A_88, %parallel_loop3A_88 : vector<16xf32>
      %parallel_loop3A_93 = arith.addf %parallel_loop3A_82, %parallel_loop3A_92 : vector<16xf32>
      %parallel_loop3A_94 = arith.constant 16 : i32
      %parallel_loop3A_95 = arith.muli %parallel_loop3A_46, %parallel_loop3A_94 : i32
      %parallel_loop3A_96 = arith.constant 4 : i32
      %parallel_loop3A_97 = arith.index_cast %parallel_loop3A_96 : i32 to index
      %parallel_loop3A_98 = arith.index_cast %parallel_loop3A_95 : i32 to index
      %parallel_loop3A_99 = tpu.vector_load %arg5[%parallel_loop3A_97, %parallel_loop3A_98] {strides = array<i32>} : memref<8x1536xf32, #tpu.memory_space<vmem>>, vector<16xf32>,
      %parallel_loop3A_100 = arith.constant 28 : i32
      %parallel_loop3A_101 = vector.broadcast %parallel_loop3A_100 : i32 to vector<16xi32>
      %parallel_loop3A_102 = arith.addi %mul3A_6, %parallel_loop3A_101 : vector<16xi32>
      tpu.vector_store_idx %arg7[%parallel_loop3A_50, %parallel_loop3A_102], %parallel_loop3A_99 {add = true} : memref<64x1072xf32, #tpu.memory_space<vmem>>[vector<16xi32>, vector<16xi32>], vector<16xf32>,
      %parallel_loop3A_103 = arith.mulf %parallel_loop3A_99, %parallel_loop3A_99 : vector<16xf32>
      %parallel_loop3A_104 = arith.addf %parallel_loop3A_93, %parallel_loop3A_103 : vector<16xf32>
      %parallel_loop3A_105 = arith.constant 16 : i32
      %parallel_loop3A_106 = arith.muli %parallel_loop3A_46, %parallel_loop3A_105 : i32
      %parallel_loop3A_107 = arith.constant 5 : i32
      %parallel_loop3A_108 = arith.index_cast %parallel_loop3A_107 : i32 to index
      %parallel_loop3A_109 = arith.index_cast %parallel_loop3A_106 : i32 to index
      %parallel_loop3A_110 = tpu.vector_load %arg5[%parallel_loop3A_108, %parallel_loop3A_109] {strides = array<i32>} : memref<8x1536xf32, #tpu.memory_space<vmem>>, vector<16xf32>,
      %parallel_loop3A_111 = arith.constant 29 : i32
      %parallel_loop3A_112 = vector.broadcast %parallel_loop3A_111 : i32 to vector<16xi32>
      %parallel_loop3A_113 = arith.addi %mul3A_6, %parallel_loop3A_112 : vector<16xi32>
      tpu.vector_store_idx %arg7[%parallel_loop3A_50, %parallel_loop3A_113], %parallel_loop3A_110 {add = true} : memref<64x1072xf32, #tpu.memory_space<vmem>>[vector<16xi32>, vector<16xi32>], vector<16xf32>,
      %parallel_loop3A_114 = arith.mulf %parallel_loop3A_110, %parallel_loop3A_110 : vector<16xf32>
      %parallel_loop3A_115 = arith.addf %parallel_loop3A_104, %parallel_loop3A_114 : vector<16xf32>
      %parallel_loop3A_116 = arith.constant 16 : i32
      %parallel_loop3A_117 = arith.muli %parallel_loop3A_46, %parallel_loop3A_116 : i32
      %parallel_loop3A_118 = arith.constant 6 : i32
      %parallel_loop3A_119 = arith.index_cast %parallel_loop3A_118 : i32 to index
      %parallel_loop3A_120 = arith.index_cast %parallel_loop3A_117 : i32 to index
      %parallel_loop3A_121 = tpu.vector_load %arg5[%parallel_loop3A_119, %parallel_loop3A_120] {strides = array<i32>} : memref<8x1536xf32, #tpu.memory_space<vmem>>, vector<16xf32>,
      %parallel_loop3A_122 = arith.constant 30 : i32
      %parallel_loop3A_123 = vector.broadcast %parallel_loop3A_122 : i32 to vector<16xi32>
      %parallel_loop3A_124 = arith.addi %mul3A_6, %parallel_loop3A_123 : vector<16xi32>
      tpu.vector_store_idx %arg7[%parallel_loop3A_50, %parallel_loop3A_124], %parallel_loop3A_121 {add = true} : memref<64x1072xf32, #tpu.memory_space<vmem>>[vector<16xi32>, vector<16xi32>], vector<16xf32>,
      %parallel_loop3A_125 = arith.mulf %parallel_loop3A_121, %parallel_loop3A_121 : vector<16xf32>
      %parallel_loop3A_126 = arith.addf %parallel_loop3A_115, %parallel_loop3A_125 : vector<16xf32>
      %parallel_loop3A_127 = arith.constant 16 : i32
      %parallel_loop3A_128 = arith.muli %parallel_loop3A_46, %parallel_loop3A_127 : i32
      %parallel_loop3A_129 = arith.constant 7 : i32
      %parallel_loop3A_130 = arith.index_cast %parallel_loop3A_129 : i32 to index
      %parallel_loop3A_131 = arith.index_cast %parallel_loop3A_128 : i32 to index
      %parallel_loop3A_132 = tpu.vector_load %arg5[%parallel_loop3A_130, %parallel_loop3A_131] {strides = array<i32>} : memref<8x1536xf32, #tpu.memory_space<vmem>>, vector<16xf32>,
      %parallel_loop3A_133 = arith.constant 31 : i32
      %parallel_loop3A_134 = vector.broadcast %parallel_loop3A_133 : i32 to vector<16xi32>
      %parallel_loop3A_135 = arith.addi %mul3A_6, %parallel_loop3A_134 : vector<16xi32>
      tpu.vector_store_idx %arg7[%parallel_loop3A_50, %parallel_loop3A_135], %parallel_loop3A_132 {add = true} : memref<64x1072xf32, #tpu.memory_space<vmem>>[vector<16xi32>, vector<16xi32>], vector<16xf32>,
      %parallel_loop3A_136 = arith.mulf %parallel_loop3A_132, %parallel_loop3A_132 : vector<16xf32>
      %parallel_loop3A_137 = arith.addf %parallel_loop3A_126, %parallel_loop3A_136 : vector<16xf32>
      %parallel_loop3A_138 = arith.constant 64 : i32
      %parallel_loop3A_139 = vector.broadcast %parallel_loop3A_138 : i32 to vector<16xi32>
      %parallel_loop3A_140 = arith.addi %mul3A_6, %parallel_loop3A_139 : vector<16xi32>
      tpu.vector_store_idx %arg7[%parallel_loop3A_50, %parallel_loop3A_140], %parallel_loop3A_137 {add = true} : memref<64x1072xf32, #tpu.memory_space<vmem>>[vector<16xi32>, vector<16xi32>], vector<16xf32>,
    } {sc.loop_unroll_factor = 2 : i64, sc.parallel_access}
    "tpu.region"() ({
      %run_scoped3A = tpu.sem_alloc : memref<!tpu.dma_semaphore, #tpu.memory_space<semaphore_mem>>
      %dma_start3A_46 = arith.constant 32 : i32
      %dma_start3A_47 = tpu.memref_slice %arg2[%dma_start3A_46, %multiple_of3A_19] : memref<64x131072xf32, #tpu.memory_space<hbm>> -> memref<8x1536xf32, #tpu.memory_space<hbm>>
      %dma_start3A_48 = arith.constant 32 : i32
      %dma_start3A_49 = tpu.memref_slice %arg2[%dma_start3A_48, %multiple_of3A_19] : memref<64x131072xf32, #tpu.memory_space<hbm>> -> memref<8x1536xf32, #tpu.memory_space<hbm>>
      tpu.enqueue_dma source(%dma_start3A_49 : memref<8x1536xf32, #tpu.memory_space<hbm>>) target(%arg5 : memref<8x1536xf32, #tpu.memory_space<vmem>>) target_semaphore(%run_scoped3A : memref<!tpu.dma_semaphore, #tpu.memory_space<semaphore_mem>>)
      %dma_wait3A_50 = arith.constant 32 : i32
      %dma_wait3A_51 = tpu.memref_slice %arg2[%dma_wait3A_50, %multiple_of3A_19] : memref<64x131072xf32, #tpu.memory_space<hbm>> -> memref<8x1536xf32, #tpu.memory_space<hbm>>
      %dma_wait3A_52 = arith.constant 32 : i32
      %dma_wait3A_53 = tpu.memref_slice %arg2[%dma_wait3A_52, %multiple_of3A_19] : memref<64x131072xf32, #tpu.memory_space<hbm>> -> memref<8x1536xf32, #tpu.memory_space<hbm>>
      tpu.wait_dma2 semaphore(%run_scoped3A : memref<!tpu.dma_semaphore, #tpu.memory_space<semaphore_mem>>) src(%dma_wait3A_53 : memref<8x1536xf32, #tpu.memory_space<hbm>>) dst(%arg5 : memref<8x1536xf32, #tpu.memory_space<vmem>>)
      tpu.yield
    }) : () -> ()
    %parallel_loop3A_31 = arith.constant 0 : i32
    %parallel_loop3A_32 = arith.constant 96 : i32
    %parallel_loop3A_33 = arith.constant 1 : i32
    scf.for %parallel_loop3A_46 = %parallel_loop3A_31 to %parallel_loop3A_32 step %parallel_loop3A_33  : i32 {
      %parallel_loop3A_47 = arith.constant 16 : i32
      %parallel_loop3A_48 = arith.muli %parallel_loop3A_46, %parallel_loop3A_47 : i32
      %parallel_loop3A_49 = arith.index_cast %parallel_loop3A_48 : i32 to index
      %parallel_loop3A_50 = tpu.vector_load %arg6[%parallel_loop3A_49] {strides = array<i32>} : memref<1536xi32, #tpu.memory_space<vmem>>, vector<16xi32>,
      %parallel_loop3A_51 = arith.constant 16 : i32
      %parallel_loop3A_52 = arith.muli %parallel_loop3A_46, %parallel_loop3A_51 : i32
      %parallel_loop3A_53 = arith.constant 0 : i32
      %parallel_loop3A_54 = arith.index_cast %parallel_loop3A_53 : i32 to index
      %parallel_loop3A_55 = arith.index_cast %parallel_loop3A_52 : i32 to index
      %parallel_loop3A_56 = tpu.vector_load %arg5[%parallel_loop3A_54, %parallel_loop3A_55] {strides = array<i32>} : memref<8x1536xf32, #tpu.memory_space<vmem>>, vector<16xf32>,
      %parallel_loop3A_57 = arith.constant 32 : i32
      %parallel_loop3A_58 = vector.broadcast %parallel_loop3A_57 : i32 to vector<16xi32>
      %parallel_loop3A_59 = arith.addi %mul3A_6, %parallel_loop3A_58 : vector<16xi32>
      tpu.vector_store_idx %arg7[%parallel_loop3A_50, %parallel_loop3A_59], %parallel_loop3A_56 {add = true} : memref<64x1072xf32, #tpu.memory_space<vmem>>[vector<16xi32>, vector<16xi32>], vector<16xf32>,
      %parallel_loop3A_60 = arith.mulf %parallel_loop3A_56, %parallel_loop3A_56 : vector<16xf32>
      %parallel_loop3A_61 = arith.constant 16 : i32
      %parallel_loop3A_62 = arith.muli %parallel_loop3A_46, %parallel_loop3A_61 : i32
      %parallel_loop3A_63 = arith.constant 1 : i32
      %parallel_loop3A_64 = arith.index_cast %parallel_loop3A_63 : i32 to index
      %parallel_loop3A_65 = arith.index_cast %parallel_loop3A_62 : i32 to index
      %parallel_loop3A_66 = tpu.vector_load %arg5[%parallel_loop3A_64, %parallel_loop3A_65] {strides = array<i32>} : memref<8x1536xf32, #tpu.memory_space<vmem>>, vector<16xf32>,
      %parallel_loop3A_67 = arith.constant 33 : i32
      %parallel_loop3A_68 = vector.broadcast %parallel_loop3A_67 : i32 to vector<16xi32>
      %parallel_loop3A_69 = arith.addi %mul3A_6, %parallel_loop3A_68 : vector<16xi32>
      tpu.vector_store_idx %arg7[%parallel_loop3A_50, %parallel_loop3A_69], %parallel_loop3A_66 {add = true} : memref<64x1072xf32, #tpu.memory_space<vmem>>[vector<16xi32>, vector<16xi32>], vector<16xf32>,
      %parallel_loop3A_70 = arith.mulf %parallel_loop3A_66, %parallel_loop3A_66 : vector<16xf32>
      %parallel_loop3A_71 = arith.addf %parallel_loop3A_60, %parallel_loop3A_70 : vector<16xf32>
      %parallel_loop3A_72 = arith.constant 16 : i32
      %parallel_loop3A_73 = arith.muli %parallel_loop3A_46, %parallel_loop3A_72 : i32
      %parallel_loop3A_74 = arith.constant 2 : i32
      %parallel_loop3A_75 = arith.index_cast %parallel_loop3A_74 : i32 to index
      %parallel_loop3A_76 = arith.index_cast %parallel_loop3A_73 : i32 to index
      %parallel_loop3A_77 = tpu.vector_load %arg5[%parallel_loop3A_75, %parallel_loop3A_76] {strides = array<i32>} : memref<8x1536xf32, #tpu.memory_space<vmem>>, vector<16xf32>,
      %parallel_loop3A_78 = arith.constant 34 : i32
      %parallel_loop3A_79 = vector.broadcast %parallel_loop3A_78 : i32 to vector<16xi32>
      %parallel_loop3A_80 = arith.addi %mul3A_6, %parallel_loop3A_79 : vector<16xi32>
      tpu.vector_store_idx %arg7[%parallel_loop3A_50, %parallel_loop3A_80], %parallel_loop3A_77 {add = true} : memref<64x1072xf32, #tpu.memory_space<vmem>>[vector<16xi32>, vector<16xi32>], vector<16xf32>,
      %parallel_loop3A_81 = arith.mulf %parallel_loop3A_77, %parallel_loop3A_77 : vector<16xf32>
      %parallel_loop3A_82 = arith.addf %parallel_loop3A_71, %parallel_loop3A_81 : vector<16xf32>
      %parallel_loop3A_83 = arith.constant 16 : i32
      %parallel_loop3A_84 = arith.muli %parallel_loop3A_46, %parallel_loop3A_83 : i32
      %parallel_loop3A_85 = arith.constant 3 : i32
      %parallel_loop3A_86 = arith.index_cast %parallel_loop3A_85 : i32 to index
      %parallel_loop3A_87 = arith.index_cast %parallel_loop3A_84 : i32 to index
      %parallel_loop3A_88 = tpu.vector_load %arg5[%parallel_loop3A_86, %parallel_loop3A_87] {strides = array<i32>} : memref<8x1536xf32, #tpu.memory_space<vmem>>, vector<16xf32>,
      %parallel_loop3A_89 = arith.constant 35 : i32
      %parallel_loop3A_90 = vector.broadcast %parallel_loop3A_89 : i32 to vector<16xi32>
      %parallel_loop3A_91 = arith.addi %mul3A_6, %parallel_loop3A_90 : vector<16xi32>
      tpu.vector_store_idx %arg7[%parallel_loop3A_50, %parallel_loop3A_91], %parallel_loop3A_88 {add = true} : memref<64x1072xf32, #tpu.memory_space<vmem>>[vector<16xi32>, vector<16xi32>], vector<16xf32>,
      %parallel_loop3A_92 = arith.mulf %parallel_loop3A_88, %parallel_loop3A_88 : vector<16xf32>
      %parallel_loop3A_93 = arith.addf %parallel_loop3A_82, %parallel_loop3A_92 : vector<16xf32>
      %parallel_loop3A_94 = arith.constant 16 : i32
      %parallel_loop3A_95 = arith.muli %parallel_loop3A_46, %parallel_loop3A_94 : i32
      %parallel_loop3A_96 = arith.constant 4 : i32
      %parallel_loop3A_97 = arith.index_cast %parallel_loop3A_96 : i32 to index
      %parallel_loop3A_98 = arith.index_cast %parallel_loop3A_95 : i32 to index
      %parallel_loop3A_99 = tpu.vector_load %arg5[%parallel_loop3A_97, %parallel_loop3A_98] {strides = array<i32>} : memref<8x1536xf32, #tpu.memory_space<vmem>>, vector<16xf32>,
      %parallel_loop3A_100 = arith.constant 36 : i32
      %parallel_loop3A_101 = vector.broadcast %parallel_loop3A_100 : i32 to vector<16xi32>
      %parallel_loop3A_102 = arith.addi %mul3A_6, %parallel_loop3A_101 : vector<16xi32>
      tpu.vector_store_idx %arg7[%parallel_loop3A_50, %parallel_loop3A_102], %parallel_loop3A_99 {add = true} : memref<64x1072xf32, #tpu.memory_space<vmem>>[vector<16xi32>, vector<16xi32>], vector<16xf32>,
      %parallel_loop3A_103 = arith.mulf %parallel_loop3A_99, %parallel_loop3A_99 : vector<16xf32>
      %parallel_loop3A_104 = arith.addf %parallel_loop3A_93, %parallel_loop3A_103 : vector<16xf32>
      %parallel_loop3A_105 = arith.constant 16 : i32
      %parallel_loop3A_106 = arith.muli %parallel_loop3A_46, %parallel_loop3A_105 : i32
      %parallel_loop3A_107 = arith.constant 5 : i32
      %parallel_loop3A_108 = arith.index_cast %parallel_loop3A_107 : i32 to index
      %parallel_loop3A_109 = arith.index_cast %parallel_loop3A_106 : i32 to index
      %parallel_loop3A_110 = tpu.vector_load %arg5[%parallel_loop3A_108, %parallel_loop3A_109] {strides = array<i32>} : memref<8x1536xf32, #tpu.memory_space<vmem>>, vector<16xf32>,
      %parallel_loop3A_111 = arith.constant 37 : i32
      %parallel_loop3A_112 = vector.broadcast %parallel_loop3A_111 : i32 to vector<16xi32>
      %parallel_loop3A_113 = arith.addi %mul3A_6, %parallel_loop3A_112 : vector<16xi32>
      tpu.vector_store_idx %arg7[%parallel_loop3A_50, %parallel_loop3A_113], %parallel_loop3A_110 {add = true} : memref<64x1072xf32, #tpu.memory_space<vmem>>[vector<16xi32>, vector<16xi32>], vector<16xf32>,
      %parallel_loop3A_114 = arith.mulf %parallel_loop3A_110, %parallel_loop3A_110 : vector<16xf32>
      %parallel_loop3A_115 = arith.addf %parallel_loop3A_104, %parallel_loop3A_114 : vector<16xf32>
      %parallel_loop3A_116 = arith.constant 16 : i32
      %parallel_loop3A_117 = arith.muli %parallel_loop3A_46, %parallel_loop3A_116 : i32
      %parallel_loop3A_118 = arith.constant 6 : i32
      %parallel_loop3A_119 = arith.index_cast %parallel_loop3A_118 : i32 to index
      %parallel_loop3A_120 = arith.index_cast %parallel_loop3A_117 : i32 to index
      %parallel_loop3A_121 = tpu.vector_load %arg5[%parallel_loop3A_119, %parallel_loop3A_120] {strides = array<i32>} : memref<8x1536xf32, #tpu.memory_space<vmem>>, vector<16xf32>,
      %parallel_loop3A_122 = arith.constant 38 : i32
      %parallel_loop3A_123 = vector.broadcast %parallel_loop3A_122 : i32 to vector<16xi32>
      %parallel_loop3A_124 = arith.addi %mul3A_6, %parallel_loop3A_123 : vector<16xi32>
      tpu.vector_store_idx %arg7[%parallel_loop3A_50, %parallel_loop3A_124], %parallel_loop3A_121 {add = true} : memref<64x1072xf32, #tpu.memory_space<vmem>>[vector<16xi32>, vector<16xi32>], vector<16xf32>,
      %parallel_loop3A_125 = arith.mulf %parallel_loop3A_121, %parallel_loop3A_121 : vector<16xf32>
      %parallel_loop3A_126 = arith.addf %parallel_loop3A_115, %parallel_loop3A_125 : vector<16xf32>
      %parallel_loop3A_127 = arith.constant 16 : i32
      %parallel_loop3A_128 = arith.muli %parallel_loop3A_46, %parallel_loop3A_127 : i32
      %parallel_loop3A_129 = arith.constant 7 : i32
      %parallel_loop3A_130 = arith.index_cast %parallel_loop3A_129 : i32 to index
      %parallel_loop3A_131 = arith.index_cast %parallel_loop3A_128 : i32 to index
      %parallel_loop3A_132 = tpu.vector_load %arg5[%parallel_loop3A_130, %parallel_loop3A_131] {strides = array<i32>} : memref<8x1536xf32, #tpu.memory_space<vmem>>, vector<16xf32>,
      %parallel_loop3A_133 = arith.constant 39 : i32
      %parallel_loop3A_134 = vector.broadcast %parallel_loop3A_133 : i32 to vector<16xi32>
      %parallel_loop3A_135 = arith.addi %mul3A_6, %parallel_loop3A_134 : vector<16xi32>
      tpu.vector_store_idx %arg7[%parallel_loop3A_50, %parallel_loop3A_135], %parallel_loop3A_132 {add = true} : memref<64x1072xf32, #tpu.memory_space<vmem>>[vector<16xi32>, vector<16xi32>], vector<16xf32>,
      %parallel_loop3A_136 = arith.mulf %parallel_loop3A_132, %parallel_loop3A_132 : vector<16xf32>
      %parallel_loop3A_137 = arith.addf %parallel_loop3A_126, %parallel_loop3A_136 : vector<16xf32>
      %parallel_loop3A_138 = arith.constant 64 : i32
      %parallel_loop3A_139 = vector.broadcast %parallel_loop3A_138 : i32 to vector<16xi32>
      %parallel_loop3A_140 = arith.addi %mul3A_6, %parallel_loop3A_139 : vector<16xi32>
      tpu.vector_store_idx %arg7[%parallel_loop3A_50, %parallel_loop3A_140], %parallel_loop3A_137 {add = true} : memref<64x1072xf32, #tpu.memory_space<vmem>>[vector<16xi32>, vector<16xi32>], vector<16xf32>,
    } {sc.loop_unroll_factor = 2 : i64, sc.parallel_access}
    "tpu.region"() ({
      %run_scoped3A = tpu.sem_alloc : memref<!tpu.dma_semaphore, #tpu.memory_space<semaphore_mem>>
      %dma_start3A_46 = arith.constant 40 : i32
      %dma_start3A_47 = tpu.memref_slice %arg2[%dma_start3A_46, %multiple_of3A_19] : memref<64x131072xf32, #tpu.memory_space<hbm>> -> memref<8x1536xf32, #tpu.memory_space<hbm>>
      %dma_start3A_48 = arith.constant 40 : i32
      %dma_start3A_49 = tpu.memref_slice %arg2[%dma_start3A_48, %multiple_of3A_19] : memref<64x131072xf32, #tpu.memory_space<hbm>> -> memref<8x1536xf32, #tpu.memory_space<hbm>>
      tpu.enqueue_dma source(%dma_start3A_49 : memref<8x1536xf32, #tpu.memory_space<hbm>>) target(%arg5 : memref<8x1536xf32, #tpu.memory_space<vmem>>) target_semaphore(%run_scoped3A : memref<!tpu.dma_semaphore, #tpu.memory_space<semaphore_mem>>)
      %dma_wait3A_50 = arith.constant 40 : i32
      %dma_wait3A_51 = tpu.memref_slice %arg2[%dma_wait3A_50, %multiple_of3A_19] : memref<64x131072xf32, #tpu.memory_space<hbm>> -> memref<8x1536xf32, #tpu.memory_space<hbm>>
      %dma_wait3A_52 = arith.constant 40 : i32
      %dma_wait3A_53 = tpu.memref_slice %arg2[%dma_wait3A_52, %multiple_of3A_19] : memref<64x131072xf32, #tpu.memory_space<hbm>> -> memref<8x1536xf32, #tpu.memory_space<hbm>>
      tpu.wait_dma2 semaphore(%run_scoped3A : memref<!tpu.dma_semaphore, #tpu.memory_space<semaphore_mem>>) src(%dma_wait3A_53 : memref<8x1536xf32, #tpu.memory_space<hbm>>) dst(%arg5 : memref<8x1536xf32, #tpu.memory_space<vmem>>)
      tpu.yield
    }) : () -> ()
    %parallel_loop3A_34 = arith.constant 0 : i32
    %parallel_loop3A_35 = arith.constant 96 : i32
    %parallel_loop3A_36 = arith.constant 1 : i32
    scf.for %parallel_loop3A_46 = %parallel_loop3A_34 to %parallel_loop3A_35 step %parallel_loop3A_36  : i32 {
      %parallel_loop3A_47 = arith.constant 16 : i32
      %parallel_loop3A_48 = arith.muli %parallel_loop3A_46, %parallel_loop3A_47 : i32
      %parallel_loop3A_49 = arith.index_cast %parallel_loop3A_48 : i32 to index
      %parallel_loop3A_50 = tpu.vector_load %arg6[%parallel_loop3A_49] {strides = array<i32>} : memref<1536xi32, #tpu.memory_space<vmem>>, vector<16xi32>,
      %parallel_loop3A_51 = arith.constant 16 : i32
      %parallel_loop3A_52 = arith.muli %parallel_loop3A_46, %parallel_loop3A_51 : i32
      %parallel_loop3A_53 = arith.constant 0 : i32
      %parallel_loop3A_54 = arith.index_cast %parallel_loop3A_53 : i32 to index
      %parallel_loop3A_55 = arith.index_cast %parallel_loop3A_52 : i32 to index
      %parallel_loop3A_56 = tpu.vector_load %arg5[%parallel_loop3A_54, %parallel_loop3A_55] {strides = array<i32>} : memref<8x1536xf32, #tpu.memory_space<vmem>>, vector<16xf32>,
      %parallel_loop3A_57 = arith.constant 40 : i32
      %parallel_loop3A_58 = vector.broadcast %parallel_loop3A_57 : i32 to vector<16xi32>
      %parallel_loop3A_59 = arith.addi %mul3A_6, %parallel_loop3A_58 : vector<16xi32>
      tpu.vector_store_idx %arg7[%parallel_loop3A_50, %parallel_loop3A_59], %parallel_loop3A_56 {add = true} : memref<64x1072xf32, #tpu.memory_space<vmem>>[vector<16xi32>, vector<16xi32>], vector<16xf32>,
      %parallel_loop3A_60 = arith.mulf %parallel_loop3A_56, %parallel_loop3A_56 : vector<16xf32>
      %parallel_loop3A_61 = arith.constant 16 : i32
      %parallel_loop3A_62 = arith.muli %parallel_loop3A_46, %parallel_loop3A_61 : i32
      %parallel_loop3A_63 = arith.constant 1 : i32
      %parallel_loop3A_64 = arith.index_cast %parallel_loop3A_63 : i32 to index
      %parallel_loop3A_65 = arith.index_cast %parallel_loop3A_62 : i32 to index
      %parallel_loop3A_66 = tpu.vector_load %arg5[%parallel_loop3A_64, %parallel_loop3A_65] {strides = array<i32>} : memref<8x1536xf32, #tpu.memory_space<vmem>>, vector<16xf32>,
      %parallel_loop3A_67 = arith.constant 41 : i32
      %parallel_loop3A_68 = vector.broadcast %parallel_loop3A_67 : i32 to vector<16xi32>
      %parallel_loop3A_69 = arith.addi %mul3A_6, %parallel_loop3A_68 : vector<16xi32>
      tpu.vector_store_idx %arg7[%parallel_loop3A_50, %parallel_loop3A_69], %parallel_loop3A_66 {add = true} : memref<64x1072xf32, #tpu.memory_space<vmem>>[vector<16xi32>, vector<16xi32>], vector<16xf32>,
      %parallel_loop3A_70 = arith.mulf %parallel_loop3A_66, %parallel_loop3A_66 : vector<16xf32>
      %parallel_loop3A_71 = arith.addf %parallel_loop3A_60, %parallel_loop3A_70 : vector<16xf32>
      %parallel_loop3A_72 = arith.constant 16 : i32
      %parallel_loop3A_73 = arith.muli %parallel_loop3A_46, %parallel_loop3A_72 : i32
      %parallel_loop3A_74 = arith.constant 2 : i32
      %parallel_loop3A_75 = arith.index_cast %parallel_loop3A_74 : i32 to index
      %parallel_loop3A_76 = arith.index_cast %parallel_loop3A_73 : i32 to index
      %parallel_loop3A_77 = tpu.vector_load %arg5[%parallel_loop3A_75, %parallel_loop3A_76] {strides = array<i32>} : memref<8x1536xf32, #tpu.memory_space<vmem>>, vector<16xf32>,
      %parallel_loop3A_78 = arith.constant 42 : i32
      %parallel_loop3A_79 = vector.broadcast %parallel_loop3A_78 : i32 to vector<16xi32>
      %parallel_loop3A_80 = arith.addi %mul3A_6, %parallel_loop3A_79 : vector<16xi32>
      tpu.vector_store_idx %arg7[%parallel_loop3A_50, %parallel_loop3A_80], %parallel_loop3A_77 {add = true} : memref<64x1072xf32, #tpu.memory_space<vmem>>[vector<16xi32>, vector<16xi32>], vector<16xf32>,
      %parallel_loop3A_81 = arith.mulf %parallel_loop3A_77, %parallel_loop3A_77 : vector<16xf32>
      %parallel_loop3A_82 = arith.addf %parallel_loop3A_71, %parallel_loop3A_81 : vector<16xf32>
      %parallel_loop3A_83 = arith.constant 16 : i32
      %parallel_loop3A_84 = arith.muli %parallel_loop3A_46, %parallel_loop3A_83 : i32
      %parallel_loop3A_85 = arith.constant 3 : i32
      %parallel_loop3A_86 = arith.index_cast %parallel_loop3A_85 : i32 to index
      %parallel_loop3A_87 = arith.index_cast %parallel_loop3A_84 : i32 to index
      %parallel_loop3A_88 = tpu.vector_load %arg5[%parallel_loop3A_86, %parallel_loop3A_87] {strides = array<i32>} : memref<8x1536xf32, #tpu.memory_space<vmem>>, vector<16xf32>,
      %parallel_loop3A_89 = arith.constant 43 : i32
      %parallel_loop3A_90 = vector.broadcast %parallel_loop3A_89 : i32 to vector<16xi32>
      %parallel_loop3A_91 = arith.addi %mul3A_6, %parallel_loop3A_90 : vector<16xi32>
      tpu.vector_store_idx %arg7[%parallel_loop3A_50, %parallel_loop3A_91], %parallel_loop3A_88 {add = true} : memref<64x1072xf32, #tpu.memory_space<vmem>>[vector<16xi32>, vector<16xi32>], vector<16xf32>,
      %parallel_loop3A_92 = arith.mulf %parallel_loop3A_88, %parallel_loop3A_88 : vector<16xf32>
      %parallel_loop3A_93 = arith.addf %parallel_loop3A_82, %parallel_loop3A_92 : vector<16xf32>
      %parallel_loop3A_94 = arith.constant 16 : i32
      %parallel_loop3A_95 = arith.muli %parallel_loop3A_46, %parallel_loop3A_94 : i32
      %parallel_loop3A_96 = arith.constant 4 : i32
      %parallel_loop3A_97 = arith.index_cast %parallel_loop3A_96 : i32 to index
      %parallel_loop3A_98 = arith.index_cast %parallel_loop3A_95 : i32 to index
      %parallel_loop3A_99 = tpu.vector_load %arg5[%parallel_loop3A_97, %parallel_loop3A_98] {strides = array<i32>} : memref<8x1536xf32, #tpu.memory_space<vmem>>, vector<16xf32>,
      %parallel_loop3A_100 = arith.constant 44 : i32
      %parallel_loop3A_101 = vector.broadcast %parallel_loop3A_100 : i32 to vector<16xi32>
      %parallel_loop3A_102 = arith.addi %mul3A_6, %parallel_loop3A_101 : vector<16xi32>
      tpu.vector_store_idx %arg7[%parallel_loop3A_50, %parallel_loop3A_102], %parallel_loop3A_99 {add = true} : memref<64x1072xf32, #tpu.memory_space<vmem>>[vector<16xi32>, vector<16xi32>], vector<16xf32>,
      %parallel_loop3A_103 = arith.mulf %parallel_loop3A_99, %parallel_loop3A_99 : vector<16xf32>
      %parallel_loop3A_104 = arith.addf %parallel_loop3A_93, %parallel_loop3A_103 : vector<16xf32>
      %parallel_loop3A_105 = arith.constant 16 : i32
      %parallel_loop3A_106 = arith.muli %parallel_loop3A_46, %parallel_loop3A_105 : i32
      %parallel_loop3A_107 = arith.constant 5 : i32
      %parallel_loop3A_108 = arith.index_cast %parallel_loop3A_107 : i32 to index
      %parallel_loop3A_109 = arith.index_cast %parallel_loop3A_106 : i32 to index
      %parallel_loop3A_110 = tpu.vector_load %arg5[%parallel_loop3A_108, %parallel_loop3A_109] {strides = array<i32>} : memref<8x1536xf32, #tpu.memory_space<vmem>>, vector<16xf32>,
      %parallel_loop3A_111 = arith.constant 45 : i32
      %parallel_loop3A_112 = vector.broadcast %parallel_loop3A_111 : i32 to vector<16xi32>
      %parallel_loop3A_113 = arith.addi %mul3A_6, %parallel_loop3A_112 : vector<16xi32>
      tpu.vector_store_idx %arg7[%parallel_loop3A_50, %parallel_loop3A_113], %parallel_loop3A_110 {add = true} : memref<64x1072xf32, #tpu.memory_space<vmem>>[vector<16xi32>, vector<16xi32>], vector<16xf32>,
      %parallel_loop3A_114 = arith.mulf %parallel_loop3A_110, %parallel_loop3A_110 : vector<16xf32>
      %parallel_loop3A_115 = arith.addf %parallel_loop3A_104, %parallel_loop3A_114 : vector<16xf32>
      %parallel_loop3A_116 = arith.constant 16 : i32
      %parallel_loop3A_117 = arith.muli %parallel_loop3A_46, %parallel_loop3A_116 : i32
      %parallel_loop3A_118 = arith.constant 6 : i32
      %parallel_loop3A_119 = arith.index_cast %parallel_loop3A_118 : i32 to index
      %parallel_loop3A_120 = arith.index_cast %parallel_loop3A_117 : i32 to index
      %parallel_loop3A_121 = tpu.vector_load %arg5[%parallel_loop3A_119, %parallel_loop3A_120] {strides = array<i32>} : memref<8x1536xf32, #tpu.memory_space<vmem>>, vector<16xf32>,
      %parallel_loop3A_122 = arith.constant 46 : i32
      %parallel_loop3A_123 = vector.broadcast %parallel_loop3A_122 : i32 to vector<16xi32>
      %parallel_loop3A_124 = arith.addi %mul3A_6, %parallel_loop3A_123 : vector<16xi32>
      tpu.vector_store_idx %arg7[%parallel_loop3A_50, %parallel_loop3A_124], %parallel_loop3A_121 {add = true} : memref<64x1072xf32, #tpu.memory_space<vmem>>[vector<16xi32>, vector<16xi32>], vector<16xf32>,
      %parallel_loop3A_125 = arith.mulf %parallel_loop3A_121, %parallel_loop3A_121 : vector<16xf32>
      %parallel_loop3A_126 = arith.addf %parallel_loop3A_115, %parallel_loop3A_125 : vector<16xf32>
      %parallel_loop3A_127 = arith.constant 16 : i32
      %parallel_loop3A_128 = arith.muli %parallel_loop3A_46, %parallel_loop3A_127 : i32
      %parallel_loop3A_129 = arith.constant 7 : i32
      %parallel_loop3A_130 = arith.index_cast %parallel_loop3A_129 : i32 to index
      %parallel_loop3A_131 = arith.index_cast %parallel_loop3A_128 : i32 to index
      %parallel_loop3A_132 = tpu.vector_load %arg5[%parallel_loop3A_130, %parallel_loop3A_131] {strides = array<i32>} : memref<8x1536xf32, #tpu.memory_space<vmem>>, vector<16xf32>,
      %parallel_loop3A_133 = arith.constant 47 : i32
      %parallel_loop3A_134 = vector.broadcast %parallel_loop3A_133 : i32 to vector<16xi32>
      %parallel_loop3A_135 = arith.addi %mul3A_6, %parallel_loop3A_134 : vector<16xi32>
      tpu.vector_store_idx %arg7[%parallel_loop3A_50, %parallel_loop3A_135], %parallel_loop3A_132 {add = true} : memref<64x1072xf32, #tpu.memory_space<vmem>>[vector<16xi32>, vector<16xi32>], vector<16xf32>,
      %parallel_loop3A_136 = arith.mulf %parallel_loop3A_132, %parallel_loop3A_132 : vector<16xf32>
      %parallel_loop3A_137 = arith.addf %parallel_loop3A_126, %parallel_loop3A_136 : vector<16xf32>
      %parallel_loop3A_138 = arith.constant 64 : i32
      %parallel_loop3A_139 = vector.broadcast %parallel_loop3A_138 : i32 to vector<16xi32>
      %parallel_loop3A_140 = arith.addi %mul3A_6, %parallel_loop3A_139 : vector<16xi32>
      tpu.vector_store_idx %arg7[%parallel_loop3A_50, %parallel_loop3A_140], %parallel_loop3A_137 {add = true} : memref<64x1072xf32, #tpu.memory_space<vmem>>[vector<16xi32>, vector<16xi32>], vector<16xf32>,
    } {sc.loop_unroll_factor = 2 : i64, sc.parallel_access}
    "tpu.region"() ({
      %run_scoped3A = tpu.sem_alloc : memref<!tpu.dma_semaphore, #tpu.memory_space<semaphore_mem>>
      %dma_start3A_46 = arith.constant 48 : i32
      %dma_start3A_47 = tpu.memref_slice %arg2[%dma_start3A_46, %multiple_of3A_19] : memref<64x131072xf32, #tpu.memory_space<hbm>> -> memref<8x1536xf32, #tpu.memory_space<hbm>>
      %dma_start3A_48 = arith.constant 48 : i32
      %dma_start3A_49 = tpu.memref_slice %arg2[%dma_start3A_48, %multiple_of3A_19] : memref<64x131072xf32, #tpu.memory_space<hbm>> -> memref<8x1536xf32, #tpu.memory_space<hbm>>
      tpu.enqueue_dma source(%dma_start3A_49 : memref<8x1536xf32, #tpu.memory_space<hbm>>) target(%arg5 : memref<8x1536xf32, #tpu.memory_space<vmem>>) target_semaphore(%run_scoped3A : memref<!tpu.dma_semaphore, #tpu.memory_space<semaphore_mem>>)
      %dma_wait3A_50 = arith.constant 48 : i32
      %dma_wait3A_51 = tpu.memref_slice %arg2[%dma_wait3A_50, %multiple_of3A_19] : memref<64x131072xf32, #tpu.memory_space<hbm>> -> memref<8x1536xf32, #tpu.memory_space<hbm>>
      %dma_wait3A_52 = arith.constant 48 : i32
      %dma_wait3A_53 = tpu.memref_slice %arg2[%dma_wait3A_52, %multiple_of3A_19] : memref<64x131072xf32, #tpu.memory_space<hbm>> -> memref<8x1536xf32, #tpu.memory_space<hbm>>
      tpu.wait_dma2 semaphore(%run_scoped3A : memref<!tpu.dma_semaphore, #tpu.memory_space<semaphore_mem>>) src(%dma_wait3A_53 : memref<8x1536xf32, #tpu.memory_space<hbm>>) dst(%arg5 : memref<8x1536xf32, #tpu.memory_space<vmem>>)
      tpu.yield
    }) : () -> ()
    %parallel_loop3A_37 = arith.constant 0 : i32
    %parallel_loop3A_38 = arith.constant 96 : i32
    %parallel_loop3A_39 = arith.constant 1 : i32
    scf.for %parallel_loop3A_46 = %parallel_loop3A_37 to %parallel_loop3A_38 step %parallel_loop3A_39  : i32 {
      %parallel_loop3A_47 = arith.constant 16 : i32
      %parallel_loop3A_48 = arith.muli %parallel_loop3A_46, %parallel_loop3A_47 : i32
      %parallel_loop3A_49 = arith.index_cast %parallel_loop3A_48 : i32 to index
      %parallel_loop3A_50 = tpu.vector_load %arg6[%parallel_loop3A_49] {strides = array<i32>} : memref<1536xi32, #tpu.memory_space<vmem>>, vector<16xi32>,
      %parallel_loop3A_51 = arith.constant 16 : i32
      %parallel_loop3A_52 = arith.muli %parallel_loop3A_46, %parallel_loop3A_51 : i32
      %parallel_loop3A_53 = arith.constant 0 : i32
      %parallel_loop3A_54 = arith.index_cast %parallel_loop3A_53 : i32 to index
      %parallel_loop3A_55 = arith.index_cast %parallel_loop3A_52 : i32 to index
      %parallel_loop3A_56 = tpu.vector_load %arg5[%parallel_loop3A_54, %parallel_loop3A_55] {strides = array<i32>} : memref<8x1536xf32, #tpu.memory_space<vmem>>, vector<16xf32>,
      %parallel_loop3A_57 = arith.constant 48 : i32
      %parallel_loop3A_58 = vector.broadcast %parallel_loop3A_57 : i32 to vector<16xi32>
      %parallel_loop3A_59 = arith.addi %mul3A_6, %parallel_loop3A_58 : vector<16xi32>
      tpu.vector_store_idx %arg7[%parallel_loop3A_50, %parallel_loop3A_59], %parallel_loop3A_56 {add = true} : memref<64x1072xf32, #tpu.memory_space<vmem>>[vector<16xi32>, vector<16xi32>], vector<16xf32>,
      %parallel_loop3A_60 = arith.mulf %parallel_loop3A_56, %parallel_loop3A_56 : vector<16xf32>
      %parallel_loop3A_61 = arith.constant 16 : i32
      %parallel_loop3A_62 = arith.muli %parallel_loop3A_46, %parallel_loop3A_61 : i32
      %parallel_loop3A_63 = arith.constant 1 : i32
      %parallel_loop3A_64 = arith.index_cast %parallel_loop3A_63 : i32 to index
      %parallel_loop3A_65 = arith.index_cast %parallel_loop3A_62 : i32 to index
      %parallel_loop3A_66 = tpu.vector_load %arg5[%parallel_loop3A_64, %parallel_loop3A_65] {strides = array<i32>} : memref<8x1536xf32, #tpu.memory_space<vmem>>, vector<16xf32>,
      %parallel_loop3A_67 = arith.constant 49 : i32
      %parallel_loop3A_68 = vector.broadcast %parallel_loop3A_67 : i32 to vector<16xi32>
      %parallel_loop3A_69 = arith.addi %mul3A_6, %parallel_loop3A_68 : vector<16xi32>
      tpu.vector_store_idx %arg7[%parallel_loop3A_50, %parallel_loop3A_69], %parallel_loop3A_66 {add = true} : memref<64x1072xf32, #tpu.memory_space<vmem>>[vector<16xi32>, vector<16xi32>], vector<16xf32>,
      %parallel_loop3A_70 = arith.mulf %parallel_loop3A_66, %parallel_loop3A_66 : vector<16xf32>
      %parallel_loop3A_71 = arith.addf %parallel_loop3A_60, %parallel_loop3A_70 : vector<16xf32>
      %parallel_loop3A_72 = arith.constant 16 : i32
      %parallel_loop3A_73 = arith.muli %parallel_loop3A_46, %parallel_loop3A_72 : i32
      %parallel_loop3A_74 = arith.constant 2 : i32
      %parallel_loop3A_75 = arith.index_cast %parallel_loop3A_74 : i32 to index
      %parallel_loop3A_76 = arith.index_cast %parallel_loop3A_73 : i32 to index
      %parallel_loop3A_77 = tpu.vector_load %arg5[%parallel_loop3A_75, %parallel_loop3A_76] {strides = array<i32>} : memref<8x1536xf32, #tpu.memory_space<vmem>>, vector<16xf32>,
      %parallel_loop3A_78 = arith.constant 50 : i32
      %parallel_loop3A_79 = vector.broadcast %parallel_loop3A_78 : i32 to vector<16xi32>
      %parallel_loop3A_80 = arith.addi %mul3A_6, %parallel_loop3A_79 : vector<16xi32>
      tpu.vector_store_idx %arg7[%parallel_loop3A_50, %parallel_loop3A_80], %parallel_loop3A_77 {add = true} : memref<64x1072xf32, #tpu.memory_space<vmem>>[vector<16xi32>, vector<16xi32>], vector<16xf32>,
      %parallel_loop3A_81 = arith.mulf %parallel_loop3A_77, %parallel_loop3A_77 : vector<16xf32>
      %parallel_loop3A_82 = arith.addf %parallel_loop3A_71, %parallel_loop3A_81 : vector<16xf32>
      %parallel_loop3A_83 = arith.constant 16 : i32
      %parallel_loop3A_84 = arith.muli %parallel_loop3A_46, %parallel_loop3A_83 : i32
      %parallel_loop3A_85 = arith.constant 3 : i32
      %parallel_loop3A_86 = arith.index_cast %parallel_loop3A_85 : i32 to index
      %parallel_loop3A_87 = arith.index_cast %parallel_loop3A_84 : i32 to index
      %parallel_loop3A_88 = tpu.vector_load %arg5[%parallel_loop3A_86, %parallel_loop3A_87] {strides = array<i32>} : memref<8x1536xf32, #tpu.memory_space<vmem>>, vector<16xf32>,
      %parallel_loop3A_89 = arith.constant 51 : i32
      %parallel_loop3A_90 = vector.broadcast %parallel_loop3A_89 : i32 to vector<16xi32>
      %parallel_loop3A_91 = arith.addi %mul3A_6, %parallel_loop3A_90 : vector<16xi32>
      tpu.vector_store_idx %arg7[%parallel_loop3A_50, %parallel_loop3A_91], %parallel_loop3A_88 {add = true} : memref<64x1072xf32, #tpu.memory_space<vmem>>[vector<16xi32>, vector<16xi32>], vector<16xf32>,
      %parallel_loop3A_92 = arith.mulf %parallel_loop3A_88, %parallel_loop3A_88 : vector<16xf32>
      %parallel_loop3A_93 = arith.addf %parallel_loop3A_82, %parallel_loop3A_92 : vector<16xf32>
      %parallel_loop3A_94 = arith.constant 16 : i32
      %parallel_loop3A_95 = arith.muli %parallel_loop3A_46, %parallel_loop3A_94 : i32
      %parallel_loop3A_96 = arith.constant 4 : i32
      %parallel_loop3A_97 = arith.index_cast %parallel_loop3A_96 : i32 to index
      %parallel_loop3A_98 = arith.index_cast %parallel_loop3A_95 : i32 to index
      %parallel_loop3A_99 = tpu.vector_load %arg5[%parallel_loop3A_97, %parallel_loop3A_98] {strides = array<i32>} : memref<8x1536xf32, #tpu.memory_space<vmem>>, vector<16xf32>,
      %parallel_loop3A_100 = arith.constant 52 : i32
      %parallel_loop3A_101 = vector.broadcast %parallel_loop3A_100 : i32 to vector<16xi32>
      %parallel_loop3A_102 = arith.addi %mul3A_6, %parallel_loop3A_101 : vector<16xi32>
      tpu.vector_store_idx %arg7[%parallel_loop3A_50, %parallel_loop3A_102], %parallel_loop3A_99 {add = true} : memref<64x1072xf32, #tpu.memory_space<vmem>>[vector<16xi32>, vector<16xi32>], vector<16xf32>,
      %parallel_loop3A_103 = arith.mulf %parallel_loop3A_99, %parallel_loop3A_99 : vector<16xf32>
      %parallel_loop3A_104 = arith.addf %parallel_loop3A_93, %parallel_loop3A_103 : vector<16xf32>
      %parallel_loop3A_105 = arith.constant 16 : i32
      %parallel_loop3A_106 = arith.muli %parallel_loop3A_46, %parallel_loop3A_105 : i32
      %parallel_loop3A_107 = arith.constant 5 : i32
      %parallel_loop3A_108 = arith.index_cast %parallel_loop3A_107 : i32 to index
      %parallel_loop3A_109 = arith.index_cast %parallel_loop3A_106 : i32 to index
      %parallel_loop3A_110 = tpu.vector_load %arg5[%parallel_loop3A_108, %parallel_loop3A_109] {strides = array<i32>} : memref<8x1536xf32, #tpu.memory_space<vmem>>, vector<16xf32>,
      %parallel_loop3A_111 = arith.constant 53 : i32
      %parallel_loop3A_112 = vector.broadcast %parallel_loop3A_111 : i32 to vector<16xi32>
      %parallel_loop3A_113 = arith.addi %mul3A_6, %parallel_loop3A_112 : vector<16xi32>
      tpu.vector_store_idx %arg7[%parallel_loop3A_50, %parallel_loop3A_113], %parallel_loop3A_110 {add = true} : memref<64x1072xf32, #tpu.memory_space<vmem>>[vector<16xi32>, vector<16xi32>], vector<16xf32>,
      %parallel_loop3A_114 = arith.mulf %parallel_loop3A_110, %parallel_loop3A_110 : vector<16xf32>
      %parallel_loop3A_115 = arith.addf %parallel_loop3A_104, %parallel_loop3A_114 : vector<16xf32>
      %parallel_loop3A_116 = arith.constant 16 : i32
      %parallel_loop3A_117 = arith.muli %parallel_loop3A_46, %parallel_loop3A_116 : i32
      %parallel_loop3A_118 = arith.constant 6 : i32
      %parallel_loop3A_119 = arith.index_cast %parallel_loop3A_118 : i32 to index
      %parallel_loop3A_120 = arith.index_cast %parallel_loop3A_117 : i32 to index
      %parallel_loop3A_121 = tpu.vector_load %arg5[%parallel_loop3A_119, %parallel_loop3A_120] {strides = array<i32>} : memref<8x1536xf32, #tpu.memory_space<vmem>>, vector<16xf32>,
      %parallel_loop3A_122 = arith.constant 54 : i32
      %parallel_loop3A_123 = vector.broadcast %parallel_loop3A_122 : i32 to vector<16xi32>
      %parallel_loop3A_124 = arith.addi %mul3A_6, %parallel_loop3A_123 : vector<16xi32>
      tpu.vector_store_idx %arg7[%parallel_loop3A_50, %parallel_loop3A_124], %parallel_loop3A_121 {add = true} : memref<64x1072xf32, #tpu.memory_space<vmem>>[vector<16xi32>, vector<16xi32>], vector<16xf32>,
      %parallel_loop3A_125 = arith.mulf %parallel_loop3A_121, %parallel_loop3A_121 : vector<16xf32>
      %parallel_loop3A_126 = arith.addf %parallel_loop3A_115, %parallel_loop3A_125 : vector<16xf32>
      %parallel_loop3A_127 = arith.constant 16 : i32
      %parallel_loop3A_128 = arith.muli %parallel_loop3A_46, %parallel_loop3A_127 : i32
      %parallel_loop3A_129 = arith.constant 7 : i32
      %parallel_loop3A_130 = arith.index_cast %parallel_loop3A_129 : i32 to index
      %parallel_loop3A_131 = arith.index_cast %parallel_loop3A_128 : i32 to index
      %parallel_loop3A_132 = tpu.vector_load %arg5[%parallel_loop3A_130, %parallel_loop3A_131] {strides = array<i32>} : memref<8x1536xf32, #tpu.memory_space<vmem>>, vector<16xf32>,
      %parallel_loop3A_133 = arith.constant 55 : i32
      %parallel_loop3A_134 = vector.broadcast %parallel_loop3A_133 : i32 to vector<16xi32>
      %parallel_loop3A_135 = arith.addi %mul3A_6, %parallel_loop3A_134 : vector<16xi32>
      tpu.vector_store_idx %arg7[%parallel_loop3A_50, %parallel_loop3A_135], %parallel_loop3A_132 {add = true} : memref<64x1072xf32, #tpu.memory_space<vmem>>[vector<16xi32>, vector<16xi32>], vector<16xf32>,
      %parallel_loop3A_136 = arith.mulf %parallel_loop3A_132, %parallel_loop3A_132 : vector<16xf32>
      %parallel_loop3A_137 = arith.addf %parallel_loop3A_126, %parallel_loop3A_136 : vector<16xf32>
      %parallel_loop3A_138 = arith.constant 64 : i32
      %parallel_loop3A_139 = vector.broadcast %parallel_loop3A_138 : i32 to vector<16xi32>
      %parallel_loop3A_140 = arith.addi %mul3A_6, %parallel_loop3A_139 : vector<16xi32>
      tpu.vector_store_idx %arg7[%parallel_loop3A_50, %parallel_loop3A_140], %parallel_loop3A_137 {add = true} : memref<64x1072xf32, #tpu.memory_space<vmem>>[vector<16xi32>, vector<16xi32>], vector<16xf32>,
    } {sc.loop_unroll_factor = 2 : i64, sc.parallel_access}
    "tpu.region"() ({
      %run_scoped3A = tpu.sem_alloc : memref<!tpu.dma_semaphore, #tpu.memory_space<semaphore_mem>>
      %dma_start3A_46 = arith.constant 56 : i32
      %dma_start3A_47 = tpu.memref_slice %arg2[%dma_start3A_46, %multiple_of3A_19] : memref<64x131072xf32, #tpu.memory_space<hbm>> -> memref<8x1536xf32, #tpu.memory_space<hbm>>
      %dma_start3A_48 = arith.constant 56 : i32
      %dma_start3A_49 = tpu.memref_slice %arg2[%dma_start3A_48, %multiple_of3A_19] : memref<64x131072xf32, #tpu.memory_space<hbm>> -> memref<8x1536xf32, #tpu.memory_space<hbm>>
      tpu.enqueue_dma source(%dma_start3A_49 : memref<8x1536xf32, #tpu.memory_space<hbm>>) target(%arg5 : memref<8x1536xf32, #tpu.memory_space<vmem>>) target_semaphore(%run_scoped3A : memref<!tpu.dma_semaphore, #tpu.memory_space<semaphore_mem>>)
      %dma_wait3A_50 = arith.constant 56 : i32
      %dma_wait3A_51 = tpu.memref_slice %arg2[%dma_wait3A_50, %multiple_of3A_19] : memref<64x131072xf32, #tpu.memory_space<hbm>> -> memref<8x1536xf32, #tpu.memory_space<hbm>>
      %dma_wait3A_52 = arith.constant 56 : i32
      %dma_wait3A_53 = tpu.memref_slice %arg2[%dma_wait3A_52, %multiple_of3A_19] : memref<64x131072xf32, #tpu.memory_space<hbm>> -> memref<8x1536xf32, #tpu.memory_space<hbm>>
      tpu.wait_dma2 semaphore(%run_scoped3A : memref<!tpu.dma_semaphore, #tpu.memory_space<semaphore_mem>>) src(%dma_wait3A_53 : memref<8x1536xf32, #tpu.memory_space<hbm>>) dst(%arg5 : memref<8x1536xf32, #tpu.memory_space<vmem>>)
      tpu.yield
    }) : () -> ()
    %parallel_loop3A_40 = arith.constant 0 : i32
    %parallel_loop3A_41 = arith.constant 96 : i32
    %parallel_loop3A_42 = arith.constant 1 : i32
    scf.for %parallel_loop3A_46 = %parallel_loop3A_40 to %parallel_loop3A_41 step %parallel_loop3A_42  : i32 {
      %parallel_loop3A_47 = arith.constant 16 : i32
      %parallel_loop3A_48 = arith.muli %parallel_loop3A_46, %parallel_loop3A_47 : i32
      %parallel_loop3A_49 = arith.index_cast %parallel_loop3A_48 : i32 to index
      %parallel_loop3A_50 = tpu.vector_load %arg6[%parallel_loop3A_49] {strides = array<i32>} : memref<1536xi32, #tpu.memory_space<vmem>>, vector<16xi32>,
      %parallel_loop3A_51 = arith.constant 16 : i32
      %parallel_loop3A_52 = arith.muli %parallel_loop3A_46, %parallel_loop3A_51 : i32
      %parallel_loop3A_53 = arith.constant 0 : i32
      %parallel_loop3A_54 = arith.index_cast %parallel_loop3A_53 : i32 to index
      %parallel_loop3A_55 = arith.index_cast %parallel_loop3A_52 : i32 to index
      %parallel_loop3A_56 = tpu.vector_load %arg5[%parallel_loop3A_54, %parallel_loop3A_55] {strides = array<i32>} : memref<8x1536xf32, #tpu.memory_space<vmem>>, vector<16xf32>,
      %parallel_loop3A_57 = arith.constant 56 : i32
      %parallel_loop3A_58 = vector.broadcast %parallel_loop3A_57 : i32 to vector<16xi32>
      %parallel_loop3A_59 = arith.addi %mul3A_6, %parallel_loop3A_58 : vector<16xi32>
      tpu.vector_store_idx %arg7[%parallel_loop3A_50, %parallel_loop3A_59], %parallel_loop3A_56 {add = true} : memref<64x1072xf32, #tpu.memory_space<vmem>>[vector<16xi32>, vector<16xi32>], vector<16xf32>,
      %parallel_loop3A_60 = arith.mulf %parallel_loop3A_56, %parallel_loop3A_56 : vector<16xf32>
      %parallel_loop3A_61 = arith.constant 16 : i32
      %parallel_loop3A_62 = arith.muli %parallel_loop3A_46, %parallel_loop3A_61 : i32
      %parallel_loop3A_63 = arith.constant 1 : i32
      %parallel_loop3A_64 = arith.index_cast %parallel_loop3A_63 : i32 to index
      %parallel_loop3A_65 = arith.index_cast %parallel_loop3A_62 : i32 to index
      %parallel_loop3A_66 = tpu.vector_load %arg5[%parallel_loop3A_64, %parallel_loop3A_65] {strides = array<i32>} : memref<8x1536xf32, #tpu.memory_space<vmem>>, vector<16xf32>,
      %parallel_loop3A_67 = arith.constant 57 : i32
      %parallel_loop3A_68 = vector.broadcast %parallel_loop3A_67 : i32 to vector<16xi32>
      %parallel_loop3A_69 = arith.addi %mul3A_6, %parallel_loop3A_68 : vector<16xi32>
      tpu.vector_store_idx %arg7[%parallel_loop3A_50, %parallel_loop3A_69], %parallel_loop3A_66 {add = true} : memref<64x1072xf32, #tpu.memory_space<vmem>>[vector<16xi32>, vector<16xi32>], vector<16xf32>,
      %parallel_loop3A_70 = arith.mulf %parallel_loop3A_66, %parallel_loop3A_66 : vector<16xf32>
      %parallel_loop3A_71 = arith.addf %parallel_loop3A_60, %parallel_loop3A_70 : vector<16xf32>
      %parallel_loop3A_72 = arith.constant 16 : i32
      %parallel_loop3A_73 = arith.muli %parallel_loop3A_46, %parallel_loop3A_72 : i32
      %parallel_loop3A_74 = arith.constant 2 : i32
      %parallel_loop3A_75 = arith.index_cast %parallel_loop3A_74 : i32 to index
      %parallel_loop3A_76 = arith.index_cast %parallel_loop3A_73 : i32 to index
      %parallel_loop3A_77 = tpu.vector_load %arg5[%parallel_loop3A_75, %parallel_loop3A_76] {strides = array<i32>} : memref<8x1536xf32, #tpu.memory_space<vmem>>, vector<16xf32>,
      %parallel_loop3A_78 = arith.constant 58 : i32
      %parallel_loop3A_79 = vector.broadcast %parallel_loop3A_78 : i32 to vector<16xi32>
      %parallel_loop3A_80 = arith.addi %mul3A_6, %parallel_loop3A_79 : vector<16xi32>
      tpu.vector_store_idx %arg7[%parallel_loop3A_50, %parallel_loop3A_80], %parallel_loop3A_77 {add = true} : memref<64x1072xf32, #tpu.memory_space<vmem>>[vector<16xi32>, vector<16xi32>], vector<16xf32>,
      %parallel_loop3A_81 = arith.mulf %parallel_loop3A_77, %parallel_loop3A_77 : vector<16xf32>
      %parallel_loop3A_82 = arith.addf %parallel_loop3A_71, %parallel_loop3A_81 : vector<16xf32>
      %parallel_loop3A_83 = arith.constant 16 : i32
      %parallel_loop3A_84 = arith.muli %parallel_loop3A_46, %parallel_loop3A_83 : i32
      %parallel_loop3A_85 = arith.constant 3 : i32
      %parallel_loop3A_86 = arith.index_cast %parallel_loop3A_85 : i32 to index
      %parallel_loop3A_87 = arith.index_cast %parallel_loop3A_84 : i32 to index
      %parallel_loop3A_88 = tpu.vector_load %arg5[%parallel_loop3A_86, %parallel_loop3A_87] {strides = array<i32>} : memref<8x1536xf32, #tpu.memory_space<vmem>>, vector<16xf32>,
      %parallel_loop3A_89 = arith.constant 59 : i32
      %parallel_loop3A_90 = vector.broadcast %parallel_loop3A_89 : i32 to vector<16xi32>
      %parallel_loop3A_91 = arith.addi %mul3A_6, %parallel_loop3A_90 : vector<16xi32>
      tpu.vector_store_idx %arg7[%parallel_loop3A_50, %parallel_loop3A_91], %parallel_loop3A_88 {add = true} : memref<64x1072xf32, #tpu.memory_space<vmem>>[vector<16xi32>, vector<16xi32>], vector<16xf32>,
      %parallel_loop3A_92 = arith.mulf %parallel_loop3A_88, %parallel_loop3A_88 : vector<16xf32>
      %parallel_loop3A_93 = arith.addf %parallel_loop3A_82, %parallel_loop3A_92 : vector<16xf32>
      %parallel_loop3A_94 = arith.constant 16 : i32
      %parallel_loop3A_95 = arith.muli %parallel_loop3A_46, %parallel_loop3A_94 : i32
      %parallel_loop3A_96 = arith.constant 4 : i32
      %parallel_loop3A_97 = arith.index_cast %parallel_loop3A_96 : i32 to index
      %parallel_loop3A_98 = arith.index_cast %parallel_loop3A_95 : i32 to index
      %parallel_loop3A_99 = tpu.vector_load %arg5[%parallel_loop3A_97, %parallel_loop3A_98] {strides = array<i32>} : memref<8x1536xf32, #tpu.memory_space<vmem>>, vector<16xf32>,
      %parallel_loop3A_100 = arith.constant 60 : i32
      %parallel_loop3A_101 = vector.broadcast %parallel_loop3A_100 : i32 to vector<16xi32>
      %parallel_loop3A_102 = arith.addi %mul3A_6, %parallel_loop3A_101 : vector<16xi32>
      tpu.vector_store_idx %arg7[%parallel_loop3A_50, %parallel_loop3A_102], %parallel_loop3A_99 {add = true} : memref<64x1072xf32, #tpu.memory_space<vmem>>[vector<16xi32>, vector<16xi32>], vector<16xf32>,
      %parallel_loop3A_103 = arith.mulf %parallel_loop3A_99, %parallel_loop3A_99 : vector<16xf32>
      %parallel_loop3A_104 = arith.addf %parallel_loop3A_93, %parallel_loop3A_103 : vector<16xf32>
      %parallel_loop3A_105 = arith.constant 16 : i32
      %parallel_loop3A_106 = arith.muli %parallel_loop3A_46, %parallel_loop3A_105 : i32
      %parallel_loop3A_107 = arith.constant 5 : i32
      %parallel_loop3A_108 = arith.index_cast %parallel_loop3A_107 : i32 to index
      %parallel_loop3A_109 = arith.index_cast %parallel_loop3A_106 : i32 to index
      %parallel_loop3A_110 = tpu.vector_load %arg5[%parallel_loop3A_108, %parallel_loop3A_109] {strides = array<i32>} : memref<8x1536xf32, #tpu.memory_space<vmem>>, vector<16xf32>,
      %parallel_loop3A_111 = arith.constant 61 : i32
      %parallel_loop3A_112 = vector.broadcast %parallel_loop3A_111 : i32 to vector<16xi32>
      %parallel_loop3A_113 = arith.addi %mul3A_6, %parallel_loop3A_112 : vector<16xi32>
      tpu.vector_store_idx %arg7[%parallel_loop3A_50, %parallel_loop3A_113], %parallel_loop3A_110 {add = true} : memref<64x1072xf32, #tpu.memory_space<vmem>>[vector<16xi32>, vector<16xi32>], vector<16xf32>,
      %parallel_loop3A_114 = arith.mulf %parallel_loop3A_110, %parallel_loop3A_110 : vector<16xf32>
      %parallel_loop3A_115 = arith.addf %parallel_loop3A_104, %parallel_loop3A_114 : vector<16xf32>
      %parallel_loop3A_116 = arith.constant 16 : i32
      %parallel_loop3A_117 = arith.muli %parallel_loop3A_46, %parallel_loop3A_116 : i32
      %parallel_loop3A_118 = arith.constant 6 : i32
      %parallel_loop3A_119 = arith.index_cast %parallel_loop3A_118 : i32 to index
      %parallel_loop3A_120 = arith.index_cast %parallel_loop3A_117 : i32 to index
      %parallel_loop3A_121 = tpu.vector_load %arg5[%parallel_loop3A_119, %parallel_loop3A_120] {strides = array<i32>} : memref<8x1536xf32, #tpu.memory_space<vmem>>, vector<16xf32>,
      %parallel_loop3A_122 = arith.constant 62 : i32
      %parallel_loop3A_123 = vector.broadcast %parallel_loop3A_122 : i32 to vector<16xi32>
      %parallel_loop3A_124 = arith.addi %mul3A_6, %parallel_loop3A_123 : vector<16xi32>
      tpu.vector_store_idx %arg7[%parallel_loop3A_50, %parallel_loop3A_124], %parallel_loop3A_121 {add = true} : memref<64x1072xf32, #tpu.memory_space<vmem>>[vector<16xi32>, vector<16xi32>], vector<16xf32>,
      %parallel_loop3A_125 = arith.mulf %parallel_loop3A_121, %parallel_loop3A_121 : vector<16xf32>
      %parallel_loop3A_126 = arith.addf %parallel_loop3A_115, %parallel_loop3A_125 : vector<16xf32>
      %parallel_loop3A_127 = arith.constant 16 : i32
      %parallel_loop3A_128 = arith.muli %parallel_loop3A_46, %parallel_loop3A_127 : i32
      %parallel_loop3A_129 = arith.constant 7 : i32
      %parallel_loop3A_130 = arith.index_cast %parallel_loop3A_129 : i32 to index
      %parallel_loop3A_131 = arith.index_cast %parallel_loop3A_128 : i32 to index
      %parallel_loop3A_132 = tpu.vector_load %arg5[%parallel_loop3A_130, %parallel_loop3A_131] {strides = array<i32>} : memref<8x1536xf32, #tpu.memory_space<vmem>>, vector<16xf32>,
      %parallel_loop3A_133 = arith.constant 63 : i32
      %parallel_loop3A_134 = vector.broadcast %parallel_loop3A_133 : i32 to vector<16xi32>
      %parallel_loop3A_135 = arith.addi %mul3A_6, %parallel_loop3A_134 : vector<16xi32>
      tpu.vector_store_idx %arg7[%parallel_loop3A_50, %parallel_loop3A_135], %parallel_loop3A_132 {add = true} : memref<64x1072xf32, #tpu.memory_space<vmem>>[vector<16xi32>, vector<16xi32>], vector<16xf32>,
      %parallel_loop3A_136 = arith.mulf %parallel_loop3A_132, %parallel_loop3A_132 : vector<16xf32>
      %parallel_loop3A_137 = arith.addf %parallel_loop3A_126, %parallel_loop3A_136 : vector<16xf32>
      %parallel_loop3A_138 = arith.constant 64 : i32
      %parallel_loop3A_139 = vector.broadcast %parallel_loop3A_138 : i32 to vector<16xi32>
      %parallel_loop3A_140 = arith.addi %mul3A_6, %parallel_loop3A_139 : vector<16xi32>
      tpu.vector_store_idx %arg7[%parallel_loop3A_50, %parallel_loop3A_140], %parallel_loop3A_137 {add = true} : memref<64x1072xf32, #tpu.memory_space<vmem>>[vector<16xi32>, vector<16xi32>], vector<16xf32>,
    } {sc.loop_unroll_factor = 2 : i64, sc.parallel_access}
    %mul3A_43 = arith.constant 64 : i32
    %mul3A_44 = arith.muli %add3A, %mul3A_43 : i32
    %multiple_of3A_45 = tpu.assume_multiple %mul3A_44, 64 : i32
    "tpu.region"() ({
      %run_scoped3A = tpu.sem_alloc : memref<!tpu.dma_semaphore, #tpu.memory_space<semaphore_mem>>
      %dma_start3A_46 = arith.constant 0 : i32
      %dma_start3A_47 = tpu.memref_slice %arg4[%multiple_of3A_45, %dma_start3A_46] : memref<2048x1072xf32, #tpu.memory_space<hbm>> -> memref<64x1072xf32, #tpu.memory_space<hbm>>
      %dma_start3A_48 = arith.constant 0 : i32
      %dma_start3A_49 = tpu.memref_slice %arg4[%multiple_of3A_45, %dma_start3A_48] : memref<2048x1072xf32, #tpu.memory_space<hbm>> -> memref<64x1072xf32, #tpu.memory_space<hbm>>
      tpu.enqueue_dma source(%arg7 : memref<64x1072xf32, #tpu.memory_space<vmem>>) target(%dma_start3A_49 : memref<64x1072xf32, #tpu.memory_space<hbm>>) target_semaphore(%run_scoped3A : memref<!tpu.dma_semaphore, #tpu.memory_space<semaphore_mem>>)
      %dma_wait3A_50 = arith.constant 0 : i32
      %dma_wait3A_51 = tpu.memref_slice %arg4[%multiple_of3A_45, %dma_wait3A_50] : memref<2048x1072xf32, #tpu.memory_space<hbm>> -> memref<64x1072xf32, #tpu.memory_space<hbm>>
      %dma_wait3A_52 = arith.constant 0 : i32
      %dma_wait3A_53 = tpu.memref_slice %arg4[%multiple_of3A_45, %dma_wait3A_52] : memref<2048x1072xf32, #tpu.memory_space<hbm>> -> memref<64x1072xf32, #tpu.memory_space<hbm>>
      tpu.wait_dma2 semaphore(%run_scoped3A : memref<!tpu.dma_semaphore, #tpu.memory_space<semaphore_mem>>) src(%arg7 : memref<64x1072xf32, #tpu.memory_space<vmem>>) dst(%dma_wait3A_53 : memref<64x1072xf32, #tpu.memory_space<hbm>>)
      tpu.yield
    }) : () -> ()
    return
  }
}

module attributes {stable_mosaic.version = 14 : i64} {
  func.func @_tc_moments_body(%arg0: i32, %arg1: memref<64x2048xf32, #tpu.memory_space<vmem>>, %arg2: memref<2048xi32, #tpu.memory_space<vmem>>, %arg3: memref<64x67xf32, #tpu.memory_space<vmem>>) attributes {dimension_semantics = [#tpu.dimension_semantics<arbitrary>], iteration_bounds = array<i64: 40>, scalar_prefetch = 0 : i64, scratch_operands = 0 : i64, tpu.core_type = #tpu.core_type<tc>, window_params = [{transform_indices = @transform_0, window_bounds = array<i64: 64, 2048>}, {transform_indices = @transform_1, window_bounds = array<i64: 2048>}, {pipeline_mode = #tpu.pipeline_mode<synchronous>, transform_indices = @transform_2, window_bounds = array<i64: 64, 67>}]} {
    %eq3A = arith.constant 0 : i32
    %eq3A_0 = arith.cmpi eq, %arg0, %eq3A : i32
    %convert_element_type3A = arith.extui %eq3A_0 : i1 to i32
    %cond3A = arith.constant 0 : i32
    %cond3A_1 = arith.cmpi ne, %convert_element_type3A, %cond3A : i32
    scf.if %cond3A_1 {
      %broadcast_in_dim3A_31 = arith.constant 0.000000e+00 : f32
      %broadcast_in_dim3A_32 = vector.broadcast %broadcast_in_dim3A_31 : f32 to vector<64x67xf32>
      %swap3A_33 = arith.constant 0 : index
      %swap3A_34 = arith.constant 0 : index
      %swap3A_35 = vector.load %arg3[%swap3A_33, %swap3A_34] : memref<64x67xf32, #tpu.memory_space<vmem>>, vector<64x67xf32>
      tpu.vector_store %arg3[%swap3A_33, %swap3A_34], %broadcast_in_dim3A_32 {strides = array<i32>} : memref<64x67xf32, #tpu.memory_space<vmem>>, vector<64x67xf32>,
    } else {
    }
    %get3A = arith.constant 0 : index
    %get3A_2 = arith.constant 0 : index
    %get3A_3 = vector.load %arg1[%get3A, %get3A_2] : memref<64x2048xf32, #tpu.memory_space<vmem>>, vector<64x2048xf32>
    %get3A_4 = arith.constant 0 : index
    %get3A_5 = vector.load %arg2[%get3A_4] : memref<2048xi32, #tpu.memory_space<vmem>>, vector<2048xi32>
    %broadcast_in_dim3A = vector.shape_cast %get3A_5 : vector<2048xi32> to vector<1x2048xi32>
    %iota3A = tpu.iota {dimensions = array<i32: 0>} : vector<64x2048xi32>
    %eq3A_6 = vector.broadcast %broadcast_in_dim3A : vector<1x2048xi32> to vector<64x2048xi32>
    %eq3A_7 = arith.cmpi eq, %eq3A_6, %iota3A : vector<64x2048xi32>
    %convert_element_type3A_8 = arith.extui %eq3A_7 : vector<64x2048xi1> to vector<64x2048xi32>
    %convert_element_type3A_9 = arith.sitofp %convert_element_type3A_8 : vector<64x2048xi32> to vector<64x2048xf32>
    %mul3A = arith.mulf %get3A_3, %get3A_3 : vector<64x2048xf32>
    %reduce_sum3A = arith.constant dense<0.000000e+00> : vector<2048xf32>
    %reduce_sum3A_10 = vector.multi_reduction <add>, %mul3A, %reduce_sum3A [0] : vector<64x2048xf32> to vector<2048xf32>
    %broadcast_in_dim3A_11 = vector.shape_cast %reduce_sum3A_10 : vector<2048xf32> to vector<1x2048xf32>
    %broadcast_in_dim3A_12 = arith.constant 1.000000e+00 : f32
    %broadcast_in_dim3A_13 = vector.broadcast %broadcast_in_dim3A_12 : f32 to vector<1x2048xf32>
    %broadcast_in_dim3A_14 = arith.constant 0.000000e+00 : f32
    %broadcast_in_dim3A_15 = vector.broadcast %broadcast_in_dim3A_14 : f32 to vector<1x2048xf32>
    %concatenate3A = tpu.concatenate %broadcast_in_dim3A_11, %broadcast_in_dim3A_13, %broadcast_in_dim3A_15 in 0 : vector<1x2048xf32>, vector<1x2048xf32>, vector<1x2048xf32> -> vector<3x2048xf32>
    %get3A_16 = arith.constant 0 : index
    %get3A_17 = arith.constant 0 : index
    %get3A_18 = vector.load %arg3[%get3A_16, %get3A_17] : memref<64x67xf32, #tpu.memory_space<vmem>>, vector<64x64xf32>
    %dot_general3A = arith.constant dense<0.000000e+00> : vector<64x64xf32>
    %dot_general3A_19 = tpu.matmul %convert_element_type3A_9, %get3A_3, %dot_general3A {dimension_numbers = #tpu.dot_dimension_numbers<[1], [1], [0], [0], [0, 0, 1, 0], [], []>, transpose_lhs_hint = false} : vector<64x2048xf32>, vector<64x2048xf32>, vector<64x64xf32> -> vector<64x64xf32>
    %add3A = arith.addf %get3A_18, %dot_general3A_19 : vector<64x64xf32>
    %swap3A = arith.constant 0 : index
    %swap3A_20 = arith.constant 0 : index
    %swap3A_21 = vector.load %arg3[%swap3A, %swap3A_20] : memref<64x67xf32, #tpu.memory_space<vmem>>, vector<64x64xf32>
    tpu.vector_store %arg3[%swap3A, %swap3A_20], %add3A {strides = array<i32>} : memref<64x67xf32, #tpu.memory_space<vmem>>, vector<64x64xf32>,
    %get3A_22 = arith.constant 0 : index
    %get3A_23 = arith.constant 64 : index
    %get3A_24 = vector.load %arg3[%get3A_22, %get3A_23] : memref<64x67xf32, #tpu.memory_space<vmem>>, vector<64x3xf32>
    %dot_general3A_25 = arith.constant dense<0.000000e+00> : vector<64x3xf32>
    %dot_general3A_26 = tpu.matmul %convert_element_type3A_9, %concatenate3A, %dot_general3A_25 {dimension_numbers = #tpu.dot_dimension_numbers<[1], [1], [0], [0], [0, 0, 1, 0], [], []>, transpose_lhs_hint = false} : vector<64x2048xf32>, vector<3x2048xf32>, vector<64x3xf32> -> vector<64x3xf32>
    %add3A_27 = arith.addf %get3A_24, %dot_general3A_26 : vector<64x3xf32>
    %swap3A_28 = arith.constant 0 : index
    %swap3A_29 = arith.constant 64 : index
    %swap3A_30 = vector.load %arg3[%swap3A_28, %swap3A_29] : memref<64x67xf32, #tpu.memory_space<vmem>>, vector<64x3xf32>
    tpu.vector_store %arg3[%swap3A_28, %swap3A_29], %add3A_27 {strides = array<i32>} : memref<64x67xf32, #tpu.memory_space<vmem>>, vector<64x3xf32>,
    return
  }
  func.func @transform_0(%arg0: i32) -> (i32, i32) {
    %add3A = arith.constant 24 : i32
    %add3A_0 = arith.addi %add3A, %arg0 : i32
    %c0_i32 = arith.constant 0 : i32
    %c0_i32_1 = arith.constant 0 : i32
    return %c0_i32, %add3A_0 : i32, i32
  }
  func.func @transform_1(%arg0: i32) -> i32 {
    %add3A = arith.constant 24 : i32
    %add3A_0 = arith.addi %add3A, %arg0 : i32
    %c0_i32 = arith.constant 0 : i32
    return %add3A_0 : i32
  }
  func.func @transform_2(%arg0: i32) -> (i32, i32) {
    %c0_i32 = arith.constant 0 : i32
    %c0_i32_0 = arith.constant 0 : i32
    %c0_i32_1 = arith.constant 0 : i32
    return %c0_i32, %c0_i32_0 : i32, i32
  }
}

module attributes {stable_mosaic.version = 14 : i64} {
  func.func @_finalize_body(%arg0: memref<32x64x1072xf32, #tpu.memory_space<vmem>>, %arg1: memref<64x67xf32, #tpu.memory_space<vmem>>, %arg2: memref<1x1xf32, #tpu.memory_space<vmem>>) attributes {dimension_semantics = [], scalar_prefetch = 0 : i64, scratch_operands = 0 : i64, tpu.core_type = #tpu.core_type<tc>} {
    %get3A = arith.constant 0 : index
    %get3A_0 = arith.constant 0 : index
    %get3A_1 = arith.constant 0 : index
    %get3A_2 = vector.load %arg0[%get3A, %get3A_0, %get3A_1] : memref<32x64x1072xf32, #tpu.memory_space<vmem>>, vector<32x64x1072xf32>
    %reduce_sum3A = arith.constant dense<0.000000e+00> : vector<64x1072xf32>
    %reduce_sum3A_3 = vector.multi_reduction <add>, %get3A_2, %reduce_sum3A [0] : vector<32x64x1072xf32> to vector<64x1072xf32>
    %slice3A = vector.extract_strided_slice %reduce_sum3A_3 {offsets = [0, 0], sizes = [64, 67], strides = [1, 1]} : vector<64x1072xf32> to vector<64x67xf32>
    %slice3A_4 = vector.extract_strided_slice %reduce_sum3A_3 {offsets = [0, 67], sizes = [64, 67], strides = [1, 1]} : vector<64x1072xf32> to vector<64x67xf32>
    %add3A = arith.addf %slice3A, %slice3A_4 : vector<64x67xf32>
    %slice3A_5 = vector.extract_strided_slice %reduce_sum3A_3 {offsets = [0, 134], sizes = [64, 67], strides = [1, 1]} : vector<64x1072xf32> to vector<64x67xf32>
    %add3A_6 = arith.addf %add3A, %slice3A_5 : vector<64x67xf32>
    %slice3A_7 = vector.extract_strided_slice %reduce_sum3A_3 {offsets = [0, 201], sizes = [64, 67], strides = [1, 1]} : vector<64x1072xf32> to vector<64x67xf32>
    %add3A_8 = arith.addf %add3A_6, %slice3A_7 : vector<64x67xf32>
    %slice3A_9 = vector.extract_strided_slice %reduce_sum3A_3 {offsets = [0, 268], sizes = [64, 67], strides = [1, 1]} : vector<64x1072xf32> to vector<64x67xf32>
    %add3A_10 = arith.addf %add3A_8, %slice3A_9 : vector<64x67xf32>
    %slice3A_11 = vector.extract_strided_slice %reduce_sum3A_3 {offsets = [0, 335], sizes = [64, 67], strides = [1, 1]} : vector<64x1072xf32> to vector<64x67xf32>
    %add3A_12 = arith.addf %add3A_10, %slice3A_11 : vector<64x67xf32>
    %slice3A_13 = vector.extract_strided_slice %reduce_sum3A_3 {offsets = [0, 402], sizes = [64, 67], strides = [1, 1]} : vector<64x1072xf32> to vector<64x67xf32>
    %add3A_14 = arith.addf %add3A_12, %slice3A_13 : vector<64x67xf32>
    %slice3A_15 = vector.extract_strided_slice %reduce_sum3A_3 {offsets = [0, 469], sizes = [64, 67], strides = [1, 1]} : vector<64x1072xf32> to vector<64x67xf32>
    %add3A_16 = arith.addf %add3A_14, %slice3A_15 : vector<64x67xf32>
    %slice3A_17 = vector.extract_strided_slice %reduce_sum3A_3 {offsets = [0, 536], sizes = [64, 67], strides = [1, 1]} : vector<64x1072xf32> to vector<64x67xf32>
    %add3A_18 = arith.addf %add3A_16, %slice3A_17 : vector<64x67xf32>
    %slice3A_19 = vector.extract_strided_slice %reduce_sum3A_3 {offsets = [0, 603], sizes = [64, 67], strides = [1, 1]} : vector<64x1072xf32> to vector<64x67xf32>
    %add3A_20 = arith.addf %add3A_18, %slice3A_19 : vector<64x67xf32>
    %slice3A_21 = vector.extract_strided_slice %reduce_sum3A_3 {offsets = [0, 670], sizes = [64, 67], strides = [1, 1]} : vector<64x1072xf32> to vector<64x67xf32>
    %add3A_22 = arith.addf %add3A_20, %slice3A_21 : vector<64x67xf32>
    %slice3A_23 = vector.extract_strided_slice %reduce_sum3A_3 {offsets = [0, 737], sizes = [64, 67], strides = [1, 1]} : vector<64x1072xf32> to vector<64x67xf32>
    %add3A_24 = arith.addf %add3A_22, %slice3A_23 : vector<64x67xf32>
    %slice3A_25 = vector.extract_strided_slice %reduce_sum3A_3 {offsets = [0, 804], sizes = [64, 67], strides = [1, 1]} : vector<64x1072xf32> to vector<64x67xf32>
    %add3A_26 = arith.addf %add3A_24, %slice3A_25 : vector<64x67xf32>
    %slice3A_27 = vector.extract_strided_slice %reduce_sum3A_3 {offsets = [0, 871], sizes = [64, 67], strides = [1, 1]} : vector<64x1072xf32> to vector<64x67xf32>
    %add3A_28 = arith.addf %add3A_26, %slice3A_27 : vector<64x67xf32>
    %slice3A_29 = vector.extract_strided_slice %reduce_sum3A_3 {offsets = [0, 938], sizes = [64, 67], strides = [1, 1]} : vector<64x1072xf32> to vector<64x67xf32>
    %add3A_30 = arith.addf %add3A_28, %slice3A_29 : vector<64x67xf32>
    %slice3A_31 = vector.extract_strided_slice %reduce_sum3A_3 {offsets = [0, 1005], sizes = [64, 67], strides = [1, 1]} : vector<64x1072xf32> to vector<64x67xf32>
    %add3A_32 = arith.addf %add3A_30, %slice3A_31 : vector<64x67xf32>
    %get3A_33 = arith.constant 0 : index
    %get3A_34 = arith.constant 0 : index
    %get3A_35 = vector.load %arg1[%get3A_33, %get3A_34] : memref<64x67xf32, #tpu.memory_space<vmem>>, vector<64x67xf32>
    %add3A_36 = arith.addf %add3A_32, %get3A_35 : vector<64x67xf32>
    %slice3A_37 = vector.extract_strided_slice %add3A_36 {offsets = [0, 0], sizes = [64, 64], strides = [1, 1]} : vector<64x67xf32> to vector<64x64xf32>
    %slice3A_38 = vector.extract_strided_slice %add3A_36 {offsets = [0, 64], sizes = [64, 1], strides = [1, 1]} : vector<64x67xf32> to vector<64x1xf32>
    %slice3A_39 = vector.extract_strided_slice %add3A_36 {offsets = [0, 65], sizes = [64, 1], strides = [1, 1]} : vector<64x67xf32> to vector<64x1xf32>
    %add3A_40 = arith.constant 1.000000e+00 : f32
    %add3A_41 = vector.broadcast %add3A_40 : f32 to vector<64x1xf32>
    %add3A_42 = arith.addf %slice3A_39, %add3A_41 : vector<64x1xf32>
    %add3A_43 = arith.constant 1.000000e-03 : f32
    %add3A_44 = vector.broadcast %add3A_43 : f32 to vector<64x64xf32>
    %add3A_45 = arith.addf %slice3A_37, %add3A_44 : vector<64x64xf32>
    %div3A = vector.broadcast %add3A_42 : vector<64x1xf32> to vector<64x64xf32>
    %div3A_46 = arith.divf %add3A_45, %div3A : vector<64x64xf32>
    %add3A_47 = arith.constant 1.000000e-03 : f32
    %add3A_48 = vector.broadcast %add3A_47 : f32 to vector<64x1xf32>
    %add3A_49 = arith.addf %add3A_48, %slice3A_38 : vector<64x1xf32>
    %mul3A = arith.mulf %div3A_46, %slice3A_37 : vector<64x64xf32>
    %reduce_sum3A_50 = arith.constant dense<0.000000e+00> : vector<64xf32>
    %reduce_sum3A_51 = vector.multi_reduction <add>, %mul3A, %reduce_sum3A_50 [1] : vector<64x64xf32> to vector<64xf32>
    %broadcast_in_dim3A = vector.shape_cast %reduce_sum3A_51 : vector<64xf32> to vector<64x1xf32>
    %mul3A_52 = arith.constant 2.000000e+00 : f32
    %mul3A_53 = vector.broadcast %mul3A_52 : f32 to vector<64x1xf32>
    %mul3A_54 = arith.mulf %mul3A_53, %broadcast_in_dim3A : vector<64x1xf32>
    %sub3A = arith.subf %add3A_49, %mul3A_54 : vector<64x1xf32>
    %mul3A_55 = arith.mulf %div3A_46, %div3A_46 : vector<64x64xf32>
    %reduce_sum3A_56 = arith.constant dense<0.000000e+00> : vector<64xf32>
    %reduce_sum3A_57 = vector.multi_reduction <add>, %mul3A_55, %reduce_sum3A_56 [1] : vector<64x64xf32> to vector<64xf32>
    %broadcast_in_dim3A_58 = vector.shape_cast %reduce_sum3A_57 : vector<64xf32> to vector<64x1xf32>
    %mul3A_59 = arith.mulf %slice3A_39, %broadcast_in_dim3A_58 : vector<64x1xf32>
    %add3A_60 = arith.addf %sub3A, %mul3A_59 : vector<64x1xf32>
    %div3A_61 = arith.divf %add3A_60, %add3A_42 : vector<64x1xf32>
    %sqrt3A = math.sqrt %div3A_61 : vector<64x1xf32>
    %broadcast_in_dim3A_62 = vector.shape_cast %div3A_46 : vector<64x64xf32> to vector<64x1x64xf32>
    %broadcast_in_dim3A_63 = vector.shape_cast %div3A_46 : vector<64x64xf32> to vector<1x64x64xf32>
    %sub3A_64 = vector.broadcast %broadcast_in_dim3A_62 : vector<64x1x64xf32> to vector<64x64x64xf32>
    %sub3A_65 = vector.broadcast %broadcast_in_dim3A_63 : vector<1x64x64xf32> to vector<64x64x64xf32>
    %sub3A_66 = arith.subf %sub3A_64, %sub3A_65 : vector<64x64x64xf32>
    %mul3A_67 = arith.mulf %sub3A_66, %sub3A_66 : vector<64x64x64xf32>
    %reduce_sum3A_68 = arith.constant dense<0.000000e+00> : vector<64x64xf32>
    %reduce_sum3A_69 = vector.multi_reduction <add>, %mul3A_67, %reduce_sum3A_68 [2] : vector<64x64x64xf32> to vector<64x64xf32>
    %sqrt3A_70 = math.sqrt %reduce_sum3A_69 : vector<64x64xf32>
    %broadcast_in_dim3A_71 = arith.constant 1.000000e+00 : f32
    %broadcast_in_dim3A_72 = vector.broadcast %broadcast_in_dim3A_71 : f32 to vector<64x1xf32>
    %dot_general3A = arith.constant dense<0.000000e+00> : vector<64x64xf32>
    %dot_general3A_73 = tpu.matmul %broadcast_in_dim3A_72, %sqrt3A, %dot_general3A {dimension_numbers = #tpu.dot_dimension_numbers<[1], [1], [0], [0], [0, 0, 1, 0], [], []>, transpose_lhs_hint = false} : vector<64x1xf32>, vector<64x1xf32>, vector<64x64xf32> -> vector<64x64xf32>
    %add3A_74 = vector.broadcast %sqrt3A : vector<64x1xf32> to vector<64x64xf32>
    %add3A_75 = arith.addf %add3A_74, %dot_general3A_73 : vector<64x64xf32>
    %eq3A = arith.constant 0.000000e+00 : f32
    %eq3A_76 = vector.broadcast %eq3A : f32 to vector<64x64xf32>
    %eq3A_77 = arith.cmpf oeq, %sqrt3A_70, %eq3A_76 : vector<64x64xf32>
    %jit3A = arith.constant 1.000000e+00 : f32
    %broadcast_in_dim3A_78 = vector.broadcast %jit3A : f32 to vector<64x64xf32>
    %select_n3A = arith.select %eq3A_77, %broadcast_in_dim3A_78, %sqrt3A_70 : vector<64x64xi1>, vector<64x64xf32>
    %eq3A_79 = arith.constant 0.000000e+00 : f32
    %eq3A_80 = vector.broadcast %eq3A_79 : f32 to vector<64x64xf32>
    %eq3A_81 = arith.cmpf oeq, %sqrt3A_70, %eq3A_80 : vector<64x64xf32>
    %div3A_82 = arith.divf %add3A_75, %select_n3A : vector<64x64xf32>
    %jit3A_83 = arith.constant 1.000000e-01 : f32
    %broadcast_in_dim3A_84 = vector.broadcast %jit3A_83 : f32 to vector<64x64xf32>
    %select_n3A_85 = arith.select %eq3A_81, %broadcast_in_dim3A_84, %div3A_82 : vector<64x64xi1>, vector<64x64xf32>
    %iota3A = tpu.iota {dimensions = array<i32: 0>} : vector<64x64xi32>
    %iota3A_86 = tpu.iota {dimensions = array<i32: 1>} : vector<64x64xi32>
    %eq3A_87 = arith.cmpi eq, %iota3A, %iota3A_86 : vector<64x64xi32>
    %jit3A_88 = arith.constant 0.000000e+00 : f32
    %broadcast_in_dim3A_89 = vector.broadcast %jit3A_88 : f32 to vector<64x64xf32>
    %select_n3A_90 = arith.select %eq3A_87, %broadcast_in_dim3A_89, %select_n3A_85 : vector<64x64xi1>, vector<64x64xf32>
    %reduce_max3A = arith.constant dense<0xFF800000> : vector<64xf32>
    %reduce_max3A_91 = vector.multi_reduction <maximumf>, %select_n3A_90, %reduce_max3A [1] : vector<64x64xf32> to vector<64xf32>
    %broadcast_in_dim3A_92 = vector.shape_cast %reduce_max3A_91 : vector<64xf32> to vector<64x1xf32>
    %reduce_sum3A_93 = arith.constant dense<0.000000e+00> : vector<1xf32>
    %reduce_sum3A_94 = vector.multi_reduction <add>, %broadcast_in_dim3A_92, %reduce_sum3A_93 [0] : vector<64x1xf32> to vector<1xf32>
    %broadcast_in_dim3A_95 = vector.shape_cast %reduce_sum3A_94 : vector<1xf32> to vector<1x1xf32>
    %div3A_96 = arith.constant 6.400000e+01 : f32
    %div3A_97 = vector.broadcast %div3A_96 : f32 to vector<1x1xf32>
    %div3A_98 = arith.divf %broadcast_in_dim3A_95, %div3A_97 : vector<1x1xf32>
    %swap3A = arith.constant 0 : index
    %swap3A_99 = arith.constant 0 : index
    %swap3A_100 = vector.load %arg2[%swap3A, %swap3A_99] : memref<1x1xf32, #tpu.memory_space<vmem>>, vector<1x1xf32>
    tpu.vector_store %arg2[%swap3A, %swap3A_99], %div3A_98 {strides = array<i32>} : memref<1x1xf32, #tpu.memory_space<vmem>>, vector<1x1xf32>,
    return
  }
}

</mosaic_0001>

<sc_bundles>
// kernel: kernel.5.cloned.1.call-start
scs
__scs_entry_jumppad:
0x0: {  	(pc) =	sbr.rel $0x88, $3  }
0x1: {  	(tag) =	ssettag $0x0;
	lr =	simm.s32 $0x1  }
0x2: {  	[smem:$0x3F9F] =	sst lr;
	_ =	strace $0xD0000000  }
0x3: {  	_ = 	snop  }
0x4: {  	_ = 	snop  }
0x5: {  	_ = 	snop  }
0x6: {  	_ = 	snop  }
0x7: {  	_ = 	snop  }
__scs_overlays_trampoline_lowered:
0x8: {  	[smem:$0x3FAE] =	sst s0  }
0x9: {  	[smem:$0x3FAF] =	sst s1  }
0xa: {  	[smem:$0x3FB0] =	sst s2  }
0xb: {  	[smem:$0x3FB1] =	sst s3  }
0xc: {  	[smem:$0x3FB2] =	sst s4  }
0xd: {  	[smem:$0x3FB3] =	sst s5  }
0xe: {  	[smem:$0x3FB4] =	sst s6  }
0xf: {  	[smem:$0x3FB5] =	sst s7  }
0x10: {  	[smem:$0x3FB6] =	sst s8  }
0x11: {  	[smem:$0x3FB7] =	sst s9;
	s0 =	simm.s32 @!p0 $0x0  }
0x12: {  	s1 =	sld [smem:$0x3F9D];
	s0 =	simm.s32 @p0 $0x1  }
0x13: {  	[smem:$0x3FB8] =	sst s0;
	s0 =	simm.s32 @!p1 $0x0  }
0x14: {  	s2 =	sld [smem:$0x3F9C];
	s0 =	simm.s32 @p1 $0x1  }
0x15: {  	[smem:$0x3FB9] =	sst s0;
	s0 =	simm.s32 @!p2 $0x0  }
0x16: {  	s3 =	sld [smem:$0x3FDB];
	s0 =	simm.s32 @p2 $0x1  }
0x17: {  	s4 =	simm.s32 $0x1BF5;
	[smem:$0x3FBB] =	sst s0  }
0x18: {  	s0 =	sld [smem:$0x3F9E];
	_ =	swait.ge [sflag:s4], $0x0  }
0x19: {  	s7 =	sld [smem:$0x3F9F]  }
0x1a: {  	s8 =	sadd.s32 $0xFFFFE003, lr  }
0x1b: {  	s9 =	sadd.s32 $0xFFFFFEF7, lr;
	s5 =	simm.s32 $0xFFFFFFFF;
	p2 =	slt.u32 s8, $0xFFFFF086  }
0x1c: {  	p1 =	slt.u32 s9, $0xF7A;
	s5 =	simm.s32 @!p2 $0x0  }
0x1d: {  	s5 =	simm.s32 @p1 $0x1;
	p0 =	seq.s32 s7, s2  }
0x1e: {  	s7 =	smul.u32 @!p0 $0xF7A, s2;
	p2 =	seq.s32 @!p0 s5, $0x0  }
0x1f: {  	s9 =	smul.u32 $0xF7A, s1;
	s8 =	simm.s32 @!p0 $0x1BF5;
	p2 =	por !p2, p0  }
0x20: {  	[sflag:s8] =	ssyncset.s32 @!p0 $0xFFFFF086;
	s6 =	sadd.s32 @!p0 s3, s7;
	s7 =	simm.s32 @!p0 $0x108  }
0x21: {  	s3 =	sadd.s32 s3, s9;
	s6 =	sadd.s32 @!p0 $0x88, s6;
	s7 =	simm.s32 @p2 $0x1082  }
0x22: {  	[simem:s7], [sflag:s8] =	dma.local @!p0 [hbm:s6], $0xF7A  }
0x23: {  	s9 =	sor.u32 $0xD0000000, s2;
	s6 =	simm.s32 $0x108;
	_ =	swait.ge @!p0 [sflag:s8], $0x0  }
0x24: {  	s3 =	sadd.s32 $0x88, s3;
	s6 =	simm.s32 @!p1 $0x1082;
	[sflag:s4] =	ssyncset.s32 $0xFFFFF086  }
0x25: {  	[simem:s6], [sflag:s4] =	dma.local [hbm:s3], $0xF7A  }
0x26: {  	[smem:$0x3F9F] =	sst s1;
	(tag) =	ssettag s2;
	_ =	strace s9  }
0x27: {  	s1 =	sld [smem:$0x3FAF]  }
0x28: {  	s2 =	sld [smem:$0x3FB0]  }
0x29: {  	s4 =	sld [smem:$0x3FB2]  }
0x2a: {  	p0 =	seq.s32 s5, $0x0;
	s5 =	sld [smem:$0x3FB3]  }
0x2b: {  	s6 =	sld [smem:$0x3FB4]  }
0x2c: {  	s7 =	sld [smem:$0x3FB5]  }
0x2d: {  	s3 =	simm.s32 $0x108;
	s8 =	sld [smem:$0x3FB6]  }
0x2e: {  	s3 =	simm.s32 @!p0 $0x1082;
	s9 =	sld [smem:$0x3FB7]  }
0x2f: {  	lr =	sadd.s32 s0, s3;
	s0 =	sld [smem:$0x3FAE]  }
0x30: {  	s3 =	sld [smem:$0x3FB1]  }
0x31: {  	[smem:$0x3FBA] =	sst s10  }
0x32: {  	s10 =	sld [smem:$0x3FB8];
	_ =	sdelay $0x3  }
0x33: {  	p0 =	seq.s32 s10, $0x1;
	s10 =	sld [smem:$0x3FBA];
	_ =	sdelay $0x3  }
0x34: {  	[smem:$0x3FBA] =	sst s10  }
0x35: {  	s10 =	sld [smem:$0x3FB9];
	_ =	sdelay $0x3  }
0x36: {  	p1 =	seq.s32 s10, $0x1;
	s10 =	sld [smem:$0x3FBA];
	_ =	sdelay $0x3  }
0x37: {  	[smem:$0x3FBA] =	sst s10  }
0x38: {  	s10 =	sld [smem:$0x3FBB]  }
0x39: {  	_ = 	snop;
	(pc) =	sbr.ind lr, $3  }
0x3a: {  	_ = 	snop  }
0x3b: {  	_ = 	snop  }
0x3c: {  	p2 =	seq.s32 s10, $0x1;
	s10 =	sld [smem:$0x3FBA]  }
0x3d: {  	_ =	shalt  }
0x3e: {  	_ =	shalt  }
0x3f: {  	_ =	shalt  }
0x40: {  	_ =	shalt  }
0x41: {  	_ =	shalt  }
0x42: {  	_ =	shalt  }
0x43: {  	_ =	shalt  }
0x44: {  	_ =	shalt  }
0x45: {  	_ =	shalt  }
0x46: {  	_ =	shalt  }
0x47: {  	_ =	shalt  }
0x48: {  	_ =	shalt  }
0x49: {  	_ =	shalt  }
0x4a: {  	_ =	shalt  }
0x4b: {  	_ =	shalt  }
0x4c: {  	_ =	shalt  }
0x4d: {  	_ =	shalt  }
0x4e: {  	_ =	shalt  }
0x4f: {  	_ =	shalt  }
0x50: {  	_ =	shalt  }
0x51: {  	_ =	shalt  }
0x52: {  	_ =	shalt  }
0x53: {  	_ =	shalt  }
0x54: {  	_ =	shalt  }
0x55: {  	_ =	shalt  }
0x56: {  	_ =	shalt  }
0x57: {  	_ =	shalt  }
0x58: {  	_ =	shalt  }
0x59: {  	_ =	shalt  }
0x5a: {  	_ =	shalt  }
0x5b: {  	_ =	shalt  }
0x5c: {  	_ =	shalt  }
0x5d: {  	_ =	shalt  }
0x5e: {  	_ =	shalt  }
0x5f: {  	_ =	shalt  }
0x60: {  	_ =	shalt  }
0x61: {  	_ =	shalt  }
0x62: {  	_ =	shalt  }
0x63: {  	_ =	shalt  }
0x64: {  	_ =	shalt  }
0x65: {  	_ =	shalt  }
0x66: {  	_ =	shalt  }
0x67: {  	_ =	shalt  }
0x68: {  	_ =	shalt  }
0x69: {  	_ =	shalt  }
0x6a: {  	_ =	shalt  }
0x6b: {  	_ =	shalt  }
0x6c: {  	_ =	shalt  }
0x6d: {  	_ =	shalt  }
0x6e: {  	_ =	shalt  }
0x6f: {  	_ =	shalt  }
0x70: {  	_ =	shalt  }
0x71: {  	_ =	shalt  }
0x72: {  	_ =	shalt  }
0x73: {  	_ =	shalt  }
0x74: {  	_ =	shalt  }
0x75: {  	_ =	shalt  }
0x76: {  	_ =	shalt  }
0x77: {  	_ =	shalt  }
0x78: {  	_ =	shalt  }
0x79: {  	_ =	shalt  }
0x7a: {  	_ =	shalt  }
0x7b: {  	_ =	shalt  }
0x7c: {  	_ =	shalt  }
0x7d: {  	_ =	shalt  }
0x7e: {  	_ =	shalt  }
0x7f: {  	_ =	shalt  }
0x80: {  	_ =	shalt  }
0x81: {  	_ =	shalt  }
0x82: {  	_ =	shalt  }
0x83: {  	_ =	shalt  }
0x84: {  	_ =	shalt  }
0x85: {  	_ =	shalt  }
0x86: {  	_ =	shalt  }
0x87: {  	_ =	shalt  }
.Lfunc_end0:
.L_simem_size_0:
called_computation_lowered:
.L_overlay_start_0:
0x88: {  	s2 =	sld [smem:$0x3FD9]  }
0x89: {  	s3 =	sld [smem:$0x3FFE];
	_ =	sdelay $0x1  }
0x8a: {  	s1 =	srdreg.scid  }
0x8b: {  	s0 =	sand.u32 $0x1, s1  }
0x8c: {  	s17 =	sshll.u32 s0, $0xA;
	s2 =	sadd.s32 s3, s2  }
0x8d: {  	s2 =	sadd.s32 s2, s17  }
0x8e: {  	[smem:$0x3FC6] =	sst s2  }
0x8f: {  	_ = 	snop  }
0x90: {  	s2 =	sld [smem:$0x3FC9]  }
0x91: {  	s18 =	sld [smem:$0x3FC8];
	(tm) =	ssettm $0x1  }
0x92: {  	s4 =	sld [smem:$0x3FFB];
	_ =	sdelay $0x3  }
0x93: {  	_ =	strace s4  }
0x94: {  	s4 =	sld [smem:$0x3FFC];
	_ =	sdelay $0x3  }
0x95: {  	_ =	strace s4  }
0x96: {  	s4 =	sld [smem:$0x3FFD];
	_ =	sdelay $0x3  }
0x97: {  	_ =	strace s4  }
0x98: {  	_ =	strace $0x8FFFFFFF  }
0x99: {  	s19 =	sld [smem:$0x3FDB];
	_ =	sdelay $0x1  }
0x9a: {  	s5 =	simm.s32 $_scs_section_size  }
0x9b: {  	s6 =	simm.s32 $_size__tile_overlayer_lowered;
	s7 =	simm.s32 $_tile_overlayer_lowered  }
0x9c: {  	s22 =	simm.s32 $0x1BFF;
	s21 =	sshll.u32 s7, $0x1;
	s4 =	sadd.s32 s5, s19  }
0x9d: {  	s8 =	simm.s32 $0x0;
	s20 =	sshll.u32 s6, $0x1;
	s6 =	sadd.s32 s21, s4  }
0x9e: {  	[timem:s8], [sflag:s22] =	dma.local [hbm:s6], s20  }
0x9f: {  	_ =	swait.ge [sflag:s22], s20  }
0xa0: {  	s5 =	ssub.s32 $0x0, s20;
	[sflag:s22] =	ssyncset.done $0x0  }
0xa1: {  	[sflag:s22] =	ssyncadd.s32 s5;
	_ =	sdelay $0x1  }
0xa2: {  	s23 =	simm.s32 $0x1B8B  }
0xa3: {  	_ =	swait.ge [sflag:s23], $0x1  }
0xa4: {  	[sflag:s23] =	ssyncset.done $0x0  }
0xa5: {  	s25 =	simm.s32 $0x1B8E;
	s24 =	sld [smem:$0x3FFE];
	[sflag:s23] =	ssyncadd.s32 $0xFFFFFFFF  }
0xa6: {  	s26 =	simm.s32 $execute0_lowered;
	[smem:$0x3FD2] =	sst s25  }
0xa7: {  	s6 =	sshll.u32 s26, $0x1;
	_ =	strace $0x80000046;
	[dreg:$0x1] =	wrdreg $0xFFFFFFFF  }
0xa8: {  	s28 =	simm.s32 $_size_execute0_lowered;
	s4 =	sadd.s32 s4, s6;
	[dreg:$0x0] =	wrdreg $0x0  }
0xa9: {  	s6 =	sshll.u32 s28, $0x1;
	[dreg:$0x2] =	wrdreg s4  }
0xaa: {  	[dreg:$0x3] =	wrdreg s6  }
0xab: {  	[dreg:$0x4] =	wrdreg $0xC0  }
0xac: {  	_ =	task [dreg:s8], $0x5FFFF  }
0xad: {  	[dreg:$0x1] =	wrdreg $0xFFFFFFFF  }
0xae: {  	[dreg:$0x0] =	wrdreg $0x60  }
0xaf: {  	[dreg:$0x2] =	wrdreg s2  }
0xb0: {  	[dreg:$0x3] =	wrdreg s18  }
0xb1: {  	[dreg:$0x4] =	wrdreg s24  }
0xb2: {  	[dreg:$0x5] =	wrdreg $0x9  }
0xb3: {  	_ =	task.clear_ibuf [dreg:s8], $0x6FFFF;
	_ =	strace $0x90000046  }
0xb4: {  	s29 =	simm.s32 $0x9;
	_ =	strace $0x80000048  }
0xb5: {  	_ =	swait.ge [sflag:s29], $0x1  }
0xb6: {  	[sflag:s29] =	ssyncadd.s32 $0xFFFFFFFF  }
0xb7: {  	_ =	strace $0x90000048  }
0xb8: {  	_ =	sfence  }
0xb9: {  	s30 =	sld [smem:$0x0];
	_ =	sdelay $0x2  }
0xba: {  	s31 =	sshll.u32 s1, $0xD;
	s1 =	sshrl.u32 s1, $0x2  }
0xbb: {  	s3 =	sand.u32 $0x4000, s31;
	s1 =	sadd.s32 s1, s30  }
0xbc: {  	s0 =	sor.u32 s3, s0;
	s1 =	sshll.u32 s1, $0x11  }
0xbd: {  	s0 =	sor.u32 s1, s0  }
0xbe: {  	s0 =	sadd.s32 $0x8F2B, s0  }
0xbf: {  	[sflag:s0] =	ssyncadd.remote.s32 $0x1  }
0xc0: {  	_ =	sfence.sel $0xFFFF  }
0xc1: {  	[dreg:$0x0] =	wrdreg $0xFFFFFFFF;
	(pc) =	sbr.abs _section_cstart, $3  }
0xc2: {  	[dreg:$0x1] =	wrdreg $0xFFFFFFFF  }
0xc3: {  	_ =	task.clear_ibuf [dreg:s8], $0x2FFFF;
	_ =	strace $0x9FFFFFFF  }
0xc4: {  	(tm) =	ssettm $0x7FFFFFFF  }
0xc5: {  	_ =	shalt  }
tec
execute0_lowered:
.L_overlay_start_1:
0x0: {  	(tag) =	ssettag $0x1  }
0x1: {  	v0 =	vimm.s32 $0x611E5B18;
	v55 =	vimm.s32 $0x6D2A6724  }
0x2: {  	v1 =	vimm.s32 $0x49064300;
	v2 =	vimm.s32 $0x55124F0C;
	v57 =	vlaneseq.u32  }
0x3: {  	vm0 =	vcmask $0x1F10;
	v59 =	vimm.s32 $0x621F5C19;
	v60 =	vimm.s32 $0x6E2B6825  }
0x4: {  	v62 =	vimm.s32 $0x4A074401;
	v63 =	vimm.s32 $0x5613500D;
	v4 =	vimm.s32 $0x63205D1A  }
0x5: {  	v6 =	vimm.s32 $0x6F2C6926;
	v7 =	vimm.s32 $0x4B084502;
	v16 =	vimm.s32 $0x5714510E  }
0x6: {  	v18 =	vimm.s32 $0x4300;
	v19 =	vimm.s32 $0x64215E1B;
	v14 =	vimm.s32 $0x2000  }
0x7: {  	vm10 =	vcmask $0x700;
	vm8 =	vcmask $0x300;
	vm1 =	vcmask $0xB08  }
0x8: {  	vm13 =	vcmask $0xF0C;
	vm4 =	vcmask $0xB04;
	vm2 =	vcmask $0x1310  }
0x9: {  	vm12 =	vcmask $0x1714;
	v33 =	vimm.s32 $0x4401;
	vm3 =	vcmask $0x1B18  }
0xa: {  	vm11 =	vcmask $0x1F1C;
	vm9 =	vcmask $0x2724;
	v35 =	vimm.s32 $0x4502  }
0xb: {  	vm5 =	vcmask $0x2B28;
	vm7 =	vcmask $0x2F2C;
	vm6 =	vcmask $0x3330  }
0xc: {  	v36 =	vimm.s32 $0x4603;
	v38 =	vimm.s32 $0x4704;
	v39 =	vimm.s32 $0x4805  }
0xd: {  	v40 =	vimm.s32 $0x4906;
	v41 =	vimm.s32 $0x4A07;
	v15 =	vimm.s32 $0x4B08  }
0xe: {  	v45 =	vimm.s32 $0x4C09;
	v51 =	vimm.s32 $0x5916;
	v52 =	vimm.s32 $0x5C19  }
0xf: {  	v21 =	vimm.s32 $0x5E1B;
	v22 =	vimm.s32 $0x5F1C;
	v23 =	vimm.s32 $0x601D  }
0x10: {  	v24 =	vimm.s32 $0x611E;
	v28 =	vimm.s32 $0x6522;
	v29 =	vimm.s32 $0x6623  }
0x11: {  	v30 =	vimm.s32 $0x6724;
	v53 =	vimm.s32 $0x6825;
	v54 =	vimm.s32 $0x6926  }
0x12: {  	v5 =	vunpack.c.0.s8.s32 v0;
	v3 =	vunpack.c.0.s8.s32 v55;
	v56 =	vunpack.c.0.s8.s32 v1  }
0x13: {  	v8 =	vunpack.c.0.s8.s32 v2;
	v1 =	vshrl.u32 v57, $0x1;
	v9 =	vunpack.c.0.s8.s32 v59  }
0x14: {  	v61 =	vunpack.c.0.s8.s32 v60;
	v10 =	vunpack.c.0.s8.s32 v63;
	v11 =	vunpack.c.0.s8.s32 v4  }
0x15: {  	v4 =	vunpack.c.0.s8.s32 v6;
	v12 =	vunpack.c.0.s8.s32 v16;
	v32 =	vsel vm8, $0x0, v14  }
0x16: {  	v2 =	vunpack.c.0.s8.s32 v33;
	v13 =	vunpack.c.0.s8.s32 v41;
	v15 =	vunpack.c.0.s8.s32 v15  }
0x17: {  	v16 =	vimm.s32 $0x5512;
	v47 =	vsel vm10, $0x0, v14;
	v14 =	vimm.s32 $0x5714  }
0x18: {  	v21 =	vunpack.c.0.s8.s32 v21;
	v25 =	vunpack.c.0.s8.s32 v22;
	v26 =	vunpack.c.0.s8.s32 v23  }
0x19: {  	v27 =	vunpack.c.0.s8.s32 v24;
	v55 =	vimm.s32 $0x6A27;
	v41 =	vimm.s32 $0x6C29  }
0x1a: {  	v57 =	vimm.s32 $0x6F2C;
	v59 =	vimm.s32 $0x7431;
	v60 =	vimm.s32 $0x7532  }
0x1b: {  	[tilespmem:$0x1F7D0] =	vst v1;
	v1 =	vunpack.c.0.s8.s32 v7;
	v16 =	vunpack.c.0.s8.s32 v16;
	v14 =	vunpack.c.0.s8.s32 v14  }
0x1c: {  	[tilespmem:$0x1F560] =	vst v47;
	v47 =	vimm.s32 $0x722F;
	v58 =	vsel vm0, v3, v5;
	v0 =	vsel vm0, v8, v56  }
0x1d: {  	[tilespmem:$0x1F9B0] =	vst v3;
	v3 =	vsel vm0, v61, v9;
	v17 =	vsel vm0, v4, v11;
	v34 =	vnsel vm10, $0x1C6E, v2  }
0x1e: {  	v2 =	vunpack.c.0.s8.s32 v35;
	v13 =	vnsel vm10, $0x1C74, v13;
	v42 =	vsel vm0, v5, v8  }
0x1f: {  	v43 =	vsel vm0, v9, v10;
	v44 =	vsel vm0, v11, v12;
	v5 =	vunpack.c.0.s8.s32 v45  }
0x20: {  	v8 =	vimm.s32 $0x4D0A;
	v9 =	vimm.s32 $0x4E0B;
	v11 =	vimm.s32 $0x500D  }
0x21: {  	v22 =	vnsel vm10, $0x2008, v21;
	v21 =	vnsel vm10, $0x200A, v26;
	v26 =	vimm.s32 $0x6320  }
0x22: {  	v56 =	vimm.s32 $0x6E2B;
	[tilespmem:$0x1F440] =	vst v58;
	v0 =	vcombine.low v0, v58;
	v1 =	vsel vm0, v12, v1  }
0x23: {  	[tilespmem:$0x1F7E0] =	vst v3;
	v3 =	vunpack.c.0.s8.s32 v36;
	v36 =	vnsel vm10, $0x1C75, v15;
	v8 =	vunpack.c.0.s8.s32 v8  }
0x24: {  	[tilespmem:$0x1F800] =	vst v17;
	v9 =	vunpack.c.0.s8.s32 v9;
	v12 =	vimm.s32 $0x520F;
	v15 =	vimm.s32 $0x5411  }
0x25: {  	[tilespmem:$0x1F9D0] =	vst v42;
	v50 =	vnsel vm10, $0x1C7F, v16;
	v17 =	vimm.s32 $0x5A17;
	v16 =	vunpack.c.0.s8.s32 v51  }
0x26: {  	[tilespmem:$0x1FA70] =	vst v44;
	v26 =	vunpack.c.0.s8.s32 v26;
	v42 =	vimm.s32 $0x6D2A;
	v44 =	vunpack.c.0.s8.s32 v41  }
0x27: {  	v58 =	vimm.s32 $0x702D;
	[tilespmem:$0x1F810] =	vst v1;
	v1 =	vunpack.c.0.s8.s32 v19;
	v2 =	vnsel vm10, $0x1C6F, v2  }
0x28: {  	v35 =	vnsel vm10, $0x1C76, v5;
	v15 =	vunpack.c.0.s8.s32 v15;
	[tilespmem:$0x1F550] =	vst v50;
	v19 =	vunpack.c.0.s8.s32 v17  }
0x29: {  	v45 =	vunpack.c.0.s8.s32 v42;
	v50 =	vunpack.c.0.s8.s32 v47;
	[tilespmem:$0x1F450] =	vst v0;
	v0 =	vunpack.c.0.s8.s32 v62  }
0x2a: {  	v2 =	vsel vm1, $0x408, v2;
	v33 =	vnsel vm10, $0x1C70, v3;
	v3 =	vunpack.c.0.s8.s32 v40  }
0x2b: {  	[tilespmem:$0x1FA00] =	vst v61;
	v61 =	vnsel vm10, $0x1C77, v8;
	v62 =	vnsel vm10, $0x1C78, v9;
	v9 =	vunpack.c.0.s8.s32 v11  }
0x2c: {  	v40 =	vimm.s32 $0x6B28;
	[tilespmem:$0x1F820] =	vst v1;
	v1 =	vsel vm4, $0x400, v32;
	vm4 =	vcmask $0x2320  }
0x2d: {  	[tilespmem:$0x1FA40] =	vst v43;
	v2 =	vsel vm13, $0x44B, v2;
	v49 =	vnsel vm10, $0x1C7E, v15;
	v15 =	vimm.s32 $0x5815  }
0x2e: {  	v43 =	vunpack.c.0.s8.s32 v40;
	v0 =	vsel vm0, v10, v0;
	[tilespmem:$0x1F870] =	vst v1;
	v1 =	vsel vm1, $0x407, v34  }
0x2f: {  	v2 =	vsel vm2, $0x80E, v2;
	v34 =	vnsel vm10, $0x1C73, v3;
	v10 =	vimm.s32 $0x4F0C  }
0x30: {  	v46 =	vnsel vm10, $0x1C7A, v9;
	v15 =	vunpack.c.0.s8.s32 v15;
	v3 =	vimm.s32 $0x7C39  }
0x31: {  	[tilespmem:$0x1F7F0] =	vst v0;
	v0 =	vunpack.c.0.s8.s32 v18;
	v1 =	vsel vm13, $0x44A, v1;
	v37 =	vsel vm12, $0x851, v2  }
0x32: {  	v10 =	vunpack.c.0.s8.s32 v10;
	[tilespmem:$0x1F520] =	vst v46;
	v18 =	vimm.s32 $0x5B18;
	v46 =	vimm.s32 $0x712E  }
0x33: {  	v2 =	vimm.s32 $0x7B38;
	v34 =	vsel vm1, $0x40C, v34;
	v1 =	vsel vm2, $0x80D, v1  }
0x34: {  	v63 =	vsel vm3, $0xC14, v37;
	v20 =	vunpack.c.0.s8.s32 v18;
	v18 =	vnsel vm10, $0x2001, v14  }
0x35: {  	v15 =	vnsel vm10, $0x2002, v15;
	v14 =	vnsel vm10, $0x2004, v19;
	v19 =	vunpack.c.0.s8.s32 v52  }
0x36: {  	[tilespmem:$0x1F540] =	vst v49;
	v37 =	vunpack.c.0.s8.s32 v28;
	v49 =	vunpack.c.0.s8.s32 v46;
	v52 =	vimm.s32 $0x7734  }
0x37: {  	v0 =	vnsel vm10, $0x1C6D, v0;
	v1 =	vsel vm12, $0x850, v1;
	v11 =	vnsel vm10, $0x1C79, v10  }
0x38: {  	v10 =	vimm.s32 $0x510E;
	v63 =	vsel vm11, $0xC57, v63;
	v0 =	vsel vm1, $0x406, v0  }
0x39: {  	v1 =	vsel vm3, $0xC13, v1;
	v9 =	vunpack.c.0.s8.s32 v10;
	v10 =	vunpack.c.0.s8.s32 v12  }
0x3a: {  	v12 =	vimm.s32 $0x5310;
	v23 =	vnsel vm10, $0x2006, v19;
	v19 =	vnsel vm10, $0x200B, v27  }
0x3b: {  	v27 =	vimm.s32 $0x6421;
	v0 =	vsel vm13, $0x449, v0;
	v1 =	vsel vm11, $0xC56, v1  }
0x3c: {  	v12 =	vunpack.c.0.s8.s32 v12;
	v27 =	vunpack.c.0.s8.s32 v27;
	v19 =	vsel vm1, $0x424, v19  }
0x3d: {  	v0 =	vsel vm2, $0x80C, v0;
	v1 =	vsel vm4, $0x1019, v1;
	v9 =	vnsel vm10, $0x1C7B, v9  }
0x3e: {  	v10 =	vnsel vm10, $0x1C7C, v10;
	v19 =	vsel vm13, $0x467, v19;
	v0 =	vsel vm12, $0x84F, v0  }
0x3f: {  	v1 =	vsel vm9, $0x105C, v1;
	v48 =	vnsel vm10, $0x1C7D, v12;
	v12 =	vimm.s32 $0x5613  }
0x40: {  	v28 =	vnsel vm10, $0x200E, v27;
	v19 =	vsel vm2, $0x82A, v19;
	v0 =	vsel vm3, $0xC12, v0  }
0x41: {  	v7 =	vsel vm5, $0x141F, v1;
	v1 =	vunpack.c.0.s8.s32 v39;
	v12 =	vunpack.c.0.s8.s32 v12  }
0x42: {  	v39 =	vunpack.c.0.s8.s32 v30;
	v30 =	vnsel vm10, $0x200D, v26;
	v26 =	vnsel vm10, $0x200F, v37  }
0x43: {  	[tilespmem:$0x1F530] =	vst v48;
	v37 =	vunpack.c.0.s8.s32 v53;
	v48 =	vimm.s32 $0x7330;
	v53 =	vimm.s32 $0x7835  }
0x44: {  	v19 =	vsel vm12, $0x86D, v19;
	v0 =	vsel vm11, $0xC55, v0;
	v51 =	vunpack.c.0.s8.s32 v48  }
0x45: {  	v7 =	vsel vm7, $0x1462, v7;
	v19 =	vsel vm3, $0xC30, v19;
	v0 =	vsel vm4, $0x1018, v0  }
0x46: {  	v32 =	vnsel vm10, $0x1C72, v1;
	v17 =	vnsel vm10, $0x2000, v12;
	v12 =	vnsel vm10, $0x2003, v16  }
0x47: {  	v16 =	vnsel vm10, $0x2005, v20;
	v20 =	vimm.s32 $0x5D1A;
	v41 =	vnsel vm10, $0x2012, v37  }
0x48: {  	v37 =	vnsel vm10, $0x2017, v45;
	v45 =	vunpack.c.0.s8.s32 v58;
	v1 =	vimm.s32 $0x7A37  }
0x49: {  	v58 =	vimm.s32 $0x7D3A;
	v19 =	vsel vm11, $0xC73, v19;
	v0 =	vsel vm9, $0x105B, v0  }
0x4a: {  	v20 =	vunpack.c.0.s8.s32 v20;
	v19 =	vsel vm4, $0x1036, v19;
	v0 =	vsel vm5, $0x141E, v0  }
0x4b: {  	v46 =	vnsel vm10, $0x201A, v45;
	v45 =	vnsel vm10, $0x201C, v50;
	v50 =	vunpack.c.0.s8.s32 v60  }
0x4c: {  	v60 =	vimm.s32 $0x7F3C;
	v19 =	vsel vm9, $0x1079, v19;
	v0 =	vsel vm7, $0x1461, v0  }
0x4d: {  	v24 =	vnsel vm10, $0x2007, v20;
	v20 =	vnsel vm10, $0x2009, v25;
	v25 =	vimm.s32 $0x621F  }
0x4e: {  	v19 =	vsel vm5, $0x143C, v19;
	v6 =	vsel vm6, $0x1824, v0;
	v0 =	vunpack.c.0.s8.s32 v38  }
0x4f: {  	v25 =	vunpack.c.0.s8.s32 v25;
	v38 =	vunpack.c.0.s8.s32 v29;
	v19 =	vsel vm7, $0x147F, v19  }
0x50: {  	v37 =	vsel vm1, $0x430, v37;
	v5 =	vunpack.c.0.s8.s32 v60;
	v19 =	vsel vm6, $0x1842, v19  }
0x51: {  	v31 =	vnsel vm10, $0x1C71, v0;
	v29 =	vnsel vm10, $0x200C, v25;
	v27 =	vnsel vm10, $0x2010, v38  }
0x52: {  	v25 =	vnsel vm10, $0x2011, v39;
	v38 =	vunpack.c.0.s8.s32 v54;
	v39 =	vunpack.c.0.s8.s32 v55  }
0x53: {  	v0 =	vimm.s32 $0x7633;
	v54 =	vimm.s32 $0x7936;
	v55 =	vunpack.c.0.s8.s32 v52  }
0x54: {  	v25 =	vsel vm1, $0x42A, v25;
	v42 =	vnsel vm10, $0x2013, v38;
	v40 =	vnsel vm10, $0x2014, v39  }
0x55: {  	v38 =	vnsel vm10, $0x2015, v43;
	v39 =	vnsel vm10, $0x2016, v44;
	v43 =	vunpack.c.0.s8.s32 v56  }
0x56: {  	v44 =	vunpack.c.0.s8.s32 v57;
	v56 =	vunpack.c.0.s8.s32 v53;
	v57 =	vunpack.c.0.s8.s32 v54  }
0x57: {  	v54 =	vnsel vm10, $0x201F, v50;
	v50 =	vnsel vm10, $0x2021, v55;
	v55 =	vunpack.c.0.s8.s32 v1  }
0x58: {  	v1 =	vsel vm4, $0x101A, v63;
	v63 =	vimm.s32 $0x202E;
	v25 =	vsel vm13, $0x46D, v25  }
0x59: {  	v1 =	vsel vm9, $0x105D, v1;
	v25 =	vsel vm2, $0x830, v25;
	v47 =	vnsel vm10, $0x2018, v43  }
0x5a: {  	v48 =	vnsel vm10, $0x2019, v44;
	v44 =	vnsel vm10, $0x201B, v49;
	v43 =	vnsel vm10, $0x201D, v51  }
0x5b: {  	v49 =	vunpack.c.0.s8.s32 v59;
	v51 =	vunpack.c.0.s8.s32 v0;
	v59 =	vimm.s32 $0x7E3B  }
0x5c: {  	v0 =	vunpack.c.0.s8.s32 v58;
	v1 =	vsel vm5, $0x1420, v1;
	v25 =	vsel vm12, $0x873, v25  }
0x5d: {  	[tilespmem:$0x1FA20] =	vst v4;
	v4 =	vunpack.c.0.s8.s32 v59;
	v59 =	vnsel vm10, $0x2024, v55;
	v55 =	vnsel vm10, $0x2029, v5  }
0x5e: {  	v1 =	vsel vm7, $0x1463, v1;
	v25 =	vsel vm3, $0xC36, v25;
	v53 =	vnsel vm10, $0x201E, v49  }
0x5f: {  	v52 =	vnsel vm10, $0x2020, v51;
	v51 =	vnsel vm10, $0x2022, v56;
	v56 =	vunpack.c.0.s8.s32 v2  }
0x60: {  	v49 =	vnsel vm10, $0x2023, v57;
	v57 =	vunpack.c.0.s8.s32 v3;
	v25 =	vsel vm11, $0xC79, v25  }
0x61: {  	v3 =	vimm.s32 $0x202D;
	v25 =	vsel vm4, $0x103C, v25;
	v60 =	vnsel vm10, $0x2025, v56  }
0x62: {  	v58 =	vnsel vm10, $0x2026, v57;
	v56 =	vnsel vm10, $0x2027, v0;
	v57 =	vnsel vm10, $0x2028, v4  }
0x63: {  	vm10 =	vcmask $0x3734;
	v0 =	vsel vm6, $0x1825, v7;
	v7 =	vsel vm8, $0x41, v63  }
0x64: {  	v4 =	vimm.s32 $0x202C;
	v25 =	vsel vm9, $0x107F, v25;
	v2 =	vsel vm10, $0x1867, v6  }
0x65: {  	v6 =	vsel vm8, $0x40, v3;
	v3 =	vimm.s32 $0x202A;
	v4 =	vsel vm8, $0x3F, v4  }
0x66: {  	v0 =	vsel vm10, $0x1868, v0;
	v25 =	vsel vm5, $0x1442, v25;
	v19 =	vsel vm10, $0x1C05, v19  }
0x67: {  	v63 =	vsel vm8, $0x3D, v3;
	v3 =	vimm.s32 $0x202B;
	v25 =	vsel vm7, $0x1805, v25  }
0x68: {  	v3 =	vsel vm8, $0x3E, v3;
	vm8 =	vcmask $0x704;
	v25 =	vsel vm6, $0x1848, v25  }
0x69: {  	v5 =	vsel vm8, $0x403, v6;
	v6 =	vsel vm8, $0x404, v7;
	v8 =	vsel vm8, $0x400, v63  }
0x6a: {  	v7 =	vsel vm8, $0x401, v3;
	v63 =	vsel vm8, $0x402, v4;
	vm8 =	vcmask $0x3B38  }
0x6b: {  	v4 =	vsel vm6, $0x1826, v1;
	v25 =	vsel vm10, $0x1C0B, v25;
	v2 =	vsel vm8, $0x1C2A, v2  }
0x6c: {  	v0 =	vsel vm8, $0x1C2B, v0;
	v8 =	vsel vm1, $0x443, v8;
	v7 =	vsel vm1, $0x444, v7  }
0x6d: {  	v63 =	vsel vm1, $0x445, v63;
	[tilespmem:$0x1F470] =	vst v0;
	v0 =	vsel vm10, $0x1869, v4;
	v4 =	vsel vm1, $0x409, v33  }
0x6e: {  	v33 =	vsel vm1, $0x40A, v31;
	v31 =	vsel vm1, $0x42F, v39;
	v39 =	vsel vm1, $0x432, v48  }
0x6f: {  	v48 =	vsel vm1, $0x43A, v50;
	v50 =	vsel vm1, $0x43B, v51;
	v51 =	vsel vm1, $0x43C, v49  }
0x70: {  	v8 =	vsel vm13, $0x806, v8;
	v7 =	vsel vm13, $0x807, v7;
	v0 =	vsel vm8, $0x1C2C, v0  }
0x71: {  	v4 =	vsel vm13, $0x44C, v4;
	v33 =	vsel vm13, $0x44D, v33;
	v31 =	vsel vm13, $0x472, v31  }
0x72: {  	v8 =	vsel vm2, $0x849, v8;
	v7 =	vsel vm2, $0x84A, v7;
	[tilespmem:$0x1F480] =	vst v0;
	v0 =	vsel vm2, $0x80F, v4  }
0x73: {  	v1 =	vsel vm2, $0x810, v33;
	v4 =	vsel vm1, $0x40B, v32;
	v31 =	vsel vm2, $0x835, v31  }
0x74: {  	v8 =	vsel vm12, $0xC0C, v8;
	v7 =	vsel vm12, $0xC0D, v7;
	v0 =	vsel vm12, $0x852, v0  }
0x75: {  	[tilespmem:$0x1F460] =	vst v2;
	v1 =	vsel vm12, $0x853, v1;
	v2 =	vsel vm13, $0x44E, v4;
	v4 =	vsel vm1, $0x40D, v13  }
0x76: {  	v31 =	vsel vm12, $0x878, v31;
	v8 =	vsel vm3, $0xC4F, v8;
	v7 =	vsel vm3, $0xC50, v7  }
0x77: {  	v0 =	vsel vm3, $0xC15, v0;
	v1 =	vsel vm3, $0xC16, v1;
	v2 =	vsel vm2, $0x811, v2  }
0x78: {  	v31 =	vsel vm3, $0xC3B, v31;
	v8 =	vsel vm11, $0x1012, v8;
	v7 =	vsel vm11, $0x1013, v7  }
0x79: {  	v0 =	vsel vm11, $0xC58, v0;
	v1 =	vsel vm11, $0xC59, v1;
	v2 =	vsel vm12, $0x854, v2  }
0x7a: {  	v31 =	vsel vm11, $0xC7E, v31;
	v8 =	vsel vm4, $0x1055, v8;
	v7 =	vsel vm4, $0x1056, v7  }
0x7b: {  	v0 =	vsel vm4, $0x101B, v0;
	v1 =	vsel vm4, $0x101C, v1;
	v2 =	vsel vm3, $0xC17, v2  }
0x7c: {  	v31 =	vsel vm4, $0x1041, v31;
	v8 =	vsel vm9, $0x1418, v8;
	v7 =	vsel vm9, $0x1419, v7  }
0x7d: {  	v0 =	vsel vm9, $0x105E, v0;
	v1 =	vsel vm9, $0x105F, v1;
	v2 =	vsel vm11, $0xC5A, v2  }
0x7e: {  	v31 =	vsel vm9, $0x1404, v31;
	v8 =	vsel vm5, $0x145B, v8;
	v7 =	vsel vm5, $0x145C, v7  }
0x7f: {  	v0 =	vsel vm5, $0x1421, v0;
	v1 =	vsel vm5, $0x1422, v1;
	v2 =	vsel vm4, $0x101D, v2  }
0x80: {  	v31 =	vsel vm5, $0x1447, v31;
	v8 =	vsel vm7, $0x181E, v8;
	v7 =	vsel vm7, $0x181F, v7  }
0x81: {  	v0 =	vsel vm7, $0x1464, v0;
	v1 =	vsel vm7, $0x1465, v1;
	v2 =	vsel vm9, $0x1060, v2  }
0x82: {  	v31 =	vsel vm7, $0x180A, v31;
	v8 =	vsel vm6, $0x1861, v8;
	v7 =	vsel vm6, $0x1862, v7  }
0x83: {  	v0 =	vsel vm6, $0x1827, v0;
	v1 =	vsel vm6, $0x1828, v1;
	v2 =	vsel vm5, $0x1423, v2  }
0x84: {  	v8 =	vsel vm10, $0x1C24, v8;
	v0 =	vsel vm10, $0x186A, v0;
	v2 =	vsel vm7, $0x1466, v2  }
0x85: {  	v1 =	vsel vm10, $0x186B, v1;
	v0 =	vsel vm8, $0x1C2D, v0;
	v33 =	vsel vm6, $0x1829, v2  }
0x86: {  	v7 =	vsel vm10, $0x1C25, v7;
	v32 =	vsel vm8, $0x1C2E, v1;
	[tilespmem:$0x1F490] =	vst v0;
	v0 =	vsel vm10, $0x186C, v33  }
0x87: {  	[tilespmem:$0x1F4A0] =	vst v32;
	v32 =	vsel vm13, $0x44F, v34;
	v33 =	vsel vm13, $0x450, v4;
	v34 =	vsel vm1, $0x446, v5  }
0x88: {  	v0 =	vsel vm8, $0x1C2F, v0;
	v1 =	vsel vm2, $0x813, v33;
	v2 =	vsel vm13, $0x809, v34  }
0x89: {  	v33 =	vsel vm1, $0x40E, v36;
	[tilespmem:$0x1F4B0] =	vst v0;
	v0 =	vsel vm2, $0x812, v32;
	v1 =	vsel vm12, $0x856, v1  }
0x8a: {  	v2 =	vsel vm2, $0x84C, v2;
	v32 =	vsel vm1, $0x447, v6;
	v36 =	vsel vm13, $0x451, v33  }
0x8b: {  	v33 =	vsel vm1, $0x411, v62;
	v0 =	vsel vm12, $0x855, v0;
	v1 =	vsel vm3, $0xC19, v1  }
0x8c: {  	v2 =	vsel vm12, $0xC0F, v2;
	v34 =	vsel vm13, $0x80A, v32;
	v32 =	vsel vm1, $0x410, v61  }
0x8d: {  	v0 =	vsel vm3, $0xC18, v0;
	v1 =	vsel vm11, $0xC5C, v1;
	v2 =	vsel vm3, $0xC52, v2  }
0x8e: {  	v0 =	vsel vm11, $0xC5B, v0;
	v1 =	vsel vm4, $0x101F, v1;
	v2 =	vsel vm11, $0x1015, v2  }
0x8f: {  	v0 =	vsel vm4, $0x101E, v0;
	v1 =	vsel vm9, $0x1062, v1;
	v2 =	vsel vm4, $0x1058, v2  }
0x90: {  	v0 =	vsel vm9, $0x1061, v0;
	v1 =	vsel vm5, $0x1425, v1;
	v2 =	vsel vm9, $0x141B, v2  }
0x91: {  	v0 =	vsel vm5, $0x1424, v0;
	v1 =	vsel vm7, $0x1468, v1;
	v2 =	vsel vm5, $0x145E, v2  }
0x92: {  	v0 =	vsel vm7, $0x1467, v0;
	v1 =	vsel vm6, $0x182B, v1;
	v2 =	vsel vm7, $0x1821, v2  }
0x93: {  	v0 =	vsel vm6, $0x182A, v0;
	v1 =	vsel vm10, $0x186E, v1;
	v5 =	vsel vm6, $0x1864, v2  }
0x94: {  	v0 =	vsel vm10, $0x186D, v0;
	v4 =	vsel vm8, $0x1C31, v1;
	v1 =	vsel vm2, $0x814, v36  }
0x95: {  	v36 =	vsel vm1, $0x412, v11;
	v11 =	vsel vm1, $0x41C, v12;
	v12 =	vsel vm1, $0x41D, v14  }
0x96: {  	v14 =	vsel vm1, $0x41E, v16;
	v0 =	vsel vm8, $0x1C30, v0;
	[tilespmem:$0x1F4D0] =	vst v4;
	v4 =	vsel vm1, $0x40F, v35  }
0x97: {  	v1 =	vsel vm12, $0x857, v1;
	v35 =	vsel vm13, $0x454, v33;
	v11 =	vsel vm13, $0x45F, v11  }
0x98: {  	v12 =	vsel vm13, $0x460, v12;
	v14 =	vsel vm13, $0x461, v14;
	[tilespmem:$0x1F4C0] =	vst v0;
	v0 =	vsel vm10, $0x1C27, v5  }
0x99: {  	v2 =	vsel vm13, $0x452, v4;
	v1 =	vsel vm3, $0xC1A, v1;
	v11 =	vsel vm2, $0x822, v11  }
0x9a: {  	v12 =	vsel vm2, $0x823, v12;
	v14 =	vsel vm2, $0x824, v14;
	v13 =	vsel vm8, $0x1C6A, v0  }
0x9b: {  	v0 =	vsel vm2, $0x84D, v34;
	v2 =	vsel vm2, $0x815, v2;
	v1 =	vsel vm11, $0xC5D, v1  }
0x9c: {  	v34 =	vsel vm13, $0x453, v32;
	v32 =	vsel vm1, $0x415, v10;
	v10 =	vsel vm1, $0x41B, v15  }
0x9d: {  	v15 =	vsel vm1, $0x41F, v23;
	v23 =	vsel vm1, $0x427, v28;
	v28 =	vsel vm1, $0x42C, v42  }
0x9e: {  	v42 =	vsel vm1, $0x435, v45;
	v45 =	vsel vm1, $0x437, v53;
	v53 =	vsel vm1, $0x43E, v60  }
0x9f: {  	v60 =	vsel vm1, $0x442, v55;
	v11 =	vsel vm12, $0x865, v11;
	v12 =	vsel vm12, $0x866, v12  }
0xa0: {  	v14 =	vsel vm12, $0x867, v14;
	v0 =	vsel vm12, $0xC10, v0;
	v2 =	vsel vm12, $0x858, v2  }
0xa1: {  	v1 =	vsel vm4, $0x1020, v1;
	v10 =	vsel vm13, $0x45E, v10;
	v15 =	vsel vm13, $0x462, v15  }
0xa2: {  	v23 =	vsel vm13, $0x46A, v23;
	v28 =	vsel vm13, $0x46F, v28;
	v11 =	vsel vm3, $0xC28, v11  }
0xa3: {  	v12 =	vsel vm3, $0xC29, v12;
	v14 =	vsel vm3, $0xC2A, v14;
	v0 =	vsel vm3, $0xC53, v0  }
0xa4: {  	v2 =	vsel vm3, $0xC1B, v2;
	v1 =	vsel vm9, $0x1063, v1;
	v10 =	vsel vm2, $0x821, v10  }
0xa5: {  	v15 =	vsel vm2, $0x825, v15;
	v23 =	vsel vm2, $0x82D, v23;
	v28 =	vsel vm2, $0x832, v28  }
0xa6: {  	v11 =	vsel vm11, $0xC6B, v11;
	v12 =	vsel vm11, $0xC6C, v12;
	v14 =	vsel vm11, $0xC6D, v14  }
0xa7: {  	v0 =	vsel vm11, $0x1016, v0;
	v2 =	vsel vm11, $0xC5E, v2;
	v1 =	vsel vm5, $0x1426, v1  }
0xa8: {  	v10 =	vsel vm12, $0x864, v10;
	v15 =	vsel vm12, $0x868, v15;
	v23 =	vsel vm12, $0x870, v23  }
0xa9: {  	v28 =	vsel vm12, $0x875, v28;
	v11 =	vsel vm4, $0x102E, v11;
	v12 =	vsel vm4, $0x102F, v12  }
0xaa: {  	v14 =	vsel vm4, $0x1030, v14;
	v0 =	vsel vm4, $0x1059, v0;
	v2 =	vsel vm4, $0x1021, v2  }
0xab: {  	v1 =	vsel vm7, $0x1469, v1;
	v10 =	vsel vm3, $0xC27, v10;
	v15 =	vsel vm3, $0xC2B, v15  }
0xac: {  	v23 =	vsel vm3, $0xC33, v23;
	v28 =	vsel vm3, $0xC38, v28;
	v11 =	vsel vm9, $0x1071, v11  }
0xad: {  	v12 =	vsel vm9, $0x1072, v12;
	v14 =	vsel vm9, $0x1073, v14;
	v0 =	vsel vm9, $0x141C, v0  }
0xae: {  	v2 =	vsel vm9, $0x1064, v2;
	v1 =	vsel vm6, $0x182C, v1;
	v10 =	vsel vm11, $0xC6A, v10  }
0xaf: {  	v15 =	vsel vm11, $0xC6E, v15;
	v23 =	vsel vm11, $0xC76, v23;
	v28 =	vsel vm11, $0xC7B, v28  }
0xb0: {  	v11 =	vsel vm5, $0x1434, v11;
	v12 =	vsel vm5, $0x1435, v12;
	v14 =	vsel vm5, $0x1436, v14  }
0xb1: {  	v0 =	vsel vm5, $0x145F, v0;
	v2 =	vsel vm5, $0x1427, v2;
	v1 =	vsel vm10, $0x186F, v1  }
0xb2: {  	v10 =	vsel vm4, $0x102D, v10;
	v15 =	vsel vm4, $0x1031, v15;
	v23 =	vsel vm4, $0x1039, v23  }
0xb3: {  	v28 =	vsel vm4, $0x103E, v28;
	v11 =	vsel vm7, $0x1477, v11;
	v12 =	vsel vm7, $0x1478, v12  }
0xb4: {  	v14 =	vsel vm7, $0x1479, v14;
	v0 =	vsel vm7, $0x1822, v0;
	v2 =	vsel vm7, $0x146A, v2  }
0xb5: {  	v5 =	vsel vm8, $0x1C32, v1;
	v1 =	vsel vm2, $0x817, v35;
	v10 =	vsel vm9, $0x1070, v10  }
0xb6: {  	v15 =	vsel vm9, $0x1074, v15;
	v23 =	vsel vm9, $0x107C, v23;
	v28 =	vsel vm9, $0x1401, v28  }
0xb7: {  	v11 =	vsel vm6, $0x183A, v11;
	v12 =	vsel vm6, $0x183B, v12;
	v14 =	vsel vm6, $0x183C, v14  }
0xb8: {  	v0 =	vsel vm6, $0x1865, v0;
	v6 =	vsel vm6, $0x182D, v2;
	v1 =	vsel vm12, $0x85A, v1  }
0xb9: {  	v2 =	vsel vm13, $0x455, v36;
	v10 =	vsel vm5, $0x1433, v10;
	v15 =	vsel vm5, $0x1437, v15  }
0xba: {  	v23 =	vsel vm5, $0x143F, v23;
	v28 =	vsel vm5, $0x1444, v28;
	v11 =	vsel vm10, $0x187D, v11  }
0xbb: {  	v12 =	vsel vm10, $0x187E, v12;
	v14 =	vsel vm10, $0x187F, v14;
	v0 =	vsel vm10, $0x1C28, v0  }
0xbc: {  	v1 =	vsel vm3, $0xC1D, v1;
	v2 =	vsel vm2, $0x818, v2;
	v10 =	vsel vm7, $0x1476, v10  }
0xbd: {  	v15 =	vsel vm7, $0x147A, v15;
	v23 =	vsel vm7, $0x1802, v23;
	v28 =	vsel vm7, $0x1807, v28  }
0xbe: {  	v0 =	vsel vm8, $0x1C6B, v0;
	v1 =	vsel vm11, $0xC60, v1;
	v2 =	vsel vm12, $0x85B, v2  }
0xbf: {  	v35 =	vld [tilespmem:$0x1F530];
	v10 =	vsel vm6, $0x1839, v10;
	v15 =	vsel vm6, $0x183D, v15;
	v23 =	vsel vm6, $0x1845, v23  }
0xc0: {  	v28 =	vsel vm6, $0x184A, v28;
	[tilespmem:$0x1F4E0] =	vst v0;
	v0 =	vsel vm10, $0x1870, v6;
	v1 =	vsel vm4, $0x1023, v1  }
0xc1: {  	v2 =	vsel vm3, $0xC1E, v2;
	v6 =	vsel vm1, $0x414, v9;
	v9 =	vsel vm1, $0x41A, v18  }
0xc2: {  	v10 =	vsel vm10, $0x187C, v10;
	v15 =	vsel vm10, $0x1C00, v15;
	v23 =	vsel vm10, $0x1C08, v23  }
0xc3: {  	v62 =	vsel vm8, $0x1C33, v0;
	v0 =	vsel vm2, $0x816, v34;
	v1 =	vsel vm9, $0x1066, v1  }
0xc4: {  	v2 =	vsel vm11, $0xC61, v2;
	v3 =	vsel vm1, $0x416, v35;
	v9 =	vsel vm13, $0x45D, v9  }
0xc5: {  	v35 =	vsel vm1, $0x421, v22;
	v22 =	vsel vm1, $0x426, v30;
	v30 =	vsel vm1, $0x42E, v38  }
0xc6: {  	v38 =	vsel vm1, $0x431, v47;
	v47 =	vsel vm1, $0x439, v52;
	v52 =	vsel vm1, $0x43D, v59  }
0xc7: {  	v59 =	vsel vm1, $0x441, v57;
	v0 =	vsel vm12, $0x859, v0;
	v1 =	vsel vm5, $0x1429, v1  }
0xc8: {  	v2 =	vsel vm4, $0x1024, v2;
	v3 =	vsel vm13, $0x459, v3;
	v22 =	vsel vm13, $0x469, v22  }
0xc9: {  	v30 =	vsel vm13, $0x471, v30;
	v49 =	vsel vm13, $0x804, v59;
	v9 =	vsel vm2, $0x820, v9  }
0xca: {  	v0 =	vsel vm3, $0xC1C, v0;
	v1 =	vsel vm7, $0x146C, v1;
	v2 =	vsel vm9, $0x1067, v2  }
0xcb: {  	v3 =	vsel vm2, $0x81C, v3;
	v9 =	vsel vm12, $0x863, v9;
	v22 =	vsel vm2, $0x82C, v22  }
0xcc: {  	v30 =	vsel vm2, $0x834, v30;
	v49 =	vsel vm2, $0x847, v49;
	v0 =	vsel vm11, $0xC5F, v0  }
0xcd: {  	v1 =	vsel vm6, $0x182F, v1;
	v2 =	vsel vm5, $0x142A, v2;
	v3 =	vsel vm12, $0x85F, v3  }
0xce: {  	v22 =	vsel vm12, $0x86F, v22;
	v30 =	vsel vm12, $0x877, v30;
	v49 =	vsel vm12, $0xC0A, v49  }
0xcf: {  	v9 =	vsel vm3, $0xC26, v9;
	v0 =	vsel vm4, $0x1022, v0;
	v1 =	vsel vm10, $0x1872, v1  }
0xd0: {  	v2 =	vsel vm7, $0x146D, v2;
	v3 =	vsel vm3, $0xC22, v3;
	v9 =	vsel vm11, $0xC69, v9  }
0xd1: {  	v36 =	vld [tilespmem:$0x1F540];
	v22 =	vsel vm3, $0xC32, v22;
	v30 =	vsel vm3, $0xC3A, v30;
	v49 =	vsel vm3, $0xC4D, v49  }
0xd2: {  	v0 =	vsel vm9, $0x1065, v0;
	v61 =	vsel vm8, $0x1C35, v1;
	v4 =	vsel vm6, $0x1830, v2  }
0xd3: {  	v1 =	vsel vm13, $0x457, v6;
	v2 =	vsel vm13, $0x458, v32;
	v3 =	vsel vm11, $0xC65, v3  }
0xd4: {  	v22 =	vsel vm11, $0xC75, v22;
	v30 =	vsel vm11, $0xC7D, v30;
	v49 =	vsel vm11, $0x1010, v49  }
0xd5: {  	v9 =	vsel vm4, $0x102C, v9;
	v0 =	vsel vm5, $0x1428, v0;
	[tilespmem:$0x1F510] =	vst v61;
	v61 =	vsel vm10, $0x1873, v4  }
0xd6: {  	v1 =	vsel vm2, $0x81A, v1;
	v2 =	vsel vm2, $0x81B, v2;
	v4 =	vsel vm1, $0x417, v36  }
0xd7: {  	v36 =	vsel vm1, $0x422, v20;
	v20 =	vsel vm1, $0x423, v21;
	v21 =	vsel vm1, $0x425, v29  }
0xd8: {  	v29 =	vsel vm1, $0x42D, v40;
	v40 =	vsel vm1, $0x433, v46;
	v46 =	vsel vm1, $0x438, v54  }
0xd9: {  	v54 =	vsel vm1, $0x43F, v58;
	v58 =	vsel vm1, $0x440, v56;
	v3 =	vsel vm4, $0x1028, v3  }
0xda: {  	v9 =	vsel vm9, $0x106F, v9;
	v22 =	vsel vm4, $0x1038, v22;
	v30 =	vsel vm4, $0x1040, v30  }
0xdb: {  	v49 =	vsel vm4, $0x1053, v49;
	v0 =	vsel vm7, $0x146B, v0;
	v1 =	vsel vm12, $0x85D, v1  }
0xdc: {  	v2 =	vsel vm12, $0x85E, v2;
	v4 =	vsel vm13, $0x45A, v4;
	v18 =	vsel vm13, $0x465, v36  }
0xdd: {  	v20 =	vsel vm13, $0x466, v20;
	v21 =	vsel vm13, $0x468, v21;
	v29 =	vsel vm13, $0x470, v29  }
0xde: {  	v3 =	vsel vm9, $0x106B, v3;
	v22 =	vsel vm9, $0x107B, v22;
	v30 =	vsel vm9, $0x1403, v30  }
0xdf: {  	v49 =	vsel vm9, $0x1416, v49;
	v9 =	vsel vm5, $0x1432, v9;
	v0 =	vsel vm6, $0x182E, v0  }
0xe0: {  	v1 =	vsel vm3, $0xC20, v1;
	v2 =	vsel vm3, $0xC21, v2;
	v4 =	vsel vm2, $0x81D, v4  }
0xe1: {  	v18 =	vsel vm2, $0x828, v18;
	v20 =	vsel vm2, $0x829, v20;
	v21 =	vsel vm2, $0x82B, v21  }
0xe2: {  	v29 =	vsel vm2, $0x833, v29;
	v3 =	vsel vm5, $0x142E, v3;
	v9 =	vsel vm7, $0x1475, v9  }
0xe3: {  	v22 =	vsel vm5, $0x143E, v22;
	v30 =	vsel vm5, $0x1446, v30;
	v49 =	vsel vm5, $0x1459, v49  }
0xe4: {  	v0 =	vsel vm10, $0x1871, v0;
	v1 =	vsel vm11, $0xC63, v1;
	v2 =	vsel vm11, $0xC64, v2  }
0xe5: {  	v4 =	vsel vm12, $0x860, v4;
	v18 =	vsel vm12, $0x86B, v18;
	v20 =	vsel vm12, $0x86C, v20  }
0xe6: {  	v21 =	vsel vm12, $0x86E, v21;
	v29 =	vsel vm12, $0x876, v29;
	v3 =	vsel vm7, $0x1471, v3  }
0xe7: {  	[tilespmem:$0x1F4F0] =	vst v5;
	v5 =	vld [tilespmem:$0x1F520];
	v22 =	vsel vm7, $0x1801, v22;
	v30 =	vsel vm7, $0x1809, v30;
	v49 =	vsel vm7, $0x181C, v49  }
0xe8: {  	v32 =	vld [tilespmem:$0x1F550];
	v9 =	vsel vm6, $0x1838, v9;
	v0 =	vsel vm8, $0x1C34, v0;
	v1 =	vsel vm4, $0x1026, v1  }
0xe9: {  	v2 =	vsel vm4, $0x1027, v2;
	v4 =	vsel vm3, $0xC23, v4;
	v18 =	vsel vm3, $0xC2E, v18  }
0xea: {  	v20 =	vsel vm3, $0xC2F, v20;
	v21 =	vsel vm3, $0xC31, v21;
	v29 =	vsel vm3, $0xC39, v29  }
0xeb: {  	v3 =	vsel vm6, $0x1834, v3;
	v9 =	vsel vm10, $0x187B, v9;
	v22 =	vsel vm6, $0x1844, v22  }
0xec: {  	[tilespmem:$0x1F500] =	vst v0;
	v0 =	vsel vm1, $0x413, v5;
	v1 =	vsel vm9, $0x1069, v1;
	v2 =	vsel vm9, $0x106A, v2  }
0xed: {  	v5 =	vsel vm1, $0x418, v32;
	v32 =	vsel vm13, $0x473, v37;
	v37 =	vsel vm13, $0x478, v42  }
0xee: {  	v42 =	vsel vm13, $0x47D, v48;
	v48 =	vsel vm13, $0x803, v58;
	v4 =	vsel vm11, $0xC66, v4  }
0xef: {  	v18 =	vsel vm11, $0xC71, v18;
	v20 =	vsel vm11, $0xC72, v20;
	v21 =	vsel vm11, $0xC74, v21  }
0xf0: {  	v29 =	vsel vm11, $0xC7C, v29;
	v3 =	vsel vm10, $0x1877, v3;
	v22 =	vsel vm10, $0x1C07, v22  }
0xf1: {  	v0 =	vsel vm13, $0x456, v0;
	v1 =	vsel vm5, $0x142C, v1;
	v2 =	vsel vm5, $0x142D, v2  }
0xf2: {  	v5 =	vsel vm13, $0x45B, v5;
	v32 =	vsel vm2, $0x836, v32;
	v37 =	vsel vm2, $0x83B, v37  }
0xf3: {  	v42 =	vsel vm2, $0x840, v42;
	v48 =	vsel vm2, $0x846, v48;
	v4 =	vsel vm4, $0x1029, v4  }
0xf4: {  	v18 =	vsel vm4, $0x1034, v18;
	v20 =	vsel vm4, $0x1035, v20;
	v21 =	vsel vm4, $0x1037, v21  }
0xf5: {  	v29 =	vsel vm4, $0x103F, v29;
	v0 =	vsel vm2, $0x819, v0;
	v1 =	vsel vm7, $0x146F, v1  }
0xf6: {  	v33 =	vsel vm7, $0x1470, v2;
	v5 =	vsel vm2, $0x81E, v5;
	v32 =	vsel vm12, $0x879, v32  }
0xf7: {  	v37 =	vsel vm12, $0x87E, v37;
	v42 =	vsel vm12, $0xC03, v42;
	v48 =	vsel vm12, $0xC09, v48  }
0xf8: {  	v4 =	vsel vm9, $0x106C, v4;
	v18 =	vsel vm9, $0x1077, v18;
	v20 =	vsel vm9, $0x1078, v20  }
0xf9: {  	v21 =	vsel vm9, $0x107A, v21;
	v29 =	vsel vm9, $0x1402, v29;
	v0 =	vsel vm12, $0x85C, v0  }
0xfa: {  	v1 =	vsel vm6, $0x1832, v1;
	v34 =	vsel vm6, $0x1833, v33;
	v33 =	vsel vm1, $0x419, v17  }
0xfb: {  	v17 =	vsel vm13, $0x464, v35;
	v35 =	vsel vm13, $0x476, v40;
	v40 =	vsel vm13, $0x47B, v46  }
0xfc: {  	v46 =	vsel vm13, $0x801, v53;
	v5 =	vsel vm12, $0x861, v5;
	v32 =	vsel vm3, $0xC3C, v32  }
0xfd: {  	v37 =	vsel vm3, $0xC41, v37;
	v42 =	vsel vm3, $0xC46, v42;
	v48 =	vsel vm3, $0xC4C, v48  }
0xfe: {  	v4 =	vsel vm5, $0x142F, v4;
	v18 =	vsel vm5, $0x143A, v18;
	v20 =	vsel vm5, $0x143B, v20  }
0xff: {  	v21 =	vsel vm5, $0x143D, v21;
	v29 =	vsel vm5, $0x1445, v29;
	v0 =	vsel vm3, $0xC1F, v0  }
0x100: {  	v2 =	vsel vm10, $0x1875, v1;
	v1 =	vsel vm10, $0x1876, v34;
	v6 =	vsel vm13, $0x45C, v33  }
0x101: {  	v34 =	vsel vm1, $0x420, v24;
	v24 =	vsel vm1, $0x428, v26;
	v26 =	vsel vm1, $0x429, v27  }
0x102: {  	v27 =	vsel vm1, $0x42B, v41;
	v33 =	vsel vm13, $0x474, v38;
	v41 =	vsel vm1, $0x434, v44  }
0x103: {  	v44 =	vsel vm1, $0x436, v43;
	v43 =	vsel vm13, $0x47E, v50;
	v50 =	vsel vm13, $0x805, v60  }
0x104: {  	v17 =	vsel vm2, $0x827, v17;
	v35 =	vsel vm2, $0x839, v35;
	v40 =	vsel vm2, $0x83E, v40  }
0x105: {  	v46 =	vsel vm2, $0x844, v46;
	v5 =	vsel vm3, $0xC24, v5;
	v32 =	vsel vm11, $0xC7F, v32  }
0x106: {  	v37 =	vsel vm11, $0x1004, v37;
	v42 =	vsel vm11, $0x1009, v42;
	v48 =	vsel vm11, $0x100F, v48  }
0x107: {  	v4 =	vsel vm7, $0x1472, v4;
	v18 =	vsel vm7, $0x147D, v18;
	v20 =	vsel vm7, $0x147E, v20  }
0x108: {  	v21 =	vsel vm7, $0x1800, v21;
	v29 =	vsel vm7, $0x1808, v29;
	v0 =	vsel vm11, $0xC62, v0  }
0x109: {  	v16 =	vsel vm13, $0x463, v34;
	v24 =	vsel vm13, $0x46B, v24;
	v26 =	vsel vm13, $0x46C, v26  }
0x10a: {  	v27 =	vsel vm13, $0x46E, v27;
	v34 =	vsel vm13, $0x475, v39;
	v36 =	vsel vm13, $0x477, v41  }
0x10b: {  	v38 =	vsel vm13, $0x479, v44;
	v39 =	vsel vm13, $0x47A, v45;
	v41 =	vsel vm13, $0x47C, v47  }
0x10c: {  	v44 =	vsel vm13, $0x47F, v51;
	v45 =	vsel vm13, $0x800, v52;
	v47 =	vsel vm13, $0x802, v54  }
0x10d: {  	v51 =	vsel vm13, $0x808, v63;
	vm13 =	vcmask $0xF08;
	v6 =	vsel vm2, $0x81F, v6  }
0x10e: {  	v17 =	vsel vm12, $0x86A, v17;
	v33 =	vsel vm2, $0x837, v33;
	v35 =	vsel vm12, $0x87C, v35  }
0x10f: {  	v40 =	vsel vm12, $0xC01, v40;
	v43 =	vsel vm2, $0x841, v43;
	v46 =	vsel vm12, $0xC07, v46  }
0x110: {  	v50 =	vsel vm2, $0x848, v50;
	v5 =	vsel vm11, $0xC67, v5;
	v32 =	vsel vm4, $0x1042, v32  }
0x111: {  	v37 =	vsel vm4, $0x1047, v37;
	v42 =	vsel vm4, $0x104C, v42;
	v48 =	vsel vm4, $0x1052, v48  }
0x112: {  	v4 =	vsel vm6, $0x1835, v4;
	v18 =	vsel vm6, $0x1840, v18;
	v20 =	vsel vm6, $0x1841, v20  }
0x113: {  	v21 =	vsel vm6, $0x1843, v21;
	v52 =	vsel vm10, $0x1C0D, v28;
	v28 =	vsel vm6, $0x184B, v29  }
0x114: {  	v29 =	vsel vm6, $0x184C, v30;
	v0 =	vsel vm4, $0x1025, v0;
	v6 =	vsel vm12, $0x862, v6  }
0x115: {  	v16 =	vsel vm2, $0x826, v16;
	v24 =	vsel vm2, $0x82E, v24;
	v26 =	vsel vm2, $0x82F, v26  }
0x116: {  	v27 =	vsel vm2, $0x831, v27;
	v33 =	vsel vm12, $0x87A, v33;
	v34 =	vsel vm2, $0x838, v34  }
0x117: {  	v36 =	vsel vm2, $0x83A, v36;
	v38 =	vsel vm2, $0x83C, v38;
	v39 =	vsel vm2, $0x83D, v39  }
0x118: {  	v41 =	vsel vm2, $0x83F, v41;
	v44 =	vsel vm2, $0x842, v44;
	v43 =	vsel vm12, $0xC04, v43  }
0x119: {  	v45 =	vsel vm2, $0x843, v45;
	v47 =	vsel vm2, $0x845, v47;
	v50 =	vsel vm12, $0xC0B, v50  }
0x11a: {  	v51 =	vsel vm2, $0x84B, v51;
	v17 =	vsel vm3, $0xC2D, v17;
	v35 =	vsel vm3, $0xC3F, v35  }
0x11b: {  	v40 =	vsel vm3, $0xC44, v40;
	v46 =	vsel vm3, $0xC4A, v46;
	v5 =	vsel vm4, $0x102A, v5  }
0x11c: {  	v32 =	vsel vm9, $0x1405, v32;
	v37 =	vsel vm9, $0x140A, v37;
	v42 =	vsel vm9, $0x140F, v42  }
0x11d: {  	v48 =	vsel vm9, $0x1415, v48;
	v4 =	vsel vm10, $0x1878, v4;
	v18 =	vsel vm10, $0x1C03, v18  }
0x11e: {  	v20 =	vsel vm10, $0x1C04, v20;
	v21 =	vsel vm10, $0x1C06, v21;
	v30 =	vsel vm10, $0x1C0E, v28  }
0x11f: {  	v29 =	vsel vm10, $0x1C0F, v29;
	v28 =	vsel vm6, $0x184D, v31;
	v0 =	vsel vm9, $0x1068, v0  }
0x120: {  	v16 =	vsel vm12, $0x869, v16;
	v24 =	vsel vm12, $0x871, v24;
	v26 =	vsel vm12, $0x872, v26  }
0x121: {  	v27 =	vsel vm12, $0x874, v27;
	v34 =	vsel vm12, $0x87B, v34;
	v36 =	vsel vm12, $0x87D, v36  }
0x122: {  	v38 =	vsel vm12, $0x87F, v38;
	v39 =	vsel vm12, $0xC00, v39;
	v41 =	vsel vm12, $0xC02, v41  }
0x123: {  	v44 =	vsel vm12, $0xC05, v44;
	v45 =	vsel vm12, $0xC06, v45;
	v47 =	vsel vm12, $0xC08, v47  }
0x124: {  	v51 =	vsel vm12, $0xC0E, v51;
	vm12 =	vcmask $0x1710;
	v6 =	vsel vm3, $0xC25, v6  }
0x125: {  	v17 =	vsel vm11, $0xC70, v17;
	v33 =	vsel vm3, $0xC3D, v33;
	v35 =	vsel vm11, $0x1002, v35  }
0x126: {  	v40 =	vsel vm11, $0x1007, v40;
	v43 =	vsel vm3, $0xC47, v43;
	v46 =	vsel vm11, $0x100D, v46  }
0x127: {  	v50 =	vsel vm3, $0xC4E, v50;
	v5 =	vsel vm9, $0x106D, v5;
	v32 =	vsel vm5, $0x1448, v32  }
0x128: {  	v37 =	vsel vm5, $0x144D, v37;
	v42 =	vsel vm5, $0x1452, v42;
	v48 =	vsel vm5, $0x1458, v48  }
0x129: {  	v31 =	vsel vm10, $0x1C10, v28;
	v0 =	vsel vm5, $0x142B, v0;
	v6 =	vsel vm11, $0xC68, v6  }
0x12a: {  	v16 =	vsel vm3, $0xC2C, v16;
	v24 =	vsel vm3, $0xC34, v24;
	v26 =	vsel vm3, $0xC35, v26  }
0x12b: {  	v27 =	vsel vm3, $0xC37, v27;
	v34 =	vsel vm3, $0xC3E, v34;
	v33 =	vsel vm11, $0x1000, v33  }
0x12c: {  	v36 =	vsel vm3, $0xC40, v36;
	v38 =	vsel vm3, $0xC42, v38;
	v39 =	vsel vm3, $0xC43, v39  }
0x12d: {  	v41 =	vsel vm3, $0xC45, v41;
	v44 =	vsel vm3, $0xC48, v44;
	v43 =	vsel vm11, $0x100A, v43  }
0x12e: {  	v45 =	vsel vm3, $0xC49, v45;
	v47 =	vsel vm3, $0xC4B, v47;
	v50 =	vsel vm11, $0x1011, v50  }
0x12f: {  	v51 =	vsel vm3, $0xC51, v51;
	v17 =	vsel vm4, $0x1033, v17;
	v35 =	vsel vm4, $0x1045, v35  }
0x130: {  	v40 =	vsel vm4, $0x104A, v40;
	v46 =	vsel vm4, $0x1050, v46;
	v5 =	vsel vm5, $0x1430, v5  }
0x131: {  	v32 =	vsel vm7, $0x180B, v32;
	v37 =	vsel vm7, $0x1810, v37;
	v42 =	vsel vm7, $0x1815, v42  }
0x132: {  	v48 =	vsel vm7, $0x181B, v48;
	v0 =	vsel vm7, $0x146E, v0;
	v16 =	vsel vm11, $0xC6F, v16  }
0x133: {  	v24 =	vsel vm11, $0xC77, v24;
	v26 =	vsel vm11, $0xC78, v26;
	v27 =	vsel vm11, $0xC7A, v27  }
0x134: {  	v34 =	vsel vm11, $0x1001, v34;
	v36 =	vsel vm11, $0x1003, v36;
	v38 =	vsel vm11, $0x1005, v38  }
0x135: {  	v39 =	vsel vm11, $0x1006, v39;
	v41 =	vsel vm11, $0x1008, v41;
	v44 =	vsel vm11, $0x100B, v44  }
0x136: {  	v60 =	vld [tilespmem:$0x1F560];
	v45 =	vsel vm11, $0x100C, v45;
	v47 =	vsel vm11, $0x100E, v47;
	v51 =	vsel vm11, $0x1014, v51  }
0x137: {  	vm11 =	vcmask $0x1F18;
	v6 =	vsel vm4, $0x102B, v6;
	v17 =	vsel vm9, $0x1076, v17  }
0x138: {  	v33 =	vsel vm4, $0x1043, v33;
	v35 =	vsel vm9, $0x1408, v35;
	v40 =	vsel vm9, $0x140D, v40  }
0x139: {  	v43 =	vsel vm4, $0x104D, v43;
	v46 =	vsel vm9, $0x1413, v46;
	v50 =	vsel vm4, $0x1054, v50  }
0x13a: {  	v5 =	vsel vm7, $0x1473, v5;
	v28 =	vsel vm6, $0x184E, v32;
	v57 =	vsel vm6, $0x1858, v42  }
0x13b: {  	v59 =	vsel vm6, $0x185E, v48;
	v63 =	vsel vm13, $0x400, v60;
	v60 =	vsel vm8, $0x1C39, v1  }
0x13c: {  	v0 =	vsel vm6, $0x1831, v0;
	v6 =	vsel vm9, $0x106E, v6;
	v16 =	vsel vm4, $0x1032, v16  }
0x13d: {  	v24 =	vsel vm4, $0x103A, v24;
	v26 =	vsel vm4, $0x103B, v26;
	v27 =	vsel vm4, $0x103D, v27  }
0x13e: {  	v34 =	vsel vm4, $0x1044, v34;
	v33 =	vsel vm9, $0x1406, v33;
	v36 =	vsel vm4, $0x1046, v36  }
0x13f: {  	v38 =	vsel vm4, $0x1048, v38;
	v39 =	vsel vm4, $0x1049, v39;
	v41 =	vsel vm4, $0x104B, v41  }
0x140: {  	v43 =	vsel vm9, $0x1410, v43;
	v44 =	vsel vm4, $0x104E, v44;
	v45 =	vsel vm4, $0x104F, v45  }
0x141: {  	v47 =	vsel vm4, $0x1051, v47;
	v50 =	vsel vm9, $0x1417, v50;
	v51 =	vsel vm4, $0x1057, v51  }
0x142: {  	v17 =	vsel vm5, $0x1439, v17;
	v35 =	vsel vm5, $0x144B, v35;
	v40 =	vsel vm5, $0x1450, v40  }
0x143: {  	v46 =	vsel vm5, $0x1456, v46;
	v5 =	vsel vm6, $0x1836, v5;
	v0 =	vsel vm10, $0x1874, v0  }
0x144: {  	v16 =	vsel vm9, $0x1075, v16;
	v24 =	vsel vm9, $0x107D, v24;
	v26 =	vsel vm9, $0x107E, v26  }
0x145: {  	v27 =	vsel vm9, $0x1400, v27;
	v34 =	vsel vm9, $0x1407, v34;
	v36 =	vsel vm9, $0x1409, v36  }
0x146: {  	v38 =	vsel vm9, $0x140B, v38;
	v39 =	vsel vm9, $0x140C, v39;
	v41 =	vsel vm9, $0x140E, v41  }
0x147: {  	v44 =	vsel vm9, $0x1411, v44;
	v45 =	vsel vm9, $0x1412, v45;
	v47 =	vsel vm9, $0x1414, v47  }
0x148: {  	v51 =	vsel vm9, $0x141A, v51;
	vm9 =	vcmask $0x2720;
	v6 =	vsel vm5, $0x1431, v6  }
0x149: {  	v17 =	vsel vm7, $0x147C, v17;
	v33 =	vsel vm5, $0x1449, v33;
	v35 =	vsel vm7, $0x180E, v35  }
0x14a: {  	v40 =	vsel vm7, $0x1813, v40;
	v43 =	vsel vm5, $0x1453, v43;
	v46 =	vsel vm7, $0x1819, v46  }
0x14b: {  	v50 =	vsel vm5, $0x145A, v50;
	v5 =	vsel vm10, $0x1879, v5;
	v6 =	vsel vm7, $0x1474, v6  }
0x14c: {  	v16 =	vsel vm5, $0x1438, v16;
	v24 =	vsel vm5, $0x1440, v24;
	v26 =	vsel vm5, $0x1441, v26  }
0x14d: {  	v27 =	vsel vm5, $0x1443, v27;
	v34 =	vsel vm5, $0x144A, v34;
	v33 =	vsel vm7, $0x180C, v33  }
0x14e: {  	v36 =	vsel vm5, $0x144C, v36;
	v38 =	vsel vm5, $0x144E, v38;
	v39 =	vsel vm5, $0x144F, v39  }
0x14f: {  	v41 =	vsel vm5, $0x1451, v41;
	v44 =	vsel vm5, $0x1454, v44;
	v43 =	vsel vm7, $0x1816, v43  }
0x150: {  	v45 =	vsel vm5, $0x1455, v45;
	v47 =	vsel vm5, $0x1457, v47;
	v50 =	vsel vm7, $0x181D, v50  }
0x151: {  	v51 =	vsel vm5, $0x145D, v51;
	v17 =	vsel vm6, $0x183F, v17;
	v16 =	vsel vm7, $0x147B, v16  }
0x152: {  	v24 =	vsel vm7, $0x1803, v24;
	v26 =	vsel vm7, $0x1804, v26;
	v27 =	vsel vm7, $0x1806, v27  }
0x153: {  	v34 =	vsel vm7, $0x180D, v34;
	v36 =	vsel vm7, $0x180F, v36;
	v38 =	vsel vm7, $0x1811, v38  }
0x154: {  	v39 =	vsel vm7, $0x1812, v39;
	v41 =	vsel vm7, $0x1814, v41;
	v44 =	vsel vm7, $0x1817, v44  }
0x155: {  	v45 =	vsel vm7, $0x1818, v45;
	v47 =	vsel vm7, $0x181A, v47;
	v51 =	vsel vm7, $0x1820, v51  }
0x156: {  	vm7 =	vcmask $0x2F28;
	v6 =	vsel vm6, $0x1837, v6;
	v17 =	vsel vm10, $0x1C02, v17  }
0x157: {  	v54 =	vsel vm6, $0x184F, v33;
	v33 =	vsel vm10, $0x1C11, v28;
	v6 =	vsel vm10, $0x187A, v6  }
0x158: {  	v16 =	vsel vm6, $0x183E, v16;
	v24 =	vsel vm6, $0x1846, v24;
	v26 =	vsel vm6, $0x1847, v26  }
0x159: {  	v27 =	vsel vm6, $0x1849, v27;
	v32 =	vsel vm10, $0x1C12, v54;
	v28 =	vsel vm6, $0x1850, v34  }
0x15a: {  	v55 =	vsel vm6, $0x1852, v36;
	v56 =	vsel vm6, $0x1855, v39;
	v58 =	vsel vm6, $0x185B, v45  }
0x15b: {  	v54 =	vsel vm8, $0x1C40, v11;
	v16 =	vsel vm10, $0x1C01, v16;
	v24 =	vsel vm10, $0x1C09, v24  }
0x15c: {  	v26 =	vsel vm10, $0x1C0A, v26;
	v27 =	vsel vm10, $0x1C0C, v27;
	v34 =	vsel vm10, $0x1C13, v28  }
0x15d: {  	v28 =	vsel vm6, $0x1851, v35;
	v35 =	vsel vm10, $0x1C15, v55;
	[tilespmem:$0x1F600] =	vst v54;
	v54 =	vsel vm8, $0x1C4E, v25  }
0x15e: {  	v32 =	vsel vm8, $0x1C55, v32;
	v36 =	vsel vm10, $0x1C14, v28;
	v28 =	vsel vm6, $0x1853, v37  }
0x15f: {  	v26 =	vsel vm8, $0x1C4D, v26;
	v37 =	vsel vm10, $0x1C16, v28;
	v28 =	vsel vm6, $0x1854, v38  }
0x160: {  	v38 =	vsel vm10, $0x1C18, v56;
	v56 =	vsel vm8, $0x1C42, v14;
	v36 =	vsel vm8, $0x1C57, v36  }
0x161: {  	v39 =	vsel vm10, $0x1C17, v28;
	v28 =	vsel vm6, $0x1856, v40;
	[tilespmem:$0x1F620] =	vst v56;
	v56 =	vsel vm8, $0x1C50, v52  }
0x162: {  	v37 =	vsel vm8, $0x1C59, v37;
	v38 =	vsel vm8, $0x1C5B, v38;
	v52 =	vsel vm8, $0x1C67, v8  }
0x163: {  	[tilespmem:$0x1F570] =	vst v63;
	v8 =	vimm.s32 $0x6623601D;
	v40 =	vsel vm10, $0x1C19, v28;
	v28 =	vsel vm6, $0x1857, v41  }
0x164: {  	[tilespmem:$0x1F6F0] =	vst v32;
	v41 =	vsel vm10, $0x1C1B, v57;
	v57 =	vsel vm8, $0x1C36, v61;
	v61 =	vsel vm8, $0x1C3A, v3  }
0x165: {  	[tilespmem:$0x1F700] =	vst v36;
	v3 =	vsel vm8, $0x1C4C, v24;
	v42 =	vsel vm10, $0x1C1A, v28;
	v28 =	vsel vm6, $0x1859, v43  }
0x166: {  	[tilespmem:$0x1F6C0] =	vst v56;
	v39 =	vsel vm8, $0x1C5A, v39;
	v43 =	vsel vm10, $0x1C1C, v28;
	v28 =	vsel vm6, $0x185A, v44  }
0x167: {  	[tilespmem:$0x1F710] =	vst v37;
	v8 =	vunpack.c.0.s8.s32 v8;
	v45 =	vsel vm10, $0x1C1D, v28;
	v28 =	vsel vm6, $0x185C, v46  }
0x168: {  	[tilespmem:$0x1F720] =	vst v39;
	v43 =	vsel vm8, $0x1C5F, v43;
	v46 =	vsel vm10, $0x1C1F, v28;
	v28 =	vsel vm6, $0x185D, v47  }
0x169: {  	v47 =	vsel vm10, $0x1C21, v59;
	[tilespmem:$0x1F740] =	vst v43;
	v45 =	vsel vm8, $0x1C60, v45;
	v48 =	vsel vm10, $0x1C20, v28  }
0x16a: {  	v28 =	vsel vm6, $0x185F, v49;
	[tilespmem:$0x1F750] =	vst v45;
	v39 =	vsel vm8, $0x1C62, v46;
	v46 =	vsel vm8, $0x1C63, v48  }
0x16b: {  	v49 =	vsel vm10, $0x1C22, v28;
	v28 =	vsel vm6, $0x1860, v50;
	v48 =	vsel vm8, $0x1C64, v47;
	[tilespmem:$0x1F760] =	vst v46  }
0x16c: {  	v37 =	vsel vm8, $0x1C5C, v40;
	v50 =	vsel vm10, $0x1C23, v28;
	v28 =	vsel vm12, $0x800, v63;
	[tilespmem:$0x1F770] =	vst v48  }
0x16d: {  	v44 =	vsel vm10, $0x1C1E, v58;
	v63 =	vsel vm8, $0x1C3B, v4;
	v4 =	vsel vm8, $0x1C3C, v5;
	[tilespmem:$0x1F580] =	vst v28  }
0x16e: {  	v58 =	vsel vm8, $0x1C37, v0;
	v59 =	vsel vm8, $0x1C38, v2;
	v5 =	vsel vm8, $0x1C3D, v6;
	[tilespmem:$0x1F5C0] =	vst v4  }
0x16f: {  	v2 =	vsel vm8, $0x1C51, v30;
	v43 =	vimm.s32 $0x712E6B28;
	v6 =	vsel vm8, $0x1C3E, v9;
	[tilespmem:$0x1F5D0] =	vst v5  }
0x170: {  	v30 =	vimm.s32 $0x79367330;
	v45 =	vimm.s32 $0x4D0A4704;
	v53 =	vsel vm11, $0xC00, v28;
	[tilespmem:$0x1F5E0] =	vst v6  }
0x171: {  	v47 =	vimm.s32 $0x4E0B4805;
	v49 =	vsel vm8, $0x1C65, v49;
	v4 =	vsel vm8, $0x1C43, v15;
	[tilespmem:$0x1F590] =	vst v53  }
0x172: {  	v46 =	vimm.s32 $0x59165310;
	v48 =	vimm.s32 $0x5A175411;
	v5 =	vsel vm8, $0x1C44, v16;
	[tilespmem:$0x1F630] =	vst v4  }
0x173: {  	vm12 =	vcmask $0x3B34;
	v28 =	vsel vm6, $0x1863, v51;
	v6 =	vsel vm8, $0x1C45, v17;
	[tilespmem:$0x1F640] =	vst v5  }
0x174: {  	v16 =	vsel vm8, $0x1C46, v18;
	v17 =	vsel vm8, $0x1C47, v20;
	v18 =	vsel vm8, $0x1C48, v19;
	[tilespmem:$0x1F650] =	vst v6  }
0x175: {  	v19 =	vsel vm8, $0x1C49, v21;
	v50 =	vsel vm8, $0x1C66, v50;
	vm11 =	vcmask $0x332C;
	[tilespmem:$0x1F660] =	vst v16  }
0x176: {  	v15 =	vimm.s32 $0x9460340;
	v53 =	vsel vm9, $0x1000, v53;
	v51 =	vsel vm10, $0x1C26, v28;
	[tilespmem:$0x1F670] =	vst v17  }
0x177: {  	vm9 =	vcmask $0x3730;
	[tilespmem:$0x1F680] =	vst v18;
	v18 =	vsel vm8, $0x1C4B, v23;
	v16 =	vsel vm8, $0x1C52, v29  }
0x178: {  	[tilespmem:$0x1F690] =	vst v19;
	v29 =	vmovc v54;
	v17 =	vsel vm8, $0x1C53, v31;
	v19 =	vsel vm8, $0x1C54, v33;
	v54 =	vsel vm8, $0x1C58, v35  }
0x179: {  	v4 =	vimm.s32 $0x702D6A27;
	v5 =	vimm.s32 $0x4C094603;
	v6 =	vimm.s32 $0x5815520F  }
0x17a: {  	[tilespmem:$0x1F790] =	vst v50;
	v50 =	vimm.s32 $0x6724611E;
	vm10 =	vcmask $0x2B24;
	v15 =	vunpack.c.0.s8.s32 v15  }
0x17b: {  	v23 =	vimm.s32 $0x7734712E;
	[tilespmem:$0x1F5A0] =	vst v53;
	v28 =	vsel vm7, $0x1400, v53;
	v53 =	vsel vm8, $0x1C3F, v10  }
0x17c: {  	v36 =	vld [tilespmem:$0x1F810];
	[tilespmem:$0x1F6D0] =	vst v2;
	v56 =	vsel vm8, $0x1C69, v51;
	v0 =	vunpack.c.0.s8.s32 v4;
	v1 =	vunpack.c.0.s8.s32 v5  }
0x17d: {  	v40 =	vld [tilespmem:$0x1F820];
	[tilespmem:$0x1F6E0] =	vst v19;
	v2 =	vunpack.c.0.s8.s32 v6;
	v5 =	vunpack.c.0.s8.s32 v46;
	v6 =	vunpack.c.0.s8.s32 v47  }
0x17e: {  	v10 =	vimm.s32 $0x722F6C29;
	vm7 =	vcmask $0x130C;
	v46 =	vimm.s32 $0xA470441;
	[tilespmem:$0x1F5B0] =	vst v28  }
0x17f: {  	v33 =	vmovc v16;
	v16 =	vld [tilespmem:$0x1F7E0];
	v55 =	vsel vm9, $0x1800, v28;
	[tilespmem:$0x1F5F0] =	vst v53;
	v53 =	vsel vm8, $0x1C4A, v22;
	vm9 =	vcmask $0x231C  }
0x180: {  	v32 =	vmovc v17;
	v17 =	vld [tilespmem:$0x1F7F0];
	v47 =	vunpack.c.0.s8.s32 v46;
	v28 =	vsel vm8, $0x1C00, v55;
	v55 =	vsel vm8, $0x1C41, v12;
	[tilespmem:$0x1F6A0] =	vst v53  }
0x181: {  	v19 =	vld [tilespmem:$0x1F800];
	v46 =	vimm.s32 $0x6B286522;
	v53 =	vsel vm8, $0x1C68, v7;
	v1 =	vsel vm0, v2, v1;
	[tilespmem:$0x1F610] =	vst v55  }
0x182: {  	v2 =	vsel vm0, v40, v2;
	v55 =	vsel vm8, $0x1C4F, v27;
	v27 =	vsel vm8, $0x1C5D, v42;
	[tilespmem:$0x1F7B0] =	vst v53  }
0x183: {  	v42 =	vsel vm8, $0x1C5E, v41;
	v41 =	vimm.s32 $0x65225F1C;
	v53 =	vimm.s32 $0x4F0C4906;
	[tilespmem:$0x1F6B0] =	vst v55  }
0x184: {  	v7 =	vld [tilespmem:$0x1F7D0];
	v55 =	vsel vm8, $0x1C56, v34;
	v34 =	vmovc v3;
	[tilespmem:$0x1F730] =	vst v42;
	v42 =	vsel vm8, $0x1C61, v44;
	v3 =	vsel vm0, v0, v40  }
0x185: {  	v44 =	vunpack.c.0.s8.s32 v41;
	vm8 =	vcmask $0x1B14;
	v35 =	vcombine.low v17, v16  }
0x186: {  	[tilespmem:$0x1F7A0] =	vst v52;
	v40 =	vimm.s32 $0x15520F4C;
	v51 =	vcombine.low v36, v19;
	v52 =	vcombine.low v1, v3  }
0x187: {  	[tilespmem:$0x1F830] =	vst v3;
	v3 =	vunpack.c.0.s8.s32 v43;
	v1 =	vunpack.c.0.s8.s32 v45;
	v16 =	vunpack.c.0.s8.s32 v40  }
0x188: {  	v43 =	vimm.s32 $0x225F1C59;
	v45 =	vimm.s32 $0x2E6B2865;
	v17 =	vunpack.c.0.s8.s32 v46  }
0x189: {  	v19 =	vsel vm0, v44, v5;
	v9 =	vmul.u32 $0x400, v7;
	v7 =	vunpack.c.0.s8.s32 v48  }
0x18a: {  	v11 =	vsel vm0, v5, v1;
	v1 =	vunpack.c.0.s8.s32 v10;
	v12 =	vsel vm0, v3, v44  }
0x18b: {  	v10 =	vimm.s32 $0x73306D2A;
	v44 =	vunpack.c.0.s8.s32 v43;
	v48 =	vimm.s32 $0x69266320  }
0x18c: {  	[tilespmem:$0x1F780] =	vst v49;
	v49 =	vsel vm0, v7, v6;
	v4 =	vsel vm0, v8, v7;
	v14 =	vsel vm0, v1, v8  }
0x18d: {  	v6 =	vunpack.c.0.s8.s32 v50;
	v8 =	vimm.s32 $0x5B185512;
	v7 =	vunpack.c.0.s8.s32 v53  }
0x18e: {  	v53 =	vcombine.low v11, v12;
	v11 =	vimm.s32 $0x6825621F;
	[tilespmem:$0x1F850] =	vst v14;
	v5 =	vcombine.low v49, v14;
	v14 =	vld [tilespmem:$0x1F870]  }
0x18f: {  	[tilespmem:$0x1F840] =	vst v12;
	v12 =	vimm.s32 $0x74316E2B;
	v8 =	vunpack.c.0.s8.s32 v8;
	v11 =	vunpack.c.0.s8.s32 v11  }
0x190: {  	v12 =	vunpack.c.0.s8.s32 v12;
	[tilespmem:$0x1F860] =	vst v5;
	v5 =	vunpack.c.0.s8.s32 v10;
	v10 =	vimm.s32 $0x500D4A07  }
0x191: {  	v7 =	vsel vm0, v8, v7;
	v36 =	vunpack.c.0.s8.s32 v10;
	v10 =	vimm.s32 $0x5C195613  }
0x192: {  	[tilespmem:$0x1F7C0] =	vst v56;
	v8 =	vsel vm0, v6, v8;
	v56 =	vsel vm0, v5, v6;
	v10 =	vunpack.c.0.s8.s32 v10  }
0x193: {  	v20 =	vsel vm0, v12, v11;
	v14 =	vsel vm7, $0x800, v14;
	v7 =	vcombine.low v7, v56  }
0x194: {  	v6 =	vsel vm0, v10, v36;
	v14 =	vsel vm8, $0xC00, v14;
	v10 =	vsel vm0, v11, v10  }
0x195: {  	v36 =	vimm.s32 $0x6A276421;
	v11 =	vsel vm9, $0x1000, v14;
	v14 =	vimm.s32 $0x215E1B58  }
0x196: {  	[tilespmem:$0x1F890] =	vst v7;
	v6 =	vcombine.low v6, v20;
	v7 =	vunpack.c.0.s8.s32 v48;
	v48 =	vimm.s32 $0x54114E0B  }
0x197: {  	[tilespmem:$0x1F8D0] =	vst v15;
	v11 =	vsel vm10, $0x1400, v11;
	v21 =	vunpack.c.0.s8.s32 v14;
	v14 =	vimm.s32 $0x2D6A2764  }
0x198: {  	v11 =	vsel vm11, $0x1800, v11;
	v14 =	vunpack.c.0.s8.s32 v14;
	[tilespmem:$0x1F8B0] =	vst v6;
	v6 =	vunpack.c.0.s8.s32 v45  }
0x199: {  	[tilespmem:$0x1F8E0] =	vst v16;
	v45 =	vimm.s32 $0x7633702D;
	v22 =	vsel vm12, $0x1C00, v11;
	v11 =	vsel vm0, v16, v15  }
0x19a: {  	[tilespmem:$0x1F900] =	vst v44;
	v15 =	vimm.s32 $0x75326F2C;
	v16 =	vimm.s32 $0x520F4C09;
	v41 =	vsel vm0, v14, v21  }
0x19b: {  	[tilespmem:$0x1F8A0] =	vst v20;
	v14 =	vimm.s32 $0x5D1A5714;
	v6 =	vsel vm0, v6, v44;
	v15 =	vunpack.c.0.s8.s32 v15  }
0x19c: {  	[tilespmem:$0x1F8F0] =	vst v11;
	v44 =	vunpack.c.0.s8.s32 v36;
	v24 =	vcombine.low v11, v41;
	v11 =	vimm.s32 $0x1653104D  }
0x19d: {  	[tilespmem:$0x1F8C0] =	vst v21;
	v21 =	vimm.s32 $0x5F1C5916;
	v20 =	vunpack.c.0.s8.s32 v11;
	v11 =	vimm.s32 $0x510E4B08  }
0x19e: {  	[tilespmem:$0x1F880] =	vst v56;
	v14 =	vunpack.c.0.s8.s32 v14;
	v21 =	vunpack.c.0.s8.s32 v21;
	v11 =	vunpack.c.0.s8.s32 v11  }
0x19f: {  	v56 =	vsel vm0, v15, v7;
	[tilespmem:$0x1F920] =	vst v20;
	v49 =	vsel vm0, v20, v47;
	v20 =	vimm.s32 $0x53104D0A  }
0x1a0: {  	v6 =	vcombine.low v49, v6;
	v50 =	vsel vm0, v14, v11;
	v11 =	vsel vm0, v7, v14  }
0x1a1: {  	v14 =	vimm.s32 $0x5E1B5815;
	v7 =	vunpack.c.0.s8.s32 v16;
	v16 =	vunpack.c.0.s8.s32 v45  }
0x1a2: {  	[tilespmem:$0x1F950] =	vst v56;
	v20 =	vunpack.c.0.s8.s32 v20;
	v14 =	vunpack.c.0.s8.s32 v14;
	v40 =	vcombine.low v50, v56  }
0x1a3: {  	v56 =	vimm.s32 $0x7B387532;
	[tilespmem:$0x1F940] =	vst v6;
	v25 =	vsel vm0, v16, v44;
	v6 =	vunpack.c.0.s8.s32 v23  }
0x1a4: {  	[tilespmem:$0x1F910] =	vst v47;
	v47 =	vsel vm0, v21, v20;
	v20 =	vsel vm0, v17, v21;
	v21 =	vimm.s32 $0x601D5A17  }
0x1a5: {  	v23 =	vimm.s32 $0x6C296623;
	v45 =	vunpack.c.0.s8.s32 v56;
	v7 =	vsel vm0, v14, v7  }
0x1a6: {  	[tilespmem:$0x1F930] =	vst v49;
	v14 =	vsel vm0, v44, v14;
	v49 =	vunpack.c.0.s8.s32 v23;
	v23 =	vimm.s32 $0x7835722F  }
0x1a7: {  	v46 =	vld [tilespmem:$0x1F9D0];
	[tilespmem:$0x1F960] =	vst v25;
	v41 =	vcombine.low v7, v25;
	v25 =	vsel vm0, v6, v17;
	v23 =	vunpack.c.0.s8.s32 v23  }
0x1a8: {  	v21 =	vunpack.c.0.s8.s32 v21;
	v44 =	vld [tilespmem:$0x1F9B0];
	v17 =	vunpack.c.0.s8.s32 v48;
	[tilespmem:$0x1FA10] =	vst v45;
	v43 =	vcombine.low v47, v25  }
0x1a9: {  	[tilespmem:$0x1F970] =	vst v25;
	v25 =	vunpack.c.0.s8.s32 v30;
	v30 =	vimm.s32 $0x7A377431;
	v47 =	vld [tilespmem:$0x1FA00];
	v31 =	vsel vm0, v23, v49  }
0x1aa: {  	v17 =	vsel vm0, v21, v17;
	v50 =	vunpack.c.0.s8.s32 v30;
	[tilespmem:$0x1F980] =	vst v31  }
0x1ab: {  	v17 =	vcombine.low v17, v31;
	[tilespmem:$0x1F9A0] =	vst v25;
	v31 =	vld [tilespmem:$0x1FA40]  }
0x1ac: {  	[tilespmem:$0x1F9F0] =	vst v50  }
0x1ad: {  	[tilespmem:$0x1F990] =	vst v17;
	v17 =	vsel vm0, v25, v44  }
0x1ae: {  	[tilespmem:$0x1F9C0] =	vst v17;
	v7 =	vcombine.low v46, v17;
	v48 =	vsel vm0, v50, v47;
	v50 =	vimm.s32 $0x7D3A7734  }
0x1af: {  	v25 =	vld [tilespmem:$0x1FA20];
	[tilespmem:$0x1FA30] =	vst v48;
	v36 =	vunpack.c.0.s8.s32 v50  }
0x1b0: {  	[tilespmem:$0x1F9E0] =	vst v7;
	v17 =	vcombine.low v31, v48  }
0x1b1: {  	v46 =	vimm.s32 $0x7F3C7936;
	[tilespmem:$0x1FAA0] =	vst v36  }
0x1b2: {  	v56 =	vld [tilespmem:$0x1FA70];
	v7 =	vunpack.c.0.s8.s32 v46;
	v3 =	vsel vm0, v36, v3;
	[tilespmem:$0x1FA50] =	vst v17  }
0x1b3: {  	v21 =	vsel vm0, v49, v21;
	v49 =	vimm.s32 $0x7C397633;
	[tilespmem:$0x1FAD0] =	vst v3  }
0x1b4: {  	v30 =	vmov v18;
	v18 =	vsel vm0, v45, v25;
	v25 =	vunpack.c.0.s8.s32 v49;
	[tilespmem:$0x1FB00] =	vst v7  }
0x1b5: {  	v49 =	vcombine.low v19, v3;
	[tilespmem:$0x1FA60] =	vst v18  }
0x1b6: {  	[tilespmem:$0x1FA90] =	vst v25  }
0x1b7: {  	v17 =	vcombine.low v56, v18;
	v56 =	vsel vm0, v7, v5;
	[tilespmem:$0x1FAE0] =	vst v49  }
0x1b8: {  	v45 =	vimm.s32 $0x7E3B7835;
	[tilespmem:$0x1FB30] =	vst v56  }
0x1b9: {  	v50 =	vimm.s32 $0x3D7A37;
	v47 =	vunpack.c.0.s8.s32 v45;
	v44 =	vsel vm0, v25, v0;
	[tilespmem:$0x1FA80] =	vst v17  }
0x1ba: {  	v7 =	vunpack.c.0.s8.s32 v50;
	[tilespmem:$0x1FAB0] =	vst v44  }
0x1bb: {  	[tilespmem:$0x1FAF0] =	vst v47  }
0x1bc: {  	v18 =	vcombine.low v8, v56;
	v1 =	vsel vm0, v47, v1;
	[tilespmem:$0x1FB50] =	vst v7  }
0x1bd: {  	v45 =	vimm.s32 $0x23F7C39;
	[tilespmem:$0x1FB10] =	vst v1  }
0x1be: {  	v19 =	vimm.s32 $0x13E7B38;
	v46 =	vunpack.c.0.s8.s32 v45;
	v36 =	vsel vm0, v7, v12;
	[tilespmem:$0x1FB40] =	vst v18  }
0x1bf: {  	v48 =	vcombine.low v2, v44;
	v44 =	vunpack.c.0.s8.s32 v19;
	v47 =	vimm.s32 $0x3407D3A;
	[tilespmem:$0x1FB70] =	vst v36  }
0x1c0: {  	v17 =	vcombine.low v4, v1;
	v49 =	vunpack.c.0.s8.s32 v47;
	[tilespmem:$0x1FBB0] =	vst v46;
	v4 =	vsel vm0, v46, v16  }
0x1c1: {  	[tilespmem:$0x1FAC0] =	vst v48;
	v0 =	vcombine.low v14, v4  }
0x1c2: {  	[tilespmem:$0x1FB60] =	vst v44;
	v6 =	vsel vm0, v49, v6  }
0x1c3: {  	[tilespmem:$0x1FBD0] =	vst v0;
	v0 =	vcombine.low v20, v6  }
0x1c4: {  	v7 =	vimm.s32 $0x5427F3C;
	[tilespmem:$0x1FBC0] =	vst v4  }
0x1c5: {  	[tilespmem:$0x1FC10] =	vst v0;
	v0 =	vunpack.c.0.s8.s32 v7  }
0x1c6: {  	v50 =	vcombine.low v10, v36;
	v16 =	vimm.s32 $0x643003D;
	[tilespmem:$0x1FB20] =	vst v17  }
0x1c7: {  	[tilespmem:$0x1FC30] =	vst v0;
	v0 =	vunpack.c.0.s8.s32 v16  }
0x1c8: {  	v19 =	vimm.s32 $0x845023F;
	[tilespmem:$0x1FB80] =	vst v50  }
0x1c9: {  	v3 =	vsel vm0, v44, v15;
	[tilespmem:$0x1FC40] =	vst v0;
	v0 =	vunpack.c.0.s8.s32 v19  }
0x1ca: {  	v36 =	vimm.s32 $0xB480542;
	[tilespmem:$0x1FB90] =	vst v3  }
0x1cb: {  	v45 =	vimm.s32 $0xC490643;
	[tilespmem:$0x1FC60] =	vst v0;
	v0 =	vunpack.c.0.s8.s32 v36  }
0x1cc: {  	v46 =	vunpack.c.0.s8.s32 v45;
	v47 =	vimm.s32 $0xD4A0744;
	[tilespmem:$0x1FBE0] =	vst v49  }
0x1cd: {  	v48 =	vimm.s32 $0x4417E3B;
	[tilespmem:$0x1FC70] =	vst v0;
	v0 =	vunpack.c.0.s8.s32 v47  }
0x1ce: {  	v1 =	vunpack.c.0.s8.s32 v48;
	v56 =	vcombine.low v11, v3;
	[tilespmem:$0x1FC80] =	vst v46;
	v48 =	vimm.s32 $0xE4B0845  }
0x1cf: {  	[tilespmem:$0x1FC90] =	vst v0;
	v0 =	vunpack.c.0.s8.s32 v48  }
0x1d0: {  	[tilespmem:$0x1FBA0] =	vst v56;
	v56 =	vimm.s32 $0x104D0A47  }
0x1d1: {  	[tilespmem:$0x1FCA0] =	vst v0;
	v0 =	vunpack.c.0.s8.s32 v56  }
0x1d2: {  	v4 =	vimm.s32 $0x114E0B48;
	[tilespmem:$0x1FC00] =	vst v6  }
0x1d3: {  	v45 =	vimm.s32 $0x1A571451;
	[tilespmem:$0x1FCC0] =	vst v0;
	v0 =	vunpack.c.0.s8.s32 v4  }
0x1d4: {  	v46 =	vunpack.c.0.s8.s32 v45;
	[tilespmem:$0x1FBF0] =	vst v1;
	v7 =	vimm.s32 $0x13500D4A  }
0x1d5: {  	[tilespmem:$0x1FCD0] =	vst v0;
	v0 =	vunpack.c.0.s8.s32 v7  }
0x1d6: {  	[tilespmem:$0x1FD40] =	vst v46;
	v16 =	vimm.s32 $0x14510E4B  }
0x1d7: {  	v17 =	vimm.s32 $0x744013E;
	v1 =	vsel vm0, v1, v23;
	[tilespmem:$0x1FCF0] =	vst v0;
	v0 =	vunpack.c.0.s8.s32 v16  }
0x1d8: {  	v18 =	vunpack.c.0.s8.s32 v17;
	[tilespmem:$0x1FC20] =	vst v1;
	v19 =	vimm.s32 $0x1855124F  }
0x1d9: {  	v49 =	vimm.s32 $0xF4C0946;
	[tilespmem:$0x1FD00] =	vst v0;
	v0 =	vunpack.c.0.s8.s32 v19  }
0x1da: {  	v50 =	vunpack.c.0.s8.s32 v49;
	[tilespmem:$0x1FC50] =	vst v18;
	v36 =	vimm.s32 $0x19561350  }
0x1db: {  	v5 =	vimm.s32 $0x124F0C49;
	[tilespmem:$0x1FD20] =	vst v0;
	v0 =	vunpack.c.0.s8.s32 v36  }
0x1dc: {  	v6 =	vunpack.c.0.s8.s32 v5;
	[tilespmem:$0x1FCB0] =	vst v50;
	v47 =	vimm.s32 $0x1B581552  }
0x1dd: {  	v17 =	vimm.s32 $0x1754114E;
	[tilespmem:$0x1FD30] =	vst v0;
	v0 =	vunpack.c.0.s8.s32 v47  }
0x1de: {  	[tilespmem:$0x1FCE0] =	vst v6;
	v18 =	vunpack.c.0.s8.s32 v17;
	v48 =	vimm.s32 $0x1C591653  }
0x1df: {  	v49 =	vimm.s32 $0x1D5A1754;
	[tilespmem:$0x1FD50] =	vst v0;
	v0 =	vunpack.c.0.s8.s32 v48  }
0x1e0: {  	v50 =	vunpack.c.0.s8.s32 v49;
	[tilespmem:$0x1FD10] =	vst v18;
	v56 =	vimm.s32 $0x1E5B1855  }
0x1e1: {  	s3 =	rddreg [dreg:$0x0];
	v5 =	vimm.s32 $0x205D1A57;
	[tilespmem:$0x1FD60] =	vst v0;
	v0 =	vunpack.c.0.s8.s32 v56  }
0x1e2: {  	s10 =	rddreg [dreg:$0x1];
	s2 =	simm.s32 $0x0;
	v6 =	vunpack.c.0.s8.s32 v5;
	v17 =	vimm.s32 $0x25621F5C;
	[tilespmem:$0x1FD70] =	vst v50  }
0x1e3: {  	[smem:$0x7FF] =	sst s2;
	v45 =	vimm.s32 $0x2865225F;
	v18 =	vunpack.c.0.s8.s32 v17;
	[tilespmem:$0x1FD80] =	vst v0  }
0x1e4: {  	s5 =	rddreg [dreg:$0x2];
	v46 =	vunpack.c.0.s8.s32 v45;
	v49 =	vimm.s32 $0x2B682562;
	_ =	strace $0x80000047;
	[tilespmem:$0x1FDA0] =	vst v6  }
0x1e5: {  	v50 =	vunpack.c.0.s8.s32 v49;
	[tilespmem:$0x1FDD0] =	vst v18  }
0x1e6: {  	[tilespmem:$0x1FE00] =	vst v46  }
0x1e7: {  	[tilespmem:$0x1FE30] =	vst v50  }
0x1e8: {  	[tilespmem:$0x1FE50] =	vst v62  }
0x1e9: {  	[tilespmem:$0x1FE60] =	vst v57  }
0x1ea: {  	[tilespmem:$0x1FE70] =	vst v58  }
0x1eb: {  	[tilespmem:$0x1FE80] =	vst v59  }
0x1ec: {  	[tilespmem:$0x1FE90] =	vst v60  }
0x1ed: {  	[tilespmem:$0x1FEA0] =	vst v61  }
0x1ee: {  	[tilespmem:$0x1FEB0] =	vst v63  }
0x1ef: {  	[tilespmem:$0x1FEC0] =	vst v30  }
0x1f0: {  	[tilespmem:$0x1FED0] =	vst v34  }
0x1f1: {  	[tilespmem:$0x1FEE0] =	vst v26  }
0x1f2: {  	[tilespmem:$0x1FEF0] =	vst v29  }
0x1f3: {  	[tilespmem:$0x1FF00] =	vst v33  }
0x1f4: {  	[tilespmem:$0x1FF10] =	vst v32  }
0x1f5: {  	[tilespmem:$0x1FF20] =	vst v55  }
0x1f6: {  	[tilespmem:$0x1FF30] =	vst v54  }
0x1f7: {  	[tilespmem:$0x1FF40] =	vst v38  }
0x1f8: {  	[tilespmem:$0x1FF50] =	vst v37  }
0x1f9: {  	v4 =	vimm.s32 $0x1F5C1956;
	[tilespmem:$0x1FF60] =	vst v27  }
0x1fa: {  	v0 =	vunpack.c.0.s8.s32 v4;
	[tilespmem:$0x1FF70] =	vst v42  }
0x1fb: {  	v7 =	vimm.s32 $0x23601D5A;
	[tilespmem:$0x1FF80] =	vst v39  }
0x1fc: {  	[tilespmem:$0x1FD90] =	vst v0;
	v0 =	vunpack.c.0.s8.s32 v7  }
0x1fd: {  	v16 =	vimm.s32 $0x24611E5B;
	[tilespmem:$0x1FF90] =	vst v35  }
0x1fe: {  	[tilespmem:$0x1FDB0] =	vst v0;
	v0 =	vunpack.c.0.s8.s32 v16  }
0x1ff: {  	v19 =	vimm.s32 $0x2663205D;
	[tilespmem:$0x1FFA0] =	vst v51  }
0x200: {  	s0 =	srdreg.scid;
	[tilespmem:$0x1FDC0] =	vst v0;
	v0 =	vunpack.c.0.s8.s32 v19  }
0x201: {  	s4 =	sand.u32 $0x1, s0;
	v36 =	vimm.s32 $0x2764215E;
	[tilespmem:$0x1FFB0] =	vst v52  }
0x202: {  	s0 =	stileid.u32;
	s1 =	sshll.u32 s4, $0x4;
	[tilespmem:$0x1FDE0] =	vst v0;
	v0 =	vunpack.c.0.s8.s32 v36  }
0x203: {  	s14 =	simm.s32 $0x3000;
	s15 =	simm.s32 $0x1;
	s6 =	sor.u32 s0, s1;
	v47 =	vimm.s32 $0x29662360;
	[tilespmem:$0x1FFC0] =	vst v53  }
0x204: {  	s16 =	simm.s32 $0x2;
	s30 =	ssub.s32 $0x2, s4;
	s7 =	smul.u32 $0x2400, s6;
	[tilespmem:$0x1FDF0] =	vst v0;
	v0 =	vunpack.c.0.s8.s32 v47  }
0x205: {  	s17 =	simm.s32 $0x3600;
	s31 =	sshrl.u32 s30, $0x1;
	s8 =	smul.u32 $0x600, s6;
	v48 =	vimm.s32 $0x2A672461;
	[tilespmem:$0x1FFD0] =	vst v40  }
0x206: {  	s18 =	simm.s32 $0x0;
	s11 =	smul.u32 $0xC0, s6;
	s13 =	ssub.s32 s30, s31;
	[tilespmem:$0x1FE10] =	vst v0;
	v0 =	vunpack.c.0.s8.s32 v48  }
0x207: {  	s13 =	smax.u32 s13, $0x1;
	s12 =	sadd.s32 s7, s5;
	s3 =	sadd.s32 s3, s8;
	v56 =	vimm.s32 $0x2C692663;
	[tilespmem:$0x1FFE0] =	vst v41  }
0x208: {  	s10 =	sadd.s32 s10, s11;
	s4 =	sadd.s32 $0x20000, s3;
	s5 =	sadd.s32 $0x40000, s3;
	[tilespmem:$0x1FE20] =	vst v0;
	v0 =	vunpack.c.0.s8.s32 v56  }
0x209: {  	s6 =	sadd.s32 $0x60000, s3;
	s7 =	sadd.s32 $0x80000, s3;
	s8 =	sadd.s32 $0xA0000, s3;
	[tilespmem:$0x1FFF0] =	vst v43  }
0x20a: {  	s9 =	sadd.s32 $0xC0000, s3;
	s11 =	sadd.s32 $0xE0000, s3;
	s12 =	sadd.s32 $0x800, s12;
	v45 =	vimm.f32 $0.0e+00;
	v44 =	vcombine.low v21, v1;
	v46 =	vimm.f32 $1.000000000e+00;
	[tilespmem:$0x1FE40] =	vst v0  }
.LBB2_1:
0x20b: {  	s19 =	simm.s32 $0x0  }
0x20c: {  	s19 =	smul.u32 $0x9000, s19  }
0x20d: {  	[tilespmem:s14], [sflag:$0x1] =	stream.linear.gather [hbm4b:s10+s2], $0x600, $0x38;
	[tilespmem:$0x15600] =	vst v63  }
0x20e: {  	s20 =	sand.u32 $0x380, s2;
	s19 =	sshra.s32 s19, $0x2  }
0x20f: {  	s19 =	sor.u32 s20, s19  }
0x210: {  	[tilespmem:s19+$0x5620] =	vst v45  }
0x211: {  	[tilespmem:s19+$0x3600] =	vst v45  }
0x212: {  	[tilespmem:s19+$0x3610] =	vst v45  }
0x213: {  	[tilespmem:s19+$0x3620] =	vst v45  }
0x214: {  	[tilespmem:s19+$0x3630] =	vst v45  }
0x215: {  	[tilespmem:s19+$0x3640] =	vst v45  }
0x216: {  	[tilespmem:s19+$0x3650] =	vst v45  }
0x217: {  	[tilespmem:s19+$0x3660] =	vst v45  }
0x218: {  	[tilespmem:s19+$0x3670] =	vst v45  }
0x219: {  	[tilespmem:s19+$0x3A00] =	vst v45  }
0x21a: {  	[tilespmem:s19+$0x3A10] =	vst v45  }
0x21b: {  	[tilespmem:s19+$0x3A20] =	vst v45  }
0x21c: {  	[tilespmem:s19+$0x3A30] =	vst v45  }
0x21d: {  	[tilespmem:s19+$0x3A40] =	vst v45  }
0x21e: {  	[tilespmem:s19+$0x3A50] =	vst v45  }
0x21f: {  	[tilespmem:s19+$0x3A60] =	vst v45  }
0x220: {  	[tilespmem:s19+$0x3A70] =	vst v45  }
0x221: {  	[tilespmem:s19+$0x3E00] =	vst v45  }
0x222: {  	[tilespmem:s19+$0x3E10] =	vst v45  }
0x223: {  	[tilespmem:s19+$0x3E20] =	vst v45  }
0x224: {  	[tilespmem:s19+$0x3E30] =	vst v45  }
0x225: {  	[tilespmem:s19+$0x3E40] =	vst v45  }
0x226: {  	[tilespmem:s19+$0x3E50] =	vst v45  }
0x227: {  	[tilespmem:s19+$0x3E60] =	vst v45  }
0x228: {  	[tilespmem:s19+$0x3E70] =	vst v45  }
0x229: {  	[tilespmem:s19+$0x4200] =	vst v45  }
0x22a: {  	[tilespmem:s19+$0x4210] =	vst v45  }
0x22b: {  	[tilespmem:s19+$0x4220] =	vst v45  }
0x22c: {  	[tilespmem:s19+$0x4230] =	vst v45  }
0x22d: {  	[tilespmem:s19+$0x4240] =	vst v45  }
0x22e: {  	[tilespmem:s19+$0x4250] =	vst v45  }
0x22f: {  	[tilespmem:s19+$0x4260] =	vst v45  }
0x230: {  	[tilespmem:s19+$0x4270] =	vst v45  }
0x231: {  	[tilespmem:s19+$0x4600] =	vst v45  }
0x232: {  	[tilespmem:s19+$0x4610] =	vst v45  }
0x233: {  	[tilespmem:s19+$0x4620] =	vst v45  }
0x234: {  	[tilespmem:s19+$0x4630] =	vst v45  }
0x235: {  	[tilespmem:s19+$0x4640] =	vst v45  }
0x236: {  	[tilespmem:s19+$0x4650] =	vst v45  }
0x237: {  	[tilespmem:s19+$0x4660] =	vst v45  }
0x238: {  	[tilespmem:s19+$0x4670] =	vst v45  }
0x239: {  	[tilespmem:s19+$0x4A00] =	vst v45  }
0x23a: {  	[tilespmem:s19+$0x4A10] =	vst v45  }
0x23b: {  	[tilespmem:s19+$0x4A20] =	vst v45  }
0x23c: {  	[tilespmem:s19+$0x4A30] =	vst v45  }
0x23d: {  	[tilespmem:s19+$0x4A40] =	vst v45  }
0x23e: {  	[tilespmem:s19+$0x4A50] =	vst v45  }
0x23f: {  	[tilespmem:s19+$0x4A60] =	vst v45  }
0x240: {  	[tilespmem:s19+$0x4A70] =	vst v45  }
0x241: {  	[tilespmem:s19+$0x4E00] =	vst v45  }
0x242: {  	[tilespmem:s19+$0x4E10] =	vst v45  }
0x243: {  	[tilespmem:s19+$0x4E20] =	vst v45  }
0x244: {  	[tilespmem:s19+$0x4E30] =	vst v45  }
0x245: {  	[tilespmem:s19+$0x4E40] =	vst v45  }
0x246: {  	[tilespmem:s19+$0x4E50] =	vst v45  }
0x247: {  	[tilespmem:s19+$0x4E60] =	vst v45  }
0x248: {  	[tilespmem:s19+$0x4E70] =	vst v45  }
0x249: {  	[tilespmem:s19+$0x5200] =	vst v45  }
0x24a: {  	[tilespmem:s19+$0x5210] =	vst v45  }
0x24b: {  	[tilespmem:s19+$0x5220] =	vst v45  }
0x24c: {  	[tilespmem:s19+$0x5230] =	vst v45  }
0x24d: {  	[tilespmem:s19+$0x5240] =	vst v45  }
0x24e: {  	s22 =	simm.s32 $0x0;
	s21 =	simm.s32 $0x2;
	s20 =	simm.s32 $0x0;
	[tilespmem:s19+$0x5250] =	vst v45  }
.LBB2_2:
0x24f: {  	p0 =	sne.s32 s21, $0x3F;
	s22 =	smul.u32 $0x9000, s22;
	[tilespmem:s19+$0x5260] =	vst v45  }
0x250: {  	s20 =	sadd.s32 $0x80, s20;
	[tilespmem:s19+$0x5270] =	vst v45  }
0x251: {  	s23 =	sand.u32 $0x380, s20;
	s22 =	sshra.s32 s22, $0x2;
	[tilespmem:s19+$0x5600] =	vst v45  }
0x252: {  	[tilespmem:s19+$0x5610] =	vst v45;
	s19 =	sor.u32 s23, s22  }
0x253: {  	[tilespmem:s19+$0x5620] =	vst v45  }
0x254: {  	[tilespmem:s19+$0x3600] =	vst v45  }
0x255: {  	[tilespmem:s19+$0x3610] =	vst v45  }
0x256: {  	[tilespmem:s19+$0x3620] =	vst v45  }
0x257: {  	[tilespmem:s19+$0x3630] =	vst v45  }
0x258: {  	[tilespmem:s19+$0x3640] =	vst v45  }
0x259: {  	[tilespmem:s19+$0x3650] =	vst v45  }
0x25a: {  	[tilespmem:s19+$0x3660] =	vst v45  }
0x25b: {  	[tilespmem:s19+$0x3670] =	vst v45  }
0x25c: {  	[tilespmem:s19+$0x3A00] =	vst v45  }
0x25d: {  	[tilespmem:s19+$0x3A10] =	vst v45  }
0x25e: {  	[tilespmem:s19+$0x3A20] =	vst v45  }
0x25f: {  	[tilespmem:s19+$0x3A30] =	vst v45  }
0x260: {  	[tilespmem:s19+$0x3A40] =	vst v45  }
0x261: {  	[tilespmem:s19+$0x3A50] =	vst v45  }
0x262: {  	[tilespmem:s19+$0x3A60] =	vst v45  }
0x263: {  	[tilespmem:s19+$0x3A70] =	vst v45  }
0x264: {  	[tilespmem:s19+$0x3E00] =	vst v45  }
0x265: {  	[tilespmem:s19+$0x3E10] =	vst v45  }
0x266: {  	[tilespmem:s19+$0x3E20] =	vst v45  }
0x267: {  	[tilespmem:s19+$0x3E30] =	vst v45  }
0x268: {  	[tilespmem:s19+$0x3E40] =	vst v45  }
0x269: {  	[tilespmem:s19+$0x3E50] =	vst v45  }
0x26a: {  	[tilespmem:s19+$0x3E60] =	vst v45  }
0x26b: {  	[tilespmem:s19+$0x3E70] =	vst v45  }
0x26c: {  	[tilespmem:s19+$0x4200] =	vst v45  }
0x26d: {  	[tilespmem:s19+$0x4210] =	vst v45  }
0x26e: {  	[tilespmem:s19+$0x4220] =	vst v45  }
0x26f: {  	[tilespmem:s19+$0x4230] =	vst v45  }
0x270: {  	[tilespmem:s19+$0x4240] =	vst v45  }
0x271: {  	[tilespmem:s19+$0x4250] =	vst v45  }
0x272: {  	[tilespmem:s19+$0x4260] =	vst v45  }
0x273: {  	[tilespmem:s19+$0x4270] =	vst v45  }
0x274: {  	[tilespmem:s19+$0x4600] =	vst v45  }
0x275: {  	[tilespmem:s19+$0x4610] =	vst v45  }
0x276: {  	[tilespmem:s19+$0x4620] =	vst v45  }
0x277: {  	[tilespmem:s19+$0x4630] =	vst v45  }
0x278: {  	[tilespmem:s19+$0x4640] =	vst v45  }
0x279: {  	[tilespmem:s19+$0x4650] =	vst v45  }
0x27a: {  	[tilespmem:s19+$0x4660] =	vst v45  }
0x27b: {  	[tilespmem:s19+$0x4670] =	vst v45  }
0x27c: {  	[tilespmem:s19+$0x4A00] =	vst v45  }
0x27d: {  	[tilespmem:s19+$0x4A10] =	vst v45  }
0x27e: {  	[tilespmem:s19+$0x4A20] =	vst v45  }
0x27f: {  	[tilespmem:s19+$0x4A30] =	vst v45  }
0x280: {  	[tilespmem:s19+$0x4A40] =	vst v45  }
0x281: {  	[tilespmem:s19+$0x4A50] =	vst v45  }
0x282: {  	[tilespmem:s19+$0x4A60] =	vst v45  }
0x283: {  	[tilespmem:s19+$0x4A70] =	vst v45  }
0x284: {  	[tilespmem:s19+$0x4E00] =	vst v45  }
0x285: {  	[tilespmem:s19+$0x4E10] =	vst v45  }
0x286: {  	[tilespmem:s19+$0x4E20] =	vst v45  }
0x287: {  	[tilespmem:s19+$0x4E30] =	vst v45  }
0x288: {  	[tilespmem:s19+$0x4E40] =	vst v45  }
0x289: {  	[tilespmem:s19+$0x4E50] =	vst v45  }
0x28a: {  	[tilespmem:s19+$0x4E60] =	vst v45  }
0x28b: {  	[tilespmem:s19+$0x4E70] =	vst v45  }
0x28c: {  	[tilespmem:s19+$0x5200] =	vst v45  }
.Ltmp0:
0x28d: {  	[tilespmem:s19+$0x5210] =	vst v45;
	(pc) =	sbr.rel @p0 .LBB2_2-.Ltmp0, $4  }
0x28e: {  	[tilespmem:s19+$0x5220] =	vst v45  }
0x28f: {  	[tilespmem:s19+$0x5230] =	vst v45  }
0x290: {  	[tilespmem:s19+$0x5240] =	vst v45  }
0x291: {  	s22 =	sshrl.u32 s21, $0x3;
	s21 =	sadd.s32 $0x1, s21;
	[tilespmem:s19+$0x5250] =	vst v45  }
0x292: {  	s21 =	smul.u32 $0x9000, s22;
	[tilespmem:s19+$0x5260] =	vst v45  }
0x293: {  	[tilespmem:s19+$0x5270] =	vst v45;
	s20 =	sadd.s32 $0x80, s20  }
0x294: {  	[tilespmem:s19+$0x5600] =	vst v45;
	s20 =	sand.u32 $0x380, s20;
	s21 =	sshra.s32 s21, $0x2  }
0x295: {  	[tilespmem:s19+$0x5610] =	vst v45;
	s20 =	sor.u32 s20, s21  }
0x296: {  	[tilespmem:s20+$0x5620] =	vst v45  }
0x297: {  	[tilespmem:s20+$0x3600] =	vst v45  }
0x298: {  	[tilespmem:s20+$0x3610] =	vst v45  }
0x299: {  	[tilespmem:s20+$0x3620] =	vst v45  }
0x29a: {  	[tilespmem:s20+$0x3630] =	vst v45  }
0x29b: {  	[tilespmem:s20+$0x3640] =	vst v45  }
0x29c: {  	[tilespmem:s20+$0x3650] =	vst v45  }
0x29d: {  	[tilespmem:s20+$0x3660] =	vst v45  }
0x29e: {  	[tilespmem:s20+$0x3670] =	vst v45  }
0x29f: {  	[tilespmem:s20+$0x3A00] =	vst v45  }
0x2a0: {  	[tilespmem:s20+$0x3A10] =	vst v45  }
0x2a1: {  	[tilespmem:s20+$0x3A20] =	vst v45  }
0x2a2: {  	[tilespmem:s20+$0x3A30] =	vst v45  }
0x2a3: {  	[tilespmem:s20+$0x3A40] =	vst v45  }
0x2a4: {  	[tilespmem:s20+$0x3A50] =	vst v45  }
0x2a5: {  	[tilespmem:s20+$0x3A60] =	vst v45  }
0x2a6: {  	[tilespmem:s20+$0x3A70] =	vst v45  }
0x2a7: {  	[tilespmem:s20+$0x3E00] =	vst v45  }
0x2a8: {  	[tilespmem:s20+$0x3E10] =	vst v45  }
0x2a9: {  	[tilespmem:s20+$0x3E20] =	vst v45  }
0x2aa: {  	[tilespmem:s20+$0x3E30] =	vst v45  }
0x2ab: {  	[tilespmem:s20+$0x3E40] =	vst v45  }
0x2ac: {  	[tilespmem:s20+$0x3E50] =	vst v45  }
0x2ad: {  	[tilespmem:s20+$0x3E60] =	vst v45  }
0x2ae: {  	[tilespmem:s20+$0x3E70] =	vst v45  }
0x2af: {  	[tilespmem:s20+$0x4200] =	vst v45  }
0x2b0: {  	[tilespmem:s20+$0x4210] =	vst v45  }
0x2b1: {  	[tilespmem:s20+$0x4220] =	vst v45  }
0x2b2: {  	[tilespmem:s20+$0x4230] =	vst v45  }
0x2b3: {  	[tilespmem:s20+$0x4240] =	vst v45  }
0x2b4: {  	[tilespmem:s20+$0x4250] =	vst v45  }
0x2b5: {  	[tilespmem:s20+$0x4260] =	vst v45  }
0x2b6: {  	[tilespmem:s20+$0x4270] =	vst v45  }
0x2b7: {  	[tilespmem:s20+$0x4600] =	vst v45  }
0x2b8: {  	[tilespmem:s20+$0x4610] =	vst v45  }
0x2b9: {  	[tilespmem:s20+$0x4620] =	vst v45  }
0x2ba: {  	[tilespmem:s20+$0x4630] =	vst v45  }
0x2bb: {  	[tilespmem:s20+$0x4640] =	vst v45  }
0x2bc: {  	[tilespmem:s20+$0x4650] =	vst v45  }
0x2bd: {  	[tilespmem:s20+$0x4660] =	vst v45  }
0x2be: {  	[tilespmem:s20+$0x4670] =	vst v45  }
0x2bf: {  	[tilespmem:s20+$0x4A00] =	vst v45  }
0x2c0: {  	[tilespmem:s20+$0x4A10] =	vst v45  }
0x2c1: {  	[tilespmem:s20+$0x4A20] =	vst v45  }
0x2c2: {  	[tilespmem:s20+$0x4A30] =	vst v45  }
0x2c3: {  	[tilespmem:s20+$0x4A40] =	vst v45  }
0x2c4: {  	[tilespmem:s20+$0x4A50] =	vst v45  }
0x2c5: {  	[tilespmem:s20+$0x4A60] =	vst v45  }
0x2c6: {  	[tilespmem:s20+$0x4A70] =	vst v45  }
0x2c7: {  	[tilespmem:s20+$0x4E00] =	vst v45  }
0x2c8: {  	[tilespmem:s20+$0x4E10] =	vst v45  }
0x2c9: {  	[tilespmem:s20+$0x4E20] =	vst v45  }
0x2ca: {  	[tilespmem:s20+$0x4E30] =	vst v45  }
0x2cb: {  	[tilespmem:s20+$0x4E40] =	vst v45  }
0x2cc: {  	[tilespmem:s20+$0x4E50] =	vst v45  }
0x2cd: {  	[tilespmem:s20+$0x4E60] =	vst v45  }
0x2ce: {  	[tilespmem:s20+$0x4E70] =	vst v45  }
0x2cf: {  	[tilespmem:s20+$0x5200] =	vst v45  }
0x2d0: {  	[tilespmem:s20+$0x5210] =	vst v45  }
0x2d1: {  	[tilespmem:s20+$0x5220] =	vst v45  }
0x2d2: {  	[tilespmem:s20+$0x5230] =	vst v45  }
0x2d3: {  	[tilespmem:s20+$0x5240] =	vst v45  }
0x2d4: {  	[tilespmem:s20+$0x5250] =	vst v45  }
0x2d5: {  	[tilespmem:s20+$0x5260] =	vst v45  }
0x2d6: {  	[tilespmem:s20+$0x5270] =	vst v45  }
0x2d7: {  	[tilespmem:s20+$0x5600] =	vst v45  }
0x2d8: {  	[tilespmem:s20+$0x5610] =	vst v45  }
0x2d9: {  	_ =	swait.ge [sflag:s15], $0x600  }
0x2da: {  	[sflag:s15] =	ssyncset.done $0x0  }
0x2db: {  	s19 =	simm.s32 $0x0;
	[sflag:s15] =	ssyncadd.s32 $0xFFFFFA00  }
0x2dc: {  	[tilespmem:s19], [sflag:$0x2] =	stream.linear.gather [hbm4b:s3+s19], $0x3000, $0x38;
	[tilespmem:$0x15600] =	vst v63  }
0x2dd: {  	s31 =	sand.u32 $0x60, s19;
	_ =	swait.ge [sflag:s16], $0x3000  }
0x2de: {  	s23 =	sand.u32 $0x780, s19;
	s1 =	sor.u32 $0x10, s31;
	[sflag:s16] =	ssyncset.done $0x0  }
0x2df: {  	s22 =	sor.u32 s1, s23;
	[sflag:s16] =	ssyncadd.s32 $0xFFFFD000  }
0x2e0: {  	v0 =	vld [tilespmem:s22+$0x3000];
	_ =	sdelay $0x1  }
0x2e1: {  	s24 =	simm.s32 $0x3000  }
0x2e2: {  	v1 =	vld [tilespmem:s24+$0x0]  }
0x2e3: {  	v23 =	vld [tilespmem:$0x1F460]  }
0x2e4: {  	v2 =	vshrl.u32 v0, $0x3  }
0x2e5: {  	v0 =	vshll.u32 v0, $0x7;
	v2 =	vmul.u32 $0x2400, v2  }
0x2e6: {  	s25 =	sand.u32 $0x3C00, s19;
	v0 =	vand.u32 $0x380, v0  }
0x2e7: {  	s21 =	sor.u32 s1, s25;
	v3 =	vshrl.u32 v1, $0x3;
	v48 =	vor.u32 v0, v2  }
0x2e8: {  	v0 =	vshll.u32 v1, $0x7;
	v2 =	vld [tilespmem:s21+$0x0];
	v1 =	vmul.u32 $0x2400, v3;
	v3 =	vadd.s32 v23, v48;
	_ =	sdelay $0x3  }
0x2e9: {  	v18 =	vld [tilespmem:$0x1F450]  }
0x2ea: {  	[tilespmem:v3+s17+$0x0] =	vst.idx.add.f32.msk $0xffff, v2  }
0x2eb: {  	v25 =	vld [tilespmem:$0x1F470]  }
0x2ec: {  	v0 =	vand.u32 $0x380, v0  }
0x2ed: {  	v47 =	vor.u32 v0, v1  }
0x2ee: {  	s23 =	sor.u32 s31, s25;
	v49 =	vadd.s32 v9, v47  }
0x2ef: {  	v0 =	vld [tilespmem:s23+$0x0];
	v1 =	vor.u32 v18, v49  }
0x2f0: {  	v4 =	vld [tilespmem:s21+$0x80];
	v3 =	vadd.s32 v25, v48;
	_ =	sdelay $0x3  }
0x2f1: {  	[tilespmem:v1+s17+$0x0] =	vst.idx.add.f32.msk $0xffff, v0  }
0x2f2: {  	[tilespmem:v3+s17+$0x0] =	vst.idx.add.f32.msk $0xffff, v4  }
0x2f3: {  	v50 =	vld [tilespmem:$0x1F480];
	_ =	sdelay $0x3  }
0x2f4: {  	v5 =	vor.u32 v35, v49;
	v1 =	vld [tilespmem:s23+$0x80]  }
0x2f5: {  	v7 =	vld [tilespmem:s21+$0x100];
	v3 =	vadd.s32 v50, v48;
	_ =	sdelay $0x3  }
0x2f6: {  	[tilespmem:v5+s17+$0x0] =	vst.idx.add.f32.msk $0xffff, v1  }
0x2f7: {  	[tilespmem:v3+s17+$0x0] =	vst.idx.add.f32.msk $0xffff, v7  }
0x2f8: {  	v42 =	vld [tilespmem:$0x1F490];
	_ =	sdelay $0x3  }
0x2f9: {  	v6 =	vor.u32 v51, v49;
	v5 =	vld [tilespmem:s23+$0x100]  }
0x2fa: {  	v19 =	vld [tilespmem:s21+$0x180];
	v3 =	vadd.s32 v42, v48;
	_ =	sdelay $0x3  }
0x2fb: {  	[tilespmem:v6+s17+$0x0] =	vst.idx.add.f32.msk $0xffff, v5  }
0x2fc: {  	[tilespmem:v3+s17+$0x0] =	vst.idx.add.f32.msk $0xffff, v19  }
0x2fd: {  	v36 =	vld [tilespmem:$0x1F4A0];
	_ =	sdelay $0x3  }
0x2fe: {  	v8 =	vor.u32 v52, v49;
	v6 =	vld [tilespmem:s23+$0x180]  }
0x2ff: {  	v20 =	vld [tilespmem:s21+$0x200];
	v3 =	vadd.s32 v36, v48;
	_ =	sdelay $0x2  }
0x300: {  	s22 =	simm.s32 $0x20  }
0x301: {  	s20 =	sand.u32 $0x60, s22;
	[tilespmem:v8+s17+$0x0] =	vst.idx.add.f32.msk $0xffff, v6  }
0x302: {  	s26 =	sand.u32 $0x780, s22;
	s25 =	sor.u32 $0x10, s20;
	[tilespmem:v3+s17+$0x0] =	vst.idx.add.f32.msk $0xffff, v20  }
0x303: {  	s26 =	sor.u32 s25, s26;
	v0 =	vmul.f32 v0, v0;
	v1 =	vmul.f32 v1, v1;
	v31 =	vld [tilespmem:$0x1F4B0]  }
0x304: {  	v11 =	vld [tilespmem:s26+$0x3000]  }
0x305: {  	v0 =	vadd.f32 v1, v0;
	v1 =	vmul.f32 v5, v5;
	v8 =	vor.u32 v53, v49;
	v5 =	vld [tilespmem:s23+$0x200]  }
0x306: {  	s24 =	simm.s32 $0x3020  }
0x307: {  	v10 =	vld [tilespmem:s24+$0x0];
	v0 =	vadd.f32 v1, v0;
	v3 =	vmul.f32 v6, v6  }
0x308: {  	s24 =	simm.s32 $0x100;
	v14 =	vmul.f32 v2, v2;
	v1 =	vld [tilespmem:s21+$0x280];
	v6 =	vadd.s32 v31, v48  }
0x309: {  	s1 =	sand.u32 $0x3C00, s24;
	v4 =	vmul.f32 v4, v4;
	v12 =	vadd.f32 v3, v0;
	v0 =	vshrl.u32 v11, $0x3  }
0x30a: {  	s31 =	sand.u32 $0x3, s19;
	s21 =	sor.u32 s25, s1;
	[tilespmem:v8+s17+$0x0] =	vst.idx.add.f32.msk $0xffff, v5;
	v5 =	vmul.f32 v5, v5;
	v3 =	vmul.u32 $0x2400, v0;
	v0 =	vshll.u32 v11, $0x7  }
0x30b: {  	s28 =	sshll.u32 s31, $0x5;
	v8 =	vand.u32 $0x380, v0;
	v0 =	vld [tilespmem:s21+$0x0]  }
0x30c: {  	s28 =	sadd.s32 $0x0, s28;
	v5 =	vadd.f32 v5, v12;
	v12 =	vadd.f32 v4, v14;
	v14 =	vmul.f32 v7, v7;
	v7 =	vld [tilespmem:s23+$0x280]  }
0x30d: {  	s30 =	sadd.s32 $0x10, s28;
	s20 =	sor.u32 s20, s1;
	[tilespmem:v6+s17+$0x0] =	vst.idx.add.f32.msk $0xffff, v1  }
0x30e: {  	s31 =	sor.u32 $0x300, s30;
	v6 =	vld [tilespmem:s20+$0x0]  }
0x30f: {  	v3 =	vor.u32 v8, v3;
	v8 =	vld [tilespmem:s31+$0x0]  }
0x310: {  	v54 =	vld [tilespmem:$0x1F4C0]  }
0x311: {  	v55 =	vld [tilespmem:$0x1F4D0]  }
0x312: {  	v11 =	vshll.u32 v10, $0x7;
	v10 =	vshrl.u32 v10, $0x3;
	v56 =	vld [tilespmem:$0x1F4E0]  }
0x313: {  	v2 =	vmul.u32 $0x2400, v10;
	v17 =	vld [tilespmem:$0x1F860]  }
0x314: {  	v15 =	vand.u32 $0x380, v11;
	v40 =	vld [tilespmem:$0x1F890]  }
0x315: {  	s29 =	sor.u32 $0x300, s28;
	s28 =	sor.u32 $0x380, s28;
	v10 =	vadd.s32 v23, v3;
	v2 =	vor.u32 v15, v2;
	v41 =	vld [tilespmem:$0x1F8B0]  }
0x316: {  	s26 =	simm.s32 $0x3040;
	s25 =	simm.s32 $0x2;
	s23 =	simm.s32 $0x100;
	v4 =	vadd.s32 v9, v2;
	v43 =	vld [tilespmem:$0x1F940];
	v11 =	vadd.s32 v54, v48  }
.LBB2_4:
0x317: {  	_ =	sdelay $0x1  }
0x318: {  	v21 =	vld [tilespmem:s26+$0x0];
	v15 =	vor.u32 v18, v4;
	v12 =	vadd.f32 v14, v12;
	v14 =	vmul.f32 v19, v19  }
0x319: {  	[tilespmem:v10+s17+$0x0] =	vst.idx.add.f32.msk $0xffff, v0  }
0x31a: {  	s30 =	sor.u32 $0x380, s30;
	v12 =	vadd.f32 v14, v12;
	v14 =	vmul.f32 v20, v20;
	[tilespmem:v11+s17+$0x0] =	vst.idx.add.f32.msk $0xffff, v8  }
0x31b: {  	v10 =	vor.u32 v17, v49;
	v16 =	vld [tilespmem:s30+$0x0]  }
0x31c: {  	v1 =	vmul.f32 v1, v1;
	v19 =	vadd.s32 v25, v3;
	v17 =	vld [tilespmem:s21+$0x80];
	v12 =	vadd.f32 v14, v12  }
0x31d: {  	v11 =	vmul.f32 v6, v6;
	[tilespmem:v15+s17+$0x0] =	vst.idx.add.f32.msk $0xffff, v6;
	v6 =	vmul.f32 v7, v7  }
0x31e: {  	v8 =	vmul.f32 v8, v8;
	v1 =	vadd.f32 v1, v12  }
0x31f: {  	v14 =	vld [tilespmem:s20+$0x80];
	v12 =	vadd.s32 v55, v48;
	v5 =	vadd.f32 v6, v5  }
0x320: {  	v6 =	vadd.s32 v13, v48;
	[tilespmem:v10+s17+$0x0] =	vst.idx.add.f32.msk $0xffff, v7;
	v1 =	vadd.f32 v8, v1  }
0x321: {  	v10 =	vadd.s32 v56, v48;
	v48 =	vmovc v3;
	v3 =	vor.u32 v35, v4;
	v7 =	vld [tilespmem:s29+$0x0];
	v8 =	vmul.f32 v16, v16  }
0x322: {  	[tilespmem:v19+s17+$0x0] =	vst.idx.add.f32.msk $0xffff, v17  }
0x323: {  	v15 =	vld [tilespmem:s21+$0x100];
	v1 =	vadd.f32 v8, v1  }
0x324: {  	v19 =	vadd.s32 v50, v48;
	[tilespmem:v12+s17+$0x0] =	vst.idx.add.f32.msk $0xffff, v16  }
0x325: {  	[tilespmem:v6+s17+$0x0] =	vst.idx.add.f32.msk $0xffff, v1  }
0x326: {  	v8 =	vmul.f32 v14, v14;
	v12 =	vor.u32 v40, v49;
	[tilespmem:v3+s17+$0x0] =	vst.idx.add.f32.msk $0xffff, v14  }
0x327: {  	[tilespmem:v10+s17+$0x0] =	vst.idx.add.f32.msk $0xffff, v46  }
0x328: {  	v1 =	vadd.f32 v8, v11;
	v8 =	vor.u32 v51, v4;
	v6 =	vmul.f32 v7, v7;
	v3 =	vld [tilespmem:s20+$0x100]  }
0x329: {  	[tilespmem:v19+s17+$0x0] =	vst.idx.add.f32.msk $0xffff, v15  }
0x32a: {  	v5 =	vadd.f32 v6, v5;
	v19 =	vld [tilespmem:s21+$0x180];
	v6 =	vadd.s32 v42, v48  }
0x32b: {  	[tilespmem:v12+s17+$0x0] =	vst.idx.add.f32.msk $0xffff, v7  }
0x32c: {  	v10 =	vor.u32 v41, v49;
	v7 =	vld [tilespmem:s28+$0x0]  }
0x32d: {  	v49 =	vmov v4;
	[tilespmem:v8+s17+$0x0] =	vst.idx.add.f32.msk $0xffff, v3  }
0x32e: {  	s22 =	sadd.s32 $0x20, s22;
	v3 =	vmul.f32 v3, v3;
	v8 =	vor.u32 v52, v49;
	v4 =	vld [tilespmem:s20+$0x180]  }
0x32f: {  	s28 =	sand.u32 $0x60, s22;
	[tilespmem:v6+s17+$0x0] =	vst.idx.add.f32.msk $0xffff, v19  }
0x330: {  	s30 =	sand.u32 $0x780, s22;
	s29 =	sor.u32 $0x10, s28;
	v1 =	vadd.f32 v3, v1;
	v3 =	vadd.s32 v36, v48;
	v20 =	vld [tilespmem:s21+$0x200]  }
0x331: {  	s30 =	sor.u32 s29, s30;
	[tilespmem:v10+s17+$0x0] =	vst.idx.add.f32.msk $0xffff, v7;
	v6 =	vmul.f32 v7, v7;
	v7 =	vadd.s32 v22, v47  }
0x332: {  	v47 =	vmov v2;
	v2 =	vld [tilespmem:s30+$0x3000];
	v10 =	vor.u32 v24, v7  }
0x333: {  	v7 =	vor.u32 v43, v7;
	[tilespmem:v8+s17+$0x0] =	vst.idx.add.f32.msk $0xffff, v4  }
0x334: {  	v5 =	vadd.f32 v6, v5;
	v4 =	vmul.f32 v4, v4;
	v6 =	vld [tilespmem:s20+$0x200]  }
0x335: {  	[tilespmem:v3+s17+$0x0] =	vst.idx.add.f32.msk $0xffff, v20  }
0x336: {  	s24 =	sadd.s32 $0x100, s24;
	v8 =	vor.u32 v53, v49;
	v4 =	vadd.f32 v4, v1;
	v1 =	vld [tilespmem:s21+$0x280]  }
0x337: {  	s30 =	sand.u32 $0x3C00, s24;
	v3 =	vshrl.u32 v2, $0x3;
	[tilespmem:v10+s17+$0x0] =	vst.idx.add.f32.msk $0xffff, v5  }
0x338: {  	v11 =	vadd.s32 v31, v48;
	v2 =	vshll.u32 v2, $0x7;
	v3 =	vmul.u32 $0x2400, v3;
	s21 =	sor.u32 s29, s30;
	[tilespmem:v7+s17+$0x0] =	vst.idx.add.f32.msk $0xffff, v46  }
0x339: {  	s25 =	sadd.s32 $0x2, s25;
	s19 =	sadd.s32 $0x1, s19;
	v12 =	vmul.f32 v0, v0;
	v2 =	vand.u32 $0x380, v2;
	v7 =	vshrl.u32 v21, $0x3;
	v0 =	vld [tilespmem:s21+$0x0]  }
0x33a: {  	p0 =	slt.u32 s25, $0x5E;
	s31 =	sand.u32 $0x3, s19;
	v3 =	vor.u32 v2, v3;
	v2 =	vmul.u32 $0x2400, v7;
	v7 =	vmul.f32 v17, v17;
	v17 =	vld [tilespmem:$0x1F860]  }
.Ltmp1:
0x33b: {  	s31 =	sshll.u32 s31, $0x5;
	[tilespmem:v8+s17+$0x0] =	vst.idx.add.f32.msk $0xffff, v6;
	(pc) =	sbr.rel @p0 .LBB2_4-.Ltmp1, $4  }
0x33c: {  	s23 =	sadd.s32 s31, s23;
	v5 =	vshll.u32 v21, $0x7;
	v6 =	vmul.f32 v6, v6;
	v12 =	vadd.f32 v7, v12;
	v7 =	vld [tilespmem:s20+$0x280]  }
0x33d: {  	s1 =	sor.u32 s28, s30;
	s30 =	sadd.s32 $0x10, s23;
	v14 =	vand.u32 $0x380, v5;
	[tilespmem:v11+s17+$0x0] =	vst.idx.add.f32.msk $0xffff, v1  }
0x33e: {  	s26 =	sadd.s32 $0x20, s26;
	s28 =	sor.u32 $0x380, s23;
	s31 =	sor.u32 $0x300, s30;
	v10 =	vadd.s32 v23, v3;
	v2 =	vor.u32 v14, v2;
	v5 =	vadd.f32 v6, v4;
	v6 =	vld [tilespmem:s1+$0x0]  }
0x33f: {  	s29 =	sor.u32 $0x300, s23;
	s23 =	smov.u32 s24;
	v14 =	vmul.f32 v15, v15;
	s20 =	smov.u32 s1;
	v11 =	vadd.s32 v54, v48;
	v4 =	vadd.s32 v9, v2;
	v8 =	vld [tilespmem:s31+$0x0]  }
0x340: {  	_ =	sdelay $0x1  }
0x341: {  	v15 =	vor.u32 v18, v4;
	_ =	sdelay $0x1  }
0x342: {  	[tilespmem:v10+s17+$0x0] =	vst.idx.add.f32.msk $0xffff, v0  }
0x343: {  	v16 =	vadd.s32 v25, v3;
	v10 =	vld [tilespmem:s21+$0x80]  }
0x344: {  	[tilespmem:v11+s17+$0x0] =	vst.idx.add.f32.msk $0xffff, v8  }
0x345: {  	v11 =	vor.u32 v17, v49;
	[tilespmem:v15+s17+$0x0] =	vst.idx.add.f32.msk $0xffff, v6  }
0x346: {  	s1 =	sor.u32 $0x380, s30;
	v18 =	vmov v17;
	v17 =	vor.u32 v35, v4;
	v15 =	vld [tilespmem:s20+$0x80]  }
0x347: {  	v12 =	vadd.f32 v14, v12;
	v14 =	vmul.f32 v19, v19;
	v19 =	vld [tilespmem:s1+$0x0]  }
0x348: {  	[tilespmem:v16+s17+$0x0] =	vst.idx.add.f32.msk $0xffff, v10  }
0x349: {  	v12 =	vadd.f32 v14, v12;
	v14 =	vmul.f32 v20, v20;
	v20 =	vadd.s32 v50, v3;
	v16 =	vld [tilespmem:s21+$0x100]  }
0x34a: {  	v1 =	vmul.f32 v1, v1;
	[tilespmem:v11+s17+$0x0] =	vst.idx.add.f32.msk $0xffff, v7  }
0x34b: {  	v12 =	vadd.f32 v14, v12;
	v11 =	vadd.s32 v55, v48;
	[tilespmem:v17+s17+$0x0] =	vst.idx.add.f32.msk $0xffff, v15  }
0x34c: {  	v17 =	vor.u32 v51, v4;
	v14 =	vld [tilespmem:s20+$0x100]  }
0x34d: {  	v8 =	vmul.f32 v8, v8;
	v1 =	vadd.f32 v1, v12;
	v12 =	vld [tilespmem:s29+$0x0]  }
0x34e: {  	v21 =	vadd.s32 v13, v48;
	[tilespmem:v20+s17+$0x0] =	vst.idx.add.f32.msk $0xffff, v16  }
0x34f: {  	v23 =	vadd.s32 v42, v3;
	v1 =	vadd.f32 v8, v1;
	v8 =	vmul.f32 v19, v19;
	v20 =	vld [tilespmem:s21+$0x180]  }
0x350: {  	[tilespmem:v11+s17+$0x0] =	vst.idx.add.f32.msk $0xffff, v19  }
0x351: {  	v1 =	vadd.f32 v8, v1;
	v8 =	vor.u32 v40, v49;
	[tilespmem:v17+s17+$0x0] =	vst.idx.add.f32.msk $0xffff, v14  }
0x352: {  	v17 =	vor.u32 v52, v4;
	v11 =	vld [tilespmem:s20+$0x180]  }
0x353: {  	[tilespmem:v21+s17+$0x0] =	vst.idx.add.f32.msk $0xffff, v1  }
0x354: {  	[tilespmem:v23+s17+$0x0] =	vst.idx.add.f32.msk $0xffff, v20  }
0x355: {  	v19 =	vadd.s32 v36, v3;
	v1 =	vld [tilespmem:s21+$0x200]  }
0x356: {  	[tilespmem:v8+s17+$0x0] =	vst.idx.add.f32.msk $0xffff, v12  }
0x357: {  	v8 =	vadd.s32 v56, v48;
	[tilespmem:v17+s17+$0x0] =	vst.idx.add.f32.msk $0xffff, v11  }
0x358: {  	v21 =	vor.u32 v53, v4;
	v17 =	vld [tilespmem:s20+$0x200]  }
0x359: {  	v33 =	vor.u32 v41, v49;
	v0 =	vmul.f32 v0, v0;
	v23 =	vld [tilespmem:s28+$0x0]  }
0x35a: {  	v6 =	vmul.f32 v6, v6;
	v7 =	vmul.f32 v7, v7;
	[tilespmem:v19+s17+$0x0] =	vst.idx.add.f32.msk $0xffff, v1  }
0x35b: {  	v34 =	vadd.s32 v31, v3;
	s24 =	sadd.s32 $0x1, s19;
	v10 =	vmul.f32 v10, v10;
	v15 =	vmul.f32 v15, v15;
	v19 =	vld [tilespmem:s21+$0x280]  }
0x35c: {  	s1 =	sand.u32 $0x3, s24;
	v5 =	vadd.f32 v7, v5;
	v7 =	vmul.f32 v12, v12;
	[tilespmem:v8+s17+$0x0] =	vst.idx.add.f32.msk $0xffff, v46  }
0x35d: {  	s1 =	sshll.u32 s1, $0x5;
	v0 =	vadd.f32 v10, v0;
	[tilespmem:v21+s17+$0x0] =	vst.idx.add.f32.msk $0xffff, v17  }
0x35e: {  	s1 =	sadd.s32 s1, s23;
	v6 =	vadd.f32 v15, v6;
	v5 =	vadd.f32 v7, v5;
	v12 =	vor.u32 v18, v4;
	v8 =	vld [tilespmem:s20+$0x280]  }
0x35f: {  	s25 =	sadd.s32 $0x10, s1;
	v7 =	vadd.s32 v22, v47;
	v14 =	vmul.f32 v14, v14;
	[tilespmem:v33+s17+$0x0] =	vst.idx.add.f32.msk $0xffff, v23  }
0x360: {  	s26 =	sor.u32 $0x300, s25;
	v10 =	vmul.f32 v16, v16;
	v15 =	vor.u32 v24, v7;
	[tilespmem:v34+s17+$0x0] =	vst.idx.add.f32.msk $0xffff, v19  }
0x361: {  	v6 =	vadd.f32 v14, v6;
	v14 =	vmul.f32 v23, v23;
	v23 =	vadd.s32 v54, v3;
	v21 =	vld [tilespmem:s26+$0x0]  }
0x362: {  	v0 =	vadd.f32 v10, v0  }
0x363: {  	s30 =	sor.u32 $0x300, s1;
	v10 =	vmul.f32 v20, v20;
	v5 =	vadd.f32 v14, v5;
	[tilespmem:v12+s17+$0x0] =	vst.idx.add.f32.msk $0xffff, v8  }
0x364: {  	v11 =	vmul.f32 v11, v11;
	v14 =	vor.u32 v40, v4;
	v12 =	vld [tilespmem:s30+$0x0]  }
0x365: {  	v0 =	vadd.f32 v10, v0;
	v1 =	vmul.f32 v1, v1;
	[tilespmem:v15+s17+$0x0] =	vst.idx.add.f32.msk $0xffff, v5  }
0x366: {  	s19 =	sor.u32 $0x380, s25;
	v6 =	vadd.f32 v11, v6;
	v5 =	vmul.f32 v17, v17;
	[tilespmem:v23+s17+$0x0] =	vst.idx.add.f32.msk $0xffff, v21  }
0x367: {  	v7 =	vor.u32 v43, v7;
	v10 =	vld [tilespmem:s19+$0x0]  }
0x368: {  	v0 =	vadd.f32 v1, v0;
	v1 =	vmul.f32 v19, v19;
	v5 =	vadd.f32 v5, v6  }
0x369: {  	s1 =	sor.u32 $0x380, s1;
	v6 =	vmul.f32 v8, v8;
	v8 =	vadd.s32 v55, v3;
	[tilespmem:v14+s17+$0x0] =	vst.idx.add.f32.msk $0xffff, v12  }
0x36a: {  	v0 =	vadd.f32 v1, v0;
	v1 =	vmul.f32 v21, v21;
	v11 =	vld [tilespmem:s1+$0x0]  }
0x36b: {  	v2 =	vadd.s32 v22, v2;
	v5 =	vadd.f32 v6, v5;
	v6 =	vadd.s32 v13, v3  }
0x36c: {  	v3 =	vadd.s32 v56, v3;
	v0 =	vadd.f32 v1, v0;
	v1 =	vmul.f32 v10, v10  }
0x36d: {  	v4 =	vor.u32 v41, v4;
	[tilespmem:v7+s17+$0x0] =	vst.idx.add.f32.msk $0xffff, v46;
	v7 =	vmul.f32 v12, v12  }
0x36e: {  	[tilespmem:v8+s17+$0x0] =	vst.idx.add.f32.msk $0xffff, v10;
	v0 =	vadd.f32 v1, v0;
	v1 =	vor.u32 v24, v2  }
0x36f: {  	v5 =	vadd.f32 v7, v5;
	v2 =	vor.u32 v43, v2;
	v7 =	vmul.f32 v11, v11  }
0x370: {  	[tilespmem:v6+s17+$0x0] =	vst.idx.add.f32.msk $0xffff, v0  }
0x371: {  	[tilespmem:v3+s17+$0x0] =	vst.idx.add.f32.msk $0xffff, v46;
	v0 =	vadd.f32 v7, v5  }
0x372: {  	[tilespmem:v4+s17+$0x0] =	vst.idx.add.f32.msk $0xffff, v11  }
0x373: {  	[tilespmem:v1+s17+$0x0] =	vst.idx.add.f32.msk $0xffff, v0  }
0x374: {  	s20 =	simm.s32 $0x0;
	[tilespmem:v2+s17+$0x0] =	vst.idx.add.f32.msk $0xffff, v46  }
0x375: {  	[tilespmem:s20], [sflag:$0x2] =	stream.linear.gather [hbm4b:s4+s20], $0x3000, $0x38;
	[tilespmem:$0x15600] =	vst v63  }
0x376: {  	s31 =	sand.u32 $0x60, s20;
	_ =	swait.ge [sflag:s16], $0x3000  }
0x377: {  	s24 =	sand.u32 $0x780, s20;
	s23 =	sor.u32 $0x10, s31;
	[sflag:s16] =	ssyncset.done $0x0  }
0x378: {  	s21 =	sor.u32 s23, s24;
	[sflag:s16] =	ssyncadd.s32 $0xFFFFD000  }
0x379: {  	v0 =	vld [tilespmem:s21+$0x3000]  }
0x37a: {  	s25 =	simm.s32 $0x3000  }
0x37b: {  	v1 =	vld [tilespmem:s25+$0x0];
	_ =	sdelay $0x2  }
0x37c: {  	v2 =	vshrl.u32 v0, $0x3  }
0x37d: {  	v18 =	vld [tilespmem:$0x1F4F0];
	v0 =	vshll.u32 v0, $0x7;
	v2 =	vmul.u32 $0x2400, v2  }
0x37e: {  	v40 =	vld [tilespmem:$0x1FFD0];
	v3 =	vshrl.u32 v1, $0x3;
	v0 =	vand.u32 $0x380, v0  }
0x37f: {  	v1 =	vshll.u32 v1, $0x7;
	v0 =	vor.u32 v0, v2;
	v2 =	vmul.u32 $0x2400, v3  }
0x380: {  	s26 =	sand.u32 $0x3C00, s20;
	v1 =	vand.u32 $0x380, v1  }
0x381: {  	s22 =	sor.u32 s23, s26;
	v47 =	vor.u32 v1, v2  }
0x382: {  	s19 =	sor.u32 s31, s26;
	v3 =	vld [tilespmem:s22+$0x0];
	v4 =	vadd.s32 v18, v0;
	v48 =	vadd.s32 v9, v47  }
0x383: {  	v1 =	vld [tilespmem:s19+$0x0];
	v2 =	vor.u32 v40, v48;
	_ =	sdelay $0x3  }
0x384: {  	[tilespmem:v4+s17+$0x0] =	vst.idx.add.f32.msk $0xffff, v3  }
0x385: {  	[tilespmem:v2+s17+$0x0] =	vst.idx.add.f32.msk $0xffff, v1  }
0x386: {  	v41 =	vld [tilespmem:$0x1FFE0]  }
0x387: {  	v5 =	vadd.s32 v62, v0;
	v4 =	vld [tilespmem:s22+$0x80];
	_ =	sdelay $0x3  }
0x388: {  	v2 =	vld [tilespmem:s19+$0x80];
	v6 =	vor.u32 v41, v48  }
0x389: {  	[tilespmem:v5+s17+$0x0] =	vst.idx.add.f32.msk $0xffff, v4  }
0x38a: {  	v25 =	vld [tilespmem:$0x1F500];
	_ =	sdelay $0x2  }
0x38b: {  	[tilespmem:v6+s17+$0x0] =	vst.idx.add.f32.msk $0xffff, v2  }
0x38c: {  	v43 =	vld [tilespmem:$0x1FFF0]  }
0x38d: {  	v5 =	vld [tilespmem:s22+$0x100];
	v7 =	vadd.s32 v25, v0;
	_ =	sdelay $0x3  }
0x38e: {  	v6 =	vld [tilespmem:s19+$0x100];
	v8 =	vor.u32 v43, v48  }
0x38f: {  	[tilespmem:v7+s17+$0x0] =	vst.idx.add.f32.msk $0xffff, v5  }
0x390: {  	v54 =	vld [tilespmem:$0x1F510];
	_ =	sdelay $0x2  }
0x391: {  	[tilespmem:v8+s17+$0x0] =	vst.idx.add.f32.msk $0xffff, v6  }
0x392: {  	s30 =	simm.s32 $0x20;
	v31 =	vld [tilespmem:$0x1F990]  }
0x393: {  	s23 =	sand.u32 $0x60, s30;
	v7 =	vld [tilespmem:s22+$0x180];
	v10 =	vadd.s32 v54, v0  }
0x394: {  	s31 =	sor.u32 $0x10, s23;
	s1 =	sand.u32 $0x780, s30  }
0x395: {  	s1 =	sor.u32 s31, s1  }
0x396: {  	v14 =	vld [tilespmem:s1+$0x3000]  }
0x397: {  	v8 =	vld [tilespmem:s19+$0x180];
	v11 =	vor.u32 v31, v48  }
0x398: {  	[tilespmem:v10+s17+$0x0] =	vst.idx.add.f32.msk $0xffff, v7  }
0x399: {  	v12 =	vadd.s32 v57, v0;
	v10 =	vld [tilespmem:s22+$0x200]  }
0x39a: {  	s24 =	simm.s32 $0x3020  }
0x39b: {  	v15 =	vld [tilespmem:s24+$0x0]  }
0x39c: {  	[tilespmem:v11+s17+$0x0] =	vst.idx.add.f32.msk $0xffff, v8  }
0x39d: {  	v36 =	vld [tilespmem:$0x1F9E0]  }
0x39e: {  	[tilespmem:v12+s17+$0x0] =	vst.idx.add.f32.msk $0xffff, v10;
	v12 =	vshrl.u32 v14, $0x3  }
0x39f: {  	s25 =	simm.s32 $0x100;
	v14 =	vshll.u32 v14, $0x7;
	v12 =	vmul.u32 $0x2400, v12  }
0x3a0: {  	s1 =	sand.u32 $0x3C00, s25;
	v19 =	vadd.s32 v58, v0;
	v17 =	vld [tilespmem:s22+$0x280];
	v14 =	vand.u32 $0x380, v14  }
0x3a1: {  	s20 =	sand.u32 $0x3, s20;
	s30 =	sor.u32 s31, s1;
	v20 =	vshrl.u32 v15, $0x3;
	v51 =	vor.u32 v14, v12  }
0x3a2: {  	s26 =	sshll.u32 s20, $0x5;
	v12 =	vmul.u32 $0x2400, v20;
	v14 =	vshll.u32 v15, $0x7;
	v15 =	vld [tilespmem:s30+$0x0];
	v20 =	vadd.s32 v18, v51  }
0x3a3: {  	s31 =	sadd.s32 $0x0, s26;
	v11 =	vld [tilespmem:s19+$0x200];
	v16 =	vor.u32 v36, v48  }
0x3a4: {  	s22 =	sadd.s32 $0x10, s31  }
0x3a5: {  	s25 =	sor.u32 $0x300, s22;
	v14 =	vand.u32 $0x380, v14;
	[tilespmem:v19+s17+$0x0] =	vst.idx.add.f32.msk $0xffff, v17  }
0x3a6: {  	v49 =	vor.u32 v14, v12;
	v12 =	vld [tilespmem:s25+$0x0]  }
0x3a7: {  	v14 =	vadd.s32 v59, v0;
	[tilespmem:v20+s17+$0x0] =	vst.idx.add.f32.msk $0xffff, v15  }
0x3a8: {  	s24 =	sor.u32 s23, s1;
	v50 =	vadd.s32 v9, v49;
	[tilespmem:v16+s17+$0x0] =	vst.idx.add.f32.msk $0xffff, v11  }
0x3a9: {  	v19 =	vor.u32 v40, v50;
	v16 =	vld [tilespmem:s24+$0x0]  }
0x3aa: {  	v21 =	vadd.s32 v62, v51;
	v20 =	vld [tilespmem:s30+$0x80];
	_ =	sdelay $0x1  }
0x3ab: {  	[tilespmem:v14+s17+$0x0] =	vst.idx.add.f32.msk $0xffff, v12  }
0x3ac: {  	v42 =	vld [tilespmem:$0x1FA50]  }
0x3ad: {  	[tilespmem:v19+s17+$0x0] =	vst.idx.add.f32.msk $0xffff, v16  }
0x3ae: {  	v3 =	vmul.f32 v3, v3;
	v4 =	vmul.f32 v4, v4;
	[tilespmem:v21+s17+$0x0] =	vst.idx.add.f32.msk $0xffff, v20  }
0x3af: {  	v35 =	vor.u32 v41, v50;
	v19 =	vld [tilespmem:s24+$0x80]  }
0x3b0: {  	v3 =	vadd.f32 v4, v3;
	v4 =	vmul.f32 v5, v5;
	v5 =	vadd.s32 v25, v51;
	v37 =	vld [tilespmem:s30+$0x100];
	_ =	sdelay $0x1  }
0x3b1: {  	v23 =	vld [tilespmem:s19+$0x280];
	s19 =	sor.u32 $0x380, s22;
	v14 =	vor.u32 v42, v48  }
0x3b2: {  	v3 =	vadd.f32 v4, v3;
	v4 =	vld [tilespmem:s19+$0x0]  }
0x3b3: {  	v7 =	vmul.f32 v7, v7;
	[tilespmem:v35+s17+$0x0] =	vst.idx.add.f32.msk $0xffff, v19  }
0x3b4: {  	[tilespmem:v5+s17+$0x0] =	vst.idx.add.f32.msk $0xffff, v37  }
0x3b5: {  	v3 =	vadd.f32 v7, v3;
	v7 =	vmul.f32 v10, v10;
	v21 =	vor.u32 v43, v50;
	v10 =	vld [tilespmem:s24+$0x100]  }
0x3b6: {  	[tilespmem:v14+s17+$0x0] =	vst.idx.add.f32.msk $0xffff, v23;
	v14 =	vadd.s32 v60, v0  }
0x3b7: {  	v3 =	vadd.f32 v7, v3;
	v5 =	vmul.f32 v17, v17;
	v17 =	vadd.s32 v54, v51;
	v7 =	vld [tilespmem:s30+$0x180]  }
0x3b8: {  	s22 =	simm.s32 $0x3040  }
0x3b9: {  	v1 =	vmul.f32 v1, v1;
	v12 =	vmul.f32 v12, v12;
	v3 =	vadd.f32 v5, v3;
	v5 =	vld [tilespmem:s22+$0x0]  }
0x3ba: {  	v2 =	vmul.f32 v2, v2;
	v0 =	vadd.s32 v13, v0;
	[tilespmem:v21+s17+$0x0] =	vst.idx.add.f32.msk $0xffff, v10  }
0x3bb: {  	v3 =	vadd.f32 v12, v3;
	[tilespmem:v14+s17+$0x0] =	vst.idx.add.f32.msk $0xffff, v4;
	v4 =	vmul.f32 v4, v4  }
0x3bc: {  	v1 =	vadd.f32 v2, v1;
	v2 =	vmul.f32 v6, v6;
	[tilespmem:v17+s17+$0x0] =	vst.idx.add.f32.msk $0xffff, v7  }
0x3bd: {  	v6 =	vld [tilespmem:s24+$0x180];
	v3 =	vadd.f32 v4, v3  }
0x3be: {  	v1 =	vadd.f32 v2, v1;
	v2 =	vmul.f32 v8, v8;
	s19 =	simm.s32 $0x40;
	v12 =	vor.u32 v31, v50;
	v8 =	vld [tilespmem:s30+$0x200]  }
0x3bf: {  	s25 =	sand.u32 $0x60, s19;
	[tilespmem:v0+s17+$0x0] =	vst.idx.add.f32.msk $0xffff, v3  }
0x3c0: {  	s26 =	sor.u32 $0x300, s31;
	s23 =	sand.u32 $0x780, s19;
	s1 =	sor.u32 $0x10, s25;
	v4 =	vadd.s32 v57, v51;
	v56 =	vld [tilespmem:$0x1FA80]  }
0x3c1: {  	v1 =	vadd.f32 v2, v1;
	v2 =	vmul.f32 v11, v11;
	s22 =	sor.u32 s1, s23;
	v11 =	vld [tilespmem:s26+$0x0]  }
0x3c2: {  	v14 =	vld [tilespmem:s22+$0x3000];
	v0 =	vmul.f32 v16, v16;
	v3 =	vmul.f32 v19, v19  }
0x3c3: {  	[tilespmem:v12+s17+$0x0] =	vst.idx.add.f32.msk $0xffff, v6  }
0x3c4: {  	v12 =	vor.u32 v36, v50;
	v0 =	vadd.f32 v3, v0;
	v3 =	vld [tilespmem:s24+$0x200]  }
0x3c5: {  	s22 =	simm.s32 $0x200;
	[tilespmem:v4+s17+$0x0] =	vst.idx.add.f32.msk $0xffff, v8;
	v16 =	vor.u32 v56, v48  }
0x3c6: {  	v1 =	vadd.f32 v2, v1;
	v2 =	vmul.f32 v23, v23;
	v21 =	vadd.s32 v58, v51;
	s26 =	sand.u32 $0x3C00, s22;
	v17 =	vld [tilespmem:s30+$0x280]  }
0x3c7: {  	s20 =	simm.s32 $0x1;
	v10 =	vmul.f32 v10, v10;
	s23 =	sor.u32 s1, s26;
	v4 =	vshrl.u32 v14, $0x3  }
0x3c8: {  	v1 =	vadd.f32 v2, v1;
	v2 =	vld [tilespmem:s23+$0x0];
	v19 =	vmul.u32 $0x2400, v4;
	v4 =	vshll.u32 v14, $0x7;
	s30 =	sand.u32 $0x3, s20  }
0x3c9: {  	s21 =	sor.u32 $0x380, s31;
	v6 =	vmul.f32 v6, v6;
	v0 =	vadd.f32 v10, v0;
	v14 =	vand.u32 $0x380, v4;
	s31 =	sshll.u32 s30, $0x5;
	[tilespmem:v12+s17+$0x0] =	vst.idx.add.f32.msk $0xffff, v3  }
0x3ca: {  	v10 =	vmul.f32 v11, v11;
	v19 =	vor.u32 v14, v19;
	s30 =	sadd.s32 $0x100, s31;
	[tilespmem:v16+s17+$0x0] =	vst.idx.add.f32.msk $0xffff, v11;
	v11 =	vshrl.u32 v5, $0x3  }
0x3cb: {  	v14 =	vadd.s32 v18, v19;
	s28 =	sadd.s32 $0x10, s30;
	[tilespmem:v21+s17+$0x0] =	vst.idx.add.f32.msk $0xffff, v17;
	v5 =	vshll.u32 v5, $0x7;
	v11 =	vmul.u32 $0x2400, v11  }
0x3cc: {  	v12 =	vmul.f32 v15, v15;
	s29 =	sor.u32 $0x300, s28;
	v16 =	vadd.f32 v6, v0;
	v6 =	vld [tilespmem:s24+$0x280];
	v5 =	vand.u32 $0x380, v5  }
0x3cd: {  	v15 =	vmul.f32 v20, v20;
	v0 =	vor.u32 v5, v11;
	v5 =	vld [tilespmem:s29+$0x0];
	v11 =	vadd.s32 v59, v51  }
0x3ce: {  	v4 =	vld [tilespmem:s21+$0x0];
	s21 =	sor.u32 s25, s26;
	v21 =	vadd.s32 v9, v0  }
0x3cf: {  	v12 =	vadd.f32 v15, v12;
	v15 =	vmul.f32 v37, v37;
	v38 =	vld [tilespmem:s21+$0x0];
	v39 =	vor.u32 v40, v21  }
0x3d0: {  	[tilespmem:v14+s17+$0x0] =	vst.idx.add.f32.msk $0xffff, v2  }
0x3d1: {  	v7 =	vmul.f32 v7, v7;
	v1 =	vadd.f32 v10, v1;
	v12 =	vadd.f32 v15, v12;
	v20 =	vld [tilespmem:s23+$0x80]  }
0x3d2: {  	v10 =	vmul.f32 v8, v8;
	v3 =	vmul.f32 v3, v3;
	s31 =	sor.u32 $0x380, s28;
	[tilespmem:v11+s17+$0x0] =	vst.idx.add.f32.msk $0xffff, v5  }
0x3d3: {  	v14 =	vadd.s32 v62, v19;
	v7 =	vadd.f32 v7, v12;
	v11 =	vor.u32 v42, v50;
	v8 =	vld [tilespmem:s31+$0x0]  }
0x3d4: {  	v23 =	vadd.f32 v3, v16;
	v3 =	vmul.f32 v4, v4;
	[tilespmem:v39+s17+$0x0] =	vst.idx.add.f32.msk $0xffff, v38  }
0x3d5: {  	s28 =	simm.s32 $0x3060;
	s24 =	sor.u32 $0x380, s30;
	v15 =	vmul.f32 v17, v17;
	v12 =	vadd.f32 v10, v7;
	v16 =	vor.u32 v41, v21;
	v10 =	vld [tilespmem:s21+$0x80]  }
0x3d6: {  	s26 =	simm.s32 $0x4;
	s25 =	simm.s32 $0x200;
	s29 =	sor.u32 $0x300, s30;
	v7 =	vmul.f32 v6, v6;
	v3 =	vadd.f32 v3, v1;
	v1 =	vmul.f32 v38, v38;
	v27 =	vld [tilespmem:$0x1FAC0]  }
.LBB2_6:
0x3d7: {  	v17 =	vld [tilespmem:s28+$0x0];
	v12 =	vadd.f32 v15, v12;
	v5 =	vmul.f32 v5, v5;
	v15 =	vadd.s32 v60, v51  }
0x3d8: {  	[tilespmem:v11+s17+$0x0] =	vst.idx.add.f32.msk $0xffff, v6;
	v6 =	vadd.f32 v7, v23;
	v7 =	vadd.s32 v13, v51;
	v51 =	vmov v19  }
0x3d9: {  	[tilespmem:v14+s17+$0x0] =	vst.idx.add.f32.msk $0xffff, v20;
	v5 =	vadd.f32 v5, v12;
	v11 =	vmul.f32 v8, v8  }
0x3da: {  	v14 =	vadd.s32 v25, v51;
	v12 =	vld [tilespmem:s23+$0x100]  }
0x3db: {  	[tilespmem:v16+s17+$0x0] =	vst.idx.add.f32.msk $0xffff, v10;
	v10 =	vmul.f32 v10, v10;
	v5 =	vadd.f32 v11, v5  }
0x3dc: {  	[tilespmem:v15+s17+$0x0] =	vst.idx.add.f32.msk $0xffff, v8  }
0x3dd: {  	v1 =	vadd.f32 v10, v1;
	[tilespmem:v7+s17+$0x0] =	vst.idx.add.f32.msk $0xffff, v5;
	v5 =	vor.u32 v27, v48;
	v48 =	vmov v50  }
0x3de: {  	v8 =	vor.u32 v43, v21;
	v50 =	vmov v21;
	v7 =	vld [tilespmem:s21+$0x100]  }
0x3df: {  	[tilespmem:v14+s17+$0x0] =	vst.idx.add.f32.msk $0xffff, v12  }
0x3e0: {  	v11 =	vadd.s32 v54, v51;
	v10 =	vld [tilespmem:s23+$0x180]  }
0x3e1: {  	v14 =	vld [tilespmem:s29+$0x0]  }
0x3e2: {  	[tilespmem:v5+s17+$0x0] =	vst.idx.add.f32.msk $0xffff, v4  }
0x3e3: {  	s19 =	sadd.s32 $0x20, s19;
	v5 =	vor.u32 v56, v48;
	[tilespmem:v8+s17+$0x0] =	vst.idx.add.f32.msk $0xffff, v7;
	v4 =	vmul.f32 v7, v7  }
0x3e4: {  	s1 =	sand.u32 $0x60, s19;
	v8 =	vor.u32 v31, v50;
	v7 =	vld [tilespmem:s21+$0x180]  }
0x3e5: {  	s30 =	sand.u32 $0x780, s19;
	s29 =	sor.u32 $0x10, s1;
	v1 =	vadd.f32 v4, v1;
	[tilespmem:v11+s17+$0x0] =	vst.idx.add.f32.msk $0xffff, v10  }
0x3e6: {  	s26 =	sadd.s32 $0x2, s26;
	s30 =	sor.u32 s29, s30;
	v4 =	vadd.s32 v57, v51;
	v15 =	vld [tilespmem:s23+$0x200];
	v11 =	vmul.f32 v14, v14  }
0x3e7: {  	p0 =	slt.u32 s26, $0x5E;
	v16 =	vld [tilespmem:s30+$0x3000]  }
0x3e8: {  	[tilespmem:v5+s17+$0x0] =	vst.idx.add.f32.msk $0xffff, v14;
	v11 =	vadd.f32 v11, v6;
	v5 =	vadd.s32 v24, v47;
	v47 =	vmov v49  }
0x3e9: {  	v49 =	vmov v0;
	[tilespmem:v8+s17+$0x0] =	vst.idx.add.f32.msk $0xffff, v7;
	v6 =	vmul.f32 v7, v7;
	v5 =	vadd.s32 v22, v5  }
0x3ea: {  	v7 =	vor.u32 v36, v50;
	v0 =	vld [tilespmem:s21+$0x200]  }
0x3eb: {  	v1 =	vadd.f32 v6, v1;
	[tilespmem:v4+s17+$0x0] =	vst.idx.add.f32.msk $0xffff, v15  }
0x3ec: {  	s20 =	sadd.s32 $0x1, s20;
	v6 =	vadd.s32 v58, v51;
	v4 =	vshrl.u32 v16, $0x3;
	v52 =	vld [tilespmem:s23+$0x280]  }
0x3ed: {  	s22 =	sadd.s32 $0x100, s22;
	v8 =	vshrl.u32 v17, $0x3;
	v16 =	vshll.u32 v16, $0x7;
	s23 =	sand.u32 $0x3, s20;
	v14 =	vmul.u32 $0x2400, v4;
	v4 =	vld [tilespmem:s24+$0x0]  }
0x3ee: {  	v17 =	vshll.u32 v17, $0x7;
	v8 =	vmul.u32 $0x2400, v8;
	s24 =	sand.u32 $0x3C00, s22;
	v16 =	vand.u32 $0x380, v16;
	s30 =	sshll.u32 s23, $0x5;
	[tilespmem:v5+s17+$0x0] =	vst.idx.add.f32.msk $0xffff, v3  }
0x3ef: {  	s1 =	sor.u32 s1, s24;
	v3 =	vand.u32 $0x380, v17;
	s23 =	sor.u32 s29, s24;
	s25 =	sadd.s32 s30, s25;
	v19 =	vor.u32 v16, v14;
	[tilespmem:v7+s17+$0x0] =	vst.idx.add.f32.msk $0xffff, v0;
	v5 =	vmul.f32 v0, v0  }
0x3f0: {  	v0 =	vor.u32 v3, v8;
	s29 =	sor.u32 $0x300, s25;
	s24 =	sor.u32 $0x380, s25;
	s30 =	sadd.s32 $0x10, s25;
	v7 =	vld [tilespmem:s23+$0x0];
	v8 =	vadd.s32 v18, v19  }
0x3f1: {  	v2 =	vmul.f32 v2, v2;
	v3 =	vmul.f32 v20, v20;
	s25 =	smov.u32 s22;
	s31 =	sor.u32 $0x300, s30;
	[tilespmem:v6+s17+$0x0] =	vst.idx.add.f32.msk $0xffff, v52  }
0x3f2: {  	v23 =	vadd.f32 v5, v1;
	v1 =	vadd.s32 v59, v51;
	v5 =	vld [tilespmem:s31+$0x0];
	v14 =	vmul.f32 v4, v4  }
0x3f3: {  	v12 =	vmul.f32 v12, v12;
	v21 =	vadd.s32 v9, v0;
	v20 =	vadd.f32 v3, v2;
	v16 =	vld [tilespmem:s1+$0x0]  }
0x3f4: {  	v17 =	vor.u32 v40, v21;
	v6 =	vld [tilespmem:s21+$0x280];
	v3 =	vadd.f32 v14, v11;
	s21 =	smov.u32 s1  }
0x3f5: {  	v10 =	vmul.f32 v10, v10;
	[tilespmem:v8+s17+$0x0] =	vst.idx.add.f32.msk $0xffff, v7;
	v8 =	vadd.f32 v12, v20;
	v2 =	vmov v7  }
.Ltmp2:
0x3f6: {  	v11 =	vor.u32 v42, v50;
	v20 =	vld [tilespmem:s23+$0x80];
	(pc) =	sbr.rel @p0 .LBB2_6-.Ltmp2, $4  }
0x3f7: {  	s1 =	sor.u32 $0x380, s30;
	v7 =	vadd.f32 v10, v8;
	v10 =	vmul.f32 v15, v15;
	[tilespmem:v1+s17+$0x0] =	vst.idx.add.f32.msk $0xffff, v5  }
0x3f8: {  	v14 =	vadd.s32 v62, v19;
	v1 =	vmul.f32 v16, v16;
	v8 =	vld [tilespmem:s1+$0x0]  }
0x3f9: {  	v15 =	vmul.f32 v52, v52;
	[tilespmem:v17+s17+$0x0] =	vst.idx.add.f32.msk $0xffff, v16;
	v12 =	vadd.f32 v10, v7  }
0x3fa: {  	s28 =	sadd.s32 $0x20, s28;
	v16 =	vor.u32 v41, v21;
	v7 =	vmul.f32 v6, v6;
	v10 =	vld [tilespmem:s21+$0x80]  }
0x3fb: {  	_ =	sdelay $0x2  }
0x3fc: {  	v18 =	vmov v27;
	v27 =	vld [tilespmem:$0x1F660]  }
0x3fd: {  	[tilespmem:v14+s17+$0x0] =	vst.idx.add.f32.msk $0xffff, v20  }
0x3fe: {  	v17 =	vadd.s32 v25, v19;
	v14 =	vld [tilespmem:s23+$0x100];
	_ =	sdelay $0x2  }
0x3ff: {  	[tilespmem:v16+s17+$0x0] =	vst.idx.add.f32.msk $0xffff, v10  }
0x400: {  	v52 =	vor.u32 v43, v21;
	v16 =	vld [tilespmem:s21+$0x100]  }
0x401: {  	[tilespmem:v17+s17+$0x0] =	vst.idx.add.f32.msk $0xffff, v14  }
0x402: {  	v53 =	vadd.s32 v54, v19;
	v17 =	vld [tilespmem:s23+$0x180]  }
0x403: {  	v12 =	vadd.f32 v15, v12  }
0x404: {  	v5 =	vmul.f32 v5, v5;
	[tilespmem:v11+s17+$0x0] =	vst.idx.add.f32.msk $0xffff, v6;
	v6 =	vadd.s32 v60, v51  }
0x405: {  	v11 =	vadd.s32 v13, v51;
	[tilespmem:v52+s17+$0x0] =	vst.idx.add.f32.msk $0xffff, v16  }
0x406: {  	v43 =	vor.u32 v31, v21;
	v5 =	vadd.f32 v5, v12;
	v12 =	vmul.f32 v8, v8;
	v52 =	vld [tilespmem:s21+$0x180]  }
0x407: {  	[tilespmem:v53+s17+$0x0] =	vst.idx.add.f32.msk $0xffff, v17  }
0x408: {  	v55 =	vadd.s32 v57, v19;
	v5 =	vadd.f32 v12, v5;
	v53 =	vld [tilespmem:s23+$0x200]  }
0x409: {  	[tilespmem:v6+s17+$0x0] =	vst.idx.add.f32.msk $0xffff, v8  }
0x40a: {  	[tilespmem:v11+s17+$0x0] =	vst.idx.add.f32.msk $0xffff, v5  }
0x40b: {  	v5 =	vor.u32 v18, v48;
	[tilespmem:v43+s17+$0x0] =	vst.idx.add.f32.msk $0xffff, v52  }
0x40c: {  	v62 =	vor.u32 v36, v21;
	v15 =	vld [tilespmem:s21+$0x200]  }
0x40d: {  	[tilespmem:v55+s17+$0x0] =	vst.idx.add.f32.msk $0xffff, v53  }
0x40e: {  	v32 =	vadd.s32 v58, v19;
	s1 =	sadd.s32 $0x1, s20;
	v12 =	vld [tilespmem:s23+$0x280]  }
0x40f: {  	s1 =	sand.u32 $0x3, s1;
	v6 =	vld [tilespmem:s29+$0x0]  }
0x410: {  	s1 =	sshll.u32 s1, $0x5;
	v8 =	vor.u32 v56, v50;
	[tilespmem:v5+s17+$0x0] =	vst.idx.add.f32.msk $0xffff, v4  }
0x411: {  	v2 =	vmul.f32 v2, v2;
	s1 =	sadd.s32 s1, s25;
	[tilespmem:v62+s17+$0x0] =	vst.idx.add.f32.msk $0xffff, v15  }
0x412: {  	v20 =	vmul.f32 v20, v20;
	v34 =	vor.u32 v42, v21;
	s19 =	sadd.s32 $0x10, s1;
	v10 =	vmul.f32 v10, v10;
	v51 =	vld [tilespmem:s21+$0x280]  }
0x413: {  	v33 =	vadd.s32 v59, v19;
	s23 =	sor.u32 $0x300, s19;
	[tilespmem:v32+s17+$0x0] =	vst.idx.add.f32.msk $0xffff, v12  }
0x414: {  	v2 =	vadd.f32 v20, v2;
	v1 =	vadd.f32 v10, v1;
	v5 =	vmul.f32 v14, v14;
	v11 =	vld [tilespmem:s23+$0x0]  }
0x415: {  	v10 =	vmul.f32 v16, v16;
	[tilespmem:v8+s17+$0x0] =	vst.idx.add.f32.msk $0xffff, v6;
	v4 =	vadd.s32 v24, v47  }
0x416: {  	v14 =	vor.u32 v56, v21;
	v2 =	vadd.f32 v5, v2;
	v5 =	vmul.f32 v17, v17  }
0x417: {  	s25 =	sor.u32 $0x300, s1;
	v4 =	vadd.s32 v22, v4;
	v1 =	vadd.f32 v10, v1;
	[tilespmem:v34+s17+$0x0] =	vst.idx.add.f32.msk $0xffff, v51  }
0x418: {  	v2 =	vadd.f32 v5, v2;
	v8 =	vmul.f32 v52, v52;
	v5 =	vmul.f32 v53, v53;
	v10 =	vld [tilespmem:s25+$0x0]  }
0x419: {  	v7 =	vadd.f32 v7, v23;
	v6 =	vmul.f32 v6, v6;
	s19 =	sor.u32 $0x380, s19;
	[tilespmem:v33+s17+$0x0] =	vst.idx.add.f32.msk $0xffff, v11  }
0x41a: {  	v1 =	vadd.f32 v8, v1;
	v2 =	vadd.f32 v5, v2;
	v5 =	vmul.f32 v12, v12;
	v8 =	vld [tilespmem:s19+$0x0]  }
0x41b: {  	v16 =	vld [tilespmem:s24+$0x0];
	v6 =	vadd.f32 v6, v7;
	v7 =	vadd.s32 v13, v19  }
0x41c: {  	[tilespmem:v4+s17+$0x0] =	vst.idx.add.f32.msk $0xffff, v3;
	v15 =	vmul.f32 v15, v15;
	v2 =	vadd.f32 v5, v2  }
0x41d: {  	s1 =	sor.u32 $0x380, s1;
	v5 =	vadd.s32 v60, v19;
	v3 =	vmul.f32 v11, v11;
	[tilespmem:v14+s17+$0x0] =	vst.idx.add.f32.msk $0xffff, v10  }
0x41e: {  	v1 =	vadd.f32 v15, v1;
	v15 =	vadd.s32 v24, v49;
	v4 =	vmul.f32 v51, v51;
	v11 =	vld [tilespmem:s1+$0x0]  }
0x41f: {  	v2 =	vadd.f32 v3, v2;
	v14 =	vor.u32 v18, v50;
	v3 =	vmul.f32 v8, v8  }
0x420: {  	v1 =	vadd.f32 v4, v1;
	v4 =	vmul.f32 v10, v10;
	v10 =	vor.u32 v18, v21  }
0x421: {  	v0 =	vadd.s32 v24, v0;
	v2 =	vadd.f32 v3, v2;
	v3 =	vadd.s32 v22, v15  }
0x422: {  	v0 =	vadd.s32 v22, v0;
	v12 =	vmul.f32 v16, v16;
	[tilespmem:v5+s17+$0x0] =	vst.idx.add.f32.msk $0xffff, v8  }
0x423: {  	v1 =	vadd.f32 v4, v1;
	[tilespmem:v7+s17+$0x0] =	vst.idx.add.f32.msk $0xffff, v2;
	v2 =	vmul.f32 v11, v11  }
0x424: {  	v6 =	vadd.f32 v12, v6;
	[tilespmem:v14+s17+$0x0] =	vst.idx.add.f32.msk $0xffff, v16  }
0x425: {  	[tilespmem:v10+s17+$0x0] =	vst.idx.add.f32.msk $0xffff, v11;
	v1 =	vadd.f32 v2, v1  }
0x426: {  	[tilespmem:v3+s17+$0x0] =	vst.idx.add.f32.msk $0xffff, v6  }
0x427: {  	s20 =	simm.s32 $0x0;
	[tilespmem:v0+s17+$0x0] =	vst.idx.add.f32.msk $0xffff, v1  }
0x428: {  	[tilespmem:s20], [sflag:$0x2] =	stream.linear.gather [hbm4b:s5+s20], $0x3000, $0x38;
	[tilespmem:$0x15600] =	vst v63  }
0x429: {  	s26 =	sand.u32 $0x60, s20;
	_ =	swait.ge [sflag:s16], $0x3000  }
0x42a: {  	s31 =	sand.u32 $0x780, s20;
	s30 =	sor.u32 $0x10, s26;
	[sflag:s16] =	ssyncset.done $0x0  }
0x42b: {  	s21 =	sor.u32 s30, s31;
	[sflag:s16] =	ssyncadd.s32 $0xFFFFD000  }
0x42c: {  	v0 =	vld [tilespmem:s21+$0x3000];
	_ =	sdelay $0x1  }
0x42d: {  	s22 =	simm.s32 $0x3000  }
0x42e: {  	v1 =	vld [tilespmem:s22+$0x0];
	_ =	sdelay $0x1  }
0x42f: {  	v2 =	vshrl.u32 v0, $0x3  }
0x430: {  	v0 =	vshll.u32 v0, $0x7;
	v2 =	vmul.u32 $0x2400, v2  }
0x431: {  	s23 =	sand.u32 $0x3C00, s20;
	v0 =	vand.u32 $0x380, v0  }
0x432: {  	v26 =	vld [tilespmem:$0x1FAE0];
	s22 =	sor.u32 s30, s23;
	v3 =	vshrl.u32 v1, $0x3;
	v0 =	vor.u32 v0, v2  }
0x433: {  	v1 =	vshll.u32 v1, $0x7;
	v2 =	vmul.u32 $0x2400, v3;
	v3 =	vld [tilespmem:s22+$0x0];
	v4 =	vadd.s32 v61, v0  }
0x434: {  	v1 =	vand.u32 $0x380, v1  }
0x435: {  	v47 =	vor.u32 v1, v2  }
0x436: {  	s19 =	sor.u32 s26, s23;
	v1 =	vadd.s32 v9, v47  }
0x437: {  	v2 =	vld [tilespmem:s19+$0x0];
	v5 =	vor.u32 v26, v1  }
0x438: {  	[tilespmem:v4+s17+$0x0] =	vst.idx.add.f32.msk $0xffff, v3  }
0x439: {  	v6 =	vadd.s32 v63, v0;
	v4 =	vld [tilespmem:s22+$0x80];
	_ =	sdelay $0x2  }
0x43a: {  	[tilespmem:v5+s17+$0x0] =	vst.idx.add.f32.msk $0xffff, v2  }
0x43b: {  	v29 =	vld [tilespmem:$0x1FB20]  }
0x43c: {  	[tilespmem:v6+s17+$0x0] =	vst.idx.add.f32.msk $0xffff, v4  }
0x43d: {  	v18 =	vld [tilespmem:$0x1F5C0];
	_ =	sdelay $0x2  }
0x43e: {  	v5 =	vld [tilespmem:s19+$0x80];
	v7 =	vor.u32 v29, v1;
	_ =	sdelay $0x1  }
0x43f: {  	v6 =	vld [tilespmem:s22+$0x100];
	v8 =	vadd.s32 v18, v0;
	_ =	sdelay $0x2  }
0x440: {  	[tilespmem:v7+s17+$0x0] =	vst.idx.add.f32.msk $0xffff, v5  }
0x441: {  	v30 =	vld [tilespmem:$0x1FB40]  }
0x442: {  	[tilespmem:v8+s17+$0x0] =	vst.idx.add.f32.msk $0xffff, v6  }
0x443: {  	v25 =	vld [tilespmem:$0x1F5D0];
	_ =	sdelay $0x2  }
0x444: {  	v7 =	vld [tilespmem:s19+$0x100];
	v1 =	vor.u32 v30, v1;
	_ =	sdelay $0x1  }
0x445: {  	v8 =	vld [tilespmem:s22+$0x180];
	v10 =	vadd.s32 v25, v0;
	_ =	sdelay $0x2  }
0x446: {  	[tilespmem:v1+s17+$0x0] =	vst.idx.add.f32.msk $0xffff, v7  }
0x447: {  	v34 =	vld [tilespmem:$0x1FB80]  }
0x448: {  	[tilespmem:v10+s17+$0x0] =	vst.idx.add.f32.msk $0xffff, v8  }
0x449: {  	v55 =	vld [tilespmem:$0x1F5E0];
	_ =	sdelay $0x1  }
0x44a: {  	v49 =	vadd.s32 v28, v47  }
0x44b: {  	s24 =	simm.s32 $0x20;
	v1 =	vld [tilespmem:s19+$0x180];
	v11 =	vor.u32 v34, v49  }
0x44c: {  	s25 =	sand.u32 $0x60, s24  }
0x44d: {  	s26 =	sor.u32 $0x10, s25;
	s1 =	sand.u32 $0x780, s24;
	v10 =	vld [tilespmem:s22+$0x200];
	v12 =	vadd.s32 v55, v0  }
0x44e: {  	s1 =	sor.u32 s26, s1  }
0x44f: {  	v14 =	vld [tilespmem:s1+$0x3000]  }
0x450: {  	[tilespmem:v11+s17+$0x0] =	vst.idx.add.f32.msk $0xffff, v1  }
0x451: {  	v31 =	vld [tilespmem:$0x1FBA0]  }
0x452: {  	[tilespmem:v12+s17+$0x0] =	vst.idx.add.f32.msk $0xffff, v10  }
0x453: {  	v56 =	vld [tilespmem:$0x1F5F0];
	_ =	sdelay $0x1  }
0x454: {  	s30 =	simm.s32 $0x3020  }
0x455: {  	v15 =	vld [tilespmem:s30+$0x0]  }
0x456: {  	v11 =	vld [tilespmem:s19+$0x200];
	v16 =	vor.u32 v31, v49  }
0x457: {  	s31 =	simm.s32 $0x100;
	v12 =	vshrl.u32 v14, $0x3;
	v17 =	vld [tilespmem:s22+$0x280];
	v19 =	vadd.s32 v56, v0  }
0x458: {  	s1 =	sand.u32 $0x3C00, s31;
	v14 =	vshll.u32 v14, $0x7;
	v12 =	vmul.u32 $0x2400, v12  }
0x459: {  	s21 =	sor.u32 s26, s1;
	v14 =	vand.u32 $0x380, v14  }
0x45a: {  	v20 =	vshrl.u32 v15, $0x3;
	v50 =	vor.u32 v14, v12;
	v14 =	vshll.u32 v15, $0x7;
	v15 =	vld [tilespmem:s21+$0x0]  }
0x45b: {  	v12 =	vmul.u32 $0x2400, v20;
	v20 =	vadd.s32 v61, v50;
	[tilespmem:v16+s17+$0x0] =	vst.idx.add.f32.msk $0xffff, v11  }
0x45c: {  	[tilespmem:v19+s17+$0x0] =	vst.idx.add.f32.msk $0xffff, v17  }
0x45d: {  	s20 =	sand.u32 $0x3, s20;
	v57 =	vld [tilespmem:$0x1F600]  }
0x45e: {  	s20 =	sshll.u32 s20, $0x5;
	s24 =	sor.u32 s25, s1;
	v14 =	vand.u32 $0x380, v14  }
0x45f: {  	s30 =	sadd.s32 $0x0, s20;
	v48 =	vor.u32 v14, v12;
	v19 =	vld [tilespmem:s24+$0x0]  }
0x460: {  	s22 =	sadd.s32 $0x10, s30;
	v16 =	vadd.s32 v9, v48;
	[tilespmem:v20+s17+$0x0] =	vst.idx.add.f32.msk $0xffff, v15  }
0x461: {  	s31 =	sor.u32 $0x300, s22;
	v21 =	vor.u32 v26, v16;
	v36 =	vld [tilespmem:$0x1FBD0]  }
0x462: {  	v12 =	vld [tilespmem:s31+$0x0];
	v14 =	vadd.s32 v57, v0;
	_ =	sdelay $0x1  }
0x463: {  	v23 =	vadd.s32 v63, v50;
	v20 =	vld [tilespmem:s21+$0x80]  }
0x464: {  	v35 =	vld [tilespmem:s19+$0x280]  }
0x465: {  	[tilespmem:v21+s17+$0x0] =	vst.idx.add.f32.msk $0xffff, v19;
	v59 =	vor.u32 v36, v49  }
0x466: {  	[tilespmem:v14+s17+$0x0] =	vst.idx.add.f32.msk $0xffff, v12  }
0x467: {  	v3 =	vmul.f32 v3, v3;
	v4 =	vmul.f32 v4, v4;
	v21 =	vor.u32 v29, v16;
	v14 =	vld [tilespmem:s24+$0x80]  }
0x468: {  	[tilespmem:v23+s17+$0x0] =	vst.idx.add.f32.msk $0xffff, v20  }
0x469: {  	v3 =	vadd.f32 v4, v3;
	v4 =	vmul.f32 v6, v6;
	v23 =	vld [tilespmem:s21+$0x100]  }
0x46a: {  	v6 =	vadd.s32 v18, v50;
	s19 =	sor.u32 $0x380, s22;
	[tilespmem:v59+s17+$0x0] =	vst.idx.add.f32.msk $0xffff, v35  }
0x46b: {  	v3 =	vadd.f32 v4, v3;
	v4 =	vmul.f32 v8, v8;
	v8 =	vld [tilespmem:s19+$0x0]  }
0x46c: {  	[tilespmem:v21+s17+$0x0] =	vst.idx.add.f32.msk $0xffff, v14  }
0x46d: {  	v58 =	vld [tilespmem:$0x1F610]  }
0x46e: {  	v2 =	vmul.f32 v2, v2;
	v3 =	vadd.f32 v4, v3;
	v4 =	vmul.f32 v10, v10;
	v10 =	vld [tilespmem:s24+$0x100]  }
0x46f: {  	v5 =	vmul.f32 v5, v5;
	v16 =	vor.u32 v30, v16;
	[tilespmem:v6+s17+$0x0] =	vst.idx.add.f32.msk $0xffff, v23  }
0x470: {  	v3 =	vadd.f32 v4, v3;
	v4 =	vmul.f32 v17, v17;
	v6 =	vadd.s32 v25, v50;
	v17 =	vld [tilespmem:s21+$0x180];
	_ =	sdelay $0x1  }
0x471: {  	v2 =	vadd.f32 v5, v2;
	s22 =	simm.s32 $0x3040;
	s19 =	simm.s32 $0x40  }
0x472: {  	v3 =	vadd.f32 v4, v3;
	v5 =	vld [tilespmem:s22+$0x0];
	v4 =	vmul.f32 v12, v12;
	s25 =	sand.u32 $0x60, s19;
	v21 =	vadd.s32 v58, v0  }
0x473: {  	s23 =	sand.u32 $0x780, s19;
	s1 =	sor.u32 $0x10, s25;
	v0 =	vadd.s32 v13, v0;
	[tilespmem:v16+s17+$0x0] =	vst.idx.add.f32.msk $0xffff, v10  }
0x474: {  	v3 =	vadd.f32 v4, v3;
	s22 =	sor.u32 s1, s23;
	v4 =	vmul.f32 v8, v8;
	[tilespmem:v6+s17+$0x0] =	vst.idx.add.f32.msk $0xffff, v17  }
0x475: {  	v6 =	vld [tilespmem:s22+$0x3000]  }
0x476: {  	v3 =	vadd.f32 v4, v3;
	v16 =	vld [tilespmem:s21+$0x200]  }
0x477: {  	v4 =	vadd.s32 v55, v50;
	[tilespmem:v21+s17+$0x0] =	vst.idx.add.f32.msk $0xffff, v8  }
0x478: {  	[tilespmem:v0+s17+$0x0] =	vst.idx.add.f32.msk $0xffff, v3  }
0x479: {  	v51 =	vadd.s32 v28, v48;
	v42 =	vld [tilespmem:$0x1FC10]  }
0x47a: {  	v7 =	vmul.f32 v7, v7;
	v12 =	vor.u32 v34, v51;
	v8 =	vld [tilespmem:s24+$0x180];
	_ =	sdelay $0x1  }
0x47b: {  	v2 =	vadd.f32 v7, v2;
	v1 =	vmul.f32 v1, v1;
	[tilespmem:v4+s17+$0x0] =	vst.idx.add.f32.msk $0xffff, v16  }
0x47c: {  	s26 =	sor.u32 $0x300, s30;
	v0 =	vmul.f32 v19, v19;
	v3 =	vmul.f32 v14, v14;
	v14 =	vadd.s32 v56, v50;
	v60 =	vld [tilespmem:s21+$0x280]  }
0x47d: {  	v1 =	vadd.f32 v1, v2;
	v2 =	vmul.f32 v11, v11;
	v7 =	vld [tilespmem:s26+$0x0];
	v11 =	vor.u32 v42, v49  }
0x47e: {  	v10 =	vmul.f32 v10, v10;
	v4 =	vshrl.u32 v6, $0x3;
	v0 =	vadd.f32 v3, v0;
	[tilespmem:v12+s17+$0x0] =	vst.idx.add.f32.msk $0xffff, v8  }
0x47f: {  	v19 =	vmul.u32 $0x2400, v4;
	v4 =	vshll.u32 v6, $0x7;
	v12 =	vor.u32 v31, v51;
	v3 =	vld [tilespmem:s24+$0x200]  }
0x480: {  	s20 =	simm.s32 $0x1;
	v1 =	vadd.f32 v2, v1;
	v2 =	vmul.f32 v35, v35;
	s22 =	simm.s32 $0x200;
	v6 =	vand.u32 $0x380, v4  }
0x481: {  	s26 =	sand.u32 $0x3C00, s22;
	s21 =	sor.u32 $0x380, s30;
	s30 =	sand.u32 $0x3, s20;
	v0 =	vadd.f32 v10, v0;
	v19 =	vor.u32 v6, v19;
	[tilespmem:v14+s17+$0x0] =	vst.idx.add.f32.msk $0xffff, v60  }
0x482: {  	s23 =	sor.u32 s1, s26;
	s31 =	sshll.u32 s30, $0x5;
	v10 =	vmul.f32 v7, v7;
	v6 =	vmul.f32 v8, v8;
	[tilespmem:v11+s17+$0x0] =	vst.idx.add.f32.msk $0xffff, v7  }
0x483: {  	s30 =	sadd.s32 $0x100, s31;
	v11 =	vadd.f32 v2, v1;
	v1 =	vshrl.u32 v5, $0x3;
	v2 =	vld [tilespmem:s23+$0x0];
	v7 =	vadd.s32 v61, v19  }
0x484: {  	v8 =	vmul.f32 v15, v15;
	s28 =	sadd.s32 $0x10, s30;
	[tilespmem:v12+s17+$0x0] =	vst.idx.add.f32.msk $0xffff, v3;
	v5 =	vshll.u32 v5, $0x7;
	v1 =	vmul.u32 $0x2400, v1  }
0x485: {  	s29 =	sor.u32 $0x300, s28;
	v14 =	vadd.f32 v6, v0;
	v12 =	vmul.f32 v20, v20;
	v4 =	vld [tilespmem:s21+$0x0];
	v5 =	vand.u32 $0x380, v5  }
0x486: {  	v6 =	vld [tilespmem:s29+$0x0];
	v3 =	vmul.f32 v3, v3;
	s21 =	sor.u32 s25, s26;
	v0 =	vor.u32 v5, v1;
	v5 =	vadd.s32 v57, v50  }
0x487: {  	v8 =	vadd.f32 v12, v8;
	v12 =	vmul.f32 v23, v23;
	v62 =	vld [tilespmem:s21+$0x0];
	v1 =	vadd.s32 v9, v0  }
0x488: {  	v23 =	vor.u32 v26, v1;
	[tilespmem:v7+s17+$0x0] =	vst.idx.add.f32.msk $0xffff, v2  }
0x489: {  	v21 =	vadd.f32 v3, v14;
	v8 =	vadd.f32 v12, v8;
	v12 =	vmul.f32 v17, v17;
	v7 =	vld [tilespmem:s24+$0x280]  }
0x48a: {  	v10 =	vadd.f32 v10, v11;
	v11 =	vmul.f32 v16, v16;
	v3 =	vmul.f32 v4, v4;
	v20 =	vld [tilespmem:s23+$0x80]  }
0x48b: {  	s31 =	sor.u32 $0x380, s28;
	v8 =	vadd.f32 v12, v8;
	v12 =	vor.u32 v36, v51;
	[tilespmem:v5+s17+$0x0] =	vst.idx.add.f32.msk $0xffff, v6  }
0x48c: {  	v15 =	vadd.s32 v63, v19;
	v3 =	vadd.f32 v3, v10;
	v10 =	vld [tilespmem:s31+$0x0]  }
0x48d: {  	s28 =	simm.s32 $0x3060;
	s29 =	sor.u32 $0x300, s30;
	v16 =	vmul.f32 v60, v60;
	v14 =	vadd.f32 v11, v8;
	[tilespmem:v23+s17+$0x0] =	vst.idx.add.f32.msk $0xffff, v62  }
0x48e: {  	s26 =	simm.s32 $0x4;
	s25 =	simm.s32 $0x200;
	s24 =	sor.u32 $0x380, s30;
	v17 =	vor.u32 v29, v1;
	v5 =	vmul.f32 v62, v62;
	v8 =	vmul.f32 v7, v7;
	v11 =	vld [tilespmem:s21+$0x80]  }
.LBB2_8:
0x48f: {  	v23 =	vld [tilespmem:s28+$0x0];
	v14 =	vadd.f32 v16, v14;
	v6 =	vmul.f32 v6, v6;
	v16 =	vadd.s32 v58, v50  }
0x490: {  	[tilespmem:v12+s17+$0x0] =	vst.idx.add.f32.msk $0xffff, v7;
	v7 =	vadd.f32 v8, v21;
	v8 =	vadd.s32 v13, v50;
	v50 =	vmov v19  }
0x491: {  	[tilespmem:v15+s17+$0x0] =	vst.idx.add.f32.msk $0xffff, v20;
	v6 =	vadd.f32 v6, v14;
	v12 =	vmul.f32 v10, v10  }
0x492: {  	v15 =	vadd.s32 v18, v50;
	v14 =	vld [tilespmem:s23+$0x100]  }
0x493: {  	[tilespmem:v17+s17+$0x0] =	vst.idx.add.f32.msk $0xffff, v11;
	v11 =	vmul.f32 v11, v11;
	v6 =	vadd.f32 v12, v6  }
0x494: {  	[tilespmem:v16+s17+$0x0] =	vst.idx.add.f32.msk $0xffff, v10  }
0x495: {  	v5 =	vadd.f32 v11, v5;
	[tilespmem:v8+s17+$0x0] =	vst.idx.add.f32.msk $0xffff, v6;
	v6 =	vor.u32 v44, v49;
	v49 =	vmov v51  }
0x496: {  	v1 =	vor.u32 v30, v1;
	v8 =	vld [tilespmem:s21+$0x100]  }
0x497: {  	[tilespmem:v15+s17+$0x0] =	vst.idx.add.f32.msk $0xffff, v14  }
0x498: {  	v11 =	vadd.s32 v25, v50;
	v10 =	vld [tilespmem:s23+$0x180]  }
0x499: {  	v12 =	vld [tilespmem:s29+$0x0]  }
0x49a: {  	v51 =	vadd.s32 v28, v0;
	[tilespmem:v6+s17+$0x0] =	vst.idx.add.f32.msk $0xffff, v4  }
0x49b: {  	s19 =	sadd.s32 $0x20, s19;
	v4 =	vor.u32 v42, v49;
	[tilespmem:v1+s17+$0x0] =	vst.idx.add.f32.msk $0xffff, v8;
	v1 =	vmul.f32 v8, v8  }
0x49c: {  	s1 =	sand.u32 $0x60, s19;
	v8 =	vor.u32 v34, v51;
	v6 =	vld [tilespmem:s21+$0x180]  }
0x49d: {  	s30 =	sand.u32 $0x780, s19;
	s29 =	sor.u32 $0x10, s1;
	v1 =	vadd.f32 v1, v5;
	[tilespmem:v11+s17+$0x0] =	vst.idx.add.f32.msk $0xffff, v10  }
0x49e: {  	s26 =	sadd.s32 $0x2, s26;
	s30 =	sor.u32 s29, s30;
	v11 =	vadd.s32 v55, v50;
	v5 =	vld [tilespmem:s23+$0x200];
	v15 =	vmul.f32 v12, v12  }
0x49f: {  	p0 =	slt.u32 s26, $0x5E;
	v16 =	vld [tilespmem:s30+$0x3000]  }
0x4a0: {  	[tilespmem:v4+s17+$0x0] =	vst.idx.add.f32.msk $0xffff, v12;
	v12 =	vadd.f32 v15, v7;
	v4 =	vadd.s32 v24, v47;
	v47 =	vmov v48  }
0x4a1: {  	v48 =	vmov v0;
	[tilespmem:v8+s17+$0x0] =	vst.idx.add.f32.msk $0xffff, v6;
	v6 =	vmul.f32 v6, v6;
	v7 =	vadd.s32 v22, v4  }
0x4a2: {  	v8 =	vor.u32 v31, v51;
	v0 =	vld [tilespmem:s21+$0x200]  }
0x4a3: {  	v1 =	vadd.f32 v6, v1;
	[tilespmem:v11+s17+$0x0] =	vst.idx.add.f32.msk $0xffff, v5  }
0x4a4: {  	s20 =	sadd.s32 $0x1, s20;
	v6 =	vadd.s32 v56, v50;
	v4 =	vshrl.u32 v16, $0x3;
	v11 =	vld [tilespmem:s23+$0x280]  }
0x4a5: {  	s22 =	sadd.s32 $0x100, s22;
	v15 =	vshrl.u32 v23, $0x3;
	v16 =	vshll.u32 v16, $0x7;
	s23 =	sand.u32 $0x3, s20;
	v17 =	vmul.u32 $0x2400, v4;
	v4 =	vld [tilespmem:s24+$0x0]  }
0x4a6: {  	v19 =	vshll.u32 v23, $0x7;
	v15 =	vmul.u32 $0x2400, v15;
	s24 =	sand.u32 $0x3C00, s22;
	v16 =	vand.u32 $0x380, v16;
	s30 =	sshll.u32 s23, $0x5;
	[tilespmem:v7+s17+$0x0] =	vst.idx.add.f32.msk $0xffff, v3  }
0x4a7: {  	s1 =	sor.u32 s1, s24;
	v3 =	vand.u32 $0x380, v19;
	s23 =	sor.u32 s29, s24;
	s25 =	sadd.s32 s30, s25;
	v19 =	vor.u32 v16, v17;
	[tilespmem:v8+s17+$0x0] =	vst.idx.add.f32.msk $0xffff, v0;
	v7 =	vmul.f32 v0, v0  }
0x4a8: {  	v0 =	vor.u32 v3, v15;
	s29 =	sor.u32 $0x300, s25;
	s24 =	sor.u32 $0x380, s25;
	s30 =	sadd.s32 $0x10, s25;
	v8 =	vld [tilespmem:s23+$0x0];
	v15 =	vadd.s32 v61, v19  }
0x4a9: {  	v2 =	vmul.f32 v2, v2;
	v3 =	vmul.f32 v20, v20;
	s25 =	smov.u32 s22;
	s31 =	sor.u32 $0x300, s30;
	[tilespmem:v6+s17+$0x0] =	vst.idx.add.f32.msk $0xffff, v11  }
0x4aa: {  	v16 =	vadd.s32 v57, v50;
	v21 =	vadd.f32 v7, v1;
	v6 =	vld [tilespmem:s31+$0x0];
	v17 =	vmul.f32 v4, v4  }
0x4ab: {  	v14 =	vmul.f32 v14, v14;
	v1 =	vadd.s32 v9, v0;
	v20 =	vadd.f32 v3, v2;
	v23 =	vld [tilespmem:s1+$0x0]  }
0x4ac: {  	v52 =	vor.u32 v26, v1;
	v7 =	vld [tilespmem:s21+$0x280];
	v3 =	vadd.f32 v17, v12;
	s21 =	smov.u32 s1  }
0x4ad: {  	v10 =	vmul.f32 v10, v10;
	v14 =	vadd.f32 v14, v20;
	[tilespmem:v15+s17+$0x0] =	vst.idx.add.f32.msk $0xffff, v8;
	v2 =	vmov v8  }
.Ltmp3:
0x4ae: {  	v12 =	vor.u32 v36, v51;
	v20 =	vld [tilespmem:s23+$0x80];
	(pc) =	sbr.rel @p0 .LBB2_8-.Ltmp3, $4  }
0x4af: {  	s1 =	sor.u32 $0x380, s30;
	v8 =	vadd.f32 v10, v14;
	v14 =	vmul.f32 v5, v5;
	[tilespmem:v16+s17+$0x0] =	vst.idx.add.f32.msk $0xffff, v6  }
0x4b0: {  	v15 =	vadd.s32 v63, v19;
	v5 =	vmul.f32 v23, v23;
	v10 =	vld [tilespmem:s1+$0x0]  }
0x4b1: {  	v14 =	vadd.f32 v14, v8;
	v16 =	vmul.f32 v11, v11;
	[tilespmem:v52+s17+$0x0] =	vst.idx.add.f32.msk $0xffff, v23  }
0x4b2: {  	s28 =	sadd.s32 $0x20, s28;
	v17 =	vor.u32 v29, v1;
	v8 =	vmul.f32 v7, v7;
	v11 =	vld [tilespmem:s21+$0x80]  }
0x4b3: {  	_ =	sdelay $0x3  }
0x4b4: {  	[tilespmem:v15+s17+$0x0] =	vst.idx.add.f32.msk $0xffff, v20  }
0x4b5: {  	v23 =	vadd.s32 v18, v19;
	v15 =	vld [tilespmem:s23+$0x100];
	_ =	sdelay $0x2  }
0x4b6: {  	[tilespmem:v17+s17+$0x0] =	vst.idx.add.f32.msk $0xffff, v11  }
0x4b7: {  	v1 =	vor.u32 v30, v1;
	v17 =	vld [tilespmem:s21+$0x100]  }
0x4b8: {  	[tilespmem:v23+s17+$0x0] =	vst.idx.add.f32.msk $0xffff, v15  }
0x4b9: {  	v52 =	vadd.s32 v25, v19;
	v23 =	vld [tilespmem:s23+$0x180]  }
0x4ba: {  	v14 =	vadd.f32 v16, v14  }
0x4bb: {  	v6 =	vmul.f32 v6, v6;
	v16 =	vadd.s32 v58, v50;
	[tilespmem:v12+s17+$0x0] =	vst.idx.add.f32.msk $0xffff, v7  }
0x4bc: {  	v53 =	vadd.s32 v28, v0;
	v7 =	vadd.s32 v13, v50;
	[tilespmem:v1+s17+$0x0] =	vst.idx.add.f32.msk $0xffff, v17  }
0x4bd: {  	v54 =	vor.u32 v34, v53;
	v6 =	vadd.f32 v6, v14;
	v12 =	vmul.f32 v10, v10;
	v1 =	vld [tilespmem:s21+$0x180]  }
0x4be: {  	[tilespmem:v52+s17+$0x0] =	vst.idx.add.f32.msk $0xffff, v23  }
0x4bf: {  	v55 =	vadd.s32 v55, v19;
	v6 =	vadd.f32 v12, v6;
	v52 =	vld [tilespmem:s23+$0x200]  }
0x4c0: {  	[tilespmem:v16+s17+$0x0] =	vst.idx.add.f32.msk $0xffff, v10  }
0x4c1: {  	[tilespmem:v7+s17+$0x0] =	vst.idx.add.f32.msk $0xffff, v6  }
0x4c2: {  	v6 =	vor.u32 v44, v49;
	[tilespmem:v54+s17+$0x0] =	vst.idx.add.f32.msk $0xffff, v1  }
0x4c3: {  	v37 =	vor.u32 v31, v53;
	v14 =	vld [tilespmem:s21+$0x200]  }
0x4c4: {  	[tilespmem:v55+s17+$0x0] =	vst.idx.add.f32.msk $0xffff, v52  }
0x4c5: {  	v38 =	vadd.s32 v56, v19;
	s1 =	sadd.s32 $0x1, s20;
	v12 =	vld [tilespmem:s23+$0x280]  }
0x4c6: {  	s1 =	sand.u32 $0x3, s1;
	v7 =	vld [tilespmem:s29+$0x0]  }
0x4c7: {  	s1 =	sshll.u32 s1, $0x5;
	v10 =	vor.u32 v42, v51;
	[tilespmem:v6+s17+$0x0] =	vst.idx.add.f32.msk $0xffff, v4  }
0x4c8: {  	v2 =	vmul.f32 v2, v2;
	s1 =	sadd.s32 s1, s25;
	[tilespmem:v37+s17+$0x0] =	vst.idx.add.f32.msk $0xffff, v14  }
0x4c9: {  	v20 =	vmul.f32 v20, v20;
	v40 =	vor.u32 v36, v53;
	s19 =	sadd.s32 $0x10, s1;
	v11 =	vmul.f32 v11, v11;
	v50 =	vld [tilespmem:s21+$0x280]  }
0x4ca: {  	v39 =	vadd.s32 v57, v19;
	s26 =	sor.u32 $0x300, s19;
	[tilespmem:v38+s17+$0x0] =	vst.idx.add.f32.msk $0xffff, v12  }
0x4cb: {  	v2 =	vadd.f32 v20, v2;
	v5 =	vadd.f32 v11, v5;
	v6 =	vmul.f32 v15, v15;
	v16 =	vld [tilespmem:s26+$0x0]  }
0x4cc: {  	v11 =	vmul.f32 v17, v17;
	v4 =	vadd.s32 v24, v47;
	[tilespmem:v10+s17+$0x0] =	vst.idx.add.f32.msk $0xffff, v7  }
0x4cd: {  	v4 =	vadd.s32 v22, v4;
	v2 =	vadd.f32 v6, v2;
	v6 =	vmul.f32 v23, v23  }
0x4ce: {  	s30 =	sor.u32 $0x300, s1;
	v5 =	vadd.f32 v11, v5;
	v11 =	vor.u32 v42, v53;
	[tilespmem:v40+s17+$0x0] =	vst.idx.add.f32.msk $0xffff, v50  }
0x4cf: {  	v2 =	vadd.f32 v6, v2;
	v1 =	vmul.f32 v1, v1;
	v6 =	vmul.f32 v52, v52;
	v10 =	vld [tilespmem:s30+$0x0]  }
0x4d0: {  	v8 =	vadd.f32 v8, v21;
	s19 =	sor.u32 $0x380, s19;
	v7 =	vmul.f32 v7, v7;
	[tilespmem:v39+s17+$0x0] =	vst.idx.add.f32.msk $0xffff, v16  }
0x4d1: {  	v1 =	vadd.f32 v1, v5;
	v2 =	vadd.f32 v6, v2;
	v6 =	vmul.f32 v12, v12;
	v5 =	vld [tilespmem:s19+$0x0]  }
0x4d2: {  	v15 =	vld [tilespmem:s24+$0x0];
	v7 =	vadd.f32 v7, v8;
	v8 =	vadd.s32 v13, v19  }
0x4d3: {  	[tilespmem:v4+s17+$0x0] =	vst.idx.add.f32.msk $0xffff, v3;
	v14 =	vmul.f32 v14, v14;
	v2 =	vadd.f32 v6, v2  }
0x4d4: {  	s1 =	sor.u32 $0x380, s1;
	v6 =	vadd.s32 v58, v19;
	v3 =	vmul.f32 v16, v16;
	[tilespmem:v11+s17+$0x0] =	vst.idx.add.f32.msk $0xffff, v10  }
0x4d5: {  	v1 =	vadd.f32 v14, v1;
	v14 =	vor.u32 v44, v51;
	v4 =	vmul.f32 v50, v50;
	v11 =	vld [tilespmem:s1+$0x0]  }
0x4d6: {  	v16 =	vadd.s32 v24, v48;
	v2 =	vadd.f32 v3, v2;
	v3 =	vmul.f32 v5, v5  }
0x4d7: {  	v1 =	vadd.f32 v4, v1;
	v4 =	vmul.f32 v10, v10;
	v10 =	vor.u32 v44, v53  }
0x4d8: {  	v0 =	vadd.s32 v24, v0;
	v2 =	vadd.f32 v3, v2;
	v3 =	vadd.s32 v22, v16  }
0x4d9: {  	v0 =	vadd.s32 v22, v0;
	v12 =	vmul.f32 v15, v15;
	[tilespmem:v6+s17+$0x0] =	vst.idx.add.f32.msk $0xffff, v5  }
0x4da: {  	v1 =	vadd.f32 v4, v1;
	[tilespmem:v8+s17+$0x0] =	vst.idx.add.f32.msk $0xffff, v2;
	v2 =	vmul.f32 v11, v11  }
0x4db: {  	v7 =	vadd.f32 v12, v7;
	[tilespmem:v14+s17+$0x0] =	vst.idx.add.f32.msk $0xffff, v15  }
0x4dc: {  	[tilespmem:v10+s17+$0x0] =	vst.idx.add.f32.msk $0xffff, v11;
	v1 =	vadd.f32 v2, v1  }
0x4dd: {  	[tilespmem:v3+s17+$0x0] =	vst.idx.add.f32.msk $0xffff, v7  }
0x4de: {  	s19 =	simm.s32 $0x0;
	[tilespmem:v0+s17+$0x0] =	vst.idx.add.f32.msk $0xffff, v1  }
0x4df: {  	[tilespmem:s19], [sflag:$0x2] =	stream.linear.gather [hbm4b:s6+s19], $0x3000, $0x38;
	[tilespmem:$0x15600] =	vst v63  }
0x4e0: {  	s31 =	sand.u32 $0x60, s19;
	_ =	swait.ge [sflag:s16], $0x3000  }
0x4e1: {  	s24 =	sand.u32 $0x780, s19;
	s23 =	sor.u32 $0x10, s31;
	[sflag:s16] =	ssyncset.done $0x0  }
0x4e2: {  	s21 =	sor.u32 s23, s24;
	[sflag:s16] =	ssyncadd.s32 $0xFFFFD000  }
0x4e3: {  	v0 =	vld [tilespmem:s21+$0x3000]  }
0x4e4: {  	v3 =	vld [tilespmem:$0x1F9A0]  }
0x4e5: {  	s25 =	simm.s32 $0x3000;
	v4 =	vld [tilespmem:$0x1FC30]  }
0x4e6: {  	v2 =	vld [tilespmem:s25+$0x0]  }
0x4e7: {  	v25 =	vld [tilespmem:$0x1F620]  }
0x4e8: {  	v1 =	vshrl.u32 v0, $0x3  }
0x4e9: {  	v0 =	vshll.u32 v0, $0x7;
	v1 =	vmul.u32 $0x2400, v1  }
0x4ea: {  	s26 =	sand.u32 $0x3C00, s19;
	v0 =	vand.u32 $0x380, v0  }
0x4eb: {  	s22 =	sor.u32 s23, s26;
	v5 =	vld [tilespmem:$0x1F440];
	v6 =	vsel vm0, v4, v3;
	v3 =	vshrl.u32 v2, $0x3;
	v1 =	vor.u32 v0, v1  }
0x4ec: {  	v0 =	vmul.u32 $0x2400, v3;
	v3 =	vld [tilespmem:s22+$0x0];
	v4 =	vadd.s32 v25, v1;
	_ =	sdelay $0x2  }
0x4ed: {  	v2 =	vshll.u32 v2, $0x7  }
0x4ee: {  	v52 =	vcombine.low v5, v6;
	v2 =	vand.u32 $0x380, v2;
	[tilespmem:$0x1F3E0] =	vst v6  }
0x4ef: {  	v48 =	vor.u32 v2, v0;
	[tilespmem:v4+s17+$0x0] =	vst.idx.add.f32.msk $0xffff, v3  }
0x4f0: {  	v0 =	vadd.s32 v52, v48;
	v18 =	vld [tilespmem:$0x1F630]  }
0x4f1: {  	v5 =	vadd.s32 v28, v0;
	v0 =	vld [tilespmem:$0x1F9F0]  }
0x4f2: {  	v7 =	vld [tilespmem:$0x1FC40]  }
0x4f3: {  	s20 =	sor.u32 s31, s26  }
0x4f4: {  	v2 =	vld [tilespmem:s20+$0x0]  }
0x4f5: {  	v4 =	vld [tilespmem:s22+$0x80];
	v6 =	vadd.s32 v18, v1;
	_ =	sdelay $0x1  }
0x4f6: {  	v8 =	vsel vm0, v7, v0;
	v0 =	vld [tilespmem:$0x1F5B0]  }
0x4f7: {  	v7 =	vld [tilespmem:$0x1F7E0];
	[tilespmem:$0x1F3F0] =	vst v8  }
0x4f8: {  	[tilespmem:v5+s17+$0x0] =	vst.idx.add.f32.msk $0xffff, v2  }
0x4f9: {  	[tilespmem:v6+s17+$0x0] =	vst.idx.add.f32.msk $0xffff, v4  }
0x4fa: {  	v33 =	vld [tilespmem:$0x1F640]  }
0x4fb: {  	v0 =	vsel vm6, $0x1800, v0  }
0x4fc: {  	v53 =	vcombine.low v7, v8;
	v54 =	vsel vm12, $0x1C00, v0;
	v10 =	vld [tilespmem:$0x1FA10]  }
0x4fd: {  	v11 =	vld [tilespmem:$0x1FC50];
	v0 =	vadd.s32 v54, v48  }
0x4fe: {  	v5 =	vld [tilespmem:s20+$0x80];
	v7 =	vor.u32 v53, v0  }
0x4ff: {  	v6 =	vld [tilespmem:s22+$0x100];
	v8 =	vadd.s32 v33, v1;
	_ =	sdelay $0x2  }
0x500: {  	v47 =	vsel vm0, v11, v10;
	v10 =	vld [tilespmem:$0x1F800]  }
0x501: {  	[tilespmem:v7+s17+$0x0] =	vst.idx.add.f32.msk $0xffff, v5  }
0x502: {  	[tilespmem:v8+s17+$0x0] =	vst.idx.add.f32.msk $0xffff, v6  }
0x503: {  	v26 =	vld [tilespmem:$0x1F650]  }
0x504: {  	v12 =	vld [tilespmem:$0x1FA90]  }
0x505: {  	v55 =	vcombine.low v10, v47;
	v14 =	vld [tilespmem:$0x1FC60];
	_ =	sdelay $0x1  }
0x506: {  	v7 =	vld [tilespmem:s20+$0x100];
	v10 =	vor.u32 v55, v0  }
0x507: {  	v8 =	vld [tilespmem:s22+$0x180];
	v11 =	vadd.s32 v26, v1;
	_ =	sdelay $0x1  }
0x508: {  	v14 =	vsel vm0, v14, v12;
	v12 =	vld [tilespmem:$0x1F830]  }
0x509: {  	[tilespmem:$0x1F400] =	vst v14  }
0x50a: {  	[tilespmem:v10+s17+$0x0] =	vst.idx.add.f32.msk $0xffff, v7  }
0x50b: {  	[tilespmem:v11+s17+$0x0] =	vst.idx.add.f32.msk $0xffff, v8  }
0x50c: {  	v15 =	vld [tilespmem:$0x1F8D0]  }
0x50d: {  	v57 =	vcombine.low v12, v14;
	v16 =	vld [tilespmem:$0x1FAA0]  }
0x50e: {  	s30 =	simm.s32 $0x20;
	v10 =	vld [tilespmem:s20+$0x180]  }
0x50f: {  	s23 =	sand.u32 $0x60, s30;
	v11 =	vld [tilespmem:s22+$0x200];
	v12 =	vor.u32 v57, v0  }
0x510: {  	s1 =	sand.u32 $0x780, s30;
	s21 =	sor.u32 $0x10, s23;
	v14 =	vadd.s32 v27, v1;
	v17 =	vld [tilespmem:$0x1F840]  }
0x511: {  	s1 =	sor.u32 s21, s1  }
0x512: {  	s31 =	simm.s32 $0x3020;
	v19 =	vsel vm0, v15, v16;
	v15 =	vld [tilespmem:s1+$0x3000]  }
0x513: {  	v16 =	vld [tilespmem:s31+$0x0];
	[tilespmem:$0x1F410] =	vst v19  }
0x514: {  	[tilespmem:v12+s17+$0x0] =	vst.idx.add.f32.msk $0xffff, v10  }
0x515: {  	v56 =	vcombine.low v17, v19;
	[tilespmem:v14+s17+$0x0] =	vst.idx.add.f32.msk $0xffff, v11  }
0x516: {  	v29 =	vld [tilespmem:$0x1F670]  }
0x517: {  	v12 =	vld [tilespmem:s20+$0x200];
	v17 =	vor.u32 v56, v0;
	_ =	sdelay $0x1  }
0x518: {  	v14 =	vshrl.u32 v15, $0x3  }
0x519: {  	s26 =	simm.s32 $0x100;
	v15 =	vshll.u32 v15, $0x7;
	v14 =	vmul.u32 $0x2400, v14  }
0x51a: {  	s30 =	sand.u32 $0x3C00, s26;
	v19 =	vld [tilespmem:s22+$0x280];
	v15 =	vand.u32 $0x380, v15;
	v20 =	vadd.s32 v29, v1  }
0x51b: {  	s25 =	sand.u32 $0x3, s19;
	s19 =	sor.u32 s21, s30;
	v59 =	vor.u32 v15, v14;
	[tilespmem:v17+s17+$0x0] =	vst.idx.add.f32.msk $0xffff, v12  }
0x51c: {  	v21 =	vshrl.u32 v16, $0x3;
	v15 =	vshll.u32 v16, $0x7;
	v16 =	vld [tilespmem:s19+$0x0];
	v17 =	vadd.s32 v25, v59;
	_ =	sdelay $0x2  }
0x51d: {  	[tilespmem:v20+s17+$0x0] =	vst.idx.add.f32.msk $0xffff, v19  }
0x51e: {  	v30 =	vmov v27;
	v27 =	vld [tilespmem:$0x1F680]  }
0x51f: {  	[tilespmem:v17+s17+$0x0] =	vst.idx.add.f32.msk $0xffff, v16  }
0x520: {  	v17 =	vld [tilespmem:$0x1F910]  }
0x521: {  	v31 =	vld [tilespmem:$0x1FAF0];
	_ =	sdelay $0x3  }
0x522: {  	v14 =	vmul.u32 $0x2400, v21  }
0x523: {  	v15 =	vand.u32 $0x380, v15;
	v32 =	vsel vm0, v17, v31;
	v31 =	vld [tilespmem:$0x1F850]  }
0x524: {  	s1 =	sshll.u32 s25, $0x5;
	v51 =	vor.u32 v15, v14  }
0x525: {  	s24 =	sor.u32 s23, s30;
	s21 =	sadd.s32 $0x0, s1;
	v21 =	vadd.s32 v52, v51  }
0x526: {  	s1 =	sadd.s32 $0x10, s21;
	v21 =	vadd.s32 v28, v21;
	v20 =	vld [tilespmem:s24+$0x0]  }
0x527: {  	s31 =	sor.u32 $0x300, s1  }
0x528: {  	v14 =	vld [tilespmem:s31+$0x0];
	v15 =	vadd.s32 v27, v1;
	v58 =	vcombine.low v31, v32  }
0x529: {  	v41 =	vadd.s32 v18, v59;
	v17 =	vld [tilespmem:s19+$0x80]  }
0x52a: {  	v23 =	vld [tilespmem:s20+$0x280];
	[tilespmem:$0x1F420] =	vst v32;
	v42 =	vor.u32 v58, v0  }
0x52b: {  	[tilespmem:v21+s17+$0x0] =	vst.idx.add.f32.msk $0xffff, v20  }
0x52c: {  	v21 =	vld [tilespmem:s24+$0x80]  }
0x52d: {  	v3 =	vmul.f32 v3, v3;
	v60 =	vadd.s32 v54, v51;
	[tilespmem:v15+s17+$0x0] =	vst.idx.add.f32.msk $0xffff, v14  }
0x52e: {  	v4 =	vmul.f32 v4, v4;
	v61 =	vor.u32 v53, v60;
	[tilespmem:v41+s17+$0x0] =	vst.idx.add.f32.msk $0xffff, v17  }
0x52f: {  	[tilespmem:v42+s17+$0x0] =	vst.idx.add.f32.msk $0xffff, v23  }
0x530: {  	v3 =	vadd.f32 v4, v3;
	v4 =	vmul.f32 v6, v6;
	v34 =	vld [tilespmem:$0x1F690];
	_ =	sdelay $0x1  }
0x531: {  	v3 =	vadd.f32 v4, v3;
	v4 =	vmul.f32 v8, v8;
	v6 =	vadd.s32 v33, v59;
	v49 =	vld [tilespmem:s19+$0x100]  }
0x532: {  	[tilespmem:v61+s17+$0x0] =	vst.idx.add.f32.msk $0xffff, v21  }
0x533: {  	v3 =	vadd.f32 v4, v3;
	v4 =	vmul.f32 v11, v11;
	s1 =	sor.u32 $0x380, s1;
	v43 =	vor.u32 v55, v60;
	v11 =	vld [tilespmem:s24+$0x100]  }
0x534: {  	v15 =	vld [tilespmem:s1+$0x0];
	v8 =	vadd.s32 v34, v1  }
0x535: {  	v2 =	vmul.f32 v2, v2;
	v5 =	vmul.f32 v5, v5  }
0x536: {  	[tilespmem:v6+s17+$0x0] =	vst.idx.add.f32.msk $0xffff, v49  }
0x537: {  	v2 =	vadd.f32 v5, v2;
	v5 =	vmul.f32 v7, v7;
	v3 =	vadd.f32 v4, v3;
	v63 =	vld [tilespmem:s19+$0x180]  }
0x538: {  	v4 =	vmul.f32 v19, v19;
	v6 =	vadd.s32 v26, v59;
	[tilespmem:v43+s17+$0x0] =	vst.idx.add.f32.msk $0xffff, v11  }
0x539: {  	v2 =	vadd.f32 v5, v2;
	v5 =	vmul.f32 v10, v10;
	[tilespmem:v8+s17+$0x0] =	vst.idx.add.f32.msk $0xffff, v15  }
0x53a: {  	v10 =	vmul.f32 v12, v12;
	v3 =	vadd.f32 v4, v3;
	v4 =	vmul.f32 v14, v14;
	v12 =	vld [tilespmem:$0x1FB00]  }
0x53b: {  	v14 =	vld [tilespmem:$0x1FC70]  }
0x53c: {  	v3 =	vadd.f32 v4, v3;
	v4 =	vmul.f32 v15, v15  }
0x53d: {  	[tilespmem:v6+s17+$0x0] =	vst.idx.add.f32.msk $0xffff, v63  }
0x53e: {  	s26 =	simm.s32 $0x3040;
	v3 =	vadd.f32 v4, v3;
	v4 =	vld [tilespmem:$0x1F880]  }
0x53f: {  	s20 =	simm.s32 $0x40;
	v62 =	vld [tilespmem:s26+$0x0];
	v1 =	vadd.s32 v13, v1  }
0x540: {  	v2 =	vadd.f32 v5, v2;
	s30 =	sor.u32 $0x300, s21;
	s1 =	sand.u32 $0x60, s20;
	v5 =	vld [tilespmem:s24+$0x180];
	v8 =	vor.u32 v57, v60;
	v12 =	vsel vm0, v14, v12  }
0x541: {  	s25 =	sand.u32 $0x780, s20;
	s31 =	sor.u32 $0x10, s1;
	v7 =	vld [tilespmem:s30+$0x0];
	[tilespmem:$0x1F430] =	vst v12  }
0x542: {  	v2 =	vadd.f32 v10, v2;
	s23 =	sor.u32 s31, s25;
	v14 =	vld [tilespmem:s19+$0x200]  }
0x543: {  	v10 =	vmul.f32 v23, v23;
	v61 =	vcombine.low v4, v12;
	v4 =	vadd.s32 v30, v59;
	v6 =	vld [tilespmem:s23+$0x3000]  }
0x544: {  	[tilespmem:v1+s17+$0x0] =	vst.idx.add.f32.msk $0xffff, v3  }
0x545: {  	v2 =	vadd.f32 v10, v2;
	[tilespmem:v8+s17+$0x0] =	vst.idx.add.f32.msk $0xffff, v5;
	v0 =	vor.u32 v61, v0  }
0x546: {  	v10 =	vor.u32 v56, v60;
	v1 =	vmul.f32 v20, v20;
	v3 =	vmul.f32 v21, v21;
	v8 =	vld [tilespmem:s24+$0x200];
	_ =	sdelay $0x1  }
0x547: {  	v1 =	vadd.f32 v3, v1;
	v3 =	vmul.f32 v11, v11;
	[tilespmem:v4+s17+$0x0] =	vst.idx.add.f32.msk $0xffff, v14  }
0x548: {  	v12 =	vadd.s32 v29, v59;
	v4 =	vmul.f32 v7, v7;
	v11 =	vshrl.u32 v6, $0x3;
	v21 =	vld [tilespmem:s19+$0x280];
	s19 =	simm.s32 $0x1  }
0x549: {  	s23 =	simm.s32 $0x200;
	v1 =	vadd.f32 v3, v1;
	v6 =	vshll.u32 v6, $0x7;
	[tilespmem:v0+s17+$0x0] =	vst.idx.add.f32.msk $0xffff, v7;
	v0 =	vmul.u32 $0x2400, v11;
	s26 =	sand.u32 $0x3, s19  }
0x54a: {  	s21 =	sor.u32 $0x380, s21;
	s30 =	sand.u32 $0x3C00, s23;
	v3 =	vand.u32 $0x380, v6;
	v6 =	vshrl.u32 v62, $0x3;
	[tilespmem:v10+s17+$0x0] =	vst.idx.add.f32.msk $0xffff, v8;
	v2 =	vadd.f32 v4, v2;
	s25 =	sshll.u32 s26, $0x5  }
0x54b: {  	s22 =	sor.u32 s31, s30;
	v4 =	vld [tilespmem:s21+$0x0];
	v19 =	vor.u32 v3, v0;
	v3 =	vmul.u32 $0x2400, v6;
	v6 =	vshll.u32 v62, $0x7;
	s25 =	sadd.s32 $0x100, s25  }
0x54c: {  	v5 =	vmul.f32 v5, v5;
	v0 =	vld [tilespmem:s22+$0x0];
	v6 =	vand.u32 $0x380, v6;
	s26 =	sadd.s32 $0x10, s25  }
0x54d: {  	v10 =	vadd.s32 v25, v19;
	v62 =	vor.u32 v6, v3;
	[tilespmem:v12+s17+$0x0] =	vst.idx.add.f32.msk $0xffff, v21;
	s28 =	sor.u32 $0x300, s26  }
0x54e: {  	v1 =	vadd.f32 v5, v1;
	v5 =	vadd.s32 v27, v59;
	s21 =	sor.u32 s1, s30;
	v3 =	vadd.s32 v52, v62;
	v6 =	vld [tilespmem:s28+$0x0]  }
0x54f: {  	v7 =	vmul.f32 v16, v16;
	v11 =	vmul.f32 v17, v17;
	v15 =	vld [tilespmem:s21+$0x0];
	v17 =	vadd.s32 v28, v3;
	_ =	sdelay $0x1  }
0x550: {  	v11 =	vadd.f32 v11, v7;
	v12 =	vmul.f32 v49, v49  }
0x551: {  	v8 =	vmul.f32 v8, v8;
	[tilespmem:v10+s17+$0x0] =	vst.idx.add.f32.msk $0xffff, v0  }
0x552: {  	v10 =	vadd.f32 v12, v11;
	v11 =	vmul.f32 v63, v63;
	[tilespmem:v5+s17+$0x0] =	vst.idx.add.f32.msk $0xffff, v6  }
0x553: {  	v1 =	vadd.f32 v8, v1;
	[tilespmem:v17+s17+$0x0] =	vst.idx.add.f32.msk $0xffff, v15  }
0x554: {  	v23 =	vmovc v18;
	v8 =	vadd.f32 v11, v10;
	v11 =	vmul.f32 v14, v14;
	v14 =	vadd.s32 v18, v19;
	v18 =	vld [tilespmem:$0x1FB50]  }
0x555: {  	v17 =	vmul.f32 v21, v21;
	v21 =	vld [tilespmem:$0x1FC80];
	_ =	sdelay $0x1  }
0x556: {  	v7 =	vld [tilespmem:s24+$0x280]  }
0x557: {  	s31 =	sor.u32 $0x380, s26;
	v3 =	vld [tilespmem:s22+$0x80]  }
0x558: {  	v12 =	vor.u32 v58, v60;
	v10 =	vld [tilespmem:s31+$0x0]  }
0x559: {  	v16 =	vmul.f32 v4, v4;
	v49 =	vsel vm0, v21, v18;
	v18 =	vld [tilespmem:$0x1F5A0]  }
0x55a: {  	s29 =	sor.u32 $0x300, s25;
	s24 =	sor.u32 $0x380, s25;
	v20 =	vadd.s32 v54, v62;
	v5 =	vmul.f32 v15, v15;
	v15 =	vadd.f32 v11, v8;
	v31 =	vld [tilespmem:$0x1F8A0]  }
0x55b: {  	s25 =	simm.s32 $0x200;
	s26 =	simm.s32 $0x4;
	s28 =	simm.s32 $0x3060;
	v63 =	vmovc v33;
	v2 =	vadd.f32 v16, v2;
	v16 =	vor.u32 v53, v20;
	v8 =	vld [tilespmem:s21+$0x80];
	v11 =	vmul.f32 v7, v7  }
.LBB2_10:
0x55c: {  	v21 =	vld [tilespmem:s28+$0x0];
	v15 =	vadd.f32 v17, v15;
	v6 =	vmul.f32 v6, v6;
	v17 =	vadd.s32 v34, v59  }
0x55d: {  	[tilespmem:v12+s17+$0x0] =	vst.idx.add.f32.msk $0xffff, v7;
	v1 =	vadd.f32 v11, v1;
	v7 =	vadd.s32 v13, v59;
	v59 =	vmov v19  }
0x55e: {  	v12 =	vsel vm5, $0x1400, v18;
	[tilespmem:v14+s17+$0x0] =	vst.idx.add.f32.msk $0xffff, v3;
	v6 =	vadd.f32 v6, v15;
	v11 =	vmul.f32 v10, v10  }
0x55f: {  	v19 =	vcombine.low v31, v49;
	v15 =	vadd.s32 v63, v59;
	v14 =	vld [tilespmem:s22+$0x100]  }
0x560: {  	[tilespmem:v16+s17+$0x0] =	vst.idx.add.f32.msk $0xffff, v8;
	v8 =	vmul.f32 v8, v8;
	v6 =	vadd.f32 v11, v6;
	v11 =	vsel vm11, $0x1800, v12  }
0x561: {  	[tilespmem:v17+s17+$0x0] =	vst.idx.add.f32.msk $0xffff, v10;
	v50 =	vsel vm12, $0x1C00, v11;
	v10 =	vadd.s32 v19, v48  }
0x562: {  	v5 =	vadd.f32 v8, v5;
	[tilespmem:v7+s17+$0x0] =	vst.idx.add.f32.msk $0xffff, v6;
	v6 =	vadd.s32 v50, v10  }
0x563: {  	v8 =	vor.u32 v55, v20;
	v7 =	vld [tilespmem:s21+$0x100]  }
0x564: {  	[tilespmem:v15+s17+$0x0] =	vst.idx.add.f32.msk $0xffff, v14  }
0x565: {  	v11 =	vadd.s32 v26, v59;
	v10 =	vld [tilespmem:s22+$0x180]  }
0x566: {  	v12 =	vld [tilespmem:s29+$0x0]  }
0x567: {  	[tilespmem:v6+s17+$0x0] =	vst.idx.add.f32.msk $0xffff, v4  }
0x568: {  	s20 =	sadd.s32 $0x20, s20;
	v6 =	vor.u32 v61, v60;
	v60 =	vmov v20;
	[tilespmem:v8+s17+$0x0] =	vst.idx.add.f32.msk $0xffff, v7;
	v4 =	vmul.f32 v7, v7  }
0x569: {  	s1 =	sand.u32 $0x60, s20;
	v8 =	vor.u32 v57, v60;
	v7 =	vld [tilespmem:s21+$0x180]  }
0x56a: {  	s30 =	sand.u32 $0x780, s20;
	s29 =	sor.u32 $0x10, s1;
	v4 =	vadd.f32 v4, v5;
	[tilespmem:v11+s17+$0x0] =	vst.idx.add.f32.msk $0xffff, v10  }
0x56b: {  	s26 =	sadd.s32 $0x2, s26;
	s30 =	sor.u32 s29, s30;
	v11 =	vadd.s32 v30, v59;
	v5 =	vld [tilespmem:s22+$0x200];
	v15 =	vmul.f32 v12, v12  }
0x56c: {  	p0 =	slt.u32 s26, $0x5E;
	v16 =	vld [tilespmem:s30+$0x3000]  }
0x56d: {  	[tilespmem:v6+s17+$0x0] =	vst.idx.add.f32.msk $0xffff, v12;
	v12 =	vadd.f32 v15, v1;
	v1 =	vadd.s32 v24, v48;
	v48 =	vmov v51  }
0x56e: {  	v51 =	vmov v62;
	[tilespmem:v8+s17+$0x0] =	vst.idx.add.f32.msk $0xffff, v7;
	v6 =	vmul.f32 v7, v7;
	v1 =	vadd.s32 v22, v1  }
0x56f: {  	v8 =	vor.u32 v56, v60;
	v7 =	vld [tilespmem:s21+$0x200]  }
0x570: {  	v6 =	vadd.f32 v6, v4;
	[tilespmem:v11+s17+$0x0] =	vst.idx.add.f32.msk $0xffff, v5  }
0x571: {  	s19 =	sadd.s32 $0x1, s19;
	v15 =	vadd.s32 v29, v59;
	v4 =	vshrl.u32 v16, $0x3;
	v11 =	vld [tilespmem:s22+$0x280]  }
0x572: {  	s23 =	sadd.s32 $0x100, s23;
	v17 =	vshrl.u32 v21, $0x3;
	v16 =	vshll.u32 v16, $0x7;
	s22 =	sand.u32 $0x3, s19;
	v19 =	vmul.u32 $0x2400, v4;
	v4 =	vld [tilespmem:s24+$0x0]  }
0x573: {  	v17 =	vmul.u32 $0x2400, v17;
	v20 =	vshll.u32 v21, $0x7;
	s24 =	sand.u32 $0x3C00, s23;
	v16 =	vand.u32 $0x380, v16;
	s30 =	sshll.u32 s22, $0x5;
	[tilespmem:v1+s17+$0x0] =	vst.idx.add.f32.msk $0xffff, v2  }
0x574: {  	s1 =	sor.u32 s1, s24;
	v1 =	vand.u32 $0x380, v20;
	s22 =	sor.u32 s29, s24;
	s25 =	sadd.s32 s30, s25;
	v19 =	vor.u32 v16, v19;
	[tilespmem:v8+s17+$0x0] =	vst.idx.add.f32.msk $0xffff, v7;
	v2 =	vmul.f32 v7, v7  }
0x575: {  	v62 =	vor.u32 v1, v17;
	s29 =	sor.u32 $0x300, s25;
	s24 =	sor.u32 $0x380, s25;
	s30 =	sadd.s32 $0x10, s25;
	v8 =	vld [tilespmem:s22+$0x0];
	v16 =	vadd.s32 v25, v19  }
0x576: {  	v0 =	vmul.f32 v0, v0;
	v3 =	vmul.f32 v3, v3;
	s25 =	smov.u32 s23;
	s31 =	sor.u32 $0x300, s30;
	[tilespmem:v15+s17+$0x0] =	vst.idx.add.f32.msk $0xffff, v11  }
0x577: {  	v1 =	vadd.f32 v2, v6;
	v15 =	vadd.s32 v27, v59;
	v6 =	vld [tilespmem:s31+$0x0];
	v2 =	vmul.f32 v4, v4  }
0x578: {  	v20 =	vadd.f32 v3, v0;
	v3 =	vmul.f32 v14, v14;
	v7 =	vadd.s32 v52, v62;
	v17 =	vld [tilespmem:s1+$0x0]  }
0x579: {  	v21 =	vadd.s32 v28, v7;
	v7 =	vld [tilespmem:s21+$0x280];
	v2 =	vadd.f32 v2, v12;
	s21 =	smov.u32 s1  }
0x57a: {  	v10 =	vmul.f32 v10, v10;
	v14 =	vadd.f32 v3, v20;
	[tilespmem:v16+s17+$0x0] =	vst.idx.add.f32.msk $0xffff, v8;
	v0 =	vmov v8  }
.Ltmp4:
0x57b: {  	v12 =	vor.u32 v58, v60;
	v3 =	vld [tilespmem:s22+$0x80];
	(pc) =	sbr.rel @p0 .LBB2_10-.Ltmp4, $4  }
0x57c: {  	s1 =	sor.u32 $0x380, s30;
	v8 =	vadd.f32 v10, v14;
	v16 =	vmul.f32 v5, v5;
	[tilespmem:v15+s17+$0x0] =	vst.idx.add.f32.msk $0xffff, v6  }
0x57d: {  	v20 =	vadd.s32 v54, v62;
	v14 =	vadd.s32 v23, v19;
	v5 =	vmul.f32 v17, v17;
	v10 =	vld [tilespmem:s1+$0x0]  }
0x57e: {  	v15 =	vadd.f32 v16, v8;
	[tilespmem:v21+s17+$0x0] =	vst.idx.add.f32.msk $0xffff, v17;
	v17 =	vmul.f32 v11, v11  }
0x57f: {  	s28 =	sadd.s32 $0x20, s28;
	v16 =	vor.u32 v53, v20;
	v11 =	vmul.f32 v7, v7;
	v8 =	vld [tilespmem:s21+$0x80]  }
0x580: {  	_ =	sdelay $0x3  }
0x581: {  	[tilespmem:v14+s17+$0x0] =	vst.idx.add.f32.msk $0xffff, v3  }
0x582: {  	v21 =	vadd.s32 v63, v19;
	v14 =	vld [tilespmem:s22+$0x100];
	_ =	sdelay $0x1  }
0x583: {  	[tilespmem:v12+s17+$0x0] =	vst.idx.add.f32.msk $0xffff, v7  }
0x584: {  	[tilespmem:v16+s17+$0x0] =	vst.idx.add.f32.msk $0xffff, v8  }
0x585: {  	v23 =	vor.u32 v55, v20;
	v16 =	vld [tilespmem:s21+$0x100]  }
0x586: {  	v52 =	vadd.s32 v26, v19;
	[tilespmem:v21+s17+$0x0] =	vst.idx.add.f32.msk $0xffff, v14  }
0x587: {  	v15 =	vadd.f32 v17, v15;
	v6 =	vmul.f32 v6, v6;
	v7 =	vcombine.low v31, v49;
	v21 =	vld [tilespmem:s22+$0x180];
	_ =	sdelay $0x1  }
0x588: {  	v53 =	vadd.s32 v34, v59;
	v6 =	vadd.f32 v6, v15;
	v15 =	vadd.s32 v7, v48  }
0x589: {  	v15 =	vadd.s32 v50, v15;
	[tilespmem:v23+s17+$0x0] =	vst.idx.add.f32.msk $0xffff, v16  }
0x58a: {  	v54 =	vor.u32 v57, v20;
	v23 =	vld [tilespmem:s21+$0x180]  }
0x58b: {  	[tilespmem:v52+s17+$0x0] =	vst.idx.add.f32.msk $0xffff, v21  }
0x58c: {  	v32 =	vadd.s32 v30, v19;
	v17 =	vld [tilespmem:s22+$0x200]  }
0x58d: {  	[tilespmem:v53+s17+$0x0] =	vst.idx.add.f32.msk $0xffff, v10  }
0x58e: {  	v12 =	vadd.s32 v13, v59;
	v10 =	vmul.f32 v10, v10;
	[tilespmem:v15+s17+$0x0] =	vst.idx.add.f32.msk $0xffff, v4  }
0x58f: {  	[tilespmem:v54+s17+$0x0] =	vst.idx.add.f32.msk $0xffff, v23  }
0x590: {  	v6 =	vadd.f32 v10, v6;
	v10 =	vor.u32 v56, v20;
	v33 =	vld [tilespmem:s21+$0x200]  }
0x591: {  	[tilespmem:v32+s17+$0x0] =	vst.idx.add.f32.msk $0xffff, v17  }
0x592: {  	v35 =	vadd.s32 v29, v19;
	s1 =	sadd.s32 $0x1, s19;
	v52 =	vld [tilespmem:s22+$0x280]  }
0x593: {  	s1 =	sand.u32 $0x3, s1;
	[tilespmem:v12+s17+$0x0] =	vst.idx.add.f32.msk $0xffff, v6  }
0x594: {  	s1 =	sshll.u32 s1, $0x5;
	v6 =	vld [tilespmem:s29+$0x0]  }
0x595: {  	s1 =	sadd.s32 s1, s25;
	v4 =	vor.u32 v61, v60;
	[tilespmem:v10+s17+$0x0] =	vst.idx.add.f32.msk $0xffff, v33  }
0x596: {  	v0 =	vmul.f32 v0, v0;
	v3 =	vmul.f32 v3, v3;
	s31 =	sadd.s32 $0x10, s1;
	v15 =	vld [tilespmem:s21+$0x280]  }
0x597: {  	v36 =	vor.u32 v58, v20;
	v8 =	vmul.f32 v8, v8;
	s20 =	sor.u32 $0x300, s31;
	[tilespmem:v35+s17+$0x0] =	vst.idx.add.f32.msk $0xffff, v52  }
0x598: {  	v0 =	vadd.f32 v3, v0;
	v12 =	vadd.s32 v27, v19;
	v10 =	vld [tilespmem:s20+$0x0]  }
0x599: {  	v5 =	vadd.f32 v8, v5;
	v3 =	vmul.f32 v14, v14;
	v8 =	vmul.f32 v16, v16  }
0x59a: {  	v1 =	vadd.f32 v11, v1;
	[tilespmem:v4+s17+$0x0] =	vst.idx.add.f32.msk $0xffff, v6  }
0x59b: {  	v0 =	vadd.f32 v3, v0;
	v5 =	vadd.f32 v8, v5;
	v4 =	vadd.s32 v24, v48;
	v8 =	vld [tilespmem:s24+$0x0]  }
0x59c: {  	v3 =	vmul.f32 v21, v21;
	v4 =	vadd.s32 v22, v4;
	[tilespmem:v36+s17+$0x0] =	vst.idx.add.f32.msk $0xffff, v15  }
0x59d: {  	v6 =	vmul.f32 v6, v6;
	v11 =	vmul.f32 v23, v23;
	s21 =	sor.u32 $0x300, s1;
	[tilespmem:v12+s17+$0x0] =	vst.idx.add.f32.msk $0xffff, v10  }
0x59e: {  	s19 =	sor.u32 $0x380, s31;
	v14 =	vor.u32 v61, v20;
	v0 =	vadd.f32 v3, v0;
	v3 =	vmul.f32 v17, v17;
	v12 =	vld [tilespmem:s21+$0x0]  }
0x59f: {  	v1 =	vadd.f32 v6, v1;
	v5 =	vadd.f32 v11, v5;
	v16 =	vld [tilespmem:s19+$0x0]  }
0x5a0: {  	v0 =	vadd.f32 v3, v0;
	v11 =	vmul.f32 v33, v33;
	v3 =	vmul.f32 v52, v52  }
0x5a1: {  	v6 =	vadd.s32 v34, v19;
	[tilespmem:v4+s17+$0x0] =	vst.idx.add.f32.msk $0xffff, v2;
	v4 =	vmul.f32 v8, v8  }
0x5a2: {  	v2 =	vadd.f32 v11, v5;
	v0 =	vadd.f32 v3, v0;
	v3 =	vmul.f32 v10, v10  }
0x5a3: {  	s1 =	sor.u32 $0x380, s1;
	v11 =	vadd.s32 v7, v51;
	v5 =	vmul.f32 v15, v15;
	[tilespmem:v14+s17+$0x0] =	vst.idx.add.f32.msk $0xffff, v12  }
0x5a4: {  	v10 =	vadd.s32 v13, v19;
	v0 =	vadd.f32 v3, v0;
	v3 =	vmul.f32 v16, v16;
	v14 =	vld [tilespmem:s1+$0x0]  }
0x5a5: {  	v7 =	vadd.s32 v7, v62;
	v2 =	vadd.f32 v5, v2;
	v5 =	vadd.s32 v50, v11  }
0x5a6: {  	v7 =	vadd.s32 v50, v7;
	v11 =	vadd.s32 v24, v51;
	v0 =	vadd.f32 v3, v0  }
0x5a7: {  	v3 =	vadd.s32 v22, v11;
	v11 =	vmul.f32 v12, v12;
	v12 =	vadd.s32 v24, v62  }
0x5a8: {  	v1 =	vadd.f32 v4, v1;
	[tilespmem:v6+s17+$0x0] =	vst.idx.add.f32.msk $0xffff, v16;
	v4 =	vadd.s32 v22, v12  }
0x5a9: {  	[tilespmem:v10+s17+$0x0] =	vst.idx.add.f32.msk $0xffff, v0;
	v0 =	vadd.f32 v11, v2;
	v2 =	vmul.f32 v14, v14  }
0x5aa: {  	[tilespmem:v5+s17+$0x0] =	vst.idx.add.f32.msk $0xffff, v8  }
0x5ab: {  	[tilespmem:v7+s17+$0x0] =	vst.idx.add.f32.msk $0xffff, v14;
	v0 =	vadd.f32 v2, v0  }
0x5ac: {  	[tilespmem:v3+s17+$0x0] =	vst.idx.add.f32.msk $0xffff, v1  }
0x5ad: {  	s19 =	simm.s32 $0x0;
	[tilespmem:v4+s17+$0x0] =	vst.idx.add.f32.msk $0xffff, v0  }
0x5ae: {  	[tilespmem:s19], [sflag:$0x2] =	stream.linear.gather [hbm4b:s7+s19], $0x3000, $0x38;
	[tilespmem:$0x15600] =	vst v63  }
0x5af: {  	s22 =	sand.u32 $0x60, s19;
	_ =	swait.ge [sflag:s16], $0x3000  }
0x5b0: {  	s24 =	sand.u32 $0x780, s19;
	s23 =	sor.u32 $0x10, s22;
	[sflag:s16] =	ssyncset.done $0x0  }
0x5b1: {  	s21 =	sor.u32 s23, s24;
	[sflag:s16] =	ssyncadd.s32 $0xFFFFD000  }
0x5b2: {  	v0 =	vld [tilespmem:s21+$0x3000];
	_ =	sdelay $0x1  }
0x5b3: {  	s25 =	simm.s32 $0x3000  }
0x5b4: {  	v1 =	vld [tilespmem:s25+$0x0]  }
0x5b5: {  	v25 =	vld [tilespmem:$0x1F6A0]  }
0x5b6: {  	v2 =	vshrl.u32 v0, $0x3  }
0x5b7: {  	v5 =	vld [tilespmem:$0x1FB60];
	v0 =	vshll.u32 v0, $0x7;
	v2 =	vmul.u32 $0x2400, v2  }
0x5b8: {  	s26 =	sand.u32 $0x3C00, s19;
	v6 =	vld [tilespmem:$0x1FC90];
	v0 =	vand.u32 $0x380, v0  }
0x5b9: {  	s20 =	sor.u32 s23, s26;
	v3 =	vshrl.u32 v1, $0x3;
	v0 =	vor.u32 v0, v2  }
0x5ba: {  	v2 =	vmul.u32 $0x2400, v3;
	v3 =	vld [tilespmem:s20+$0x0];
	v4 =	vadd.s32 v25, v0;
	_ =	sdelay $0x2  }
0x5bb: {  	v6 =	vsel vm0, v6, v5;
	v5 =	vld [tilespmem:$0x1F950]  }
0x5bc: {  	[tilespmem:$0x1F370] =	vst v6  }
0x5bd: {  	v1 =	vshll.u32 v1, $0x7;
	[tilespmem:v4+s17+$0x0] =	vst.idx.add.f32.msk $0xffff, v3  }
0x5be: {  	v1 =	vand.u32 $0x380, v1;
	v30 =	vld [tilespmem:$0x1FEC0]  }
0x5bf: {  	v52 =	vor.u32 v1, v2;
	v2 =	vld [tilespmem:$0x1FBB0]  }
0x5c0: {  	v54 =	vcombine.low v5, v6;
	v7 =	vld [tilespmem:$0x1FCA0]  }
0x5c1: {  	s22 =	sor.u32 s22, s26;
	v1 =	vadd.s32 v50, v52  }
0x5c2: {  	v35 =	vld [tilespmem:s22+$0x0];
	v5 =	vor.u32 v54, v1  }
0x5c3: {  	v4 =	vld [tilespmem:s20+$0x80];
	v6 =	vadd.s32 v30, v0;
	_ =	sdelay $0x1  }
0x5c4: {  	v7 =	vsel vm0, v7, v2;
	v2 =	vld [tilespmem:$0x1F960]  }
0x5c5: {  	[tilespmem:$0x1F380] =	vst v7  }
0x5c6: {  	[tilespmem:v5+s17+$0x0] =	vst.idx.add.f32.msk $0xffff, v35  }
0x5c7: {  	[tilespmem:v6+s17+$0x0] =	vst.idx.add.f32.msk $0xffff, v4  }
0x5c8: {  	v34 =	vld [tilespmem:$0x1FED0]  }
0x5c9: {  	v55 =	vcombine.low v2, v7;
	v2 =	vld [tilespmem:$0x1FBE0]  }
0x5ca: {  	v10 =	vld [tilespmem:$0x1FCB0];
	_ =	sdelay $0x1  }
0x5cb: {  	v5 =	vld [tilespmem:s22+$0x80];
	v7 =	vor.u32 v55, v1  }
0x5cc: {  	v6 =	vld [tilespmem:s20+$0x100];
	v8 =	vadd.s32 v34, v0;
	_ =	sdelay $0x1  }
0x5cd: {  	v10 =	vsel vm0, v10, v2;
	v2 =	vld [tilespmem:$0x1F970]  }
0x5ce: {  	[tilespmem:$0x1F390] =	vst v10  }
0x5cf: {  	[tilespmem:v7+s17+$0x0] =	vst.idx.add.f32.msk $0xffff, v5  }
0x5d0: {  	[tilespmem:v8+s17+$0x0] =	vst.idx.add.f32.msk $0xffff, v6  }
0x5d1: {  	v26 =	vld [tilespmem:$0x1FEE0]  }
0x5d2: {  	v56 =	vcombine.low v2, v10;
	v2 =	vld [tilespmem:$0x1FBF0]  }
0x5d3: {  	v12 =	vld [tilespmem:$0x1FCC0];
	_ =	sdelay $0x1  }
0x5d4: {  	v7 =	vld [tilespmem:s22+$0x100];
	v10 =	vor.u32 v56, v1  }
0x5d5: {  	v8 =	vld [tilespmem:s20+$0x180];
	v11 =	vadd.s32 v26, v0;
	_ =	sdelay $0x1  }
0x5d6: {  	v12 =	vsel vm0, v12, v2;
	v2 =	vld [tilespmem:$0x1F980]  }
0x5d7: {  	[tilespmem:$0x1F3A0] =	vst v12  }
0x5d8: {  	[tilespmem:v10+s17+$0x0] =	vst.idx.add.f32.msk $0xffff, v7  }
0x5d9: {  	[tilespmem:v11+s17+$0x0] =	vst.idx.add.f32.msk $0xffff, v8  }
0x5da: {  	v29 =	vld [tilespmem:$0x1FEF0]  }
0x5db: {  	v57 =	vcombine.low v2, v12;
	v2 =	vld [tilespmem:$0x1FC30]  }
0x5dc: {  	v15 =	vld [tilespmem:$0x1FCD0]  }
0x5dd: {  	s30 =	simm.s32 $0x20  }
0x5de: {  	s23 =	sand.u32 $0x60, s30;
	v10 =	vld [tilespmem:s22+$0x180];
	v12 =	vor.u32 v57, v1  }
0x5df: {  	s31 =	sor.u32 $0x10, s23;
	s1 =	sand.u32 $0x780, s30;
	s25 =	simm.s32 $0x3020;
	v11 =	vld [tilespmem:s20+$0x200];
	v14 =	vadd.s32 v29, v0  }
0x5e0: {  	s1 =	sor.u32 s31, s1;
	v16 =	vld [tilespmem:s25+$0x0]  }
0x5e1: {  	v17 =	vsel vm0, v15, v2;
	v15 =	vld [tilespmem:s1+$0x3000]  }
0x5e2: {  	v2 =	vld [tilespmem:$0x1F9C0];
	[tilespmem:$0x1F3B0] =	vst v17  }
0x5e3: {  	[tilespmem:v12+s17+$0x0] =	vst.idx.add.f32.msk $0xffff, v10  }
0x5e4: {  	[tilespmem:v14+s17+$0x0] =	vst.idx.add.f32.msk $0xffff, v11  }
0x5e5: {  	v31 =	vld [tilespmem:$0x1F6B0];
	_ =	sdelay $0x1  }
0x5e6: {  	v58 =	vcombine.low v2, v17;
	_ =	sdelay $0x1  }
0x5e7: {  	v12 =	vld [tilespmem:s22+$0x200];
	v1 =	vor.u32 v58, v1  }
0x5e8: {  	s30 =	simm.s32 $0x100;
	v14 =	vshrl.u32 v15, $0x3;
	v17 =	vld [tilespmem:s20+$0x280];
	v19 =	vadd.s32 v31, v0  }
0x5e9: {  	s26 =	sand.u32 $0x3, s19;
	s19 =	sand.u32 $0x3C00, s30;
	v15 =	vshll.u32 v15, $0x7;
	v14 =	vmul.u32 $0x2400, v14  }
0x5ea: {  	v15 =	vand.u32 $0x380, v15;
	s20 =	sor.u32 s31, s19  }
0x5eb: {  	v60 =	vor.u32 v15, v14;
	v15 =	vld [tilespmem:s20+$0x0]  }
0x5ec: {  	v20 =	vshrl.u32 v16, $0x3;
	v14 =	vshll.u32 v16, $0x7;
	v16 =	vadd.s32 v25, v60;
	[tilespmem:v1+s17+$0x0] =	vst.idx.add.f32.msk $0xffff, v12  }
0x5ed: {  	[tilespmem:v19+s17+$0x0] =	vst.idx.add.f32.msk $0xffff, v17  }
0x5ee: {  	v2 =	vld [tilespmem:$0x1F590];
	_ =	sdelay $0x1  }
0x5ef: {  	v32 =	vld [tilespmem:$0x1F6C0]  }
0x5f0: {  	[tilespmem:v16+s17+$0x0] =	vst.idx.add.f32.msk $0xffff, v15  }
0x5f1: {  	v16 =	vld [tilespmem:$0x1FCE0]  }
0x5f2: {  	v21 =	vsel vm4, $0x1000, v2;
	v2 =	vld [tilespmem:$0x1FC40];
	_ =	sdelay $0x3  }
0x5f3: {  	s1 =	sshll.u32 s26, $0x5  }
0x5f4: {  	s21 =	sadd.s32 $0x0, s1;
	v1 =	vmul.u32 $0x2400, v20;
	v33 =	vsel vm0, v16, v2;
	v2 =	vld [tilespmem:$0x1FA30]  }
0x5f5: {  	s1 =	sadd.s32 $0x10, s21;
	v14 =	vand.u32 $0x380, v14  }
0x5f6: {  	s31 =	sor.u32 $0x300, s1;
	v53 =	vor.u32 v14, v1  }
0x5f7: {  	s24 =	sor.u32 s23, s19;
	v20 =	vadd.s32 v50, v53;
	v1 =	vld [tilespmem:s31+$0x0];
	v14 =	vadd.s32 v32, v0;
	v21 =	vsel vm10, $0x1400, v21  }
0x5f8: {  	v19 =	vld [tilespmem:s24+$0x0];
	v23 =	vor.u32 v54, v20;
	v16 =	vsel vm11, $0x1800, v21  }
0x5f9: {  	v51 =	vsel vm12, $0x1C00, v16;
	v59 =	vcombine.low v2, v33  }
0x5fa: {  	v38 =	vadd.s32 v30, v60;
	v21 =	vld [tilespmem:s20+$0x80];
	v61 =	vadd.s32 v51, v52  }
0x5fb: {  	v37 =	vld [tilespmem:s22+$0x280];
	[tilespmem:$0x1F3C0] =	vst v33;
	v16 =	vor.u32 v59, v61  }
0x5fc: {  	[tilespmem:v14+s17+$0x0] =	vst.idx.add.f32.msk $0xffff, v1  }
0x5fd: {  	[tilespmem:v23+s17+$0x0] =	vst.idx.add.f32.msk $0xffff, v19  }
0x5fe: {  	v3 =	vmul.f32 v3, v3;
	v23 =	vld [tilespmem:s24+$0x80]  }
0x5ff: {  	v4 =	vmul.f32 v4, v4;
	v39 =	vor.u32 v55, v20;
	[tilespmem:v38+s17+$0x0] =	vst.idx.add.f32.msk $0xffff, v21  }
0x600: {  	[tilespmem:v16+s17+$0x0] =	vst.idx.add.f32.msk $0xffff, v37  }
0x601: {  	v3 =	vadd.f32 v4, v3;
	v4 =	vmul.f32 v6, v6;
	v33 =	vld [tilespmem:$0x1F6D0];
	_ =	sdelay $0x1  }
0x602: {  	v3 =	vadd.f32 v4, v3;
	v4 =	vmul.f32 v8, v8;
	v40 =	vadd.s32 v34, v60;
	v6 =	vld [tilespmem:s20+$0x100]  }
0x603: {  	[tilespmem:v39+s17+$0x0] =	vst.idx.add.f32.msk $0xffff, v23  }
0x604: {  	v3 =	vadd.f32 v4, v3;
	v4 =	vmul.f32 v11, v11;
	s1 =	sor.u32 $0x380, s1;
	v41 =	vor.u32 v56, v20;
	v11 =	vld [tilespmem:s24+$0x100]  }
0x605: {  	v14 =	vld [tilespmem:s1+$0x0];
	v8 =	vadd.s32 v33, v0;
	_ =	sdelay $0x1  }
0x606: {  	v5 =	vmul.f32 v5, v5;
	v16 =	vmul.f32 v35, v35;
	[tilespmem:v40+s17+$0x0] =	vst.idx.add.f32.msk $0xffff, v6  }
0x607: {  	v3 =	vadd.f32 v4, v3;
	v4 =	vmul.f32 v17, v17;
	v17 =	vadd.s32 v26, v60;
	v42 =	vld [tilespmem:s20+$0x180]  }
0x608: {  	v7 =	vmul.f32 v7, v7;
	v5 =	vadd.f32 v5, v16;
	[tilespmem:v41+s17+$0x0] =	vst.idx.add.f32.msk $0xffff, v11  }
0x609: {  	v3 =	vadd.f32 v4, v3;
	v1 =	vmul.f32 v1, v1;
	[tilespmem:v8+s17+$0x0] =	vst.idx.add.f32.msk $0xffff, v14  }
0x60a: {  	v5 =	vadd.f32 v7, v5;
	v7 =	vmul.f32 v10, v10;
	v10 =	vmul.f32 v12, v12;
	v12 =	vld [tilespmem:$0x1FC50]  }
0x60b: {  	v1 =	vadd.f32 v1, v3;
	v3 =	vmul.f32 v14, v14;
	v14 =	vld [tilespmem:$0x1FCF0]  }
0x60c: {  	[tilespmem:v17+s17+$0x0] =	vst.idx.add.f32.msk $0xffff, v42  }
0x60d: {  	v1 =	vadd.f32 v3, v1;
	v3 =	vld [tilespmem:$0x1FA60]  }
0x60e: {  	s26 =	simm.s32 $0x3040  }
0x60f: {  	s19 =	simm.s32 $0x40;
	v2 =	vld [tilespmem:s26+$0x0];
	v0 =	vadd.s32 v13, v0  }
0x610: {  	s30 =	sor.u32 $0x300, s21;
	s1 =	sand.u32 $0x60, s19;
	v5 =	vadd.f32 v7, v5;
	v7 =	vld [tilespmem:s24+$0x180];
	v8 =	vor.u32 v57, v20;
	v12 =	vsel vm0, v14, v12  }
0x611: {  	s25 =	sand.u32 $0x780, s19;
	s31 =	sor.u32 $0x10, s1;
	v4 =	vld [tilespmem:s30+$0x0];
	[tilespmem:$0x1F3D0] =	vst v12  }
0x612: {  	s22 =	sor.u32 s31, s25;
	v62 =	vcombine.low v3, v12;
	v12 =	vld [tilespmem:s20+$0x200]  }
0x613: {  	v5 =	vadd.f32 v10, v5;
	v3 =	vadd.s32 v29, v60;
	v10 =	vld [tilespmem:s22+$0x3000]  }
0x614: {  	v14 =	vmul.f32 v37, v37;
	[tilespmem:v0+s17+$0x0] =	vst.idx.add.f32.msk $0xffff, v1  }
0x615: {  	v17 =	vmul.f32 v23, v23;
	[tilespmem:v8+s17+$0x0] =	vst.idx.add.f32.msk $0xffff, v7;
	v0 =	vor.u32 v62, v61  }
0x616: {  	v1 =	vmul.f32 v19, v19;
	v5 =	vadd.f32 v14, v5;
	v14 =	vor.u32 v58, v20;
	v8 =	vld [tilespmem:s24+$0x200];
	_ =	sdelay $0x1  }
0x617: {  	v11 =	vmul.f32 v11, v11;
	v1 =	vadd.f32 v17, v1;
	[tilespmem:v3+s17+$0x0] =	vst.idx.add.f32.msk $0xffff, v12  }
0x618: {  	v19 =	vadd.s32 v31, v60;
	v43 =	vld [tilespmem:s20+$0x280]  }
0x619: {  	v1 =	vadd.f32 v11, v1;
	v3 =	vmul.f32 v4, v4;
	v17 =	vshrl.u32 v10, $0x3;
	s20 =	simm.s32 $0x1;
	[tilespmem:v0+s17+$0x0] =	vst.idx.add.f32.msk $0xffff, v4  }
0x61a: {  	s22 =	simm.s32 $0x200;
	v0 =	vmul.u32 $0x2400, v17;
	v4 =	vshll.u32 v10, $0x7;
	[tilespmem:v14+s17+$0x0] =	vst.idx.add.f32.msk $0xffff, v8;
	v14 =	vmul.f32 v15, v15;
	s26 =	sand.u32 $0x3, s20  }
0x61b: {  	s21 =	sor.u32 $0x380, s21;
	s30 =	sand.u32 $0x3C00, s22;
	v16 =	vadd.f32 v3, v5;
	v5 =	vmul.f32 v7, v7;
	v7 =	vshrl.u32 v2, $0x3;
	s25 =	sshll.u32 s26, $0x5  }
0x61c: {  	s23 =	sor.u32 s31, s30;
	v3 =	vld [tilespmem:s21+$0x0];
	v4 =	vand.u32 $0x380, v4;
	v2 =	vshll.u32 v2, $0x7;
	v7 =	vmul.u32 $0x2400, v7;
	s25 =	sadd.s32 $0x100, s25  }
0x61d: {  	v15 =	vmul.f32 v21, v21;
	v4 =	vor.u32 v4, v0;
	v0 =	vld [tilespmem:s23+$0x0];
	v2 =	vand.u32 $0x380, v2;
	s26 =	sadd.s32 $0x10, s25  }
0x61e: {  	v11 =	vadd.s32 v25, v4;
	v63 =	vor.u32 v2, v7;
	[tilespmem:v19+s17+$0x0] =	vst.idx.add.f32.msk $0xffff, v43;
	s28 =	sor.u32 $0x300, s26  }
0x61f: {  	s21 =	sor.u32 s1, s30;
	v1 =	vadd.f32 v5, v1;
	v7 =	vadd.s32 v32, v60;
	v21 =	vadd.s32 v50, v63;
	v5 =	vld [tilespmem:s28+$0x0]  }
0x620: {  	v17 =	vld [tilespmem:s21+$0x0];
	v10 =	vor.u32 v54, v21;
	_ =	sdelay $0x1  }
0x621: {  	v2 =	vadd.f32 v15, v14;
	v14 =	vmul.f32 v6, v6;
	v6 =	vld [tilespmem:s24+$0x280]  }
0x622: {  	[tilespmem:v11+s17+$0x0] =	vst.idx.add.f32.msk $0xffff, v0  }
0x623: {  	v8 =	vmul.f32 v8, v8;
	[tilespmem:v7+s17+$0x0] =	vst.idx.add.f32.msk $0xffff, v5  }
0x624: {  	[tilespmem:v10+s17+$0x0] =	vst.idx.add.f32.msk $0xffff, v17  }
0x625: {  	v23 =	vadd.f32 v8, v1;
	v15 =	vmul.f32 v3, v3;
	v1 =	vmul.f32 v17, v17;
	v17 =	vld [tilespmem:$0x1FC60]  }
0x626: {  	v11 =	vadd.f32 v14, v2;
	v14 =	vmul.f32 v42, v42;
	v48 =	vld [tilespmem:$0x1FD00]  }
0x627: {  	v20 =	vadd.s32 v51, v53;
	v2 =	vadd.f32 v15, v16  }
0x628: {  	s31 =	sor.u32 $0x380, s26;
	v15 =	vmul.f32 v12, v12;
	v19 =	vld [tilespmem:s23+$0x80];
	v14 =	vadd.f32 v14, v11;
	v11 =	vor.u32 v59, v20  }
0x629: {  	v12 =	vadd.s32 v30, v4;
	v8 =	vld [tilespmem:s31+$0x0]  }
0x62a: {  	s29 =	sor.u32 $0x300, s25;
	s24 =	sor.u32 $0x380, s25;
	v14 =	vadd.f32 v15, v14;
	v15 =	vmul.f32 v43, v43;
	v27 =	vld [tilespmem:$0x1FAB0]  }
0x62b: {  	s25 =	simm.s32 $0x200;
	s26 =	simm.s32 $0x4;
	s28 =	simm.s32 $0x3060;
	v16 =	vor.u32 v55, v21;
	v7 =	vmul.f32 v6, v6;
	v10 =	vld [tilespmem:s21+$0x80];
	v48 =	vsel vm0, v48, v17  }
.LBB2_12:
0x62c: {  	v17 =	vld [tilespmem:s28+$0x0];
	v14 =	vadd.f32 v15, v14;
	v5 =	vmul.f32 v5, v5;
	v15 =	vadd.s32 v33, v60  }
0x62d: {  	[tilespmem:v11+s17+$0x0] =	vst.idx.add.f32.msk $0xffff, v6;
	v6 =	vadd.f32 v7, v23;
	v7 =	vadd.s32 v13, v60;
	v60 =	vmov v4  }
0x62e: {  	[tilespmem:v12+s17+$0x0] =	vst.idx.add.f32.msk $0xffff, v19;
	v4 =	vadd.f32 v5, v14;
	v5 =	vmul.f32 v8, v8  }
0x62f: {  	v12 =	vadd.s32 v34, v60;
	v14 =	vcombine.low v27, v48;
	v11 =	vld [tilespmem:s23+$0x100]  }
0x630: {  	[tilespmem:v16+s17+$0x0] =	vst.idx.add.f32.msk $0xffff, v10;
	v10 =	vmul.f32 v10, v10;
	v4 =	vadd.f32 v5, v4  }
0x631: {  	[tilespmem:v15+s17+$0x0] =	vst.idx.add.f32.msk $0xffff, v8  }
0x632: {  	v1 =	vadd.f32 v10, v1;
	[tilespmem:v7+s17+$0x0] =	vst.idx.add.f32.msk $0xffff, v4;
	v4 =	vor.u32 v14, v61;
	v61 =	vmov v20  }
0x633: {  	v7 =	vor.u32 v56, v21;
	v5 =	vld [tilespmem:s21+$0x100]  }
0x634: {  	[tilespmem:v12+s17+$0x0] =	vst.idx.add.f32.msk $0xffff, v11  }
0x635: {  	v10 =	vadd.s32 v26, v60;
	v8 =	vld [tilespmem:s23+$0x180]  }
0x636: {  	v12 =	vld [tilespmem:s29+$0x0]  }
0x637: {  	[tilespmem:v4+s17+$0x0] =	vst.idx.add.f32.msk $0xffff, v3  }
0x638: {  	s19 =	sadd.s32 $0x20, s19;
	v4 =	vor.u32 v62, v61;
	[tilespmem:v7+s17+$0x0] =	vst.idx.add.f32.msk $0xffff, v5;
	v3 =	vmul.f32 v5, v5  }
0x639: {  	s1 =	sand.u32 $0x60, s19;
	v7 =	vor.u32 v57, v21;
	v5 =	vld [tilespmem:s21+$0x180]  }
0x63a: {  	s30 =	sand.u32 $0x780, s19;
	s29 =	sor.u32 $0x10, s1;
	v1 =	vadd.f32 v3, v1;
	[tilespmem:v10+s17+$0x0] =	vst.idx.add.f32.msk $0xffff, v8  }
0x63b: {  	s26 =	sadd.s32 $0x2, s26;
	s30 =	sor.u32 s29, s30;
	v3 =	vadd.s32 v29, v60;
	v10 =	vld [tilespmem:s23+$0x200];
	v14 =	vmul.f32 v12, v12  }
0x63c: {  	p0 =	slt.u32 s26, $0x5E;
	v15 =	vld [tilespmem:s30+$0x3000]  }
0x63d: {  	[tilespmem:v4+s17+$0x0] =	vst.idx.add.f32.msk $0xffff, v12;
	v12 =	vadd.f32 v14, v6;
	v4 =	vadd.s32 v24, v52;
	v52 =	vmov v53  }
0x63e: {  	v53 =	vmov v63;
	[tilespmem:v7+s17+$0x0] =	vst.idx.add.f32.msk $0xffff, v5;
	v5 =	vmul.f32 v5, v5;
	v4 =	vadd.s32 v22, v4  }
0x63f: {  	v7 =	vor.u32 v58, v21;
	v6 =	vld [tilespmem:s21+$0x200]  }
0x640: {  	v1 =	vadd.f32 v5, v1;
	[tilespmem:v3+s17+$0x0] =	vst.idx.add.f32.msk $0xffff, v10  }
0x641: {  	s20 =	sadd.s32 $0x1, s20;
	v5 =	vadd.s32 v31, v60;
	v3 =	vshrl.u32 v15, $0x3;
	v16 =	vld [tilespmem:s23+$0x280]  }
0x642: {  	s22 =	sadd.s32 $0x100, s22;
	v14 =	vshrl.u32 v17, $0x3;
	v15 =	vshll.u32 v15, $0x7;
	s23 =	sand.u32 $0x3, s20;
	v20 =	vmul.u32 $0x2400, v3;
	v3 =	vld [tilespmem:s24+$0x0]  }
0x643: {  	v17 =	vshll.u32 v17, $0x7;
	v14 =	vmul.u32 $0x2400, v14;
	s24 =	sand.u32 $0x3C00, s22;
	v15 =	vand.u32 $0x380, v15;
	s30 =	sshll.u32 s23, $0x5;
	[tilespmem:v4+s17+$0x0] =	vst.idx.add.f32.msk $0xffff, v2  }
0x644: {  	s1 =	sor.u32 s1, s24;
	v2 =	vand.u32 $0x380, v17;
	s23 =	sor.u32 s29, s24;
	s25 =	sadd.s32 s30, s25;
	v4 =	vor.u32 v15, v20;
	[tilespmem:v7+s17+$0x0] =	vst.idx.add.f32.msk $0xffff, v6;
	v6 =	vmul.f32 v6, v6  }
0x645: {  	v63 =	vor.u32 v2, v14;
	s29 =	sor.u32 $0x300, s25;
	s24 =	sor.u32 $0x380, s25;
	s30 =	sadd.s32 $0x10, s25;
	v7 =	vld [tilespmem:s23+$0x0];
	v14 =	vadd.s32 v25, v4  }
0x646: {  	v0 =	vmul.f32 v0, v0;
	v2 =	vmul.f32 v19, v19;
	s25 =	smov.u32 s22;
	s31 =	sor.u32 $0x300, s30;
	[tilespmem:v5+s17+$0x0] =	vst.idx.add.f32.msk $0xffff, v16  }
0x647: {  	v23 =	vadd.f32 v6, v1;
	v1 =	vadd.s32 v32, v60;
	v5 =	vld [tilespmem:s31+$0x0];
	v15 =	vmul.f32 v3, v3  }
0x648: {  	v11 =	vmul.f32 v11, v11;
	v21 =	vadd.s32 v50, v63;
	v19 =	vadd.f32 v2, v0;
	v17 =	vld [tilespmem:s1+$0x0]  }
0x649: {  	v20 =	vadd.s32 v51, v53;
	v18 =	vor.u32 v54, v21;
	v6 =	vld [tilespmem:s21+$0x280];
	v2 =	vadd.f32 v15, v12;
	s21 =	smov.u32 s1  }
0x64a: {  	v8 =	vmul.f32 v8, v8;
	v12 =	vadd.f32 v11, v19;
	[tilespmem:v14+s17+$0x0] =	vst.idx.add.f32.msk $0xffff, v7;
	v0 =	vmov v7  }
.Ltmp5:
0x64b: {  	v11 =	vor.u32 v59, v20;
	v19 =	vld [tilespmem:s23+$0x80];
	(pc) =	sbr.rel @p0 .LBB2_12-.Ltmp5, $4  }
0x64c: {  	v10 =	vmul.f32 v10, v10;
	s1 =	sor.u32 $0x380, s30;
	v7 =	vadd.f32 v8, v12;
	[tilespmem:v1+s17+$0x0] =	vst.idx.add.f32.msk $0xffff, v5  }
0x64d: {  	v12 =	vadd.s32 v30, v4;
	v1 =	vmul.f32 v17, v17;
	v8 =	vld [tilespmem:s1+$0x0]  }
0x64e: {  	v15 =	vmul.f32 v16, v16;
	v14 =	vadd.f32 v10, v7;
	[tilespmem:v18+s17+$0x0] =	vst.idx.add.f32.msk $0xffff, v17  }
0x64f: {  	s28 =	sadd.s32 $0x20, s28;
	v16 =	vor.u32 v55, v21;
	v7 =	vmul.f32 v6, v6;
	v10 =	vld [tilespmem:s21+$0x80]  }
0x650: {  	_ =	sdelay $0x3  }
0x651: {  	[tilespmem:v12+s17+$0x0] =	vst.idx.add.f32.msk $0xffff, v19  }
0x652: {  	v17 =	vadd.s32 v34, v4;
	v12 =	vld [tilespmem:s23+$0x100];
	_ =	sdelay $0x2  }
0x653: {  	[tilespmem:v16+s17+$0x0] =	vst.idx.add.f32.msk $0xffff, v10  }
0x654: {  	v18 =	vor.u32 v56, v21;
	v16 =	vld [tilespmem:s21+$0x100]  }
0x655: {  	[tilespmem:v17+s17+$0x0] =	vst.idx.add.f32.msk $0xffff, v12  }
0x656: {  	v50 =	vadd.s32 v26, v4;
	v17 =	vld [tilespmem:s23+$0x180]  }
0x657: {  	v14 =	vadd.f32 v15, v14  }
0x658: {  	v5 =	vmul.f32 v5, v5;
	v15 =	vadd.s32 v33, v60;
	[tilespmem:v11+s17+$0x0] =	vst.idx.add.f32.msk $0xffff, v6  }
0x659: {  	v6 =	vadd.s32 v13, v60;
	[tilespmem:v18+s17+$0x0] =	vst.idx.add.f32.msk $0xffff, v16  }
0x65a: {  	v54 =	vor.u32 v57, v21;
	v5 =	vadd.f32 v5, v14;
	v11 =	vmul.f32 v8, v8;
	v18 =	vld [tilespmem:s21+$0x180]  }
0x65b: {  	[tilespmem:v50+s17+$0x0] =	vst.idx.add.f32.msk $0xffff, v17  }
0x65c: {  	v55 =	vadd.s32 v29, v4;
	v5 =	vadd.f32 v11, v5;
	v50 =	vld [tilespmem:s23+$0x200]  }
0x65d: {  	v37 =	vcombine.low v27, v48;
	[tilespmem:v15+s17+$0x0] =	vst.idx.add.f32.msk $0xffff, v8  }
0x65e: {  	[tilespmem:v6+s17+$0x0] =	vst.idx.add.f32.msk $0xffff, v5  }
0x65f: {  	v5 =	vor.u32 v37, v61;
	[tilespmem:v54+s17+$0x0] =	vst.idx.add.f32.msk $0xffff, v18  }
0x660: {  	v21 =	vor.u32 v58, v21;
	v14 =	vld [tilespmem:s21+$0x200]  }
0x661: {  	[tilespmem:v55+s17+$0x0] =	vst.idx.add.f32.msk $0xffff, v50  }
0x662: {  	v36 =	vadd.s32 v31, v4;
	s1 =	sadd.s32 $0x1, s20;
	v11 =	vld [tilespmem:s23+$0x280]  }
0x663: {  	s1 =	sand.u32 $0x3, s1;
	v6 =	vld [tilespmem:s29+$0x0]  }
0x664: {  	v38 =	vadd.s32 v51, v63;
	s1 =	sshll.u32 s1, $0x5;
	v8 =	vor.u32 v62, v20;
	[tilespmem:v5+s17+$0x0] =	vst.idx.add.f32.msk $0xffff, v3  }
0x665: {  	v0 =	vmul.f32 v0, v0;
	v19 =	vmul.f32 v19, v19;
	s1 =	sadd.s32 s1, s25;
	[tilespmem:v21+s17+$0x0] =	vst.idx.add.f32.msk $0xffff, v14  }
0x666: {  	v40 =	vor.u32 v59, v38;
	s19 =	sadd.s32 $0x10, s1;
	v10 =	vmul.f32 v10, v10;
	v39 =	vld [tilespmem:s21+$0x280]  }
0x667: {  	v7 =	vadd.f32 v7, v23;
	v0 =	vadd.f32 v19, v0;
	s25 =	sor.u32 $0x300, s19;
	[tilespmem:v36+s17+$0x0] =	vst.idx.add.f32.msk $0xffff, v11  }
0x668: {  	v1 =	vadd.f32 v10, v1;
	v5 =	vmul.f32 v12, v12;
	v21 =	vadd.s32 v32, v4;
	v15 =	vld [tilespmem:s25+$0x0]  }
0x669: {  	v10 =	vmul.f32 v16, v16;
	v3 =	vadd.s32 v24, v52;
	[tilespmem:v8+s17+$0x0] =	vst.idx.add.f32.msk $0xffff, v6  }
0x66a: {  	v3 =	vadd.s32 v22, v3;
	v0 =	vadd.f32 v5, v0;
	v5 =	vmul.f32 v17, v17  }
0x66b: {  	s26 =	sor.u32 $0x300, s1;
	v1 =	vadd.f32 v10, v1;
	v8 =	vmul.f32 v18, v18;
	[tilespmem:v40+s17+$0x0] =	vst.idx.add.f32.msk $0xffff, v39  }
0x66c: {  	v12 =	vor.u32 v62, v38;
	v0 =	vadd.f32 v5, v0;
	v5 =	vmul.f32 v50, v50;
	v10 =	vld [tilespmem:s26+$0x0]  }
0x66d: {  	s19 =	sor.u32 $0x380, s19;
	v6 =	vmul.f32 v6, v6;
	v1 =	vadd.f32 v8, v1;
	[tilespmem:v21+s17+$0x0] =	vst.idx.add.f32.msk $0xffff, v15  }
0x66e: {  	v0 =	vadd.f32 v5, v0;
	v14 =	vmul.f32 v14, v14;
	v5 =	vmul.f32 v11, v11;
	v8 =	vld [tilespmem:s19+$0x0]  }
0x66f: {  	v16 =	vld [tilespmem:s24+$0x0];
	v6 =	vadd.f32 v6, v7  }
0x670: {  	[tilespmem:v3+s17+$0x0] =	vst.idx.add.f32.msk $0xffff, v2;
	v1 =	vadd.f32 v14, v1;
	v0 =	vadd.f32 v5, v0  }
0x671: {  	s1 =	sor.u32 $0x380, s1;
	v5 =	vadd.s32 v33, v4;
	v2 =	vmul.f32 v15, v15;
	[tilespmem:v12+s17+$0x0] =	vst.idx.add.f32.msk $0xffff, v10  }
0x672: {  	v14 =	vadd.s32 v24, v53;
	v4 =	vadd.s32 v13, v4;
	v3 =	vmul.f32 v39, v39;
	v7 =	vld [tilespmem:s1+$0x0]  }
0x673: {  	v0 =	vadd.f32 v2, v0;
	v12 =	vor.u32 v37, v20;
	v2 =	vmul.f32 v8, v8  }
0x674: {  	v1 =	vadd.f32 v3, v1;
	v3 =	vmul.f32 v10, v10;
	v10 =	vor.u32 v37, v38  }
0x675: {  	v0 =	vadd.f32 v2, v0;
	v2 =	vadd.s32 v22, v14;
	v14 =	vadd.s32 v24, v63  }
0x676: {  	v11 =	vmul.f32 v16, v16;
	[tilespmem:v5+s17+$0x0] =	vst.idx.add.f32.msk $0xffff, v8;
	v5 =	vadd.s32 v22, v14  }
0x677: {  	[tilespmem:v4+s17+$0x0] =	vst.idx.add.f32.msk $0xffff, v0;
	v0 =	vadd.f32 v3, v1;
	v1 =	vmul.f32 v7, v7  }
0x678: {  	v6 =	vadd.f32 v11, v6;
	[tilespmem:v12+s17+$0x0] =	vst.idx.add.f32.msk $0xffff, v16  }
0x679: {  	[tilespmem:v10+s17+$0x0] =	vst.idx.add.f32.msk $0xffff, v7;
	v0 =	vadd.f32 v1, v0  }
0x67a: {  	[tilespmem:v2+s17+$0x0] =	vst.idx.add.f32.msk $0xffff, v6  }
0x67b: {  	s19 =	simm.s32 $0x0;
	[tilespmem:v5+s17+$0x0] =	vst.idx.add.f32.msk $0xffff, v0  }
0x67c: {  	[tilespmem:s19], [sflag:$0x2] =	stream.linear.gather [hbm4b:s8+s19], $0x3000, $0x38;
	[tilespmem:$0x15600] =	vst v63  }
0x67d: {  	s30 =	sand.u32 $0x60, s19;
	_ =	swait.ge [sflag:s16], $0x3000  }
0x67e: {  	s22 =	sand.u32 $0x780, s19;
	s31 =	sor.u32 $0x10, s30;
	[sflag:s16] =	ssyncset.done $0x0  }
0x67f: {  	s21 =	sor.u32 s31, s22;
	[sflag:s16] =	ssyncadd.s32 $0xFFFFD000  }
0x680: {  	v0 =	vld [tilespmem:s21+$0x3000];
	_ =	sdelay $0x1  }
0x681: {  	s23 =	simm.s32 $0x3000  }
0x682: {  	v1 =	vld [tilespmem:s23+$0x0]  }
0x683: {  	v33 =	vld [tilespmem:$0x1FF00]  }
0x684: {  	v2 =	vshrl.u32 v0, $0x3  }
0x685: {  	v0 =	vshll.u32 v0, $0x7;
	v2 =	vmul.u32 $0x2400, v2  }
0x686: {  	s24 =	sand.u32 $0x3C00, s19;
	v0 =	vand.u32 $0x380, v0  }
0x687: {  	s20 =	sor.u32 s31, s24;
	v3 =	vshrl.u32 v1, $0x3;
	v0 =	vor.u32 v0, v2  }
0x688: {  	v1 =	vshll.u32 v1, $0x7;
	v2 =	vmul.u32 $0x2400, v3;
	v3 =	vld [tilespmem:s20+$0x0];
	v4 =	vadd.s32 v33, v0  }
0x689: {  	v1 =	vand.u32 $0x380, v1  }
0x68a: {  	v52 =	vor.u32 v1, v2;
	v1 =	vld [tilespmem:$0x1F8F0]  }
0x68b: {  	v2 =	vld [tilespmem:$0x1FAD0];
	_ =	sdelay $0x1  }
0x68c: {  	[tilespmem:v4+s17+$0x0] =	vst.idx.add.f32.msk $0xffff, v3  }
0x68d: {  	v32 =	vld [tilespmem:$0x1FF10];
	_ =	sdelay $0x1  }
0x68e: {  	v55 =	vcombine.low v2, v1  }
0x68f: {  	s22 =	sor.u32 s30, s24;
	v1 =	vadd.s32 v51, v52  }
0x690: {  	v2 =	vld [tilespmem:s22+$0x0];
	v5 =	vor.u32 v55, v1  }
0x691: {  	v4 =	vld [tilespmem:s20+$0x80];
	v6 =	vadd.s32 v32, v0  }
0x692: {  	v7 =	vld [tilespmem:$0x1F930]  }
0x693: {  	v8 =	vld [tilespmem:$0x1FB10];
	_ =	sdelay $0x1  }
0x694: {  	[tilespmem:v5+s17+$0x0] =	vst.idx.add.f32.msk $0xffff, v2  }
0x695: {  	[tilespmem:v6+s17+$0x0] =	vst.idx.add.f32.msk $0xffff, v4  }
0x696: {  	v27 =	vld [tilespmem:$0x1F6E0]  }
0x697: {  	v56 =	vcombine.low v8, v7;
	v10 =	vld [tilespmem:$0x1FC70]  }
0x698: {  	v11 =	vld [tilespmem:$0x1FD10]  }
0x699: {  	v7 =	vor.u32 v56, v1;
	v5 =	vld [tilespmem:s22+$0x80];
	_ =	sdelay $0x1  }
0x69a: {  	v6 =	vld [tilespmem:s20+$0x100];
	v8 =	vadd.s32 v27, v0;
	_ =	sdelay $0x1  }
0x69b: {  	v10 =	vsel vm0, v11, v10;
	v11 =	vld [tilespmem:$0x1FB30]  }
0x69c: {  	[tilespmem:v7+s17+$0x0] =	vst.idx.add.f32.msk $0xffff, v5  }
0x69d: {  	v7 =	vld [tilespmem:$0x1F580]  }
0x69e: {  	[tilespmem:v8+s17+$0x0] =	vst.idx.add.f32.msk $0xffff, v6  }
0x69f: {  	v31 =	vld [tilespmem:$0x1F6F0];
	_ =	sdelay $0x1  }
0x6a0: {  	v57 =	vcombine.low v11, v10;
	_ =	sdelay $0x1  }
0x6a1: {  	v23 =	vld [tilespmem:s22+$0x100];
	v7 =	vsel vm3, $0xC00, v7;
	v1 =	vor.u32 v57, v1  }
0x6a2: {  	v8 =	vld [tilespmem:s20+$0x180];
	v7 =	vsel vm9, $0x1000, v7;
	v11 =	vadd.s32 v31, v0  }
0x6a3: {  	v10 =	vld [tilespmem:$0x1FC80];
	v7 =	vsel vm10, $0x1400, v7  }
0x6a4: {  	v12 =	vld [tilespmem:$0x1FD20];
	v7 =	vsel vm11, $0x1800, v7  }
0x6a5: {  	v50 =	vsel vm12, $0x1C00, v7;
	v7 =	vld [tilespmem:$0x1FB70]  }
0x6a6: {  	[tilespmem:v1+s17+$0x0] =	vst.idx.add.f32.msk $0xffff, v23  }
0x6a7: {  	[tilespmem:v11+s17+$0x0] =	vst.idx.add.f32.msk $0xffff, v8  }
0x6a8: {  	v35 =	vld [tilespmem:$0x1FF20]  }
0x6a9: {  	v1 =	vld [tilespmem:$0x1FC90]  }
0x6aa: {  	v12 =	vsel vm0, v12, v10;
	v14 =	vld [tilespmem:$0x1FD30]  }
0x6ab: {  	v58 =	vcombine.low v7, v12  }
0x6ac: {  	v54 =	vadd.s32 v50, v52  }
0x6ad: {  	s25 =	simm.s32 $0x20;
	v10 =	vld [tilespmem:s22+$0x180];
	v7 =	vor.u32 v58, v54  }
0x6ae: {  	s26 =	sand.u32 $0x60, s25;
	v11 =	vld [tilespmem:s20+$0x200];
	v12 =	vadd.s32 v35, v0  }
0x6af: {  	s30 =	sor.u32 $0x10, s26;
	s1 =	sand.u32 $0x780, s25;
	v14 =	vsel vm0, v14, v1;
	v1 =	vld [tilespmem:$0x1FB90]  }
0x6b0: {  	s1 =	sor.u32 s30, s1  }
0x6b1: {  	v15 =	vld [tilespmem:s1+$0x3000]  }
0x6b2: {  	[tilespmem:v7+s17+$0x0] =	vst.idx.add.f32.msk $0xffff, v10  }
0x6b3: {  	[tilespmem:v12+s17+$0x0] =	vst.idx.add.f32.msk $0xffff, v11  }
0x6b4: {  	s31 =	simm.s32 $0x3020;
	v59 =	vcombine.low v1, v14;
	v36 =	vld [tilespmem:$0x1F700]  }
0x6b5: {  	v16 =	vld [tilespmem:s31+$0x0]  }
0x6b6: {  	v7 =	vld [tilespmem:s22+$0x200];
	v14 =	vor.u32 v59, v54  }
0x6b7: {  	s24 =	simm.s32 $0x100;
	v12 =	vshrl.u32 v15, $0x3  }
0x6b8: {  	v15 =	vshll.u32 v15, $0x7;
	v17 =	vld [tilespmem:s20+$0x280];
	v12 =	vmul.u32 $0x2400, v12;
	s20 =	sand.u32 $0x3, s19;
	s19 =	sand.u32 $0x3C00, s24  }
0x6b9: {  	v15 =	vand.u32 $0x380, v15;
	s1 =	sshll.u32 s20, $0x5;
	s20 =	sor.u32 s30, s19;
	v18 =	vadd.s32 v36, v0  }
0x6ba: {  	v61 =	vor.u32 v15, v12;
	v39 =	vld [tilespmem:s20+$0x0]  }
0x6bb: {  	v19 =	vshrl.u32 v16, $0x3;
	[tilespmem:v14+s17+$0x0] =	vst.idx.add.f32.msk $0xffff, v7;
	v14 =	vshll.u32 v16, $0x7;
	v16 =	vadd.s32 v33, v61;
	_ =	sdelay $0x2  }
0x6bc: {  	[tilespmem:v18+s17+$0x0] =	vst.idx.add.f32.msk $0xffff, v17  }
0x6bd: {  	v37 =	vld [tilespmem:$0x1FF30]  }
0x6be: {  	[tilespmem:v16+s17+$0x0] =	vst.idx.add.f32.msk $0xffff, v39  }
0x6bf: {  	v1 =	vld [tilespmem:$0x1FCA0]  }
0x6c0: {  	v15 =	vld [tilespmem:$0x1FD40];
	_ =	sdelay $0x3  }
0x6c1: {  	v12 =	vmul.u32 $0x2400, v19  }
0x6c2: {  	v14 =	vand.u32 $0x380, v14;
	v16 =	vsel vm0, v15, v1;
	v1 =	vld [tilespmem:$0x1FBC0]  }
0x6c3: {  	v53 =	vor.u32 v14, v12  }
0x6c4: {  	s23 =	sor.u32 s26, s19;
	v19 =	vadd.s32 v51, v53  }
0x6c5: {  	s21 =	sadd.s32 $0x0, s1;
	v18 =	vld [tilespmem:s23+$0x0];
	v20 =	vor.u32 v55, v19  }
0x6c6: {  	s1 =	sadd.s32 $0x10, s21;
	v41 =	vadd.s32 v32, v61;
	v42 =	vld [tilespmem:s20+$0x80]  }
0x6c7: {  	s25 =	sor.u32 $0x300, s1;
	v60 =	vcombine.low v1, v16  }
0x6c8: {  	v12 =	vld [tilespmem:s25+$0x0];
	v14 =	vadd.s32 v37, v0  }
0x6c9: {  	v21 =	vld [tilespmem:s22+$0x280];
	v16 =	vor.u32 v60, v54  }
0x6ca: {  	[tilespmem:v20+s17+$0x0] =	vst.idx.add.f32.msk $0xffff, v18  }
0x6cb: {  	[tilespmem:v41+s17+$0x0] =	vst.idx.add.f32.msk $0xffff, v42  }
0x6cc: {  	v3 =	vmul.f32 v3, v3;
	v20 =	vld [tilespmem:s23+$0x80]  }
0x6cd: {  	v4 =	vmul.f32 v4, v4;
	v43 =	vor.u32 v56, v19;
	[tilespmem:v14+s17+$0x0] =	vst.idx.add.f32.msk $0xffff, v12  }
0x6ce: {  	[tilespmem:v16+s17+$0x0] =	vst.idx.add.f32.msk $0xffff, v21  }
0x6cf: {  	v3 =	vadd.f32 v4, v3;
	v4 =	vmul.f32 v6, v6;
	v38 =	vld [tilespmem:$0x1F710];
	_ =	sdelay $0x1  }
0x6d0: {  	v3 =	vadd.f32 v4, v3;
	v4 =	vmul.f32 v8, v8;
	v6 =	vadd.s32 v27, v61;
	v15 =	vld [tilespmem:s20+$0x100]  }
0x6d1: {  	v2 =	vmul.f32 v2, v2;
	v5 =	vmul.f32 v5, v5;
	[tilespmem:v43+s17+$0x0] =	vst.idx.add.f32.msk $0xffff, v20  }
0x6d2: {  	v3 =	vadd.f32 v4, v3;
	v4 =	vmul.f32 v11, v11;
	s1 =	sor.u32 $0x380, s1;
	v16 =	vor.u32 v57, v19;
	v11 =	vld [tilespmem:s23+$0x100]  }
0x6d3: {  	v14 =	vld [tilespmem:s1+$0x0];
	v8 =	vadd.s32 v38, v0  }
0x6d4: {  	v2 =	vadd.f32 v5, v2;
	v5 =	vmul.f32 v23, v23  }
0x6d5: {  	v3 =	vadd.f32 v4, v3;
	v4 =	vmul.f32 v17, v17;
	[tilespmem:v6+s17+$0x0] =	vst.idx.add.f32.msk $0xffff, v15  }
0x6d6: {  	v2 =	vadd.f32 v5, v2;
	v5 =	vmul.f32 v10, v10;
	v6 =	vadd.s32 v31, v61;
	v10 =	vld [tilespmem:s20+$0x180]  }
0x6d7: {  	v3 =	vadd.f32 v4, v3;
	v4 =	vmul.f32 v12, v12;
	[tilespmem:v16+s17+$0x0] =	vst.idx.add.f32.msk $0xffff, v11  }
0x6d8: {  	[tilespmem:v8+s17+$0x0] =	vst.idx.add.f32.msk $0xffff, v14  }
0x6d9: {  	v3 =	vadd.f32 v4, v3;
	v4 =	vmul.f32 v14, v14;
	v14 =	vld [tilespmem:$0x1FCB0]  }
0x6da: {  	v16 =	vld [tilespmem:$0x1FD50]  }
0x6db: {  	[tilespmem:v6+s17+$0x0] =	vst.idx.add.f32.msk $0xffff, v10  }
0x6dc: {  	s26 =	simm.s32 $0x3040;
	s19 =	simm.s32 $0x40;
	v3 =	vadd.f32 v4, v3;
	v4 =	vld [tilespmem:$0x1FC00]  }
0x6dd: {  	v62 =	vadd.s32 v50, v53;
	v1 =	vld [tilespmem:s26+$0x0];
	s1 =	sand.u32 $0x60, s19;
	v0 =	vadd.s32 v13, v0  }
0x6de: {  	v2 =	vadd.f32 v5, v2;
	s30 =	sor.u32 $0x300, s21;
	v7 =	vmul.f32 v7, v7;
	s25 =	sand.u32 $0x780, s19;
	v12 =	vor.u32 v58, v62;
	s31 =	sor.u32 $0x10, s1;
	v8 =	vld [tilespmem:s23+$0x180]  }
0x6df: {  	s24 =	sor.u32 s31, s25;
	v5 =	vld [tilespmem:s30+$0x0]  }
0x6e0: {  	v2 =	vadd.f32 v7, v2;
	v6 =	vld [tilespmem:s24+$0x3000];
	v14 =	vsel vm0, v16, v14  }
0x6e1: {  	v7 =	vmul.f32 v21, v21;
	v63 =	vcombine.low v4, v14;
	v14 =	vld [tilespmem:s20+$0x200];
	v4 =	vadd.s32 v35, v61  }
0x6e2: {  	[tilespmem:v0+s17+$0x0] =	vst.idx.add.f32.msk $0xffff, v3  }
0x6e3: {  	v2 =	vadd.f32 v7, v2;
	[tilespmem:v12+s17+$0x0] =	vst.idx.add.f32.msk $0xffff, v8;
	v0 =	vor.u32 v63, v54  }
0x6e4: {  	v3 =	vmul.f32 v18, v18;
	v12 =	vor.u32 v59, v62;
	v16 =	vmul.f32 v20, v20;
	v7 =	vld [tilespmem:s23+$0x200];
	_ =	sdelay $0x1  }
0x6e5: {  	v11 =	vmul.f32 v11, v11;
	v3 =	vadd.f32 v16, v3;
	[tilespmem:v4+s17+$0x0] =	vst.idx.add.f32.msk $0xffff, v14  }
0x6e6: {  	v18 =	vadd.s32 v36, v61;
	v16 =	vshrl.u32 v6, $0x3;
	v4 =	vmul.f32 v5, v5;
	v17 =	vld [tilespmem:s20+$0x280];
	s20 =	simm.s32 $0x1  }
0x6e7: {  	s24 =	simm.s32 $0x200;
	v3 =	vadd.f32 v11, v3;
	[tilespmem:v0+s17+$0x0] =	vst.idx.add.f32.msk $0xffff, v5;
	v0 =	vmul.u32 $0x2400, v16;
	v5 =	vshll.u32 v6, $0x7;
	s26 =	sand.u32 $0x3, s20  }
0x6e8: {  	s21 =	sor.u32 $0x380, s21;
	s30 =	sand.u32 $0x3C00, s24;
	[tilespmem:v12+s17+$0x0] =	vst.idx.add.f32.msk $0xffff, v7;
	v11 =	vadd.f32 v4, v2;
	v6 =	vshrl.u32 v1, $0x3;
	v2 =	vand.u32 $0x380, v5;
	s25 =	sshll.u32 s26, $0x5  }
0x6e9: {  	s22 =	sor.u32 s31, s30;
	v1 =	vshll.u32 v1, $0x7;
	v4 =	vld [tilespmem:s21+$0x0];
	v19 =	vor.u32 v2, v0;
	s25 =	sadd.s32 $0x100, s25;
	v0 =	vmul.u32 $0x2400, v6  }
0x6ea: {  	v5 =	vmul.f32 v8, v8;
	v1 =	vand.u32 $0x380, v1;
	v2 =	vld [tilespmem:s22+$0x0];
	s26 =	sadd.s32 $0x10, s25  }
0x6eb: {  	v12 =	vadd.s32 v33, v19;
	[tilespmem:v18+s17+$0x0] =	vst.idx.add.f32.msk $0xffff, v17;
	s28 =	sor.u32 $0x300, s26;
	v0 =	vor.u32 v1, v0  }
0x6ec: {  	s21 =	sor.u32 s1, s30;
	v3 =	vadd.f32 v5, v3;
	v1 =	vadd.s32 v37, v61;
	v6 =	vld [tilespmem:s28+$0x0];
	v5 =	vadd.s32 v51, v0  }
0x6ed: {  	v16 =	vmul.f32 v42, v42;
	v8 =	vmul.f32 v39, v39;
	v18 =	vld [tilespmem:s21+$0x0];
	v21 =	vor.u32 v55, v5;
	_ =	sdelay $0x1  }
0x6ee: {  	v16 =	vadd.f32 v16, v8;
	v8 =	vld [tilespmem:s23+$0x280]  }
0x6ef: {  	[tilespmem:v12+s17+$0x0] =	vst.idx.add.f32.msk $0xffff, v2  }
0x6f0: {  	[tilespmem:v1+s17+$0x0] =	vst.idx.add.f32.msk $0xffff, v6  }
0x6f1: {  	v15 =	vmul.f32 v15, v15;
	v7 =	vmul.f32 v7, v7;
	[tilespmem:v21+s17+$0x0] =	vst.idx.add.f32.msk $0xffff, v18  }
0x6f2: {  	v20 =	vmul.f32 v4, v4;
	v1 =	vmul.f32 v18, v18;
	v18 =	vld [tilespmem:$0x1FCC0]  }
0x6f3: {  	v10 =	vmul.f32 v10, v10;
	v12 =	vadd.f32 v15, v16;
	v21 =	vld [tilespmem:$0x1FD60]  }
0x6f4: {  	v23 =	vadd.f32 v7, v3;
	v3 =	vadd.f32 v20, v11  }
0x6f5: {  	s31 =	sor.u32 $0x380, s26;
	v11 =	vmul.f32 v14, v14;
	v20 =	vld [tilespmem:s22+$0x80];
	v7 =	vadd.f32 v10, v12;
	v12 =	vor.u32 v60, v62  }
0x6f6: {  	v14 =	vadd.s32 v32, v19;
	v10 =	vld [tilespmem:s31+$0x0]  }
0x6f7: {  	s29 =	sor.u32 $0x300, s25;
	s23 =	sor.u32 $0x380, s25;
	v16 =	vmul.f32 v17, v17;
	v15 =	vadd.f32 v11, v7;
	v39 =	vld [tilespmem:$0x1FC20]  }
0x6f8: {  	s25 =	simm.s32 $0x200;
	s26 =	simm.s32 $0x4;
	s28 =	simm.s32 $0x3060;
	v17 =	vor.u32 v56, v5;
	v11 =	vld [tilespmem:s21+$0x80];
	v7 =	vmul.f32 v8, v8;
	v21 =	vsel vm0, v21, v18  }
.LBB2_14:
0x6f9: {  	v18 =	vld [tilespmem:s28+$0x0];
	v15 =	vadd.f32 v16, v15;
	v6 =	vmul.f32 v6, v6;
	v16 =	vadd.s32 v38, v61  }
0x6fa: {  	[tilespmem:v12+s17+$0x0] =	vst.idx.add.f32.msk $0xffff, v8;
	v7 =	vadd.f32 v7, v23;
	v8 =	vadd.s32 v13, v61;
	v61 =	vmov v19  }
0x6fb: {  	[tilespmem:v14+s17+$0x0] =	vst.idx.add.f32.msk $0xffff, v20;
	v6 =	vadd.f32 v6, v15;
	v12 =	vmul.f32 v10, v10  }
0x6fc: {  	v19 =	vcombine.low v39, v21;
	v15 =	vadd.s32 v27, v61;
	v14 =	vld [tilespmem:s22+$0x100]  }
0x6fd: {  	[tilespmem:v17+s17+$0x0] =	vst.idx.add.f32.msk $0xffff, v11;
	v11 =	vmul.f32 v11, v11;
	v6 =	vadd.f32 v12, v6  }
0x6fe: {  	[tilespmem:v16+s17+$0x0] =	vst.idx.add.f32.msk $0xffff, v10  }
0x6ff: {  	v1 =	vadd.f32 v11, v1;
	[tilespmem:v8+s17+$0x0] =	vst.idx.add.f32.msk $0xffff, v6;
	v6 =	vor.u32 v19, v54  }
0x700: {  	v5 =	vor.u32 v57, v5;
	v54 =	vmov v62;
	v8 =	vld [tilespmem:s21+$0x100]  }
0x701: {  	[tilespmem:v15+s17+$0x0] =	vst.idx.add.f32.msk $0xffff, v14  }
0x702: {  	v11 =	vadd.s32 v31, v61;
	v10 =	vld [tilespmem:s22+$0x180]  }
0x703: {  	v12 =	vld [tilespmem:s29+$0x0]  }
0x704: {  	v62 =	vadd.s32 v50, v0;
	[tilespmem:v6+s17+$0x0] =	vst.idx.add.f32.msk $0xffff, v4  }
0x705: {  	s19 =	sadd.s32 $0x20, s19;
	[tilespmem:v5+s17+$0x0] =	vst.idx.add.f32.msk $0xffff, v8;
	v4 =	vmul.f32 v8, v8;
	v5 =	vor.u32 v63, v54  }
0x706: {  	s1 =	sand.u32 $0x60, s19;
	v8 =	vor.u32 v58, v62;
	v6 =	vld [tilespmem:s21+$0x180]  }
0x707: {  	s30 =	sand.u32 $0x780, s19;
	s29 =	sor.u32 $0x10, s1;
	v1 =	vadd.f32 v4, v1;
	[tilespmem:v11+s17+$0x0] =	vst.idx.add.f32.msk $0xffff, v10  }
0x708: {  	s26 =	sadd.s32 $0x2, s26;
	s30 =	sor.u32 s29, s30;
	v4 =	vadd.s32 v35, v61;
	v11 =	vld [tilespmem:s22+$0x200];
	v15 =	vmul.f32 v12, v12  }
0x709: {  	p0 =	slt.u32 s26, $0x5E;
	v16 =	vld [tilespmem:s30+$0x3000]  }
0x70a: {  	[tilespmem:v5+s17+$0x0] =	vst.idx.add.f32.msk $0xffff, v12;
	v7 =	vadd.f32 v15, v7;
	v5 =	vadd.s32 v24, v52;
	v52 =	vmov v53  }
0x70b: {  	v53 =	vmov v0;
	[tilespmem:v8+s17+$0x0] =	vst.idx.add.f32.msk $0xffff, v6;
	v6 =	vmul.f32 v6, v6;
	v5 =	vadd.s32 v22, v5  }
0x70c: {  	v8 =	vor.u32 v59, v62;
	v0 =	vld [tilespmem:s21+$0x200]  }
0x70d: {  	v1 =	vadd.f32 v6, v1;
	[tilespmem:v4+s17+$0x0] =	vst.idx.add.f32.msk $0xffff, v11  }
0x70e: {  	s20 =	sadd.s32 $0x1, s20;
	v6 =	vadd.s32 v36, v61;
	v4 =	vshrl.u32 v16, $0x3;
	v17 =	vld [tilespmem:s22+$0x280]  }
0x70f: {  	s24 =	sadd.s32 $0x100, s24;
	v12 =	vshrl.u32 v18, $0x3;
	v16 =	vshll.u32 v16, $0x7;
	s22 =	sand.u32 $0x3, s20;
	v15 =	vmul.u32 $0x2400, v4;
	v4 =	vld [tilespmem:s23+$0x0]  }
0x710: {  	v18 =	vshll.u32 v18, $0x7;
	v12 =	vmul.u32 $0x2400, v12;
	s23 =	sand.u32 $0x3C00, s24;
	v16 =	vand.u32 $0x380, v16;
	s30 =	sshll.u32 s22, $0x5;
	[tilespmem:v5+s17+$0x0] =	vst.idx.add.f32.msk $0xffff, v3  }
0x711: {  	s1 =	sor.u32 s1, s23;
	v3 =	vand.u32 $0x380, v18;
	s22 =	sor.u32 s29, s23;
	s25 =	sadd.s32 s30, s25;
	v19 =	vor.u32 v16, v15;
	[tilespmem:v8+s17+$0x0] =	vst.idx.add.f32.msk $0xffff, v0;
	v5 =	vmul.f32 v0, v0  }
0x712: {  	v0 =	vor.u32 v3, v12;
	s29 =	sor.u32 $0x300, s25;
	s23 =	sor.u32 $0x380, s25;
	s30 =	sadd.s32 $0x10, s25;
	v12 =	vld [tilespmem:s22+$0x0];
	v15 =	vadd.s32 v33, v19  }
0x713: {  	v2 =	vmul.f32 v2, v2;
	v3 =	vmul.f32 v20, v20;
	s25 =	smov.u32 s24;
	s31 =	sor.u32 $0x300, s30;
	[tilespmem:v6+s17+$0x0] =	vst.idx.add.f32.msk $0xffff, v17  }
0x714: {  	v23 =	vadd.f32 v5, v1;
	v1 =	vadd.s32 v37, v61;
	v6 =	vld [tilespmem:s31+$0x0];
	v16 =	vmul.f32 v4, v4  }
0x715: {  	v14 =	vmul.f32 v14, v14;
	v5 =	vadd.s32 v51, v0;
	v20 =	vadd.f32 v3, v2;
	v18 =	vld [tilespmem:s1+$0x0]  }
0x716: {  	v25 =	vor.u32 v55, v5;
	v8 =	vld [tilespmem:s21+$0x280];
	v3 =	vadd.f32 v16, v7;
	s21 =	smov.u32 s1  }
0x717: {  	v10 =	vmul.f32 v10, v10;
	v7 =	vadd.f32 v14, v20;
	[tilespmem:v15+s17+$0x0] =	vst.idx.add.f32.msk $0xffff, v12;
	v2 =	vmov v12  }
.Ltmp6:
0x718: {  	v12 =	vor.u32 v60, v62;
	v20 =	vld [tilespmem:s22+$0x80];
	(pc) =	sbr.rel @p0 .LBB2_14-.Ltmp6, $4  }
0x719: {  	v11 =	vmul.f32 v11, v11;
	s1 =	sor.u32 $0x380, s30;
	v7 =	vadd.f32 v10, v7;
	[tilespmem:v1+s17+$0x0] =	vst.idx.add.f32.msk $0xffff, v6  }
0x71a: {  	v14 =	vadd.s32 v32, v19;
	v1 =	vmul.f32 v18, v18;
	v10 =	vld [tilespmem:s1+$0x0]  }
0x71b: {  	v16 =	vmul.f32 v17, v17;
	v15 =	vadd.f32 v11, v7;
	[tilespmem:v25+s17+$0x0] =	vst.idx.add.f32.msk $0xffff, v18  }
0x71c: {  	s28 =	sadd.s32 $0x20, s28;
	v17 =	vor.u32 v56, v5;
	v7 =	vmul.f32 v8, v8;
	v11 =	vld [tilespmem:s21+$0x80]  }
0x71d: {  	_ =	sdelay $0x3  }
0x71e: {  	[tilespmem:v14+s17+$0x0] =	vst.idx.add.f32.msk $0xffff, v20  }
0x71f: {  	v18 =	vadd.s32 v27, v19;
	v14 =	vld [tilespmem:s22+$0x100];
	_ =	sdelay $0x2  }
0x720: {  	[tilespmem:v17+s17+$0x0] =	vst.idx.add.f32.msk $0xffff, v11  }
0x721: {  	v5 =	vor.u32 v57, v5;
	v17 =	vld [tilespmem:s21+$0x100]  }
0x722: {  	[tilespmem:v18+s17+$0x0] =	vst.idx.add.f32.msk $0xffff, v14  }
0x723: {  	v25 =	vadd.s32 v31, v19;
	v18 =	vld [tilespmem:s22+$0x180]  }
0x724: {  	[tilespmem:v12+s17+$0x0] =	vst.idx.add.f32.msk $0xffff, v8  }
0x725: {  	v8 =	vadd.f32 v16, v15;
	v6 =	vmul.f32 v6, v6;
	v12 =	vadd.s32 v38, v61  }
0x726: {  	v51 =	vadd.s32 v50, v0;
	v15 =	vadd.s32 v13, v61;
	[tilespmem:v5+s17+$0x0] =	vst.idx.add.f32.msk $0xffff, v17  }
0x727: {  	v55 =	vor.u32 v58, v51;
	v6 =	vadd.f32 v6, v8;
	v8 =	vmul.f32 v10, v10;
	v5 =	vld [tilespmem:s21+$0x180]  }
0x728: {  	[tilespmem:v25+s17+$0x0] =	vst.idx.add.f32.msk $0xffff, v18  }
0x729: {  	v56 =	vadd.s32 v35, v19;
	v6 =	vadd.f32 v8, v6;
	v25 =	vld [tilespmem:s22+$0x200]  }
0x72a: {  	[tilespmem:v12+s17+$0x0] =	vst.idx.add.f32.msk $0xffff, v10;
	v10 =	vcombine.low v39, v21  }
0x72b: {  	[tilespmem:v15+s17+$0x0] =	vst.idx.add.f32.msk $0xffff, v6  }
0x72c: {  	v6 =	vor.u32 v10, v54;
	[tilespmem:v55+s17+$0x0] =	vst.idx.add.f32.msk $0xffff, v5  }
0x72d: {  	v42 =	vor.u32 v59, v51;
	v16 =	vld [tilespmem:s21+$0x200]  }
0x72e: {  	[tilespmem:v56+s17+$0x0] =	vst.idx.add.f32.msk $0xffff, v25  }
0x72f: {  	v43 =	vadd.s32 v36, v19;
	s1 =	sadd.s32 $0x1, s20;
	v8 =	vld [tilespmem:s22+$0x280]  }
0x730: {  	s1 =	sand.u32 $0x3, s1;
	v12 =	vld [tilespmem:s29+$0x0]  }
0x731: {  	s1 =	sshll.u32 s1, $0x5;
	v15 =	vor.u32 v63, v62;
	[tilespmem:v6+s17+$0x0] =	vst.idx.add.f32.msk $0xffff, v4  }
0x732: {  	v2 =	vmul.f32 v2, v2;
	v20 =	vmul.f32 v20, v20;
	s1 =	sadd.s32 s1, s25;
	[tilespmem:v42+s17+$0x0] =	vst.idx.add.f32.msk $0xffff, v16  }
0x733: {  	v32 =	vor.u32 v60, v51;
	s19 =	sadd.s32 $0x10, s1;
	v11 =	vmul.f32 v11, v11;
	v55 =	vld [tilespmem:s21+$0x280]  }
0x734: {  	v61 =	vadd.s32 v37, v19;
	v2 =	vadd.f32 v20, v2;
	s26 =	sor.u32 $0x300, s19;
	[tilespmem:v43+s17+$0x0] =	vst.idx.add.f32.msk $0xffff, v8  }
0x735: {  	v1 =	vadd.f32 v11, v1;
	v11 =	vmul.f32 v17, v17;
	v6 =	vmul.f32 v14, v14;
	v21 =	vld [tilespmem:s26+$0x0]  }
0x736: {  	[tilespmem:v15+s17+$0x0] =	vst.idx.add.f32.msk $0xffff, v12;
	v4 =	vadd.s32 v24, v52  }
0x737: {  	v1 =	vadd.f32 v11, v1;
	v2 =	vadd.f32 v6, v2;
	v6 =	vmul.f32 v18, v18  }
0x738: {  	s30 =	sor.u32 $0x300, s1;
	v14 =	vor.u32 v63, v51;
	v4 =	vadd.s32 v22, v4;
	[tilespmem:v32+s17+$0x0] =	vst.idx.add.f32.msk $0xffff, v55  }
0x739: {  	v5 =	vmul.f32 v5, v5;
	v2 =	vadd.f32 v6, v2;
	v6 =	vmul.f32 v25, v25;
	v11 =	vld [tilespmem:s30+$0x0]  }
0x73a: {  	v7 =	vadd.f32 v7, v23;
	s19 =	sor.u32 $0x380, s19;
	v12 =	vmul.f32 v12, v12;
	[tilespmem:v61+s17+$0x0] =	vst.idx.add.f32.msk $0xffff, v21  }
0x73b: {  	v1 =	vadd.f32 v5, v1;
	v2 =	vadd.f32 v6, v2;
	v6 =	vmul.f32 v8, v8;
	v5 =	vld [tilespmem:s19+$0x0]  }
0x73c: {  	v0 =	vadd.s32 v24, v0;
	v15 =	vld [tilespmem:s23+$0x0];
	v7 =	vadd.f32 v12, v7  }
0x73d: {  	[tilespmem:v4+s17+$0x0] =	vst.idx.add.f32.msk $0xffff, v3;
	v16 =	vmul.f32 v16, v16;
	v2 =	vadd.f32 v6, v2  }
0x73e: {  	s1 =	sor.u32 $0x380, s1;
	v6 =	vadd.s32 v38, v19;
	v3 =	vmul.f32 v21, v21;
	[tilespmem:v14+s17+$0x0] =	vst.idx.add.f32.msk $0xffff, v11  }
0x73f: {  	v1 =	vadd.f32 v16, v1;
	v8 =	vadd.s32 v13, v19;
	v4 =	vmul.f32 v55, v55;
	v12 =	vld [tilespmem:s1+$0x0]  }
0x740: {  	v16 =	vor.u32 v10, v62;
	v2 =	vadd.f32 v3, v2;
	v3 =	vmul.f32 v5, v5  }
0x741: {  	v17 =	vadd.s32 v24, v53;
	v10 =	vor.u32 v10, v51;
	v1 =	vadd.f32 v4, v1  }
0x742: {  	v4 =	vmul.f32 v11, v11;
	v2 =	vadd.f32 v3, v2;
	v3 =	vadd.s32 v22, v17  }
0x743: {  	v0 =	vadd.s32 v22, v0;
	v14 =	vmul.f32 v15, v15;
	[tilespmem:v6+s17+$0x0] =	vst.idx.add.f32.msk $0xffff, v5  }
0x744: {  	v1 =	vadd.f32 v4, v1;
	[tilespmem:v8+s17+$0x0] =	vst.idx.add.f32.msk $0xffff, v2;
	v2 =	vmul.f32 v12, v12  }
0x745: {  	[tilespmem:v16+s17+$0x0] =	vst.idx.add.f32.msk $0xffff, v15;
	v7 =	vadd.f32 v14, v7  }
0x746: {  	[tilespmem:v10+s17+$0x0] =	vst.idx.add.f32.msk $0xffff, v12;
	v1 =	vadd.f32 v2, v1  }
0x747: {  	[tilespmem:v3+s17+$0x0] =	vst.idx.add.f32.msk $0xffff, v7  }
0x748: {  	s19 =	simm.s32 $0x0;
	[tilespmem:v0+s17+$0x0] =	vst.idx.add.f32.msk $0xffff, v1  }
0x749: {  	[tilespmem:s19], [sflag:$0x2] =	stream.linear.gather [hbm4b:s9+s19], $0x3000, $0x38;
	[tilespmem:$0x15600] =	vst v63  }
0x74a: {  	s31 =	sand.u32 $0x60, s19;
	_ =	swait.ge [sflag:s16], $0x3000  }
0x74b: {  	s23 =	sand.u32 $0x780, s19;
	s22 =	sor.u32 $0x10, s31;
	[sflag:s16] =	ssyncset.done $0x0  }
0x74c: {  	s21 =	sor.u32 s22, s23;
	[sflag:s16] =	ssyncadd.s32 $0xFFFFD000  }
0x74d: {  	v0 =	vld [tilespmem:s21+$0x3000]  }
0x74e: {  	v3 =	vld [tilespmem:$0x1FCD0]  }
0x74f: {  	s24 =	simm.s32 $0x3000;
	v4 =	vld [tilespmem:$0x1FD70]  }
0x750: {  	v1 =	vld [tilespmem:s24+$0x0]  }
0x751: {  	v21 =	vld [tilespmem:$0x1F720]  }
0x752: {  	v2 =	vshrl.u32 v0, $0x3  }
0x753: {  	v0 =	vshll.u32 v0, $0x7;
	v2 =	vmul.u32 $0x2400, v2  }
0x754: {  	s25 =	sand.u32 $0x3C00, s19;
	v0 =	vand.u32 $0x380, v0  }
0x755: {  	s26 =	sor.u32 s22, s25;
	v3 =	vsel vm0, v4, v3;
	v4 =	vshrl.u32 v1, $0x3;
	v0 =	vor.u32 v0, v2  }
0x756: {  	v2 =	vmul.u32 $0x2400, v4;
	v4 =	vld [tilespmem:s26+$0x0];
	v5 =	vadd.s32 v21, v0;
	_ =	sdelay $0x1  }
0x757: {  	v6 =	vld [tilespmem:$0x1F3E0];
	v1 =	vshll.u32 v1, $0x7  }
0x758: {  	v1 =	vand.u32 $0x380, v1  }
0x759: {  	v51 =	vor.u32 v1, v2;
	v1 =	vld [tilespmem:$0x1F570]  }
0x75a: {  	[tilespmem:v5+s17+$0x0] =	vst.idx.add.f32.msk $0xffff, v4  }
0x75b: {  	v25 =	vld [tilespmem:$0x1FF40]  }
0x75c: {  	v53 =	vcombine.low v6, v3  }
0x75d: {  	v7 =	vld [tilespmem:$0x1FCE0]  }
0x75e: {  	s20 =	sor.u32 s31, s25;
	v2 =	vadd.s32 v53, v51;
	v8 =	vld [tilespmem:$0x1FD80]  }
0x75f: {  	v3 =	vld [tilespmem:s20+$0x0];
	v2 =	vadd.s32 v50, v2  }
0x760: {  	v5 =	vld [tilespmem:s26+$0x80];
	v6 =	vadd.s32 v25, v0;
	_ =	sdelay $0x2  }
0x761: {  	v1 =	vsel vm2, $0x800, v1;
	v7 =	vsel vm0, v8, v7;
	v8 =	vld [tilespmem:$0x1F3F0]  }
0x762: {  	v1 =	vsel vm8, $0xC00, v1;
	[tilespmem:v2+s17+$0x0] =	vst.idx.add.f32.msk $0xffff, v3  }
0x763: {  	v1 =	vsel vm9, $0x1000, v1;
	[tilespmem:v6+s17+$0x0] =	vst.idx.add.f32.msk $0xffff, v5  }
0x764: {  	v1 =	vsel vm10, $0x1400, v1;
	v2 =	vld [tilespmem:$0x1FF50]  }
0x765: {  	v1 =	vsel vm11, $0x1800, v1  }
0x766: {  	v56 =	vsel vm12, $0x1C00, v1;
	v55 =	vcombine.low v8, v7  }
0x767: {  	v1 =	vadd.s32 v56, v51  }
0x768: {  	v37 =	vld [tilespmem:s20+$0x80];
	v7 =	vor.u32 v55, v1  }
0x769: {  	v6 =	vld [tilespmem:s26+$0x100];
	v8 =	vadd.s32 v2, v0;
	_ =	sdelay $0x1  }
0x76a: {  	v10 =	vld [tilespmem:$0x1FCF0]  }
0x76b: {  	v11 =	vld [tilespmem:$0x1FD90]  }
0x76c: {  	[tilespmem:v7+s17+$0x0] =	vst.idx.add.f32.msk $0xffff, v37  }
0x76d: {  	[tilespmem:v8+s17+$0x0] =	vst.idx.add.f32.msk $0xffff, v6  }
0x76e: {  	v27 =	vld [tilespmem:$0x1FF60]  }
0x76f: {  	v12 =	vld [tilespmem:$0x1FD00]  }
0x770: {  	v58 =	vsel vm0, v11, v10;
	v14 =	vld [tilespmem:$0x1FDA0]  }
0x771: {  	v63 =	vcombine.low v47, v58;
	_ =	sdelay $0x1  }
0x772: {  	v7 =	vld [tilespmem:s20+$0x100];
	v10 =	vor.u32 v63, v1  }
0x773: {  	v8 =	vld [tilespmem:s26+$0x180];
	v11 =	vadd.s32 v27, v0  }
0x774: {  	v12 =	vsel vm0, v14, v12;
	v14 =	vld [tilespmem:$0x1F400];
	_ =	sdelay $0x2  }
0x775: {  	[tilespmem:v10+s17+$0x0] =	vst.idx.add.f32.msk $0xffff, v7  }
0x776: {  	[tilespmem:v11+s17+$0x0] =	vst.idx.add.f32.msk $0xffff, v8  }
0x777: {  	v57 =	vcombine.low v14, v12;
	v14 =	vld [tilespmem:$0x1F730]  }
0x778: {  	v10 =	vld [tilespmem:s20+$0x180]  }
0x779: {  	v15 =	vld [tilespmem:$0x1F8C0]  }
0x77a: {  	v16 =	vld [tilespmem:$0x1F8E0]  }
0x77b: {  	s30 =	simm.s32 $0x20;
	v11 =	vld [tilespmem:s26+$0x200];
	v12 =	vor.u32 v57, v1  }
0x77c: {  	s23 =	sand.u32 $0x60, s30;
	v18 =	vld [tilespmem:$0x1F410];
	v14 =	vadd.s32 v14, v0  }
0x77d: {  	s31 =	sor.u32 $0x10, s23;
	s1 =	sand.u32 $0x780, s30  }
0x77e: {  	s1 =	sor.u32 s31, s1  }
0x77f: {  	v15 =	vsel vm0, v15, v16;
	v16 =	vld [tilespmem:s1+$0x3000]  }
0x780: {  	[tilespmem:v12+s17+$0x0] =	vst.idx.add.f32.msk $0xffff, v10  }
0x781: {  	v54 =	vcombine.low v18, v15;
	[tilespmem:v14+s17+$0x0] =	vst.idx.add.f32.msk $0xffff, v11  }
0x782: {  	v35 =	vld [tilespmem:$0x1F740]  }
0x783: {  	s24 =	simm.s32 $0x3020;
	v12 =	vld [tilespmem:s20+$0x200];
	v15 =	vor.u32 v54, v1  }
0x784: {  	v17 =	vld [tilespmem:s24+$0x0]  }
0x785: {  	v14 =	vshrl.u32 v16, $0x3  }
0x786: {  	v16 =	vshll.u32 v16, $0x7;
	v18 =	vld [tilespmem:s26+$0x280];
	v14 =	vmul.u32 $0x2400, v14;
	s26 =	simm.s32 $0x100  }
0x787: {  	v16 =	vand.u32 $0x380, v16;
	s30 =	sand.u32 $0x3C00, s26;
	v19 =	vadd.s32 v35, v0  }
0x788: {  	s25 =	sand.u32 $0x3, s19;
	s19 =	sor.u32 s31, s30;
	v60 =	vor.u32 v16, v14;
	[tilespmem:v15+s17+$0x0] =	vst.idx.add.f32.msk $0xffff, v12  }
0x789: {  	v20 =	vshrl.u32 v17, $0x3;
	v15 =	vshll.u32 v17, $0x7;
	v16 =	vld [tilespmem:s19+$0x0];
	v17 =	vadd.s32 v21, v60;
	_ =	sdelay $0x2  }
0x78a: {  	[tilespmem:v19+s17+$0x0] =	vst.idx.add.f32.msk $0xffff, v18  }
0x78b: {  	v42 =	vld [tilespmem:$0x1F750]  }
0x78c: {  	[tilespmem:v17+s17+$0x0] =	vst.idx.add.f32.msk $0xffff, v16  }
0x78d: {  	v17 =	vld [tilespmem:$0x1F900]  }
0x78e: {  	v14 =	vmul.u32 $0x2400, v20;
	v23 =	vld [tilespmem:$0x1F920]  }
0x78f: {  	v15 =	vand.u32 $0x380, v15;
	v33 =	vld [tilespmem:$0x1F420]  }
0x790: {  	s1 =	sshll.u32 s25, $0x5;
	v52 =	vor.u32 v15, v14  }
0x791: {  	s21 =	sadd.s32 $0x0, s1;
	s24 =	sor.u32 s23, s30;
	v20 =	vadd.s32 v53, v52  }
0x792: {  	s1 =	sadd.s32 $0x10, s21;
	v20 =	vadd.s32 v50, v20;
	v19 =	vld [tilespmem:s24+$0x0]  }
0x793: {  	s31 =	sor.u32 $0x300, s1;
	v17 =	vsel vm0, v17, v23  }
0x794: {  	v14 =	vld [tilespmem:s31+$0x0];
	v15 =	vadd.s32 v42, v0;
	v59 =	vcombine.low v33, v17  }
0x795: {  	v25 =	vadd.s32 v25, v60;
	v23 =	vld [tilespmem:s19+$0x80]  }
0x796: {  	v21 =	vld [tilespmem:s20+$0x280];
	v17 =	vor.u32 v59, v1  }
0x797: {  	[tilespmem:v20+s17+$0x0] =	vst.idx.add.f32.msk $0xffff, v19  }
0x798: {  	v4 =	vmul.f32 v4, v4;
	v20 =	vld [tilespmem:s24+$0x80]  }
0x799: {  	v5 =	vmul.f32 v5, v5;
	v61 =	vadd.s32 v56, v52;
	[tilespmem:v15+s17+$0x0] =	vst.idx.add.f32.msk $0xffff, v14  }
0x79a: {  	v34 =	vor.u32 v55, v61;
	[tilespmem:v25+s17+$0x0] =	vst.idx.add.f32.msk $0xffff, v23  }
0x79b: {  	v4 =	vadd.f32 v5, v4;
	v5 =	vmul.f32 v6, v6;
	[tilespmem:v17+s17+$0x0] =	vst.idx.add.f32.msk $0xffff, v21  }
0x79c: {  	v39 =	vld [tilespmem:$0x1FF70]  }
0x79d: {  	v4 =	vadd.f32 v5, v4;
	v8 =	vmul.f32 v8, v8  }
0x79e: {  	v6 =	vadd.s32 v2, v60;
	v25 =	vld [tilespmem:s19+$0x100]  }
0x79f: {  	v3 =	vmul.f32 v3, v3;
	v4 =	vadd.f32 v8, v4;
	[tilespmem:v34+s17+$0x0] =	vst.idx.add.f32.msk $0xffff, v20  }
0x7a0: {  	v8 =	vmul.f32 v11, v11;
	s1 =	sor.u32 $0x380, s1;
	v2 =	vmul.f32 v37, v37;
	v43 =	vor.u32 v63, v61;
	v11 =	vld [tilespmem:s24+$0x100]  }
0x7a1: {  	s26 =	simm.s32 $0x3040;
	v15 =	vld [tilespmem:s1+$0x0];
	v17 =	vadd.s32 v39, v0  }
0x7a2: {  	v5 =	vld [tilespmem:s26+$0x0];
	v2 =	vadd.f32 v2, v3;
	v3 =	vmul.f32 v7, v7;
	[tilespmem:$0x1F360] =	vst v63  }
0x7a3: {  	v4 =	vadd.f32 v8, v4;
	[tilespmem:v6+s17+$0x0] =	vst.idx.add.f32.msk $0xffff, v25;
	v6 =	vmul.f32 v18, v18  }
0x7a4: {  	v7 =	vadd.s32 v27, v60;
	v2 =	vadd.f32 v3, v2;
	v3 =	vmul.f32 v10, v10;
	v8 =	vld [tilespmem:s19+$0x180]  }
0x7a5: {  	v4 =	vadd.f32 v6, v4;
	v6 =	vmul.f32 v14, v14;
	[tilespmem:v43+s17+$0x0] =	vst.idx.add.f32.msk $0xffff, v11  }
0x7a6: {  	[tilespmem:v17+s17+$0x0] =	vst.idx.add.f32.msk $0xffff, v15  }
0x7a7: {  	v2 =	vadd.f32 v3, v2;
	v3 =	vadd.f32 v6, v4;
	v4 =	vmul.f32 v15, v15;
	v15 =	vld [tilespmem:$0x1FD10]  }
0x7a8: {  	v17 =	vld [tilespmem:$0x1FDB0]  }
0x7a9: {  	[tilespmem:v7+s17+$0x0] =	vst.idx.add.f32.msk $0xffff, v8  }
0x7aa: {  	v3 =	vadd.f32 v4, v3;
	v4 =	vld [tilespmem:$0x1F430]  }
0x7ab: {  	v36 =	vld [tilespmem:$0x1F730]  }
0x7ac: {  	v0 =	vadd.s32 v13, v0;
	_ =	sdelay $0x1  }
0x7ad: {  	s30 =	sor.u32 $0x300, s21;
	s20 =	simm.s32 $0x40;
	v14 =	vor.u32 v57, v61;
	v6 =	vld [tilespmem:s24+$0x180];
	v15 =	vsel vm0, v17, v15  }
0x7ae: {  	s1 =	sand.u32 $0x60, s20;
	v10 =	vld [tilespmem:s30+$0x0];
	v62 =	vcombine.low v4, v15  }
0x7af: {  	v12 =	vmul.f32 v12, v12;
	s25 =	sand.u32 $0x780, s20;
	s31 =	sor.u32 $0x10, s1;
	v15 =	vld [tilespmem:s19+$0x200];
	v4 =	vadd.s32 v36, v60  }
0x7b0: {  	s23 =	sor.u32 s31, s25;
	[tilespmem:v0+s17+$0x0] =	vst.idx.add.f32.msk $0xffff, v3;
	v0 =	vor.u32 v62, v1  }
0x7b1: {  	v2 =	vadd.f32 v12, v2;
	v12 =	vmul.f32 v21, v21;
	v7 =	vld [tilespmem:s23+$0x3000]  }
0x7b2: {  	[tilespmem:v14+s17+$0x0] =	vst.idx.add.f32.msk $0xffff, v6  }
0x7b3: {  	v2 =	vadd.f32 v12, v2;
	v12 =	vld [tilespmem:s24+$0x200]  }
0x7b4: {  	v14 =	vor.u32 v54, v61;
	[tilespmem:v4+s17+$0x0] =	vst.idx.add.f32.msk $0xffff, v15  }
0x7b5: {  	[tilespmem:v0+s17+$0x0] =	vst.idx.add.f32.msk $0xffff, v10  }
0x7b6: {  	v3 =	vmul.f32 v20, v20;
	v0 =	vld [tilespmem:$0x1FD20]  }
0x7b7: {  	v1 =	vmul.f32 v19, v19;
	v4 =	vmul.f32 v10, v10;
	v10 =	vld [tilespmem:$0x1FDC0]  }
0x7b8: {  	v18 =	vadd.s32 v35, v60;
	v17 =	vld [tilespmem:s19+$0x280]  }
0x7b9: {  	v1 =	vadd.f32 v3, v1;
	v3 =	vmul.f32 v11, v11;
	[tilespmem:v14+s17+$0x0] =	vst.idx.add.f32.msk $0xffff, v12  }
0x7ba: {  	v6 =	vmul.f32 v6, v6;
	s19 =	simm.s32 $0x1;
	v31 =	vld [tilespmem:$0x1F720]  }
0x7bb: {  	v11 =	vshrl.u32 v7, $0x3;
	v7 =	vshll.u32 v7, $0x7;
	v1 =	vadd.f32 v3, v1;
	s26 =	sand.u32 $0x3, s19  }
0x7bc: {  	s23 =	simm.s32 $0x200;
	v3 =	vmul.u32 $0x2400, v11;
	s25 =	sshll.u32 s26, $0x5;
	v14 =	vmul.f32 v23, v23;
	v0 =	vsel vm0, v10, v0  }
0x7bd: {  	s30 =	sand.u32 $0x3C00, s23;
	s25 =	sadd.s32 $0x100, s25;
	v10 =	vadd.f32 v4, v2;
	v2 =	vand.u32 $0x380, v7;
	v7 =	vshrl.u32 v5, $0x3  }
0x7be: {  	s22 =	sor.u32 s31, s30;
	s26 =	sadd.s32 $0x10, s25;
	[tilespmem:v18+s17+$0x0] =	vst.idx.add.f32.msk $0xffff, v17;
	v5 =	vshll.u32 v5, $0x7;
	v4 =	vor.u32 v2, v3;
	v3 =	vmul.u32 $0x2400, v7  }
0x7bf: {  	v1 =	vadd.f32 v6, v1;
	s28 =	sor.u32 $0x300, s26;
	v2 =	vld [tilespmem:s22+$0x0];
	v5 =	vand.u32 $0x380, v5;
	v11 =	vadd.s32 v31, v4  }
0x7c0: {  	s21 =	sor.u32 $0x380, s21;
	v6 =	vld [tilespmem:s28+$0x0];
	v7 =	vmul.f32 v16, v16;
	v63 =	vor.u32 v5, v3;
	v5 =	vadd.s32 v42, v60  }
0x7c1: {  	v20 =	vld [tilespmem:s21+$0x0];
	s21 =	sor.u32 s1, s30;
	v3 =	vadd.s32 v53, v63  }
0x7c2: {  	v18 =	vmul.f32 v25, v25;
	v16 =	vld [tilespmem:s21+$0x0];
	v14 =	vadd.f32 v14, v7;
	v21 =	vadd.s32 v50, v3;
	_ =	sdelay $0x1  }
0x7c3: {  	v8 =	vmul.f32 v8, v8;
	[tilespmem:v11+s17+$0x0] =	vst.idx.add.f32.msk $0xffff, v2;
	v11 =	vadd.f32 v18, v14  }
0x7c4: {  	[tilespmem:v5+s17+$0x0] =	vst.idx.add.f32.msk $0xffff, v6  }
0x7c5: {  	v8 =	vadd.f32 v8, v11;
	v11 =	vmul.f32 v15, v15;
	v38 =	vld [tilespmem:$0x1FF40]  }
0x7c6: {  	[tilespmem:v21+s17+$0x0] =	vst.idx.add.f32.msk $0xffff, v16  }
0x7c7: {  	v19 =	vmul.f32 v20, v20;
	v15 =	vadd.f32 v11, v8;
	v8 =	vld [tilespmem:$0x1F560]  }
0x7c8: {  	v12 =	vmul.f32 v12, v12;
	v7 =	vld [tilespmem:s24+$0x280]  }
0x7c9: {  	s31 =	sor.u32 $0x380, s26;
	v3 =	vadd.f32 v19, v10;
	v19 =	vld [tilespmem:s22+$0x80]  }
0x7ca: {  	v1 =	vadd.f32 v12, v1;
	v12 =	vor.u32 v59, v61;
	v10 =	vld [tilespmem:s31+$0x0]  }
0x7cb: {  	v17 =	vmul.f32 v17, v17;
	v37 =	vld [tilespmem:$0x1FF50];
	v14 =	vadd.s32 v38, v4  }
0x7cc: {  	s29 =	sor.u32 $0x300, s25;
	s26 =	simm.s32 $0x4;
	v23 =	vadd.s32 v56, v63;
	v5 =	vmul.f32 v16, v16;
	v27 =	vld [tilespmem:$0x1FF60];
	v18 =	vsel vm1, $0x400, v8  }
0x7cd: {  	s28 =	simm.s32 $0x3060;
	s24 =	sor.u32 $0x380, s25;
	s25 =	simm.s32 $0x200;
	v16 =	vor.u32 v55, v23;
	v11 =	vmul.f32 v7, v7;
	v8 =	vld [tilespmem:s21+$0x80];
	v21 =	vsel vm7, $0x800, v18  }
.LBB2_16:
0x7ce: {  	v18 =	vld [tilespmem:s28+$0x0];
	v15 =	vadd.f32 v17, v15;
	v6 =	vmul.f32 v6, v6;
	v17 =	vadd.s32 v39, v60  }
0x7cf: {  	[tilespmem:v12+s17+$0x0] =	vst.idx.add.f32.msk $0xffff, v7;
	v1 =	vadd.f32 v11, v1;
	v7 =	vadd.s32 v13, v60;
	v11 =	vsel vm8, $0xC00, v21  }
0x7d0: {  	[tilespmem:v14+s17+$0x0] =	vst.idx.add.f32.msk $0xffff, v19;
	v6 =	vadd.f32 v6, v15;
	v12 =	vmul.f32 v10, v10;
	v11 =	vsel vm9, $0x1000, v11  }
0x7d1: {  	v25 =	vcombine.low v49, v0;
	v60 =	vmovc v4;
	v15 =	vadd.s32 v37, v4;
	v14 =	vld [tilespmem:s22+$0x100];
	v11 =	vsel vm10, $0x1400, v11  }
0x7d2: {  	[tilespmem:v16+s17+$0x0] =	vst.idx.add.f32.msk $0xffff, v8;
	v4 =	vmul.f32 v8, v8;
	v6 =	vadd.f32 v12, v6;
	v8 =	vsel vm11, $0x1800, v11  }
0x7d3: {  	v11 =	vcombine.low v47, v58;
	[tilespmem:v17+s17+$0x0] =	vst.idx.add.f32.msk $0xffff, v10;
	v8 =	vsel vm12, $0x1C00, v8;
	v10 =	vadd.s32 v25, v51  }
0x7d4: {  	v4 =	vadd.f32 v4, v5;
	[tilespmem:v7+s17+$0x0] =	vst.idx.add.f32.msk $0xffff, v6;
	v5 =	vadd.s32 v8, v10  }
0x7d5: {  	v7 =	vor.u32 v11, v23;
	v6 =	vld [tilespmem:s21+$0x100]  }
0x7d6: {  	[tilespmem:v15+s17+$0x0] =	vst.idx.add.f32.msk $0xffff, v14  }
0x7d7: {  	v10 =	vadd.s32 v27, v60;
	v8 =	vld [tilespmem:s22+$0x180]  }
0x7d8: {  	v11 =	vld [tilespmem:s29+$0x0]  }
0x7d9: {  	[tilespmem:v5+s17+$0x0] =	vst.idx.add.f32.msk $0xffff, v20  }
0x7da: {  	s20 =	sadd.s32 $0x20, s20;
	[tilespmem:v7+s17+$0x0] =	vst.idx.add.f32.msk $0xffff, v6;
	v5 =	vmul.f32 v6, v6;
	v6 =	vor.u32 v62, v61;
	v61 =	vmov v23  }
0x7db: {  	s1 =	sand.u32 $0x60, s20;
	v7 =	vld [tilespmem:s21+$0x180];
	v12 =	vor.u32 v57, v61  }
0x7dc: {  	s30 =	sand.u32 $0x780, s20;
	s29 =	sor.u32 $0x10, s1;
	v4 =	vadd.f32 v5, v4;
	[tilespmem:v10+s17+$0x0] =	vst.idx.add.f32.msk $0xffff, v8  }
0x7dd: {  	s26 =	sadd.s32 $0x2, s26;
	s30 =	sor.u32 s29, s30;
	v10 =	vadd.s32 v36, v60;
	v5 =	vld [tilespmem:s22+$0x200];
	v15 =	vmul.f32 v11, v11  }
0x7de: {  	p0 =	slt.u32 s26, $0x5E;
	v16 =	vld [tilespmem:s30+$0x3000]  }
0x7df: {  	[tilespmem:v6+s17+$0x0] =	vst.idx.add.f32.msk $0xffff, v11;
	v11 =	vadd.f32 v15, v1;
	v1 =	vadd.s32 v24, v51;
	v51 =	vmov v52  }
0x7e0: {  	v52 =	vmov v63;
	[tilespmem:v12+s17+$0x0] =	vst.idx.add.f32.msk $0xffff, v7;
	v6 =	vmul.f32 v7, v7;
	v1 =	vadd.s32 v22, v1  }
0x7e1: {  	v12 =	vor.u32 v54, v61;
	v7 =	vld [tilespmem:s21+$0x200]  }
0x7e2: {  	v6 =	vadd.f32 v6, v4;
	[tilespmem:v10+s17+$0x0] =	vst.idx.add.f32.msk $0xffff, v5  }
0x7e3: {  	s19 =	sadd.s32 $0x1, s19;
	v10 =	vadd.s32 v35, v60;
	v4 =	vshrl.u32 v16, $0x3;
	v17 =	vld [tilespmem:s22+$0x280]  }
0x7e4: {  	s23 =	sadd.s32 $0x100, s23;
	v15 =	vshrl.u32 v18, $0x3;
	v16 =	vshll.u32 v16, $0x7;
	s22 =	sand.u32 $0x3, s19;
	v4 =	vmul.u32 $0x2400, v4;
	v20 =	vld [tilespmem:s24+$0x0]  }
0x7e5: {  	v18 =	vshll.u32 v18, $0x7;
	v15 =	vmul.u32 $0x2400, v15;
	s24 =	sand.u32 $0x3C00, s23;
	v16 =	vand.u32 $0x380, v16;
	s30 =	sshll.u32 s22, $0x5;
	[tilespmem:v1+s17+$0x0] =	vst.idx.add.f32.msk $0xffff, v3  }
0x7e6: {  	s1 =	sor.u32 s1, s24;
	v1 =	vand.u32 $0x380, v18;
	s22 =	sor.u32 s29, s24;
	s25 =	sadd.s32 s30, s25;
	v4 =	vor.u32 v16, v4;
	[tilespmem:v12+s17+$0x0] =	vst.idx.add.f32.msk $0xffff, v7;
	v3 =	vmul.f32 v7, v7  }
0x7e7: {  	v63 =	vor.u32 v1, v15;
	s29 =	sor.u32 $0x300, s25;
	s24 =	sor.u32 $0x380, s25;
	s30 =	sadd.s32 $0x10, s25;
	v15 =	vld [tilespmem:s22+$0x0];
	v12 =	vadd.s32 v31, v4  }
0x7e8: {  	v2 =	vmul.f32 v2, v2;
	v7 =	vmul.f32 v19, v19;
	s25 =	smov.u32 s23;
	s31 =	sor.u32 $0x300, s30;
	[tilespmem:v10+s17+$0x0] =	vst.idx.add.f32.msk $0xffff, v17  }
0x7e9: {  	v1 =	vadd.f32 v3, v6;
	v10 =	vadd.s32 v42, v60;
	v6 =	vld [tilespmem:s31+$0x0];
	v3 =	vmul.f32 v20, v20  }
0x7ea: {  	v14 =	vmul.f32 v14, v14;
	v18 =	vadd.s32 v53, v63;
	v23 =	vadd.f32 v7, v2;
	v16 =	vld [tilespmem:s1+$0x0]  }
0x7eb: {  	v18 =	vadd.s32 v50, v18;
	v7 =	vld [tilespmem:s21+$0x280];
	v3 =	vadd.f32 v3, v11;
	s21 =	smov.u32 s1  }
0x7ec: {  	v8 =	vmul.f32 v8, v8;
	v11 =	vadd.f32 v14, v23;
	[tilespmem:v12+s17+$0x0] =	vst.idx.add.f32.msk $0xffff, v15  }
.Ltmp7:
0x7ed: {  	v12 =	vor.u32 v59, v61;
	v2 =	vmov v15;
	v19 =	vld [tilespmem:s22+$0x80];
	(pc) =	sbr.rel @p0 .LBB2_16-.Ltmp7, $4  }
0x7ee: {  	s1 =	sor.u32 $0x380, s30;
	v8 =	vadd.f32 v8, v11;
	v11 =	vmul.f32 v5, v5;
	[tilespmem:v10+s17+$0x0] =	vst.idx.add.f32.msk $0xffff, v6  }
0x7ef: {  	v23 =	vadd.s32 v56, v63;
	v14 =	vadd.s32 v38, v4;
	v5 =	vmul.f32 v16, v16;
	v10 =	vld [tilespmem:s1+$0x0]  }
0x7f0: {  	v17 =	vmul.f32 v17, v17;
	v15 =	vadd.f32 v11, v8;
	[tilespmem:v18+s17+$0x0] =	vst.idx.add.f32.msk $0xffff, v16  }
0x7f1: {  	s28 =	sadd.s32 $0x20, s28;
	v16 =	vor.u32 v55, v23;
	v11 =	vmul.f32 v7, v7;
	v8 =	vld [tilespmem:s21+$0x80]  }
0x7f2: {  	_ =	sdelay $0x3  }
0x7f3: {  	[tilespmem:v14+s17+$0x0] =	vst.idx.add.f32.msk $0xffff, v19  }
0x7f4: {  	v18 =	vadd.s32 v37, v4;
	v14 =	vld [tilespmem:s22+$0x100];
	_ =	sdelay $0x1  }
0x7f5: {  	[tilespmem:v16+s17+$0x0] =	vst.idx.add.f32.msk $0xffff, v8  }
0x7f6: {  	v25 =	vld [tilespmem:$0x1F360];
	_ =	sdelay $0x1  }
0x7f7: {  	[tilespmem:v18+s17+$0x0] =	vst.idx.add.f32.msk $0xffff, v14  }
0x7f8: {  	v47 =	vadd.s32 v27, v4;
	v18 =	vld [tilespmem:s22+$0x180];
	_ =	sdelay $0x1  }
0x7f9: {  	v16 =	vld [tilespmem:s21+$0x100];
	v25 =	vor.u32 v25, v23;
	_ =	sdelay $0x2  }
0x7fa: {  	v50 =	vadd.s32 v39, v60;
	v21 =	vsel vm8, $0xC00, v21;
	[tilespmem:v47+s17+$0x0] =	vst.idx.add.f32.msk $0xffff, v18  }
0x7fb: {  	v15 =	vadd.f32 v17, v15;
	v34 =	vadd.s32 v36, v4;
	v17 =	vsel vm9, $0x1000, v21;
	v21 =	vld [tilespmem:s22+$0x200]  }
0x7fc: {  	[tilespmem:v25+s17+$0x0] =	vst.idx.add.f32.msk $0xffff, v16  }
0x7fd: {  	v53 =	vor.u32 v57, v23;
	v6 =	vmul.f32 v6, v6;
	v25 =	vld [tilespmem:s21+$0x180]  }
0x7fe: {  	v0 =	vcombine.low v49, v0;
	v17 =	vsel vm10, $0x1400, v17;
	[tilespmem:v12+s17+$0x0] =	vst.idx.add.f32.msk $0xffff, v7  }
0x7ff: {  	v6 =	vadd.f32 v6, v15;
	v7 =	vsel vm11, $0x1800, v17;
	v12 =	vadd.s32 v13, v60;
	[tilespmem:v50+s17+$0x0] =	vst.idx.add.f32.msk $0xffff, v10  }
0x800: {  	v10 =	vmul.f32 v10, v10;
	v47 =	vsel vm12, $0x1C00, v7;
	v7 =	vadd.s32 v0, v51;
	[tilespmem:v34+s17+$0x0] =	vst.idx.add.f32.msk $0xffff, v21  }
0x801: {  	v7 =	vadd.s32 v47, v7;
	v17 =	vld [tilespmem:s22+$0x280]  }
0x802: {  	v36 =	vadd.s32 v35, v4;
	v6 =	vadd.f32 v10, v6;
	[tilespmem:v53+s17+$0x0] =	vst.idx.add.f32.msk $0xffff, v25  }
0x803: {  	s1 =	sadd.s32 $0x1, s19;
	v10 =	vor.u32 v54, v23;
	v15 =	vld [tilespmem:s21+$0x200]  }
0x804: {  	s1 =	sand.u32 $0x3, s1;
	[tilespmem:v12+s17+$0x0] =	vst.idx.add.f32.msk $0xffff, v6  }
0x805: {  	s1 =	sshll.u32 s1, $0x5;
	v6 =	vld [tilespmem:s29+$0x0]  }
0x806: {  	s1 =	sadd.s32 s1, s25;
	[tilespmem:v7+s17+$0x0] =	vst.idx.add.f32.msk $0xffff, v20  }
0x807: {  	v2 =	vmul.f32 v2, v2;
	v19 =	vmul.f32 v19, v19;
	s26 =	sadd.s32 $0x10, s1;
	[tilespmem:v36+s17+$0x0] =	vst.idx.add.f32.msk $0xffff, v17  }
0x808: {  	v8 =	vmul.f32 v8, v8;
	s20 =	sor.u32 $0x300, s26;
	v7 =	vor.u32 v62, v61;
	[tilespmem:v10+s17+$0x0] =	vst.idx.add.f32.msk $0xffff, v15  }
0x809: {  	v2 =	vadd.f32 v19, v2;
	v14 =	vmul.f32 v14, v14;
	v12 =	vadd.s32 v42, v4;
	v10 =	vld [tilespmem:s20+$0x0]  }
0x80a: {  	v37 =	vor.u32 v59, v23;
	v5 =	vadd.f32 v8, v5;
	v8 =	vmul.f32 v16, v16;
	v20 =	vld [tilespmem:s21+$0x280]  }
0x80b: {  	v1 =	vadd.f32 v11, v1;
	v2 =	vadd.f32 v14, v2;
	v11 =	vmul.f32 v18, v18  }
0x80c: {  	v5 =	vadd.f32 v8, v5  }
0x80d: {  	v2 =	vadd.f32 v11, v2;
	v11 =	vmul.f32 v21, v21;
	[tilespmem:v7+s17+$0x0] =	vst.idx.add.f32.msk $0xffff, v6  }
0x80e: {  	v7 =	vadd.s32 v24, v51;
	v6 =	vmul.f32 v6, v6;
	[tilespmem:v12+s17+$0x0] =	vst.idx.add.f32.msk $0xffff, v10  }
0x80f: {  	s30 =	sor.u32 $0x300, s1;
	v7 =	vadd.s32 v22, v7;
	v12 =	vmul.f32 v25, v25;
	[tilespmem:v37+s17+$0x0] =	vst.idx.add.f32.msk $0xffff, v20  }
0x810: {  	s19 =	sor.u32 $0x380, s26;
	v16 =	vor.u32 v62, v23;
	v2 =	vadd.f32 v11, v2;
	v1 =	vadd.f32 v6, v1;
	v14 =	vld [tilespmem:s30+$0x0]  }
0x811: {  	v6 =	vmul.f32 v17, v17;
	v5 =	vadd.f32 v12, v5;
	v12 =	vmul.f32 v15, v15;
	v15 =	vld [tilespmem:s19+$0x0];
	_ =	sdelay $0x1  }
0x812: {  	v11 =	vadd.s32 v0, v52;
	v0 =	vadd.s32 v0, v63;
	v8 =	vld [tilespmem:s24+$0x0];
	v2 =	vadd.f32 v6, v2  }
0x813: {  	[tilespmem:v7+s17+$0x0] =	vst.idx.add.f32.msk $0xffff, v3;
	v6 =	vmul.f32 v10, v10;
	v10 =	vadd.s32 v39, v4  }
0x814: {  	s1 =	sor.u32 $0x380, s1;
	v7 =	vmul.f32 v20, v20;
	v3 =	vadd.f32 v12, v5;
	[tilespmem:v16+s17+$0x0] =	vst.idx.add.f32.msk $0xffff, v14  }
0x815: {  	v4 =	vadd.s32 v13, v4;
	v2 =	vadd.f32 v6, v2;
	v6 =	vmul.f32 v15, v15;
	v12 =	vld [tilespmem:s1+$0x0]  }
0x816: {  	v3 =	vadd.f32 v7, v3;
	v7 =	vadd.s32 v47, v11;
	v11 =	vadd.s32 v24, v52  }
0x817: {  	v5 =	vmul.f32 v8, v8;
	v2 =	vadd.f32 v6, v2;
	v6 =	vadd.s32 v22, v11  }
0x818: {  	v0 =	vadd.s32 v47, v0;
	v11 =	vmul.f32 v14, v14;
	v14 =	vadd.s32 v24, v63  }
0x819: {  	v1 =	vadd.f32 v5, v1;
	[tilespmem:v10+s17+$0x0] =	vst.idx.add.f32.msk $0xffff, v15;
	v5 =	vadd.s32 v22, v14  }
0x81a: {  	[tilespmem:v4+s17+$0x0] =	vst.idx.add.f32.msk $0xffff, v2;
	v2 =	vadd.f32 v11, v3;
	v3 =	vmul.f32 v12, v12  }
0x81b: {  	[tilespmem:v7+s17+$0x0] =	vst.idx.add.f32.msk $0xffff, v8  }
0x81c: {  	[tilespmem:v6+s17+$0x0] =	vst.idx.add.f32.msk $0xffff, v1;
	v1 =	vadd.f32 v3, v2  }
0x81d: {  	[tilespmem:v0+s17+$0x0] =	vst.idx.add.f32.msk $0xffff, v12  }
0x81e: {  	s19 =	simm.s32 $0x0;
	[tilespmem:v5+s17+$0x0] =	vst.idx.add.f32.msk $0xffff, v1  }
0x81f: {  	[tilespmem:s19], [sflag:$0x2] =	stream.linear.gather [hbm4b:s11+s19], $0x3000, $0x38;
	[tilespmem:$0x15600] =	vst v63  }
0x820: {  	s31 =	sand.u32 $0x60, s19;
	_ =	swait.ge [sflag:s16], $0x3000  }
0x821: {  	s23 =	sand.u32 $0x780, s19;
	s22 =	sor.u32 $0x10, s31;
	[sflag:s16] =	ssyncset.done $0x0  }
0x822: {  	s21 =	sor.u32 s22, s23;
	[sflag:s16] =	ssyncadd.s32 $0xFFFFD000  }
0x823: {  	v0 =	vld [tilespmem:s21+$0x3000];
	_ =	sdelay $0x1  }
0x824: {  	s24 =	simm.s32 $0x3000  }
0x825: {  	v1 =	vld [tilespmem:s24+$0x0]  }
0x826: {  	v39 =	vld [tilespmem:$0x1FF80]  }
0x827: {  	v2 =	vshrl.u32 v0, $0x3  }
0x828: {  	v0 =	vshll.u32 v0, $0x7;
	v2 =	vmul.u32 $0x2400, v2  }
0x829: {  	s25 =	sand.u32 $0x3C00, s19;
	v0 =	vand.u32 $0x380, v0  }
0x82a: {  	s20 =	sor.u32 s22, s25;
	v3 =	vshrl.u32 v1, $0x3;
	v0 =	vor.u32 v0, v2  }
0x82b: {  	v2 =	vmul.u32 $0x2400, v3;
	v3 =	vld [tilespmem:s20+$0x0];
	v4 =	vadd.s32 v39, v0  }
0x82c: {  	v5 =	vld [tilespmem:$0x1FD30];
	v1 =	vshll.u32 v1, $0x7  }
0x82d: {  	v6 =	vld [tilespmem:$0x1FDD0];
	v1 =	vand.u32 $0x380, v1  }
0x82e: {  	v1 =	vor.u32 v1, v2;
	v2 =	vld [tilespmem:$0x1F370];
	_ =	sdelay $0x1  }
0x82f: {  	[tilespmem:v4+s17+$0x0] =	vst.idx.add.f32.msk $0xffff, v3  }
0x830: {  	v31 =	vld [tilespmem:$0x1F760]  }
0x831: {  	v5 =	vsel vm0, v6, v5  }
0x832: {  	v49 =	vcombine.low v2, v5;
	v8 =	vld [tilespmem:$0x1FD40]  }
0x833: {  	s22 =	sor.u32 s31, s25;
	v2 =	vadd.s32 v47, v1;
	v10 =	vld [tilespmem:$0x1FDE0]  }
0x834: {  	v5 =	vld [tilespmem:s22+$0x0];
	v6 =	vor.u32 v49, v2  }
0x835: {  	v7 =	vld [tilespmem:s20+$0x80];
	v4 =	vadd.s32 v31, v0;
	_ =	sdelay $0x2  }
0x836: {  	v8 =	vsel vm0, v10, v8;
	v10 =	vld [tilespmem:$0x1F380]  }
0x837: {  	[tilespmem:v6+s17+$0x0] =	vst.idx.add.f32.msk $0xffff, v5  }
0x838: {  	[tilespmem:v4+s17+$0x0] =	vst.idx.add.f32.msk $0xffff, v7  }
0x839: {  	v36 =	vld [tilespmem:$0x1F770];
	_ =	sdelay $0x1  }
0x83a: {  	v50 =	vcombine.low v10, v8;
	v11 =	vld [tilespmem:$0x1FD50]  }
0x83b: {  	v12 =	vld [tilespmem:$0x1FDF0]  }
0x83c: {  	v6 =	vld [tilespmem:s22+$0x80];
	v8 =	vor.u32 v50, v2  }
0x83d: {  	v10 =	vld [tilespmem:s20+$0x100];
	v4 =	vadd.s32 v36, v0;
	_ =	sdelay $0x2  }
0x83e: {  	v11 =	vsel vm0, v12, v11;
	v12 =	vld [tilespmem:$0x1F390]  }
0x83f: {  	[tilespmem:v8+s17+$0x0] =	vst.idx.add.f32.msk $0xffff, v6  }
0x840: {  	[tilespmem:v4+s17+$0x0] =	vst.idx.add.f32.msk $0xffff, v10  }
0x841: {  	v60 =	vld [tilespmem:$0x1F780];
	_ =	sdelay $0x1  }
0x842: {  	v51 =	vcombine.low v12, v11;
	v14 =	vld [tilespmem:$0x1FD60]  }
0x843: {  	v15 =	vld [tilespmem:$0x1FE00]  }
0x844: {  	v8 =	vld [tilespmem:s22+$0x100];
	v11 =	vor.u32 v51, v2  }
0x845: {  	v12 =	vld [tilespmem:s20+$0x180];
	v4 =	vadd.s32 v60, v0;
	_ =	sdelay $0x2  }
0x846: {  	v14 =	vsel vm0, v15, v14;
	v15 =	vld [tilespmem:$0x1F3A0]  }
0x847: {  	[tilespmem:v11+s17+$0x0] =	vst.idx.add.f32.msk $0xffff, v8  }
0x848: {  	[tilespmem:v4+s17+$0x0] =	vst.idx.add.f32.msk $0xffff, v12  }
0x849: {  	v61 =	vld [tilespmem:$0x1F790];
	_ =	sdelay $0x1  }
0x84a: {  	v11 =	vld [tilespmem:s22+$0x180];
	v52 =	vcombine.low v15, v14  }
0x84b: {  	v15 =	vld [tilespmem:s20+$0x200]  }
0x84c: {  	s26 =	simm.s32 $0x20;
	v17 =	vld [tilespmem:$0x1FD70];
	v14 =	vor.u32 v52, v2  }
0x84d: {  	s23 =	sand.u32 $0x60, s26;
	v18 =	vld [tilespmem:$0x1FE10];
	v4 =	vadd.s32 v61, v0  }
0x84e: {  	s30 =	sor.u32 $0x10, s23;
	s1 =	sand.u32 $0x780, s26;
	v19 =	vld [tilespmem:$0x1F3B0]  }
0x84f: {  	s1 =	sor.u32 s30, s1  }
0x850: {  	v16 =	vld [tilespmem:s1+$0x3000]  }
0x851: {  	[tilespmem:v14+s17+$0x0] =	vst.idx.add.f32.msk $0xffff, v11  }
0x852: {  	v17 =	vsel vm0, v18, v17;
	[tilespmem:v4+s17+$0x0] =	vst.idx.add.f32.msk $0xffff, v15  }
0x853: {  	v53 =	vcombine.low v19, v17;
	v62 =	vld [tilespmem:$0x1F7A0];
	_ =	sdelay $0x1  }
0x854: {  	s31 =	simm.s32 $0x3020;
	v14 =	vld [tilespmem:s22+$0x200];
	v2 =	vor.u32 v53, v2  }
0x855: {  	v18 =	vld [tilespmem:s31+$0x0];
	_ =	sdelay $0x1  }
0x856: {  	s24 =	simm.s32 $0x100;
	v4 =	vshrl.u32 v16, $0x3;
	v17 =	vld [tilespmem:s20+$0x280];
	v19 =	vadd.s32 v62, v0  }
0x857: {  	v16 =	vshll.u32 v16, $0x7;
	v4 =	vmul.u32 $0x2400, v4;
	s20 =	sand.u32 $0x3, s19;
	s19 =	sand.u32 $0x3C00, s24  }
0x858: {  	v16 =	vand.u32 $0x380, v16;
	s1 =	sshll.u32 s20, $0x5;
	s20 =	sor.u32 s30, s19;
	[tilespmem:v2+s17+$0x0] =	vst.idx.add.f32.msk $0xffff, v14  }
0x859: {  	v20 =	vshrl.u32 v18, $0x3;
	v18 =	vshll.u32 v18, $0x7;
	s23 =	sor.u32 s23, s19;
	v56 =	vor.u32 v16, v4;
	v16 =	vld [tilespmem:s20+$0x0]  }
0x85a: {  	v2 =	vand.u32 $0x380, v18;
	v21 =	vld [tilespmem:s23+$0x0];
	v18 =	vadd.s32 v39, v56  }
0x85b: {  	v20 =	vmul.u32 $0x2400, v20;
	[tilespmem:v19+s17+$0x0] =	vst.idx.add.f32.msk $0xffff, v17  }
0x85c: {  	v63 =	vld [tilespmem:$0x1F7B0]  }
0x85d: {  	v4 =	vor.u32 v2, v20;
	v38 =	vld [tilespmem:$0x1FD80]  }
0x85e: {  	s21 =	sadd.s32 $0x0, s1;
	v20 =	vadd.s32 v47, v4;
	v40 =	vld [tilespmem:$0x1FE20]  }
0x85f: {  	s1 =	sadd.s32 $0x10, s21;
	v23 =	vor.u32 v49, v20;
	[tilespmem:v18+s17+$0x0] =	vst.idx.add.f32.msk $0xffff, v16  }
0x860: {  	s25 =	sor.u32 $0x300, s1;
	v18 =	vld [tilespmem:$0x1F3C0]  }
0x861: {  	v2 =	vld [tilespmem:s25+$0x0];
	v19 =	vadd.s32 v63, v0;
	_ =	sdelay $0x1  }
0x862: {  	v25 =	vld [tilespmem:s22+$0x280]  }
0x863: {  	[tilespmem:v23+s17+$0x0] =	vst.idx.add.f32.msk $0xffff, v21;
	v54 =	vsel vm0, v40, v38  }
0x864: {  	v41 =	vadd.s32 v31, v56;
	v55 =	vcombine.low v18, v54;
	v18 =	vld [tilespmem:s20+$0x80]  }
0x865: {  	v54 =	vadd.s32 v22, v1;
	[tilespmem:v19+s17+$0x0] =	vst.idx.add.f32.msk $0xffff, v2  }
0x866: {  	v1 =	vor.u32 v55, v54;
	v19 =	vld [tilespmem:s23+$0x80]  }
0x867: {  	v3 =	vmul.f32 v3, v3;
	v7 =	vmul.f32 v7, v7;
	s1 =	sor.u32 $0x380, s1;
	v23 =	vor.u32 v50, v20;
	v35 =	vld [tilespmem:$0x1F7C0]  }
0x868: {  	v58 =	vld [tilespmem:s1+$0x0]  }
0x869: {  	v3 =	vadd.f32 v7, v3;
	v7 =	vmul.f32 v10, v10;
	[tilespmem:v41+s17+$0x0] =	vst.idx.add.f32.msk $0xffff, v18  }
0x86a: {  	v43 =	vadd.s32 v36, v56;
	v10 =	vld [tilespmem:s20+$0x100]  }
0x86b: {  	[tilespmem:v1+s17+$0x0] =	vst.idx.add.f32.msk $0xffff, v25;
	v1 =	vadd.f32 v7, v3  }
0x86c: {  	v3 =	vmul.f32 v12, v12;
	[tilespmem:v23+s17+$0x0] =	vst.idx.add.f32.msk $0xffff, v19;
	v42 =	vadd.s32 v35, v0  }
0x86d: {  	v5 =	vmul.f32 v5, v5;
	v6 =	vmul.f32 v6, v6;
	v12 =	vor.u32 v51, v20;
	v7 =	vld [tilespmem:s23+$0x100]  }
0x86e: {  	v1 =	vadd.f32 v3, v1;
	v3 =	vmul.f32 v15, v15  }
0x86f: {  	v5 =	vadd.f32 v6, v5;
	v6 =	vmul.f32 v8, v8;
	[tilespmem:v43+s17+$0x0] =	vst.idx.add.f32.msk $0xffff, v10  }
0x870: {  	v15 =	vadd.s32 v60, v56;
	v1 =	vadd.f32 v3, v1;
	v3 =	vmul.f32 v17, v17;
	v8 =	vld [tilespmem:s20+$0x180]  }
0x871: {  	[tilespmem:v42+s17+$0x0] =	vst.idx.add.f32.msk $0xffff, v58  }
0x872: {  	v2 =	vmul.f32 v2, v2;
	v1 =	vadd.f32 v3, v1;
	[tilespmem:v12+s17+$0x0] =	vst.idx.add.f32.msk $0xffff, v7  }
0x873: {  	v17 =	vld [tilespmem:$0x1FD90]  }
0x874: {  	v1 =	vadd.f32 v2, v1;
	v2 =	vmul.f32 v58, v58;
	v23 =	vld [tilespmem:$0x1FE30]  }
0x875: {  	v5 =	vadd.f32 v6, v5;
	v6 =	vmul.f32 v11, v11;
	s19 =	simm.s32 $0x40;
	[tilespmem:v15+s17+$0x0] =	vst.idx.add.f32.msk $0xffff, v8  }
0x876: {  	s26 =	simm.s32 $0x3040;
	s1 =	sand.u32 $0x60, s19;
	v1 =	vadd.f32 v2, v1;
	v2 =	vld [tilespmem:$0x1F3D0]  }
0x877: {  	v5 =	vadd.f32 v6, v5;
	v11 =	vld [tilespmem:s26+$0x0];
	v14 =	vmul.f32 v14, v14;
	s25 =	sand.u32 $0x780, s19;
	s31 =	sor.u32 $0x10, s1;
	v0 =	vadd.s32 v13, v0  }
0x878: {  	s24 =	sor.u32 s31, s25;
	v12 =	vor.u32 v52, v20;
	v6 =	vld [tilespmem:s23+$0x180]  }
0x879: {  	s30 =	sor.u32 $0x300, s21;
	v5 =	vadd.f32 v14, v5;
	v14 =	vld [tilespmem:s24+$0x3000]  }
0x87a: {  	v3 =	vld [tilespmem:s30+$0x0];
	v17 =	vsel vm0, v23, v17  }
0x87b: {  	v15 =	vld [tilespmem:s20+$0x200];
	v57 =	vcombine.low v2, v17;
	v2 =	vadd.s32 v61, v56  }
0x87c: {  	[tilespmem:v0+s17+$0x0] =	vst.idx.add.f32.msk $0xffff, v1;
	v17 =	vmul.f32 v25, v25  }
0x87d: {  	v19 =	vmul.f32 v19, v19;
	[tilespmem:v12+s17+$0x0] =	vst.idx.add.f32.msk $0xffff, v6;
	v0 =	vor.u32 v57, v54  }
0x87e: {  	v1 =	vmul.f32 v21, v21;
	v12 =	vld [tilespmem:s23+$0x200];
	v5 =	vadd.f32 v17, v5;
	v17 =	vor.u32 v53, v20;
	_ =	sdelay $0x1  }
0x87f: {  	v7 =	vmul.f32 v7, v7;
	v1 =	vadd.f32 v19, v1;
	[tilespmem:v2+s17+$0x0] =	vst.idx.add.f32.msk $0xffff, v15  }
0x880: {  	v19 =	vshrl.u32 v14, $0x3;
	v23 =	vadd.s32 v62, v56;
	v2 =	vmul.f32 v3, v3;
	v21 =	vld [tilespmem:s20+$0x280];
	s20 =	simm.s32 $0x1  }
0x881: {  	s24 =	simm.s32 $0x200;
	v1 =	vadd.f32 v7, v1;
	[tilespmem:v0+s17+$0x0] =	vst.idx.add.f32.msk $0xffff, v3;
	v0 =	vmul.u32 $0x2400, v19;
	v3 =	vshll.u32 v14, $0x7;
	s26 =	sand.u32 $0x3, s20  }
0x882: {  	s21 =	sor.u32 $0x380, s21;
	s30 =	sand.u32 $0x3C00, s24;
	v7 =	vshrl.u32 v11, $0x3;
	v5 =	vadd.f32 v2, v5;
	[tilespmem:v17+s17+$0x0] =	vst.idx.add.f32.msk $0xffff, v12;
	v3 =	vand.u32 $0x380, v3;
	s25 =	sshll.u32 s26, $0x5  }
0x883: {  	s22 =	sor.u32 s31, s30;
	v2 =	vld [tilespmem:s21+$0x0];
	v20 =	vor.u32 v3, v0;
	s25 =	sadd.s32 $0x100, s25;
	v0 =	vmul.u32 $0x2400, v7;
	v7 =	vshll.u32 v11, $0x7  }
0x884: {  	v3 =	vld [tilespmem:s22+$0x0];
	s26 =	sadd.s32 $0x10, s25;
	v7 =	vand.u32 $0x380, v7  }
0x885: {  	v11 =	vadd.s32 v39, v20;
	[tilespmem:v23+s17+$0x0] =	vst.idx.add.f32.msk $0xffff, v21;
	s28 =	sor.u32 $0x300, s26;
	v0 =	vor.u32 v7, v0  }
0x886: {  	v6 =	vmul.f32 v6, v6;
	s21 =	sor.u32 s1, s30;
	v7 =	vadd.s32 v63, v56;
	v23 =	vld [tilespmem:s28+$0x0];
	v59 =	vadd.s32 v47, v0  }
0x887: {  	v14 =	vmul.f32 v16, v16;
	v16 =	vmul.f32 v18, v18;
	v17 =	vld [tilespmem:s21+$0x0];
	v18 =	vor.u32 v49, v59;
	_ =	sdelay $0x1  }
0x888: {  	v1 =	vadd.f32 v6, v1;
	v6 =	vld [tilespmem:s23+$0x280]  }
0x889: {  	[tilespmem:v11+s17+$0x0] =	vst.idx.add.f32.msk $0xffff, v3  }
0x88a: {  	v14 =	vadd.f32 v16, v14;
	v16 =	vmul.f32 v2, v2;
	[tilespmem:v7+s17+$0x0] =	vst.idx.add.f32.msk $0xffff, v23  }
0x88b: {  	v10 =	vmul.f32 v10, v10;
	[tilespmem:v18+s17+$0x0] =	vst.idx.add.f32.msk $0xffff, v17  }
0x88c: {  	v19 =	vadd.s32 v22, v4;
	v4 =	vadd.f32 v16, v5;
	v5 =	vmul.f32 v17, v17;
	v17 =	vld [tilespmem:$0x1FDA0]  }
0x88d: {  	v8 =	vmul.f32 v8, v8;
	v10 =	vadd.f32 v10, v14;
	v18 =	vld [tilespmem:$0x1FE40]  }
0x88e: {  	v12 =	vmul.f32 v12, v12  }
0x88f: {  	v14 =	vmul.f32 v15, v15;
	s31 =	sor.u32 $0x380, s26;
	v11 =	vadd.f32 v8, v10;
	v10 =	vor.u32 v55, v19;
	v58 =	vld [tilespmem:s22+$0x80]  }
0x890: {  	v1 =	vadd.f32 v12, v1;
	v12 =	vadd.s32 v31, v20;
	v8 =	vld [tilespmem:s31+$0x0]  }
0x891: {  	s29 =	sor.u32 $0x300, s25;
	s23 =	sor.u32 $0x380, s25;
	v15 =	vmul.f32 v21, v21;
	v14 =	vadd.f32 v14, v11  }
0x892: {  	s25 =	simm.s32 $0x200;
	s26 =	simm.s32 $0x4;
	s28 =	simm.s32 $0x3060;
	v16 =	vor.u32 v50, v59;
	v11 =	vmul.f32 v6, v6;
	v7 =	vld [tilespmem:s21+$0x80];
	v21 =	vsel vm0, v18, v17  }
.LBB2_18:
0x893: {  	v17 =	vld [tilespmem:s28+$0x0];
	v14 =	vadd.f32 v15, v14;
	v15 =	vmul.f32 v23, v23;
	v18 =	vadd.s32 v35, v56  }
0x894: {  	[tilespmem:v10+s17+$0x0] =	vst.idx.add.f32.msk $0xffff, v6;
	v1 =	vadd.f32 v11, v1;
	v6 =	vadd.s32 v13, v56;
	v56 =	vmov v20  }
0x895: {  	[tilespmem:v12+s17+$0x0] =	vst.idx.add.f32.msk $0xffff, v58;
	v10 =	vadd.f32 v15, v14;
	v11 =	vmul.f32 v8, v8  }
0x896: {  	v14 =	vadd.s32 v36, v56;
	v15 =	vcombine.low v48, v21;
	v12 =	vld [tilespmem:s22+$0x100]  }
0x897: {  	[tilespmem:v16+s17+$0x0] =	vst.idx.add.f32.msk $0xffff, v7;
	v7 =	vmul.f32 v7, v7;
	v10 =	vadd.f32 v11, v10  }
0x898: {  	[tilespmem:v18+s17+$0x0] =	vst.idx.add.f32.msk $0xffff, v8  }
0x899: {  	v5 =	vadd.f32 v7, v5;
	[tilespmem:v6+s17+$0x0] =	vst.idx.add.f32.msk $0xffff, v10;
	v6 =	vor.u32 v15, v54  }
0x89a: {  	v8 =	vor.u32 v51, v59;
	v7 =	vld [tilespmem:s21+$0x100]  }
0x89b: {  	[tilespmem:v14+s17+$0x0] =	vst.idx.add.f32.msk $0xffff, v12  }
0x89c: {  	v11 =	vadd.s32 v60, v56;
	v10 =	vld [tilespmem:s22+$0x180]  }
0x89d: {  	v14 =	vld [tilespmem:s29+$0x0]  }
0x89e: {  	[tilespmem:v6+s17+$0x0] =	vst.idx.add.f32.msk $0xffff, v2  }
0x89f: {  	s19 =	sadd.s32 $0x20, s19;
	v6 =	vor.u32 v57, v19;
	[tilespmem:v8+s17+$0x0] =	vst.idx.add.f32.msk $0xffff, v7;
	v2 =	vmul.f32 v7, v7  }
0x8a0: {  	s1 =	sand.u32 $0x60, s19;
	v8 =	vor.u32 v52, v59;
	v7 =	vld [tilespmem:s21+$0x180]  }
0x8a1: {  	s30 =	sand.u32 $0x780, s19;
	s29 =	sor.u32 $0x10, s1;
	v2 =	vadd.f32 v2, v5;
	[tilespmem:v11+s17+$0x0] =	vst.idx.add.f32.msk $0xffff, v10  }
0x8a2: {  	s26 =	sadd.s32 $0x2, s26;
	s30 =	sor.u32 s29, s30;
	v11 =	vadd.s32 v61, v56;
	v5 =	vld [tilespmem:s22+$0x200];
	v15 =	vmul.f32 v14, v14  }
0x8a3: {  	p0 =	slt.u32 s26, $0x5E;
	v16 =	vld [tilespmem:s30+$0x3000]  }
0x8a4: {  	[tilespmem:v6+s17+$0x0] =	vst.idx.add.f32.msk $0xffff, v14;
	v14 =	vadd.f32 v15, v1  }
0x8a5: {  	v6 =	vor.u32 v24, v54;
	v54 =	vmov v19;
	[tilespmem:v8+s17+$0x0] =	vst.idx.add.f32.msk $0xffff, v7;
	v1 =	vmul.f32 v7, v7  }
0x8a6: {  	v8 =	vor.u32 v53, v59;
	v7 =	vld [tilespmem:s21+$0x200]  }
0x8a7: {  	v1 =	vadd.f32 v1, v2;
	[tilespmem:v11+s17+$0x0] =	vst.idx.add.f32.msk $0xffff, v5  }
0x8a8: {  	s20 =	sadd.s32 $0x1, s20;
	v15 =	vadd.s32 v62, v56;
	v2 =	vshrl.u32 v16, $0x3;
	v11 =	vld [tilespmem:s22+$0x280]  }
0x8a9: {  	s24 =	sadd.s32 $0x100, s24;
	v18 =	vshrl.u32 v17, $0x3;
	v16 =	vshll.u32 v16, $0x7;
	s22 =	sand.u32 $0x3, s20;
	v19 =	vmul.u32 $0x2400, v2;
	v2 =	vld [tilespmem:s23+$0x0]  }
0x8aa: {  	v17 =	vshll.u32 v17, $0x7;
	v18 =	vmul.u32 $0x2400, v18;
	s23 =	sand.u32 $0x3C00, s24;
	v16 =	vand.u32 $0x380, v16;
	s30 =	sshll.u32 s22, $0x5;
	[tilespmem:v6+s17+$0x0] =	vst.idx.add.f32.msk $0xffff, v4  }
0x8ab: {  	s1 =	sor.u32 s1, s23;
	v4 =	vand.u32 $0x380, v17;
	s22 =	sor.u32 s29, s23;
	s25 =	sadd.s32 s30, s25;
	v20 =	vor.u32 v16, v19;
	[tilespmem:v8+s17+$0x0] =	vst.idx.add.f32.msk $0xffff, v7;
	v6 =	vmul.f32 v7, v7  }
0x8ac: {  	v7 =	vor.u32 v4, v18;
	s29 =	sor.u32 $0x300, s25;
	s23 =	sor.u32 $0x380, s25;
	s30 =	sadd.s32 $0x10, s25;
	v8 =	vld [tilespmem:s22+$0x0];
	v16 =	vadd.s32 v39, v20  }
0x8ad: {  	v3 =	vmul.f32 v3, v3;
	v4 =	vmul.f32 v58, v58;
	s25 =	smov.u32 s24;
	s31 =	sor.u32 $0x300, s30;
	[tilespmem:v15+s17+$0x0] =	vst.idx.add.f32.msk $0xffff, v11  }
0x8ae: {  	v1 =	vadd.f32 v6, v1;
	v15 =	vadd.s32 v63, v56;
	v23 =	vld [tilespmem:s31+$0x0];
	v17 =	vmul.f32 v2, v2  }
0x8af: {  	v12 =	vmul.f32 v12, v12;
	v59 =	vadd.s32 v47, v7;
	v26 =	vadd.f32 v4, v3;
	v18 =	vld [tilespmem:s1+$0x0]  }
0x8b0: {  	v19 =	vadd.s32 v22, v0;
	v0 =	vmovc v7;
	v25 =	vor.u32 v49, v59;
	v6 =	vld [tilespmem:s21+$0x280];
	v4 =	vadd.f32 v17, v14;
	s21 =	smov.u32 s1  }
0x8b1: {  	v7 =	vadd.f32 v12, v26;
	v12 =	vmul.f32 v10, v10;
	[tilespmem:v16+s17+$0x0] =	vst.idx.add.f32.msk $0xffff, v8;
	v3 =	vmov v8  }
.Ltmp8:
0x8b2: {  	v10 =	vor.u32 v55, v19;
	v58 =	vld [tilespmem:s22+$0x80];
	(pc) =	sbr.rel @p0 .LBB2_18-.Ltmp8, $4  }
0x8b3: {  	v14 =	vmul.f32 v5, v5;
	s1 =	sor.u32 $0x380, s30;
	v7 =	vadd.f32 v12, v7;
	[tilespmem:v15+s17+$0x0] =	vst.idx.add.f32.msk $0xffff, v23  }
0x8b4: {  	v12 =	vadd.s32 v31, v20;
	v5 =	vmul.f32 v18, v18;
	v8 =	vld [tilespmem:s1+$0x0]  }
0x8b5: {  	v14 =	vadd.f32 v14, v7;
	v15 =	vmul.f32 v11, v11;
	[tilespmem:v25+s17+$0x0] =	vst.idx.add.f32.msk $0xffff, v18  }
0x8b6: {  	s28 =	sadd.s32 $0x20, s28;
	v16 =	vor.u32 v50, v59;
	v11 =	vmul.f32 v6, v6;
	v7 =	vld [tilespmem:s21+$0x80]  }
0x8b7: {  	_ =	sdelay $0x3  }
0x8b8: {  	[tilespmem:v12+s17+$0x0] =	vst.idx.add.f32.msk $0xffff, v58  }
0x8b9: {  	v17 =	vadd.s32 v36, v20;
	v12 =	vld [tilespmem:s22+$0x100];
	_ =	sdelay $0x1  }
0x8ba: {  	[tilespmem:v16+s17+$0x0] =	vst.idx.add.f32.msk $0xffff, v7  }
0x8bb: {  	v18 =	vor.u32 v51, v59;
	v16 =	vld [tilespmem:s21+$0x100];
	_ =	sdelay $0x1  }
0x8bc: {  	v47 =	vadd.s32 v35, v56;
	[tilespmem:v17+s17+$0x0] =	vst.idx.add.f32.msk $0xffff, v12  }
0x8bd: {  	v25 =	vadd.s32 v60, v20;
	v17 =	vld [tilespmem:s22+$0x180]  }
0x8be: {  	[tilespmem:v10+s17+$0x0] =	vst.idx.add.f32.msk $0xffff, v6  }
0x8bf: {  	[tilespmem:v18+s17+$0x0] =	vst.idx.add.f32.msk $0xffff, v16  }
0x8c0: {  	v49 =	vor.u32 v52, v59;
	v18 =	vld [tilespmem:s21+$0x180]  }
0x8c1: {  	v36 =	vadd.f32 v15, v14;
	v10 =	vmul.f32 v23, v23;
	[tilespmem:v47+s17+$0x0] =	vst.idx.add.f32.msk $0xffff, v8  }
0x8c2: {  	v14 =	vadd.s32 v13, v56;
	[tilespmem:v25+s17+$0x0] =	vst.idx.add.f32.msk $0xffff, v17  }
0x8c3: {  	v50 =	vadd.s32 v61, v20;
	v6 =	vadd.f32 v10, v36;
	v8 =	vmul.f32 v8, v8;
	v25 =	vld [tilespmem:s22+$0x200];
	_ =	sdelay $0x1  }
0x8c4: {  	v6 =	vadd.f32 v8, v6;
	[tilespmem:v49+s17+$0x0] =	vst.idx.add.f32.msk $0xffff, v18  }
0x8c5: {  	v15 =	vor.u32 v53, v59;
	v8 =	vcombine.low v48, v21;
	v10 =	vld [tilespmem:s21+$0x200]  }
0x8c6: {  	[tilespmem:v14+s17+$0x0] =	vst.idx.add.f32.msk $0xffff, v6  }
0x8c7: {  	v37 =	vor.u32 v8, v54;
	[tilespmem:v50+s17+$0x0] =	vst.idx.add.f32.msk $0xffff, v25  }
0x8c8: {  	v23 =	vadd.s32 v62, v20;
	s1 =	sadd.s32 $0x1, s20;
	v21 =	vld [tilespmem:s22+$0x280]  }
0x8c9: {  	s1 =	sand.u32 $0x3, s1;
	v14 =	vld [tilespmem:s29+$0x0]  }
0x8ca: {  	v38 =	vor.u32 v57, v19;
	v0 =	vadd.s32 v22, v0;
	s1 =	sshll.u32 s1, $0x5;
	[tilespmem:v15+s17+$0x0] =	vst.idx.add.f32.msk $0xffff, v10  }
0x8cb: {  	v40 =	vor.u32 v55, v0;
	s1 =	sadd.s32 s1, s25;
	v39 =	vld [tilespmem:s21+$0x280]  }
0x8cc: {  	v3 =	vmul.f32 v3, v3;
	v56 =	vadd.s32 v35, v20;
	s19 =	sadd.s32 $0x10, s1;
	[tilespmem:v37+s17+$0x0] =	vst.idx.add.f32.msk $0xffff, v2  }
0x8cd: {  	v59 =	vor.u32 v24, v19;
	s30 =	sor.u32 $0x300, s19;
	v15 =	vmul.f32 v58, v58;
	[tilespmem:v23+s17+$0x0] =	vst.idx.add.f32.msk $0xffff, v21  }
0x8ce: {  	v1 =	vadd.f32 v11, v1;
	v41 =	vmul.f32 v7, v7;
	v23 =	vadd.s32 v63, v20;
	v11 =	vld [tilespmem:s30+$0x0]  }
0x8cf: {  	v12 =	vmul.f32 v12, v12;
	[tilespmem:v38+s17+$0x0] =	vst.idx.add.f32.msk $0xffff, v14;
	v3 =	vadd.f32 v15, v3  }
0x8d0: {  	s31 =	sor.u32 $0x300, s1;
	v47 =	vor.u32 v24, v54;
	v14 =	vmul.f32 v14, v14;
	[tilespmem:v40+s17+$0x0] =	vst.idx.add.f32.msk $0xffff, v39  }
0x8d1: {  	v43 =	vmul.f32 v17, v17;
	v3 =	vadd.f32 v12, v3;
	v12 =	vor.u32 v57, v0;
	v51 =	vld [tilespmem:s31+$0x0]  }
0x8d2: {  	v5 =	vadd.f32 v41, v5;
	v42 =	vmul.f32 v16, v16;
	v1 =	vadd.f32 v14, v1;
	v14 =	vld [tilespmem:s23+$0x0]  }
0x8d3: {  	s19 =	sor.u32 $0x380, s19;
	v50 =	vmul.f32 v25, v25;
	v3 =	vadd.f32 v43, v3;
	[tilespmem:v23+s17+$0x0] =	vst.idx.add.f32.msk $0xffff, v11  }
0x8d4: {  	v61 =	vor.u32 v8, v0;
	v2 =	vadd.f32 v42, v5;
	v15 =	vmul.f32 v18, v18;
	v52 =	vld [tilespmem:s19+$0x0]  }
0x8d5: {  	[tilespmem:v47+s17+$0x0] =	vst.idx.add.f32.msk $0xffff, v4;
	v53 =	vmul.f32 v21, v21;
	v3 =	vadd.f32 v50, v3  }
0x8d6: {  	s1 =	sor.u32 $0x380, s1;
	v54 =	vmul.f32 v10, v10;
	v2 =	vadd.f32 v15, v2;
	[tilespmem:v12+s17+$0x0] =	vst.idx.add.f32.msk $0xffff, v51  }
0x8d7: {  	v55 =	vmul.f32 v11, v11;
	v3 =	vadd.f32 v53, v3;
	v12 =	vor.u32 v8, v19;
	v11 =	vld [tilespmem:s1+$0x0]  }
0x8d8: {  	v10 =	vadd.s32 v13, v20;
	v2 =	vadd.f32 v54, v2;
	v57 =	vmul.f32 v39, v39  }
0x8d9: {  	v15 =	vmul.f32 v14, v14;
	v3 =	vadd.f32 v55, v3;
	v58 =	vmul.f32 v52, v52  }
0x8da: {  	v0 =	vor.u32 v24, v0;
	v2 =	vadd.f32 v57, v2;
	v60 =	vmul.f32 v51, v51  }
0x8db: {  	v1 =	vadd.f32 v15, v1;
	[tilespmem:v56+s17+$0x0] =	vst.idx.add.f32.msk $0xffff, v52;
	v3 =	vadd.f32 v58, v3  }
0x8dc: {  	v2 =	vadd.f32 v60, v2;
	[tilespmem:v12+s17+$0x0] =	vst.idx.add.f32.msk $0xffff, v14;
	v62 =	vmul.f32 v11, v11  }
0x8dd: {  	[tilespmem:v10+s17+$0x0] =	vst.idx.add.f32.msk $0xffff, v3  }
0x8de: {  	[tilespmem:v59+s17+$0x0] =	vst.idx.add.f32.msk $0xffff, v1;
	v63 =	vadd.f32 v62, v2  }
0x8df: {  	[tilespmem:v61+s17+$0x0] =	vst.idx.add.f32.msk $0xffff, v11  }
0x8e0: {  	[tilespmem:v0+s17+$0x0] =	vst.idx.add.f32.msk $0xffff, v63  }
0x8e1: {  	[hbm4b:s12+s2] =	stream.linear.scatter [tilespmem:s17], [sflag:$0x2], $0x12000, $0x38;
	[tilespmem:$0x15600] =	vst v63  }
0x8e2: {  	_ =	swait.ge [sflag:s16], $0x12000  }
0x8e3: {  	v62 =	vld [tilespmem:$0x1FE50]  }
0x8e4: {  	v57 =	vld [tilespmem:$0x1FE60]  }
0x8e5: {  	v58 =	vld [tilespmem:$0x1FE70]  }
0x8e6: {  	v59 =	vld [tilespmem:$0x1FE80]  }
0x8e7: {  	s18 =	sadd.s32 $0x1, s18;
	v60 =	vld [tilespmem:$0x1FE90]  }
0x8e8: {  	p0 =	sne.s32 s18, s13;
	v61 =	vld [tilespmem:$0x1FEA0]  }
.Ltmp9:
0x8e9: {  	v63 =	vld [tilespmem:$0x1FEB0];
	(pc) =	sbr.rel @p0 .LBB2_1-.Ltmp9, $4  }
0x8ea: {  	v35 =	vld [tilespmem:$0x1FF90]  }
0x8eb: {  	v51 =	vld [tilespmem:$0x1FFA0]  }
0x8ec: {  	[sflag:s16] =	ssyncset.done $0x0;
	v52 =	vld [tilespmem:$0x1FFB0]  }
0x8ed: {  	v53 =	vld [tilespmem:$0x1FFC0];
	[sflag:s16] =	ssyncadd.s32 $0xFFFEE000  }
0x8ee: {  	_ =	sfence.sel $0x180000  }
0x8ef: {  	[bflag:$0x0] =	sbarrier.arrive $0xFFFF  }
0x8f0: {  	_ =	strace $0x90000047  }
0x8f1: {  	[bflag:$0x2] =	sbarrier.arrive $0xFFFF  }
0x8f2: {  	p0 =	sne.s32 s0, $0x0;
	s0 =	rddreg [dreg:$0x3]  }
0x8f3: {  	s0 =	sadd.s32 @!p0 $0x100000, s0  }
0x8f4: {  	[sflag:s0] =	ssyncadd.tile.s32 @!p0 $0x1;
	_ =	shalt  }
.Lfunc_end2:
_tile_overlayer_lowered:
.L_overlay_start_2:
0x8f5: {  	(tag) =	ssettag $0x2  }
0x8f6: {  	s0 =	rddreg [dreg:$0x0];
	s2 =	stileid.u32  }
0x8f7: {  	s1 =	rddreg [dreg:$0x1];
	p0 =	sne.s32 s2, $0x0  }
0x8f8: {  	s3 =	rddreg [dreg:$0x2];
	[bflag:$0x3] =	sbarrier.arrive $0xFFFF;
	s2 =	simm.s32 @!p0 $0x1C02  }
0x8f9: {  	[timem:s3], [sflag:s2] =	dma.local @!p0 [hbm:s0], s1  }
0x8fa: {  	s0 =	simm.s32 @!p0 $0x2  }
0x8fb: {  	_ =	swait.ge @!p0 [sflag:s0], s1  }
0x8fc: {  	s1 =	ssub.s32 @!p0 $0x0, s1;
	[sflag:s0] =	ssyncset.done @!p0 $0x0  }
0x8fd: {  	[sflag:s0] =	ssyncadd.s32 @!p0 s1  }
0x8fe: {  	[bflag:$0x3] =	sbarrier.arrive $0xFFFF  }
0x8ff: {  	_ =	shalt  }

</sc_bundles>
